<compile_context>
chip_gen: v7x
topology: tpu7x:2x2x1
jax: 0.10.2.dev20260603
libtpu: 0.0.44.dev20260713+nightly
codegen_flags: <defaults>
</compile_context>

<pallas_src>
import functools

import jax
import jax.numpy as jnp
from jax import lax
from jax.experimental import pallas as pl
from jax.experimental.pallas import tpu as pltpu
from jax.experimental.pallas import tpu_sc as plsc

NEG_SLOPE = 0.2


def _make_sc_gather(n, e, d):
    info = plsc.get_sparse_core_info()
    nc, ns = info.num_cores, info.num_subcores
    nw = nc * ns
    e_per_w = e // nw
    k = 80
    n_chunks = e_per_w // k
    assert e_per_w * nw == e and n_chunks * k == e_per_w
    mesh = plsc.VectorSubcoreMesh(core_axis_name="c", subcore_axis_name="s")

    @functools.partial(
        pl.kernel, mesh=mesh,
        out_type=[jax.ShapeDtypeStruct((e, d), jnp.float32)] * 2,
        scratch_types=[
            pltpu.VMEM((k,), jnp.int32),
            pltpu.VMEM((k,), jnp.int32),
            pltpu.VMEM((k, d), jnp.float32),
            pltpu.VMEM((k, d), jnp.float32),
            pltpu.SemaphoreType.DMA,
        ],
    )
    def gather_k(hs_hbm, hd_hbm, src_hbm, dst_hbm, hs_out, hd_out,
                 sidx, didx, srows, drows, sem):
        wid = lax.axis_index("s") * nc + lax.axis_index("c")
        base = wid * e_per_w

        def body(i, carry):
            off = base + i * k
            pltpu.sync_copy(src_hbm.at[pl.ds(off, k)], sidx)
            pltpu.sync_copy(dst_hbm.at[pl.ds(off, k)], didx)
            cp1 = pltpu.async_copy(hs_hbm.at[sidx], srows, sem)
            cp2 = pltpu.async_copy(hd_hbm.at[didx], drows, sem)
            cp1.wait()
            cp2.wait()
            pltpu.sync_copy(srows, hs_out.at[pl.ds(off, k)])
            pltpu.sync_copy(drows, hd_out.at[pl.ds(off, k)])
            return carry

        lax.fori_loop(0, n_chunks, body, 0)

    return gather_k


def _make_sc_scatter(n, e, d, nh):
    info = plsc.get_sparse_core_info()
    nc, ns = info.num_cores, info.num_subcores
    nw = nc * ns
    e_per_w = e // nw
    k = 80
    n_chunks = e_per_w // k
    lpr = d // nh
    n2 = ((n + lpr - 1) // lpr + 31) // 32 * 32
    stripe = 8 * ((n + ns - 1) // ns // 8 + 1)
    last_stripe = n - (ns - 1) * stripe
    assert n_chunks * k == e_per_w and 0 < last_stripe <= stripe
    assert stripe % 8 == 0 and last_stripe % 8 == 0
    s2 = 32
    ns2 = n2 // s2
    assert ns2 <= ns and lpr & (lpr - 1) == 0
    mesh = plsc.VectorSubcoreMesh(core_axis_name="c", subcore_axis_name="s")

    @functools.partial(
        pl.kernel, mesh=mesh,
        out_type=[jax.ShapeDtypeStruct((nc, n, d), jnp.float32),
                  jax.ShapeDtypeStruct((nc, n2, d), jnp.float32)],
        scratch_types=[
            pltpu.VMEM_SHARED((n, d), jnp.float32),
            pltpu.VMEM_SHARED((n2, d), jnp.float32),
            pltpu.VMEM_SHARED((k, d), jnp.float32),
            pltpu.VMEM((k,), jnp.int32),
            pltpu.VMEM((k,), jnp.int32),
            pltpu.VMEM((k * d,), jnp.float32),
            pltpu.VMEM((k, d), jnp.float32),
            pltpu.VMEM((k, d), jnp.float32),
            pltpu.VMEM((k * nh + 16,), jnp.float32),
            pltpu.VMEM((32,), jnp.float32),
            pltpu.VMEM((16,), jnp.float32),
        ],
    )
    def scatter_k(hsg_hbm, alpha_hbm, dst_hbm, gmax_hbm, zeros_hbm,
                  out_hbm, out2_hbm,
                  acc, acc2, zscr, didx, didx2, hflat, rows, denrow,
                  aflat, dscr, gv):
        cid = lax.axis_index("c")
        sid = lax.axis_index("s")
        wid = sid * nc + cid
        base = wid * e_per_w

        @pl.when(sid < ns - 1)
        def _():
            pltpu.sync_copy(zeros_hbm.at[pl.ds(sid * stripe, stripe)],
                            acc.at[pl.ds(sid * stripe, stripe)])

        @pl.when(sid == ns - 1)
        def _():
            pltpu.sync_copy(
                zeros_hbm.at[pl.ds((ns - 1) * stripe, last_stripe)],
                acc.at[pl.ds((ns - 1) * stripe, last_stripe)])

        @pl.when(sid < ns2)
        def _():
            pltpu.sync_copy(zeros_hbm.at[pl.ds(0, s2)],
                            acc2.at[pl.ds(sid * s2, s2)])

        @pl.when(sid == 0)
        def _():
            pltpu.sync_copy(zeros_hbm.at[pl.ds(0, k)], zscr)

        pltpu.sync_copy(gmax_hbm, gv)
        plsc.subcore_barrier()
        gvec = gv[...]
        iota16 = lax.iota(jnp.int32, 16)
        mask_nh = iota16 < nh
        zv16 = lax.broadcast_in_dim(jnp.float32(0.0), (16,), ())
        dscr[pl.ds(0, 16)] = zv16
        dscr[pl.ds(16, 16)] = zv16

        def body(i, carry):
            off = base + i * k
            pltpu.sync_copy(dst_hbm.at[pl.ds(off, k)], didx)
            pltpu.sync_copy(hsg_hbm.at[pl.ds(off * d, k * d)], hflat)
            pltpu.sync_copy(alpha_hbm.at[pl.ds(off * nh, k * nh)],
                            aflat.at[pl.ds(0, k * nh)])
            pltpu.sync_copy(zscr, denrow)
            for g in range(k * nh // 16):
                v = aflat[pl.ds(g * 16, 16)]
                aflat[pl.ds(g * 16, 16)] = jnp.exp(v - gvec)
            for g in range(k // 16):
                dv = didx[pl.ds(g * 16, 16)]
                didx2[pl.ds(g * 16, 16)] = lax.shift_right_logical(dv, 5)

            def gbody(g, c2):
                dvec = didx[pl.ds(g * 16, 16)]
                for u in range(16):
                    j = g * 16 + u
                    dj = dvec[u]
                    av = aflat[pl.ds(j * nh, 16)]
                    for hh in range(nh):
                        sv = lax.broadcast_in_dim(av[hh], (16,), ())
                        for cc in range(d // (16 * nh)):
                            colo = hh * (d // nh) + cc * 16
                            rows[j, pl.ds(colo, 16)] = (
                                hflat[pl.ds(j * d + colo, 16)] * sv)
                    av4 = jnp.where(mask_nh, av, 0.0)
                    s4 = (dj & (nh - 1)) * nh
                    g4 = (dj & (lpr - 1)) >> 2
                    dscr[pl.ds(s4, 16)] = av4
                    w = dscr[pl.ds(0, 16)]
                    dscr[pl.ds(s4, 16)] = zv16
                    denrow[j, pl.ds(g4 * 16, 16)] = w
                return c2

            lax.fori_loop(0, k // 16, gbody, 0)
            pltpu.sync_copy(rows, acc.at[didx], add=True)
            pltpu.sync_copy(denrow, acc2.at[didx2], add=True)
            return carry

        lax.fori_loop(0, n_chunks, body, 0)
        plsc.subcore_barrier()

        @pl.when(sid < ns - 1)
        def _():
            pltpu.sync_copy(acc.at[pl.ds(sid * stripe, stripe)],
                            out_hbm.at[cid, pl.ds(sid * stripe, stripe)])

        @pl.when(sid == ns - 1)
        def _():
            pltpu.sync_copy(
                acc.at[pl.ds((ns - 1) * stripe, last_stripe)],
                out_hbm.at[cid, pl.ds((ns - 1) * stripe, last_stripe)])

        @pl.when(sid < ns2)
        def _():
            pltpu.sync_copy(acc2.at[pl.ds(sid * s2, s2)],
                            out2_hbm.at[cid, pl.ds(sid * s2, s2)])

    return scatter_k


def _proj_body(x_ref, ws_ref, wd_ref, hs_ref, hd_ref):
    x = x_ref[...]
    dn = (((1,), (1,)), ((), ()))
    hs_ref[...] = lax.dot_general(x, ws_ref[...], dn,
                                  preferred_element_type=jnp.float32)
    hd_ref[...] = lax.dot_general(x, wd_ref[...], dn,
                                  preferred_element_type=jnp.float32)


def _alpha_body(hs_ref, hd_ref, ea_ref, we_ref, wa_ref, al_ref, gmax_ref):
    i = pl.program_id(0)
    dn = (((1,), (1,)), ((), ()))
    a = hs_ref[...] + hd_ref[...] + lax.dot_general(
        ea_ref[...], we_ref[...], dn, preferred_element_type=jnp.float32)
    a = jnp.maximum(a, NEG_SLOPE * a)
    al = lax.dot_general(a, wa_ref[...], dn,
                         preferred_element_type=jnp.float32)
    al_ref[...] = al
    m = jnp.max(al)

    @pl.when(i == 0)
    def _():
        gmax_ref[0, 0] = m

    @pl.when(i > 0)
    def _():
        gmax_ref[0, 0] = jnp.maximum(gmax_ref[0, 0], m)


def _final_body(parts_ref, den_ref, hd_ref, lnw_ref, lnb_ref, y_ref):
    nc = parts_ref.shape[0]
    p = parts_ref[0]
    den = den_ref[0]
    for c in range(1, nc):
        p = p + parts_ref[c]
        den = den + den_ref[c]
    d = hd_ref.shape[1]
    nh = den.shape[1]
    dh = d // nh
    parts = [p[:, kk * dh:(kk + 1) * dh] / (den[:, kk:kk + 1] + 1e-9)
             for kk in range(nh)]
    y = jnp.concatenate(parts, axis=1) + hd_ref[...]
    mu = jnp.mean(y, axis=1, keepdims=True)
    var = jnp.mean((y - mu) ** 2, axis=1, keepdims=True)
    y = (y - mu) * lax.rsqrt(var + 1e-5)
    y_ref[...] = y * lnw_ref[...] + lnb_ref[...]


def kernel(x, edge_index, edge_attr, W_src, W_dst, W_edge, W_attn, ln_w, ln_b):
    n, din = x.shape
    e = edge_index.shape[1]
    dout = W_src.shape[0]
    de = edge_attr.shape[1]
    nh = W_attn.shape[0]
    nb = 1000
    eb = 2560

    h_src, h_dst = pl.pallas_call(
        _proj_body,
        grid=(n // nb,),
        in_specs=[pl.BlockSpec((nb, din), lambda i: (i, 0)),
                  pl.BlockSpec((dout, din), lambda i: (0, 0)),
                  pl.BlockSpec((dout, din), lambda i: (0, 0))],
        out_specs=[pl.BlockSpec((nb, dout), lambda i: (i, 0)),
                   pl.BlockSpec((nb, dout), lambda i: (i, 0))],
        out_shape=[jax.ShapeDtypeStruct((n, dout), jnp.float32)] * 2,
    )(x, W_src, W_dst)

    src = edge_index[0]
    dst = edge_index[1]
    hs_g, hd_g = _make_sc_gather(n, e, dout)(h_src, h_dst, src, dst)

    alpha, gmax = pl.pallas_call(
        _alpha_body,
        grid=(e // eb,),
        in_specs=[pl.BlockSpec((eb, dout), lambda i: (i, 0)),
                  pl.BlockSpec((eb, dout), lambda i: (i, 0)),
                  pl.BlockSpec((eb, de), lambda i: (i, 0)),
                  pl.BlockSpec((dout, de), lambda i: (0, 0)),
                  pl.BlockSpec((nh, dout), lambda i: (0, 0))],
        out_specs=[pl.BlockSpec((eb, nh), lambda i: (i, 0)),
                   pl.BlockSpec((1, 1), lambda i: (0, 0),
                                memory_space=pltpu.SMEM)],
        out_shape=[jax.ShapeDtypeStruct((e, nh), jnp.float32),
                   jax.ShapeDtypeStruct((1, 1), jnp.float32)],
    )(hs_g, hd_g, edge_attr, W_edge, W_attn)

    gv16 = jnp.full((16,), gmax[0, 0], jnp.float32)
    zeros = jnp.zeros((n, dout), jnp.float32)
    parts, parts2 = _make_sc_scatter(n, e, dout, nh)(
        hs_g.reshape(-1), alpha.reshape(-1), dst, gv16, zeros)
    den2 = parts2.reshape(2, -1)[:, :n * nh].reshape(2, n, nh)

    y = pl.pallas_call(
        _final_body,
        grid=(n // nb,),
        in_specs=[pl.BlockSpec((2, nb, dout), lambda i: (0, i, 0)),
                  pl.BlockSpec((2, nb, nh), lambda i: (0, i, 0)),
                  pl.BlockSpec((nb, dout), lambda i: (i, 0)),
                  pl.BlockSpec((1, dout), lambda i: (0, 0)),
                  pl.BlockSpec((1, dout), lambda i: (0, 0))],
        out_specs=pl.BlockSpec((nb, dout), lambda i: (i, 0)),
        out_shape=jax.ShapeDtypeStruct((n, dout), jnp.float32),
    )(parts, den2, h_dst, ln_w.reshape(1, dout), ln_b.reshape(1, dout))
    return y

# --- scband reference (transcript-rebuilt; emitter-appended) ---
"""Pipeline reference for scband-gatv2-conv-20693152432941 (READ-ONLY COPY).

The authoritative reference and input builder live on the scoring server;
editing this copy changes nothing except your own understanding.
"""

import jax, jax.numpy as jnp
import numpy as np

N = 10000
E = 320000
DIN = 128
DOUT = 128
H = 4
DH = DOUT // H
DE = 16


def setup_inputs(seed: int = 0) -> dict:
    key = jax.random.key(seed)
    ks = jax.random.split(key, 10)
    x = jax.random.normal(ks[0], (N, DIN), dtype=jnp.float32)
    edge_index = jax.random.randint(ks[1], (2, E), 0, N, dtype=jnp.int32)
    edge_attr = jax.random.normal(ks[2], (E, DE), dtype=jnp.float32)
    W_src = jax.random.normal(ks[3], (DOUT, DIN), dtype=jnp.float32) * 0.05
    W_dst = jax.random.normal(ks[4], (DOUT, DIN), dtype=jnp.float32) * 0.05
    W_edge = jax.random.normal(ks[5], (DOUT, DE), dtype=jnp.float32) * 0.05
    W_attn = jax.random.normal(ks[6], (H, DOUT), dtype=jnp.float32) * 0.05
    ln_w = jnp.ones((DOUT,), dtype=jnp.float32)
    ln_b = jnp.zeros((DOUT,), dtype=jnp.float32)
    return {"x": x, "edge_index": edge_index, "edge_attr": edge_attr,
            "W_src": W_src, "W_dst": W_dst, "W_edge": W_edge,
            "W_attn": W_attn, "ln_w": ln_w, "ln_b": ln_b}


def reference(x, edge_index, edge_attr, W_src, W_dst, W_edge, W_attn, ln_w, ln_b):
    src_idx = edge_index[0]
    dst_idx = edge_index[1]
    n = x.shape[0]
    h_src = x @ W_src.T
    h_dst = x @ W_dst.T
    a_input = h_src[src_idx] + h_dst[dst_idx]
    a_input = a_input + edge_attr @ W_edge.T
    alpha = jax.nn.leaky_relu(a_input, negative_slope=0.2) @ W_attn.T  # [E, H]
    alpha_exp = jnp.exp(alpha - jnp.max(alpha))
    denom = jnp.zeros((n, H), dtype=x.dtype).at[dst_idx].add(alpha_exp)
    alpha_norm = alpha_exp / (denom[dst_idx] + 1e-09)
    msg = h_src[src_idx].reshape(-1, H, DH) * alpha_norm[:, :, None]
    out = jnp.zeros((n, H, DH), dtype=x.dtype).at[dst_idx].add(msg)
    out = out.reshape(n, DOUT)
    y = out + h_dst
    mu = jnp.mean(y, axis=-1, keepdims=True)
    var = jnp.var(y, axis=-1, keepdims=True)
    y = (y - mu) / jnp.sqrt(var + 1e-05)
    return y * ln_w + ln_b

if __name__ == "__main__":
    import jax
    _d = setup_inputs()
    print(jax.jit(kernel)(*tuple(_d.values())))

</pallas_src>

<mosaic_0001>
#map = affine_map<(d0, d1) -> (0)>
#map1 = affine_map<(d0, d1) -> (0, 0)>
#map2 = affine_map<(d0, d1) -> (0, 0, 0)>
module attributes {stable_mosaic.version = 14 : i64} {
  func.func @scatter_k(%arg0: i32, %arg1: i32, %arg2: memref<40960000xf32, #tpu.memory_space<hbm>>, %arg3: memref<1280000xf32, #tpu.memory_space<hbm>>, %arg4: memref<320000xi32, #tpu.memory_space<hbm>>, %arg5: memref<16xf32, #tpu.memory_space<hbm>>, %arg6: memref<10000x128xf32, #tpu.memory_space<hbm>>, %arg7: memref<2x10000x128xf32, #tpu.memory_space<hbm>>, %arg8: memref<2x320x128xf32, #tpu.memory_space<hbm>>, %arg9: memref<10000x128xf32, #tpu.memory_space<vmem_shared>>, %arg10: memref<320x128xf32, #tpu.memory_space<vmem_shared>>, %arg11: memref<80x128xf32, #tpu.memory_space<vmem_shared>>, %arg12: memref<80xi32, #tpu.memory_space<vmem>>, %arg13: memref<80xi32, #tpu.memory_space<vmem>>, %arg14: memref<10240xf32, #tpu.memory_space<vmem>>, %arg15: memref<80x128xf32, #tpu.memory_space<vmem>>, %arg16: memref<80x128xf32, #tpu.memory_space<vmem>>, %arg17: memref<336xf32, #tpu.memory_space<vmem>>, %arg18: memref<32xf32, #tpu.memory_space<vmem>>, %arg19: memref<16xf32, #tpu.memory_space<vmem>>) attributes {dimension_semantics = [#tpu.dimension_semantics<core_parallel>, #tpu.dimension_semantics<subcore_parallel>], iteration_bounds = array<i64: 2, 16>, scalar_prefetch = 0 : i64, scratch_operands = 11 : i64, tpu.core_type = #tpu.core_type<sc_vector_subcore>, window_params = [{transform_indices = #map}, {transform_indices = #map}, {transform_indices = #map}, {transform_indices = #map}, {transform_indices = #map1}, {transform_indices = #map2}, {transform_indices = #map2}]} {
    %mul3A = arith.constant 2 : i32
    %mul3A_0 = arith.muli %arg1, %mul3A : i32
    %add3A = arith.addi %mul3A_0, %arg0 : i32
    %mul3A_1 = arith.constant 10000 : i32
    %mul3A_2 = arith.muli %add3A, %mul3A_1 : i32
    %lt3A = arith.constant 15 : i32
    %lt3A_3 = arith.cmpi slt, %arg1, %lt3A : i32
    %convert_element_type3A = arith.extui %lt3A_3 : i1 to i32
    %cond3A = arith.constant 0 : i32
    %cond3A_4 = arith.cmpi ne, %convert_element_type3A, %cond3A : i32
    scf.if %cond3A_4 {
      %mul3A_53 = arith.constant 632 : i32
      %mul3A_54 = arith.muli %arg1, %mul3A_53 : i32
      %mul3A_55 = arith.constant 632 : i32
      %mul3A_56 = arith.muli %arg1, %mul3A_55 : i32
      "tpu.region"() ({
        %run_scoped3A = tpu.sem_alloc : memref<!tpu.dma_semaphore, #tpu.memory_space<semaphore_mem>>
        %dma_start3A = arith.constant 0 : i32
        %dma_start3A_57 = tpu.memref_slice %arg9[%mul3A_56, %dma_start3A] : memref<10000x128xf32, #tpu.memory_space<vmem_shared>> -> memref<632x128xf32, #tpu.memory_space<vmem_shared>>
        %dma_start3A_58 = arith.constant 0 : i32
        %dma_start3A_59 = tpu.memref_slice %arg6[%mul3A_54, %dma_start3A_58] : memref<10000x128xf32, #tpu.memory_space<hbm>> -> memref<632x128xf32, #tpu.memory_space<hbm>>
        tpu.enqueue_dma source(%dma_start3A_59 : memref<632x128xf32, #tpu.memory_space<hbm>>) target(%dma_start3A_57 : memref<632x128xf32, #tpu.memory_space<vmem_shared>>) target_semaphore(%run_scoped3A : memref<!tpu.dma_semaphore, #tpu.memory_space<semaphore_mem>>)
        %dma_wait3A = arith.constant 0 : i32
        %dma_wait3A_60 = tpu.memref_slice %arg9[%mul3A_56, %dma_wait3A] : memref<10000x128xf32, #tpu.memory_space<vmem_shared>> -> memref<632x128xf32, #tpu.memory_space<vmem_shared>>
        %dma_wait3A_61 = arith.constant 0 : i32
        %dma_wait3A_62 = tpu.memref_slice %arg6[%mul3A_54, %dma_wait3A_61] : memref<10000x128xf32, #tpu.memory_space<hbm>> -> memref<632x128xf32, #tpu.memory_space<hbm>>
        tpu.wait_dma2 semaphore(%run_scoped3A : memref<!tpu.dma_semaphore, #tpu.memory_space<semaphore_mem>>) src(%dma_wait3A_62 : memref<632x128xf32, #tpu.memory_space<hbm>>) dst(%dma_wait3A_60 : memref<632x128xf32, #tpu.memory_space<vmem_shared>>)
        tpu.yield
      }) : () -> ()
    } else {
    }
    %eq3A = arith.constant 15 : i32
    %eq3A_5 = arith.cmpi eq, %arg1, %eq3A : i32
    %convert_element_type3A_6 = arith.extui %eq3A_5 : i1 to i32
    %cond3A_7 = arith.constant 0 : i32
    %cond3A_8 = arith.cmpi ne, %convert_element_type3A_6, %cond3A_7 : i32
    scf.if %cond3A_8 {
      "tpu.region"() ({
        %run_scoped3A = tpu.sem_alloc : memref<!tpu.dma_semaphore, #tpu.memory_space<semaphore_mem>>
        %dma_start3A = arith.constant 9480 : i32
        %dma_start3A_53 = arith.constant 0 : i32
        %dma_start3A_54 = tpu.memref_slice %arg9[%dma_start3A, %dma_start3A_53] : memref<10000x128xf32, #tpu.memory_space<vmem_shared>> -> memref<520x128xf32, #tpu.memory_space<vmem_shared>>
        %dma_start3A_55 = arith.constant 9480 : i32
        %dma_start3A_56 = arith.constant 0 : i32
        %dma_start3A_57 = tpu.memref_slice %arg6[%dma_start3A_55, %dma_start3A_56] : memref<10000x128xf32, #tpu.memory_space<hbm>> -> memref<520x128xf32, #tpu.memory_space<hbm>>
        tpu.enqueue_dma source(%dma_start3A_57 : memref<520x128xf32, #tpu.memory_space<hbm>>) target(%dma_start3A_54 : memref<520x128xf32, #tpu.memory_space<vmem_shared>>) target_semaphore(%run_scoped3A : memref<!tpu.dma_semaphore, #tpu.memory_space<semaphore_mem>>)
        %dma_wait3A = arith.constant 9480 : i32
        %dma_wait3A_58 = arith.constant 0 : i32
        %dma_wait3A_59 = tpu.memref_slice %arg9[%dma_wait3A, %dma_wait3A_58] : memref<10000x128xf32, #tpu.memory_space<vmem_shared>> -> memref<520x128xf32, #tpu.memory_space<vmem_shared>>
        %dma_wait3A_60 = arith.constant 9480 : i32
        %dma_wait3A_61 = arith.constant 0 : i32
        %dma_wait3A_62 = tpu.memref_slice %arg6[%dma_wait3A_60, %dma_wait3A_61] : memref<10000x128xf32, #tpu.memory_space<hbm>> -> memref<520x128xf32, #tpu.memory_space<hbm>>
        tpu.wait_dma2 semaphore(%run_scoped3A : memref<!tpu.dma_semaphore, #tpu.memory_space<semaphore_mem>>) src(%dma_wait3A_62 : memref<520x128xf32, #tpu.memory_space<hbm>>) dst(%dma_wait3A_59 : memref<520x128xf32, #tpu.memory_space<vmem_shared>>)
        tpu.yield
      }) : () -> ()
    } else {
    }
    %lt3A_9 = arith.constant 10 : i32
    %lt3A_10 = arith.cmpi slt, %arg1, %lt3A_9 : i32
    %convert_element_type3A_11 = arith.extui %lt3A_10 : i1 to i32
    %cond3A_12 = arith.constant 0 : i32
    %cond3A_13 = arith.cmpi ne, %convert_element_type3A_11, %cond3A_12 : i32
    scf.if %cond3A_13 {
      %mul3A_53 = arith.constant 32 : i32
      %mul3A_54 = arith.muli %arg1, %mul3A_53 : i32
      "tpu.region"() ({
        %run_scoped3A = tpu.sem_alloc : memref<!tpu.dma_semaphore, #tpu.memory_space<semaphore_mem>>
        %dma_start3A = arith.constant 0 : i32
        %dma_start3A_55 = tpu.memref_slice %arg10[%mul3A_54, %dma_start3A] : memref<320x128xf32, #tpu.memory_space<vmem_shared>> -> memref<32x128xf32, #tpu.memory_space<vmem_shared>>
        %dma_start3A_56 = arith.constant 0 : i32
        %dma_start3A_57 = arith.constant 0 : i32
        %dma_start3A_58 = tpu.memref_slice %arg6[%dma_start3A_56, %dma_start3A_57] : memref<10000x128xf32, #tpu.memory_space<hbm>> -> memref<32x128xf32, #tpu.memory_space<hbm>>
        tpu.enqueue_dma source(%dma_start3A_58 : memref<32x128xf32, #tpu.memory_space<hbm>>) target(%dma_start3A_55 : memref<32x128xf32, #tpu.memory_space<vmem_shared>>) target_semaphore(%run_scoped3A : memref<!tpu.dma_semaphore, #tpu.memory_space<semaphore_mem>>)
        %dma_wait3A = arith.constant 0 : i32
        %dma_wait3A_59 = tpu.memref_slice %arg10[%mul3A_54, %dma_wait3A] : memref<320x128xf32, #tpu.memory_space<vmem_shared>> -> memref<32x128xf32, #tpu.memory_space<vmem_shared>>
        %dma_wait3A_60 = arith.constant 0 : i32
        %dma_wait3A_61 = arith.constant 0 : i32
        %dma_wait3A_62 = tpu.memref_slice %arg6[%dma_wait3A_60, %dma_wait3A_61] : memref<10000x128xf32, #tpu.memory_space<hbm>> -> memref<32x128xf32, #tpu.memory_space<hbm>>
        tpu.wait_dma2 semaphore(%run_scoped3A : memref<!tpu.dma_semaphore, #tpu.memory_space<semaphore_mem>>) src(%dma_wait3A_62 : memref<32x128xf32, #tpu.memory_space<hbm>>) dst(%dma_wait3A_59 : memref<32x128xf32, #tpu.memory_space<vmem_shared>>)
        tpu.yield
      }) : () -> ()
    } else {
    }
    %eq3A_14 = arith.constant 0 : i32
    %eq3A_15 = arith.cmpi eq, %arg1, %eq3A_14 : i32
    %convert_element_type3A_16 = arith.extui %eq3A_15 : i1 to i32
    %cond3A_17 = arith.constant 0 : i32
    %cond3A_18 = arith.cmpi ne, %convert_element_type3A_16, %cond3A_17 : i32
    scf.if %cond3A_18 {
      "tpu.region"() ({
        %run_scoped3A = tpu.sem_alloc : memref<!tpu.dma_semaphore, #tpu.memory_space<semaphore_mem>>
        %dma_start3A = arith.constant 0 : i32
        %dma_start3A_53 = arith.constant 0 : i32
        %dma_start3A_54 = tpu.memref_slice %arg6[%dma_start3A, %dma_start3A_53] : memref<10000x128xf32, #tpu.memory_space<hbm>> -> memref<80x128xf32, #tpu.memory_space<hbm>>
        tpu.enqueue_dma source(%dma_start3A_54 : memref<80x128xf32, #tpu.memory_space<hbm>>) target(%arg11 : memref<80x128xf32, #tpu.memory_space<vmem_shared>>) target_semaphore(%run_scoped3A : memref<!tpu.dma_semaphore, #tpu.memory_space<semaphore_mem>>)
        %dma_wait3A = arith.constant 0 : i32
        %dma_wait3A_55 = arith.constant 0 : i32
        %dma_wait3A_56 = tpu.memref_slice %arg6[%dma_wait3A, %dma_wait3A_55] : memref<10000x128xf32, #tpu.memory_space<hbm>> -> memref<80x128xf32, #tpu.memory_space<hbm>>
        tpu.wait_dma2 semaphore(%run_scoped3A : memref<!tpu.dma_semaphore, #tpu.memory_space<semaphore_mem>>) src(%dma_wait3A_56 : memref<80x128xf32, #tpu.memory_space<hbm>>) dst(%arg11 : memref<80x128xf32, #tpu.memory_space<vmem_shared>>)
        tpu.yield
      }) : () -> ()
    } else {
    }
    "tpu.region"() ({
      %run_scoped3A = tpu.sem_alloc : memref<!tpu.dma_semaphore, #tpu.memory_space<semaphore_mem>>
      tpu.enqueue_dma source(%arg5 : memref<16xf32, #tpu.memory_space<hbm>>) target(%arg19 : memref<16xf32, #tpu.memory_space<vmem>>) target_semaphore(%run_scoped3A : memref<!tpu.dma_semaphore, #tpu.memory_space<semaphore_mem>>)
      tpu.wait_dma2 semaphore(%run_scoped3A : memref<!tpu.dma_semaphore, #tpu.memory_space<semaphore_mem>>) src(%arg5 : memref<16xf32, #tpu.memory_space<hbm>>) dst(%arg19 : memref<16xf32, #tpu.memory_space<vmem>>)
      tpu.yield
    }) : () -> ()
    %barrier3A = arith.constant 0 : index
    tpu.barrier barrier_id(%barrier3A)
    %get3A = arith.constant 0 : index
    %get3A_19 = tpu.vector_load %arg19[%get3A] {strides = array<i32>} : memref<16xf32, #tpu.memory_space<vmem>>, vector<16xf32>,
    %get3A_20 = vector.shape_cast %get3A_19 : vector<16xf32> to vector<16xf32>
    %iota3A = tpu.iota {dimensions = array<i32: 0>} : vector<16xi32>
    %lt3A_21 = arith.constant 4 : i32
    %lt3A_22 = vector.broadcast %lt3A_21 : i32 to vector<16xi32>
    %lt3A_23 = arith.cmpi slt, %iota3A, %lt3A_22 : vector<16xi32>
    %broadcast_in_dim3A = arith.constant 0.000000e+00 : f32
    %broadcast_in_dim3A_24 = vector.broadcast %broadcast_in_dim3A : f32 to vector<16xf32>
    %swap3A = arith.constant 0 : index
    %swap3A_25 = tpu.vector_load %arg18[%swap3A] {strides = array<i32>} : memref<32xf32, #tpu.memory_space<vmem>>, vector<16xf32>,
    %swap3A_26 = vector.shape_cast %swap3A_25 : vector<16xf32> to vector<16xf32>
    %swap3A_27 = vector.shape_cast %broadcast_in_dim3A_24 : vector<16xf32> to vector<16xf32>
    tpu.vector_store %arg18[%swap3A], %swap3A_27 {strides = array<i32>} : memref<32xf32, #tpu.memory_space<vmem>>, vector<16xf32>,
    %swap3A_28 = arith.constant 16 : index
    %swap3A_29 = tpu.vector_load %arg18[%swap3A_28] {strides = array<i32>} : memref<32xf32, #tpu.memory_space<vmem>>, vector<16xf32>,
    %swap3A_30 = vector.shape_cast %swap3A_29 : vector<16xf32> to vector<16xf32>
    %swap3A_31 = vector.shape_cast %broadcast_in_dim3A_24 : vector<16xf32> to vector<16xf32>
    tpu.vector_store %arg18[%swap3A_28], %swap3A_31 {strides = array<i32>} : memref<32xf32, #tpu.memory_space<vmem>>, vector<16xf32>,
    %scan3A = arith.constant 0 : i32
    %scan3A_32 = arith.constant 0 : i32
    %scan3A_33 = arith.constant 125 : i32
    %scan3A_34 = arith.addi %scan3A_32, %scan3A_33 : i32
    %scan3A_35 = arith.constant 1 : i32
    scf.for %scan3A_53 = %scan3A_32 to %scan3A_34 step %scan3A_35  : i32 {
      %mul3A_54 = arith.constant 80 : i32
      %mul3A_55 = arith.muli %scan3A_53, %mul3A_54 : i32
      %add3A_56 = arith.addi %mul3A_2, %mul3A_55 : i32
      "tpu.region"() ({
        %run_scoped3A = tpu.sem_alloc : memref<!tpu.dma_semaphore, #tpu.memory_space<semaphore_mem>>
        %dma_start3A = tpu.memref_slice %arg4[%add3A_56] : memref<320000xi32, #tpu.memory_space<hbm>> -> memref<80xi32, #tpu.memory_space<hbm>>
        %dma_start3A_294 = tpu.memref_slice %arg4[%add3A_56] : memref<320000xi32, #tpu.memory_space<hbm>> -> memref<80xi32, #tpu.memory_space<hbm>>
        tpu.enqueue_dma source(%dma_start3A_294 : memref<80xi32, #tpu.memory_space<hbm>>) target(%arg12 : memref<80xi32, #tpu.memory_space<vmem>>) target_semaphore(%run_scoped3A : memref<!tpu.dma_semaphore, #tpu.memory_space<semaphore_mem>>)
        %dma_wait3A = tpu.memref_slice %arg4[%add3A_56] : memref<320000xi32, #tpu.memory_space<hbm>> -> memref<80xi32, #tpu.memory_space<hbm>>
        %dma_wait3A_295 = tpu.memref_slice %arg4[%add3A_56] : memref<320000xi32, #tpu.memory_space<hbm>> -> memref<80xi32, #tpu.memory_space<hbm>>
        tpu.wait_dma2 semaphore(%run_scoped3A : memref<!tpu.dma_semaphore, #tpu.memory_space<semaphore_mem>>) src(%dma_wait3A_295 : memref<80xi32, #tpu.memory_space<hbm>>) dst(%arg12 : memref<80xi32, #tpu.memory_space<vmem>>)
        tpu.yield
      }) : () -> ()
      %mul3A_57 = arith.constant 128 : i32
      %mul3A_58 = arith.muli %add3A_56, %mul3A_57 : i32
      "tpu.region"() ({
        %run_scoped3A = tpu.sem_alloc : memref<!tpu.dma_semaphore, #tpu.memory_space<semaphore_mem>>
        %dma_start3A = tpu.memref_slice %arg2[%mul3A_58] : memref<40960000xf32, #tpu.memory_space<hbm>> -> memref<10240xf32, #tpu.memory_space<hbm>>
        %dma_start3A_294 = tpu.memref_slice %arg2[%mul3A_58] : memref<40960000xf32, #tpu.memory_space<hbm>> -> memref<10240xf32, #tpu.memory_space<hbm>>
        tpu.enqueue_dma source(%dma_start3A_294 : memref<10240xf32, #tpu.memory_space<hbm>>) target(%arg14 : memref<10240xf32, #tpu.memory_space<vmem>>) target_semaphore(%run_scoped3A : memref<!tpu.dma_semaphore, #tpu.memory_space<semaphore_mem>>)
        %dma_wait3A = tpu.memref_slice %arg2[%mul3A_58] : memref<40960000xf32, #tpu.memory_space<hbm>> -> memref<10240xf32, #tpu.memory_space<hbm>>
        %dma_wait3A_295 = tpu.memref_slice %arg2[%mul3A_58] : memref<40960000xf32, #tpu.memory_space<hbm>> -> memref<10240xf32, #tpu.memory_space<hbm>>
        tpu.wait_dma2 semaphore(%run_scoped3A : memref<!tpu.dma_semaphore, #tpu.memory_space<semaphore_mem>>) src(%dma_wait3A_295 : memref<10240xf32, #tpu.memory_space<hbm>>) dst(%arg14 : memref<10240xf32, #tpu.memory_space<vmem>>)
        tpu.yield
      }) : () -> ()
      %mul3A_59 = arith.constant 4 : i32
      %mul3A_60 = arith.muli %add3A_56, %mul3A_59 : i32
      "tpu.region"() ({
        %run_scoped3A = tpu.sem_alloc : memref<!tpu.dma_semaphore, #tpu.memory_space<semaphore_mem>>
        %dma_start3A = arith.constant 0 : i32
        %dma_start3A_294 = tpu.memref_slice %arg17[%dma_start3A] : memref<336xf32, #tpu.memory_space<vmem>> -> memref<320xf32, #tpu.memory_space<vmem>>
        %dma_start3A_295 = tpu.memref_slice %arg3[%mul3A_60] : memref<1280000xf32, #tpu.memory_space<hbm>> -> memref<320xf32, #tpu.memory_space<hbm>>
        %dma_start3A_296 = arith.constant 0 : i32
        %dma_start3A_297 = tpu.memref_slice %arg17[%dma_start3A_296] : memref<336xf32, #tpu.memory_space<vmem>> -> memref<320xf32, #tpu.memory_space<vmem>>
        %dma_start3A_298 = tpu.memref_slice %arg3[%mul3A_60] : memref<1280000xf32, #tpu.memory_space<hbm>> -> memref<320xf32, #tpu.memory_space<hbm>>
        tpu.enqueue_dma source(%dma_start3A_298 : memref<320xf32, #tpu.memory_space<hbm>>) target(%dma_start3A_297 : memref<320xf32, #tpu.memory_space<vmem>>) target_semaphore(%run_scoped3A : memref<!tpu.dma_semaphore, #tpu.memory_space<semaphore_mem>>)
        %dma_wait3A = arith.constant 0 : i32
        %dma_wait3A_299 = tpu.memref_slice %arg17[%dma_wait3A] : memref<336xf32, #tpu.memory_space<vmem>> -> memref<320xf32, #tpu.memory_space<vmem>>
        %dma_wait3A_300 = tpu.memref_slice %arg3[%mul3A_60] : memref<1280000xf32, #tpu.memory_space<hbm>> -> memref<320xf32, #tpu.memory_space<hbm>>
        %dma_wait3A_301 = arith.constant 0 : i32
        %dma_wait3A_302 = tpu.memref_slice %arg17[%dma_wait3A_301] : memref<336xf32, #tpu.memory_space<vmem>> -> memref<320xf32, #tpu.memory_space<vmem>>
        %dma_wait3A_303 = tpu.memref_slice %arg3[%mul3A_60] : memref<1280000xf32, #tpu.memory_space<hbm>> -> memref<320xf32, #tpu.memory_space<hbm>>
        tpu.wait_dma2 semaphore(%run_scoped3A : memref<!tpu.dma_semaphore, #tpu.memory_space<semaphore_mem>>) src(%dma_wait3A_303 : memref<320xf32, #tpu.memory_space<hbm>>) dst(%dma_wait3A_302 : memref<320xf32, #tpu.memory_space<vmem>>)
        tpu.yield
      }) : () -> ()
      "tpu.region"() ({
        %run_scoped3A = tpu.sem_alloc : memref<!tpu.dma_semaphore, #tpu.memory_space<semaphore_mem>>
        tpu.enqueue_dma source(%arg11 : memref<80x128xf32, #tpu.memory_space<vmem_shared>>) target(%arg16 : memref<80x128xf32, #tpu.memory_space<vmem>>) target_semaphore(%run_scoped3A : memref<!tpu.dma_semaphore, #tpu.memory_space<semaphore_mem>>)
        tpu.wait_dma2 semaphore(%run_scoped3A : memref<!tpu.dma_semaphore, #tpu.memory_space<semaphore_mem>>) src(%arg11 : memref<80x128xf32, #tpu.memory_space<vmem_shared>>) dst(%arg16 : memref<80x128xf32, #tpu.memory_space<vmem>>)
        tpu.yield
      }) : () -> ()
      %get3A_61 = arith.constant 0 : index
      %get3A_62 = tpu.vector_load %arg17[%get3A_61] {strides = array<i32>} : memref<336xf32, #tpu.memory_space<vmem>>, vector<16xf32>,
      %get3A_63 = vector.shape_cast %get3A_62 : vector<16xf32> to vector<16xf32>
      %sub3A = arith.subf %get3A_63, %get3A_20 : vector<16xf32>
      %exp3A = math.exp %sub3A : vector<16xf32>
      %swap3A_64 = arith.constant 0 : index
      %swap3A_65 = tpu.vector_load %arg17[%swap3A_64] {strides = array<i32>} : memref<336xf32, #tpu.memory_space<vmem>>, vector<16xf32>,
      %swap3A_66 = vector.shape_cast %swap3A_65 : vector<16xf32> to vector<16xf32>
      %swap3A_67 = vector.shape_cast %exp3A : vector<16xf32> to vector<16xf32>
      tpu.vector_store %arg17[%swap3A_64], %swap3A_67 {strides = array<i32>} : memref<336xf32, #tpu.memory_space<vmem>>, vector<16xf32>,
      %get3A_68 = arith.constant 16 : index
      %get3A_69 = tpu.vector_load %arg17[%get3A_68] {strides = array<i32>} : memref<336xf32, #tpu.memory_space<vmem>>, vector<16xf32>,
      %get3A_70 = vector.shape_cast %get3A_69 : vector<16xf32> to vector<16xf32>
      %sub3A_71 = arith.subf %get3A_70, %get3A_20 : vector<16xf32>
      %exp3A_72 = math.exp %sub3A_71 : vector<16xf32>
      %swap3A_73 = arith.constant 16 : index
      %swap3A_74 = tpu.vector_load %arg17[%swap3A_73] {strides = array<i32>} : memref<336xf32, #tpu.memory_space<vmem>>, vector<16xf32>,
      %swap3A_75 = vector.shape_cast %swap3A_74 : vector<16xf32> to vector<16xf32>
      %swap3A_76 = vector.shape_cast %exp3A_72 : vector<16xf32> to vector<16xf32>
      tpu.vector_store %arg17[%swap3A_73], %swap3A_76 {strides = array<i32>} : memref<336xf32, #tpu.memory_space<vmem>>, vector<16xf32>,
      %get3A_77 = arith.constant 32 : index
      %get3A_78 = tpu.vector_load %arg17[%get3A_77] {strides = array<i32>} : memref<336xf32, #tpu.memory_space<vmem>>, vector<16xf32>,
      %get3A_79 = vector.shape_cast %get3A_78 : vector<16xf32> to vector<16xf32>
      %sub3A_80 = arith.subf %get3A_79, %get3A_20 : vector<16xf32>
      %exp3A_81 = math.exp %sub3A_80 : vector<16xf32>
      %swap3A_82 = arith.constant 32 : index
      %swap3A_83 = tpu.vector_load %arg17[%swap3A_82] {strides = array<i32>} : memref<336xf32, #tpu.memory_space<vmem>>, vector<16xf32>,
      %swap3A_84 = vector.shape_cast %swap3A_83 : vector<16xf32> to vector<16xf32>
      %swap3A_85 = vector.shape_cast %exp3A_81 : vector<16xf32> to vector<16xf32>
      tpu.vector_store %arg17[%swap3A_82], %swap3A_85 {strides = array<i32>} : memref<336xf32, #tpu.memory_space<vmem>>, vector<16xf32>,
      %get3A_86 = arith.constant 48 : index
      %get3A_87 = tpu.vector_load %arg17[%get3A_86] {strides = array<i32>} : memref<336xf32, #tpu.memory_space<vmem>>, vector<16xf32>,
      %get3A_88 = vector.shape_cast %get3A_87 : vector<16xf32> to vector<16xf32>
      %sub3A_89 = arith.subf %get3A_88, %get3A_20 : vector<16xf32>
      %exp3A_90 = math.exp %sub3A_89 : vector<16xf32>
      %swap3A_91 = arith.constant 48 : index
      %swap3A_92 = tpu.vector_load %arg17[%swap3A_91] {strides = array<i32>} : memref<336xf32, #tpu.memory_space<vmem>>, vector<16xf32>,
      %swap3A_93 = vector.shape_cast %swap3A_92 : vector<16xf32> to vector<16xf32>
      %swap3A_94 = vector.shape_cast %exp3A_90 : vector<16xf32> to vector<16xf32>
      tpu.vector_store %arg17[%swap3A_91], %swap3A_94 {strides = array<i32>} : memref<336xf32, #tpu.memory_space<vmem>>, vector<16xf32>,
      %get3A_95 = arith.constant 64 : index
      %get3A_96 = tpu.vector_load %arg17[%get3A_95] {strides = array<i32>} : memref<336xf32, #tpu.memory_space<vmem>>, vector<16xf32>,
      %get3A_97 = vector.shape_cast %get3A_96 : vector<16xf32> to vector<16xf32>
      %sub3A_98 = arith.subf %get3A_97, %get3A_20 : vector<16xf32>
      %exp3A_99 = math.exp %sub3A_98 : vector<16xf32>
      %swap3A_100 = arith.constant 64 : index
      %swap3A_101 = tpu.vector_load %arg17[%swap3A_100] {strides = array<i32>} : memref<336xf32, #tpu.memory_space<vmem>>, vector<16xf32>,
      %swap3A_102 = vector.shape_cast %swap3A_101 : vector<16xf32> to vector<16xf32>
      %swap3A_103 = vector.shape_cast %exp3A_99 : vector<16xf32> to vector<16xf32>
      tpu.vector_store %arg17[%swap3A_100], %swap3A_103 {strides = array<i32>} : memref<336xf32, #tpu.memory_space<vmem>>, vector<16xf32>,
      %get3A_104 = arith.constant 80 : index
      %get3A_105 = tpu.vector_load %arg17[%get3A_104] {strides = array<i32>} : memref<336xf32, #tpu.memory_space<vmem>>, vector<16xf32>,
      %get3A_106 = vector.shape_cast %get3A_105 : vector<16xf32> to vector<16xf32>
      %sub3A_107 = arith.subf %get3A_106, %get3A_20 : vector<16xf32>
      %exp3A_108 = math.exp %sub3A_107 : vector<16xf32>
      %swap3A_109 = arith.constant 80 : index
      %swap3A_110 = tpu.vector_load %arg17[%swap3A_109] {strides = array<i32>} : memref<336xf32, #tpu.memory_space<vmem>>, vector<16xf32>,
      %swap3A_111 = vector.shape_cast %swap3A_110 : vector<16xf32> to vector<16xf32>
      %swap3A_112 = vector.shape_cast %exp3A_108 : vector<16xf32> to vector<16xf32>
      tpu.vector_store %arg17[%swap3A_109], %swap3A_112 {strides = array<i32>} : memref<336xf32, #tpu.memory_space<vmem>>, vector<16xf32>,
      %get3A_113 = arith.constant 96 : index
      %get3A_114 = tpu.vector_load %arg17[%get3A_113] {strides = array<i32>} : memref<336xf32, #tpu.memory_space<vmem>>, vector<16xf32>,
      %get3A_115 = vector.shape_cast %get3A_114 : vector<16xf32> to vector<16xf32>
      %sub3A_116 = arith.subf %get3A_115, %get3A_20 : vector<16xf32>
      %exp3A_117 = math.exp %sub3A_116 : vector<16xf32>
      %swap3A_118 = arith.constant 96 : index
      %swap3A_119 = tpu.vector_load %arg17[%swap3A_118] {strides = array<i32>} : memref<336xf32, #tpu.memory_space<vmem>>, vector<16xf32>,
      %swap3A_120 = vector.shape_cast %swap3A_119 : vector<16xf32> to vector<16xf32>
      %swap3A_121 = vector.shape_cast %exp3A_117 : vector<16xf32> to vector<16xf32>
      tpu.vector_store %arg17[%swap3A_118], %swap3A_121 {strides = array<i32>} : memref<336xf32, #tpu.memory_space<vmem>>, vector<16xf32>,
      %get3A_122 = arith.constant 112 : index
      %get3A_123 = tpu.vector_load %arg17[%get3A_122] {strides = array<i32>} : memref<336xf32, #tpu.memory_space<vmem>>, vector<16xf32>,
      %get3A_124 = vector.shape_cast %get3A_123 : vector<16xf32> to vector<16xf32>
      %sub3A_125 = arith.subf %get3A_124, %get3A_20 : vector<16xf32>
      %exp3A_126 = math.exp %sub3A_125 : vector<16xf32>
      %swap3A_127 = arith.constant 112 : index
      %swap3A_128 = tpu.vector_load %arg17[%swap3A_127] {strides = array<i32>} : memref<336xf32, #tpu.memory_space<vmem>>, vector<16xf32>,
      %swap3A_129 = vector.shape_cast %swap3A_128 : vector<16xf32> to vector<16xf32>
      %swap3A_130 = vector.shape_cast %exp3A_126 : vector<16xf32> to vector<16xf32>
      tpu.vector_store %arg17[%swap3A_127], %swap3A_130 {strides = array<i32>} : memref<336xf32, #tpu.memory_space<vmem>>, vector<16xf32>,
      %get3A_131 = arith.constant 128 : index
      %get3A_132 = tpu.vector_load %arg17[%get3A_131] {strides = array<i32>} : memref<336xf32, #tpu.memory_space<vmem>>, vector<16xf32>,
      %get3A_133 = vector.shape_cast %get3A_132 : vector<16xf32> to vector<16xf32>
      %sub3A_134 = arith.subf %get3A_133, %get3A_20 : vector<16xf32>
      %exp3A_135 = math.exp %sub3A_134 : vector<16xf32>
      %swap3A_136 = arith.constant 128 : index
      %swap3A_137 = tpu.vector_load %arg17[%swap3A_136] {strides = array<i32>} : memref<336xf32, #tpu.memory_space<vmem>>, vector<16xf32>,
      %swap3A_138 = vector.shape_cast %swap3A_137 : vector<16xf32> to vector<16xf32>
      %swap3A_139 = vector.shape_cast %exp3A_135 : vector<16xf32> to vector<16xf32>
      tpu.vector_store %arg17[%swap3A_136], %swap3A_139 {strides = array<i32>} : memref<336xf32, #tpu.memory_space<vmem>>, vector<16xf32>,
      %get3A_140 = arith.constant 144 : index
      %get3A_141 = tpu.vector_load %arg17[%get3A_140] {strides = array<i32>} : memref<336xf32, #tpu.memory_space<vmem>>, vector<16xf32>,
      %get3A_142 = vector.shape_cast %get3A_141 : vector<16xf32> to vector<16xf32>
      %sub3A_143 = arith.subf %get3A_142, %get3A_20 : vector<16xf32>
      %exp3A_144 = math.exp %sub3A_143 : vector<16xf32>
      %swap3A_145 = arith.constant 144 : index
      %swap3A_146 = tpu.vector_load %arg17[%swap3A_145] {strides = array<i32>} : memref<336xf32, #tpu.memory_space<vmem>>, vector<16xf32>,
      %swap3A_147 = vector.shape_cast %swap3A_146 : vector<16xf32> to vector<16xf32>
      %swap3A_148 = vector.shape_cast %exp3A_144 : vector<16xf32> to vector<16xf32>
      tpu.vector_store %arg17[%swap3A_145], %swap3A_148 {strides = array<i32>} : memref<336xf32, #tpu.memory_space<vmem>>, vector<16xf32>,
      %get3A_149 = arith.constant 160 : index
      %get3A_150 = tpu.vector_load %arg17[%get3A_149] {strides = array<i32>} : memref<336xf32, #tpu.memory_space<vmem>>, vector<16xf32>,
      %get3A_151 = vector.shape_cast %get3A_150 : vector<16xf32> to vector<16xf32>
      %sub3A_152 = arith.subf %get3A_151, %get3A_20 : vector<16xf32>
      %exp3A_153 = math.exp %sub3A_152 : vector<16xf32>
      %swap3A_154 = arith.constant 160 : index
      %swap3A_155 = tpu.vector_load %arg17[%swap3A_154] {strides = array<i32>} : memref<336xf32, #tpu.memory_space<vmem>>, vector<16xf32>,
      %swap3A_156 = vector.shape_cast %swap3A_155 : vector<16xf32> to vector<16xf32>
      %swap3A_157 = vector.shape_cast %exp3A_153 : vector<16xf32> to vector<16xf32>
      tpu.vector_store %arg17[%swap3A_154], %swap3A_157 {strides = array<i32>} : memref<336xf32, #tpu.memory_space<vmem>>, vector<16xf32>,
      %get3A_158 = arith.constant 176 : index
      %get3A_159 = tpu.vector_load %arg17[%get3A_158] {strides = array<i32>} : memref<336xf32, #tpu.memory_space<vmem>>, vector<16xf32>,
      %get3A_160 = vector.shape_cast %get3A_159 : vector<16xf32> to vector<16xf32>
      %sub3A_161 = arith.subf %get3A_160, %get3A_20 : vector<16xf32>
      %exp3A_162 = math.exp %sub3A_161 : vector<16xf32>
      %swap3A_163 = arith.constant 176 : index
      %swap3A_164 = tpu.vector_load %arg17[%swap3A_163] {strides = array<i32>} : memref<336xf32, #tpu.memory_space<vmem>>, vector<16xf32>,
      %swap3A_165 = vector.shape_cast %swap3A_164 : vector<16xf32> to vector<16xf32>
      %swap3A_166 = vector.shape_cast %exp3A_162 : vector<16xf32> to vector<16xf32>
      tpu.vector_store %arg17[%swap3A_163], %swap3A_166 {strides = array<i32>} : memref<336xf32, #tpu.memory_space<vmem>>, vector<16xf32>,
      %get3A_167 = arith.constant 192 : index
      %get3A_168 = tpu.vector_load %arg17[%get3A_167] {strides = array<i32>} : memref<336xf32, #tpu.memory_space<vmem>>, vector<16xf32>,
      %get3A_169 = vector.shape_cast %get3A_168 : vector<16xf32> to vector<16xf32>
      %sub3A_170 = arith.subf %get3A_169, %get3A_20 : vector<16xf32>
      %exp3A_171 = math.exp %sub3A_170 : vector<16xf32>
      %swap3A_172 = arith.constant 192 : index
      %swap3A_173 = tpu.vector_load %arg17[%swap3A_172] {strides = array<i32>} : memref<336xf32, #tpu.memory_space<vmem>>, vector<16xf32>,
      %swap3A_174 = vector.shape_cast %swap3A_173 : vector<16xf32> to vector<16xf32>
      %swap3A_175 = vector.shape_cast %exp3A_171 : vector<16xf32> to vector<16xf32>
      tpu.vector_store %arg17[%swap3A_172], %swap3A_175 {strides = array<i32>} : memref<336xf32, #tpu.memory_space<vmem>>, vector<16xf32>,
      %get3A_176 = arith.constant 208 : index
      %get3A_177 = tpu.vector_load %arg17[%get3A_176] {strides = array<i32>} : memref<336xf32, #tpu.memory_space<vmem>>, vector<16xf32>,
      %get3A_178 = vector.shape_cast %get3A_177 : vector<16xf32> to vector<16xf32>
      %sub3A_179 = arith.subf %get3A_178, %get3A_20 : vector<16xf32>
      %exp3A_180 = math.exp %sub3A_179 : vector<16xf32>
      %swap3A_181 = arith.constant 208 : index
      %swap3A_182 = tpu.vector_load %arg17[%swap3A_181] {strides = array<i32>} : memref<336xf32, #tpu.memory_space<vmem>>, vector<16xf32>,
      %swap3A_183 = vector.shape_cast %swap3A_182 : vector<16xf32> to vector<16xf32>
      %swap3A_184 = vector.shape_cast %exp3A_180 : vector<16xf32> to vector<16xf32>
      tpu.vector_store %arg17[%swap3A_181], %swap3A_184 {strides = array<i32>} : memref<336xf32, #tpu.memory_space<vmem>>, vector<16xf32>,
      %get3A_185 = arith.constant 224 : index
      %get3A_186 = tpu.vector_load %arg17[%get3A_185] {strides = array<i32>} : memref<336xf32, #tpu.memory_space<vmem>>, vector<16xf32>,
      %get3A_187 = vector.shape_cast %get3A_186 : vector<16xf32> to vector<16xf32>
      %sub3A_188 = arith.subf %get3A_187, %get3A_20 : vector<16xf32>
      %exp3A_189 = math.exp %sub3A_188 : vector<16xf32>
      %swap3A_190 = arith.constant 224 : index
      %swap3A_191 = tpu.vector_load %arg17[%swap3A_190] {strides = array<i32>} : memref<336xf32, #tpu.memory_space<vmem>>, vector<16xf32>,
      %swap3A_192 = vector.shape_cast %swap3A_191 : vector<16xf32> to vector<16xf32>
      %swap3A_193 = vector.shape_cast %exp3A_189 : vector<16xf32> to vector<16xf32>
      tpu.vector_store %arg17[%swap3A_190], %swap3A_193 {strides = array<i32>} : memref<336xf32, #tpu.memory_space<vmem>>, vector<16xf32>,
      %get3A_194 = arith.constant 240 : index
      %get3A_195 = tpu.vector_load %arg17[%get3A_194] {strides = array<i32>} : memref<336xf32, #tpu.memory_space<vmem>>, vector<16xf32>,
      %get3A_196 = vector.shape_cast %get3A_195 : vector<16xf32> to vector<16xf32>
      %sub3A_197 = arith.subf %get3A_196, %get3A_20 : vector<16xf32>
      %exp3A_198 = math.exp %sub3A_197 : vector<16xf32>
      %swap3A_199 = arith.constant 240 : index
      %swap3A_200 = tpu.vector_load %arg17[%swap3A_199] {strides = array<i32>} : memref<336xf32, #tpu.memory_space<vmem>>, vector<16xf32>,
      %swap3A_201 = vector.shape_cast %swap3A_200 : vector<16xf32> to vector<16xf32>
      %swap3A_202 = vector.shape_cast %exp3A_198 : vector<16xf32> to vector<16xf32>
      tpu.vector_store %arg17[%swap3A_199], %swap3A_202 {strides = array<i32>} : memref<336xf32, #tpu.memory_space<vmem>>, vector<16xf32>,
      %get3A_203 = arith.constant 256 : index
      %get3A_204 = tpu.vector_load %arg17[%get3A_203] {strides = array<i32>} : memref<336xf32, #tpu.memory_space<vmem>>, vector<16xf32>,
      %get3A_205 = vector.shape_cast %get3A_204 : vector<16xf32> to vector<16xf32>
      %sub3A_206 = arith.subf %get3A_205, %get3A_20 : vector<16xf32>
      %exp3A_207 = math.exp %sub3A_206 : vector<16xf32>
      %swap3A_208 = arith.constant 256 : index
      %swap3A_209 = tpu.vector_load %arg17[%swap3A_208] {strides = array<i32>} : memref<336xf32, #tpu.memory_space<vmem>>, vector<16xf32>,
      %swap3A_210 = vector.shape_cast %swap3A_209 : vector<16xf32> to vector<16xf32>
      %swap3A_211 = vector.shape_cast %exp3A_207 : vector<16xf32> to vector<16xf32>
      tpu.vector_store %arg17[%swap3A_208], %swap3A_211 {strides = array<i32>} : memref<336xf32, #tpu.memory_space<vmem>>, vector<16xf32>,
      %get3A_212 = arith.constant 272 : index
      %get3A_213 = tpu.vector_load %arg17[%get3A_212] {strides = array<i32>} : memref<336xf32, #tpu.memory_space<vmem>>, vector<16xf32>,
      %get3A_214 = vector.shape_cast %get3A_213 : vector<16xf32> to vector<16xf32>
      %sub3A_215 = arith.subf %get3A_214, %get3A_20 : vector<16xf32>
      %exp3A_216 = math.exp %sub3A_215 : vector<16xf32>
      %swap3A_217 = arith.constant 272 : index
      %swap3A_218 = tpu.vector_load %arg17[%swap3A_217] {strides = array<i32>} : memref<336xf32, #tpu.memory_space<vmem>>, vector<16xf32>,
      %swap3A_219 = vector.shape_cast %swap3A_218 : vector<16xf32> to vector<16xf32>
      %swap3A_220 = vector.shape_cast %exp3A_216 : vector<16xf32> to vector<16xf32>
      tpu.vector_store %arg17[%swap3A_217], %swap3A_220 {strides = array<i32>} : memref<336xf32, #tpu.memory_space<vmem>>, vector<16xf32>,
      %get3A_221 = arith.constant 288 : index
      %get3A_222 = tpu.vector_load %arg17[%get3A_221] {strides = array<i32>} : memref<336xf32, #tpu.memory_space<vmem>>, vector<16xf32>,
      %get3A_223 = vector.shape_cast %get3A_222 : vector<16xf32> to vector<16xf32>
      %sub3A_224 = arith.subf %get3A_223, %get3A_20 : vector<16xf32>
      %exp3A_225 = math.exp %sub3A_224 : vector<16xf32>
      %swap3A_226 = arith.constant 288 : index
      %swap3A_227 = tpu.vector_load %arg17[%swap3A_226] {strides = array<i32>} : memref<336xf32, #tpu.memory_space<vmem>>, vector<16xf32>,
      %swap3A_228 = vector.shape_cast %swap3A_227 : vector<16xf32> to vector<16xf32>
      %swap3A_229 = vector.shape_cast %exp3A_225 : vector<16xf32> to vector<16xf32>
      tpu.vector_store %arg17[%swap3A_226], %swap3A_229 {strides = array<i32>} : memref<336xf32, #tpu.memory_space<vmem>>, vector<16xf32>,
      %get3A_230 = arith.constant 304 : index
      %get3A_231 = tpu.vector_load %arg17[%get3A_230] {strides = array<i32>} : memref<336xf32, #tpu.memory_space<vmem>>, vector<16xf32>,
      %get3A_232 = vector.shape_cast %get3A_231 : vector<16xf32> to vector<16xf32>
      %sub3A_233 = arith.subf %get3A_232, %get3A_20 : vector<16xf32>
      %exp3A_234 = math.exp %sub3A_233 : vector<16xf32>
      %swap3A_235 = arith.constant 304 : index
      %swap3A_236 = tpu.vector_load %arg17[%swap3A_235] {strides = array<i32>} : memref<336xf32, #tpu.memory_space<vmem>>, vector<16xf32>,
      %swap3A_237 = vector.shape_cast %swap3A_236 : vector<16xf32> to vector<16xf32>
      %swap3A_238 = vector.shape_cast %exp3A_234 : vector<16xf32> to vector<16xf32>
      tpu.vector_store %arg17[%swap3A_235], %swap3A_238 {strides = array<i32>} : memref<336xf32, #tpu.memory_space<vmem>>, vector<16xf32>,
      %get3A_239 = arith.constant 0 : index
      %get3A_240 = tpu.vector_load %arg12[%get3A_239] {strides = array<i32>} : memref<80xi32, #tpu.memory_space<vmem>>, vector<16xi32>,
      %get3A_241 = vector.shape_cast %get3A_240 : vector<16xi32> to vector<16xi32>
      %shift_right_logical3A = arith.constant 5 : i32
      %shift_right_logical3A_242 = vector.broadcast %shift_right_logical3A : i32 to vector<16xi32>
      %shift_right_logical3A_243 = arith.shrui %get3A_241, %shift_right_logical3A_242 : vector<16xi32>
      %swap3A_244 = arith.constant 0 : index
      %swap3A_245 = tpu.vector_load %arg13[%swap3A_244] {strides = array<i32>} : memref<80xi32, #tpu.memory_space<vmem>>, vector<16xi32>,
      %swap3A_246 = vector.shape_cast %swap3A_245 : vector<16xi32> to vector<16xi32>
      %swap3A_247 = vector.shape_cast %shift_right_logical3A_243 : vector<16xi32> to vector<16xi32>
      tpu.vector_store %arg13[%swap3A_244], %swap3A_247 {strides = array<i32>} : memref<80xi32, #tpu.memory_space<vmem>>, vector<16xi32>,
      %get3A_248 = arith.constant 16 : index
      %get3A_249 = tpu.vector_load %arg12[%get3A_248] {strides = array<i32>} : memref<80xi32, #tpu.memory_space<vmem>>, vector<16xi32>,
      %get3A_250 = vector.shape_cast %get3A_249 : vector<16xi32> to vector<16xi32>
      %shift_right_logical3A_251 = arith.constant 5 : i32
      %shift_right_logical3A_252 = vector.broadcast %shift_right_logical3A_251 : i32 to vector<16xi32>
      %shift_right_logical3A_253 = arith.shrui %get3A_250, %shift_right_logical3A_252 : vector<16xi32>
      %swap3A_254 = arith.constant 16 : index
      %swap3A_255 = tpu.vector_load %arg13[%swap3A_254] {strides = array<i32>} : memref<80xi32, #tpu.memory_space<vmem>>, vector<16xi32>,
      %swap3A_256 = vector.shape_cast %swap3A_255 : vector<16xi32> to vector<16xi32>
      %swap3A_257 = vector.shape_cast %shift_right_logical3A_253 : vector<16xi32> to vector<16xi32>
      tpu.vector_store %arg13[%swap3A_254], %swap3A_257 {strides = array<i32>} : memref<80xi32, #tpu.memory_space<vmem>>, vector<16xi32>,
      %get3A_258 = arith.constant 32 : index
      %get3A_259 = tpu.vector_load %arg12[%get3A_258] {strides = array<i32>} : memref<80xi32, #tpu.memory_space<vmem>>, vector<16xi32>,
      %get3A_260 = vector.shape_cast %get3A_259 : vector<16xi32> to vector<16xi32>
      %shift_right_logical3A_261 = arith.constant 5 : i32
      %shift_right_logical3A_262 = vector.broadcast %shift_right_logical3A_261 : i32 to vector<16xi32>
      %shift_right_logical3A_263 = arith.shrui %get3A_260, %shift_right_logical3A_262 : vector<16xi32>
      %swap3A_264 = arith.constant 32 : index
      %swap3A_265 = tpu.vector_load %arg13[%swap3A_264] {strides = array<i32>} : memref<80xi32, #tpu.memory_space<vmem>>, vector<16xi32>,
      %swap3A_266 = vector.shape_cast %swap3A_265 : vector<16xi32> to vector<16xi32>
      %swap3A_267 = vector.shape_cast %shift_right_logical3A_263 : vector<16xi32> to vector<16xi32>
      tpu.vector_store %arg13[%swap3A_264], %swap3A_267 {strides = array<i32>} : memref<80xi32, #tpu.memory_space<vmem>>, vector<16xi32>,
      %get3A_268 = arith.constant 48 : index
      %get3A_269 = tpu.vector_load %arg12[%get3A_268] {strides = array<i32>} : memref<80xi32, #tpu.memory_space<vmem>>, vector<16xi32>,
      %get3A_270 = vector.shape_cast %get3A_269 : vector<16xi32> to vector<16xi32>
      %shift_right_logical3A_271 = arith.constant 5 : i32
      %shift_right_logical3A_272 = vector.broadcast %shift_right_logical3A_271 : i32 to vector<16xi32>
      %shift_right_logical3A_273 = arith.shrui %get3A_270, %shift_right_logical3A_272 : vector<16xi32>
      %swap3A_274 = arith.constant 48 : index
      %swap3A_275 = tpu.vector_load %arg13[%swap3A_274] {strides = array<i32>} : memref<80xi32, #tpu.memory_space<vmem>>, vector<16xi32>,
      %swap3A_276 = vector.shape_cast %swap3A_275 : vector<16xi32> to vector<16xi32>
      %swap3A_277 = vector.shape_cast %shift_right_logical3A_273 : vector<16xi32> to vector<16xi32>
      tpu.vector_store %arg13[%swap3A_274], %swap3A_277 {strides = array<i32>} : memref<80xi32, #tpu.memory_space<vmem>>, vector<16xi32>,
      %get3A_278 = arith.constant 64 : index
      %get3A_279 = tpu.vector_load %arg12[%get3A_278] {strides = array<i32>} : memref<80xi32, #tpu.memory_space<vmem>>, vector<16xi32>,
      %get3A_280 = vector.shape_cast %get3A_279 : vector<16xi32> to vector<16xi32>
      %shift_right_logical3A_281 = arith.constant 5 : i32
      %shift_right_logical3A_282 = vector.broadcast %shift_right_logical3A_281 : i32 to vector<16xi32>
      %shift_right_logical3A_283 = arith.shrui %get3A_280, %shift_right_logical3A_282 : vector<16xi32>
      %swap3A_284 = arith.constant 64 : index
      %swap3A_285 = tpu.vector_load %arg13[%swap3A_284] {strides = array<i32>} : memref<80xi32, #tpu.memory_space<vmem>>, vector<16xi32>,
      %swap3A_286 = vector.shape_cast %swap3A_285 : vector<16xi32> to vector<16xi32>
      %swap3A_287 = vector.shape_cast %shift_right_logical3A_283 : vector<16xi32> to vector<16xi32>
      tpu.vector_store %arg13[%swap3A_284], %swap3A_287 {strides = array<i32>} : memref<80xi32, #tpu.memory_space<vmem>>, vector<16xi32>,
      %scan3A_288 = arith.constant 0 : i32
      %scan3A_289 = arith.constant 0 : i32
      %scan3A_290 = arith.constant 5 : i32
      %scan3A_291 = arith.addi %scan3A_289, %scan3A_290 : i32
      %scan3A_292 = arith.constant 1 : i32
      scf.for %scan3A_294 = %scan3A_289 to %scan3A_291 step %scan3A_292  : i32 {
        %mul3A_295 = arith.constant 16 : i32
        %mul3A_296 = arith.muli %scan3A_294, %mul3A_295 : i32
        %get3A_297 = arith.index_cast %mul3A_296 : i32 to index
        %get3A_298 = tpu.vector_load %arg12[%get3A_297] {strides = array<i32>} : memref<80xi32, #tpu.memory_space<vmem>>, vector<16xi32>,
        %get3A_299 = vector.shape_cast %get3A_298 : vector<16xi32> to vector<16xi32>
        %mul3A_300 = arith.constant 16 : i32
        %mul3A_301 = arith.muli %scan3A_294, %mul3A_300 : i32
        %add3A_302 = arith.constant 0 : i32
        %add3A_303 = arith.addi %mul3A_301, %add3A_302 : i32
        %slice3A = vector.extract_strided_slice %get3A_299 {offsets = [0], sizes = [1], strides = [1]} : vector<16xi32> to vector<1xi32>
        %squeeze3A = vector.extract %slice3A[0] : i32 from vector<1xi32>
        %mul3A_304 = arith.constant 4 : i32
        %mul3A_305 = arith.muli %add3A_303, %mul3A_304 : i32
        %get3A_306 = arith.index_cast %mul3A_305 : i32 to index
        %get3A_307 = tpu.vector_load %arg17[%get3A_306] {strides = array<i32>} : memref<336xf32, #tpu.memory_space<vmem>>, vector<16xf32>,
        %get3A_308 = vector.shape_cast %get3A_307 : vector<16xf32> to vector<16xf32>
        %slice3A_309 = vector.extract_strided_slice %get3A_308 {offsets = [0], sizes = [1], strides = [1]} : vector<16xf32> to vector<1xf32>
        %squeeze3A_310 = vector.extract %slice3A_309[0] : f32 from vector<1xf32>
        %broadcast_in_dim3A_311 = vector.broadcast %squeeze3A_310 : f32 to vector<16xf32>
        %mul3A_312 = arith.constant 128 : i32
        %mul3A_313 = arith.muli %add3A_303, %mul3A_312 : i32
        %add3A_314 = arith.constant 0 : i32
        %add3A_315 = arith.addi %mul3A_313, %add3A_314 : i32
        %get3A_316 = arith.index_cast %add3A_315 : i32 to index
        %get3A_317 = tpu.vector_load %arg14[%get3A_316] {strides = array<i32>} : memref<10240xf32, #tpu.memory_space<vmem>>, vector<16xf32>,
        %get3A_318 = vector.shape_cast %get3A_317 : vector<16xf32> to vector<16xf32>
        %mul3A_319 = arith.mulf %get3A_318, %broadcast_in_dim3A_311 : vector<16xf32>
        %swap3A_320 = arith.index_cast %add3A_303 : i32 to index
        %swap3A_321 = arith.constant 0 : index
        %swap3A_322 = tpu.vector_load %arg15[%swap3A_320, %swap3A_321] {strides = array<i32>} : memref<80x128xf32, #tpu.memory_space<vmem>>, vector<1x16xf32>,
        %swap3A_323 = vector.shape_cast %swap3A_322 : vector<1x16xf32> to vector<16xf32>
        %swap3A_324 = vector.shape_cast %mul3A_319 : vector<16xf32> to vector<1x16xf32>
        tpu.vector_store %arg15[%swap3A_320, %swap3A_321], %swap3A_324 {strides = array<i32>} : memref<80x128xf32, #tpu.memory_space<vmem>>, vector<1x16xf32>,
        %mul3A_325 = arith.constant 128 : i32
        %mul3A_326 = arith.muli %add3A_303, %mul3A_325 : i32
        %add3A_327 = arith.constant 16 : i32
        %add3A_328 = arith.addi %mul3A_326, %add3A_327 : i32
        %get3A_329 = arith.index_cast %add3A_328 : i32 to index
        %get3A_330 = tpu.vector_load %arg14[%get3A_329] {strides = array<i32>} : memref<10240xf32, #tpu.memory_space<vmem>>, vector<16xf32>,
        %get3A_331 = vector.shape_cast %get3A_330 : vector<16xf32> to vector<16xf32>
        %mul3A_332 = arith.mulf %get3A_331, %broadcast_in_dim3A_311 : vector<16xf32>
        %swap3A_333 = arith.index_cast %add3A_303 : i32 to index
        %swap3A_334 = arith.constant 16 : index
        %swap3A_335 = tpu.vector_load %arg15[%swap3A_333, %swap3A_334] {strides = array<i32>} : memref<80x128xf32, #tpu.memory_space<vmem>>, vector<1x16xf32>,
        %swap3A_336 = vector.shape_cast %swap3A_335 : vector<1x16xf32> to vector<16xf32>
        %swap3A_337 = vector.shape_cast %mul3A_332 : vector<16xf32> to vector<1x16xf32>
        tpu.vector_store %arg15[%swap3A_333, %swap3A_334], %swap3A_337 {strides = array<i32>} : memref<80x128xf32, #tpu.memory_space<vmem>>, vector<1x16xf32>,
        %slice3A_338 = vector.extract_strided_slice %get3A_308 {offsets = [1], sizes = [1], strides = [1]} : vector<16xf32> to vector<1xf32>
        %squeeze3A_339 = vector.extract %slice3A_338[0] : f32 from vector<1xf32>
        %broadcast_in_dim3A_340 = vector.broadcast %squeeze3A_339 : f32 to vector<16xf32>
        %mul3A_341 = arith.constant 128 : i32
        %mul3A_342 = arith.muli %add3A_303, %mul3A_341 : i32
        %add3A_343 = arith.constant 32 : i32
        %add3A_344 = arith.addi %mul3A_342, %add3A_343 : i32
        %get3A_345 = arith.index_cast %add3A_344 : i32 to index
        %get3A_346 = tpu.vector_load %arg14[%get3A_345] {strides = array<i32>} : memref<10240xf32, #tpu.memory_space<vmem>>, vector<16xf32>,
        %get3A_347 = vector.shape_cast %get3A_346 : vector<16xf32> to vector<16xf32>
        %mul3A_348 = arith.mulf %get3A_347, %broadcast_in_dim3A_340 : vector<16xf32>
        %swap3A_349 = arith.index_cast %add3A_303 : i32 to index
        %swap3A_350 = arith.constant 32 : index
        %swap3A_351 = tpu.vector_load %arg15[%swap3A_349, %swap3A_350] {strides = array<i32>} : memref<80x128xf32, #tpu.memory_space<vmem>>, vector<1x16xf32>,
        %swap3A_352 = vector.shape_cast %swap3A_351 : vector<1x16xf32> to vector<16xf32>
        %swap3A_353 = vector.shape_cast %mul3A_348 : vector<16xf32> to vector<1x16xf32>
        tpu.vector_store %arg15[%swap3A_349, %swap3A_350], %swap3A_353 {strides = array<i32>} : memref<80x128xf32, #tpu.memory_space<vmem>>, vector<1x16xf32>,
        %mul3A_354 = arith.constant 128 : i32
        %mul3A_355 = arith.muli %add3A_303, %mul3A_354 : i32
        %add3A_356 = arith.constant 48 : i32
        %add3A_357 = arith.addi %mul3A_355, %add3A_356 : i32
        %get3A_358 = arith.index_cast %add3A_357 : i32 to index
        %get3A_359 = tpu.vector_load %arg14[%get3A_358] {strides = array<i32>} : memref<10240xf32, #tpu.memory_space<vmem>>, vector<16xf32>,
        %get3A_360 = vector.shape_cast %get3A_359 : vector<16xf32> to vector<16xf32>
        %mul3A_361 = arith.mulf %get3A_360, %broadcast_in_dim3A_340 : vector<16xf32>
        %swap3A_362 = arith.index_cast %add3A_303 : i32 to index
        %swap3A_363 = arith.constant 48 : index
        %swap3A_364 = tpu.vector_load %arg15[%swap3A_362, %swap3A_363] {strides = array<i32>} : memref<80x128xf32, #tpu.memory_space<vmem>>, vector<1x16xf32>,
        %swap3A_365 = vector.shape_cast %swap3A_364 : vector<1x16xf32> to vector<16xf32>
        %swap3A_366 = vector.shape_cast %mul3A_361 : vector<16xf32> to vector<1x16xf32>
        tpu.vector_store %arg15[%swap3A_362, %swap3A_363], %swap3A_366 {strides = array<i32>} : memref<80x128xf32, #tpu.memory_space<vmem>>, vector<1x16xf32>,
        %slice3A_367 = vector.extract_strided_slice %get3A_308 {offsets = [2], sizes = [1], strides = [1]} : vector<16xf32> to vector<1xf32>
        %squeeze3A_368 = vector.extract %slice3A_367[0] : f32 from vector<1xf32>
        %broadcast_in_dim3A_369 = vector.broadcast %squeeze3A_368 : f32 to vector<16xf32>
        %mul3A_370 = arith.constant 128 : i32
        %mul3A_371 = arith.muli %add3A_303, %mul3A_370 : i32
        %add3A_372 = arith.constant 64 : i32
        %add3A_373 = arith.addi %mul3A_371, %add3A_372 : i32
        %get3A_374 = arith.index_cast %add3A_373 : i32 to index
        %get3A_375 = tpu.vector_load %arg14[%get3A_374] {strides = array<i32>} : memref<10240xf32, #tpu.memory_space<vmem>>, vector<16xf32>,
        %get3A_376 = vector.shape_cast %get3A_375 : vector<16xf32> to vector<16xf32>
        %mul3A_377 = arith.mulf %get3A_376, %broadcast_in_dim3A_369 : vector<16xf32>
        %swap3A_378 = arith.index_cast %add3A_303 : i32 to index
        %swap3A_379 = arith.constant 64 : index
        %swap3A_380 = tpu.vector_load %arg15[%swap3A_378, %swap3A_379] {strides = array<i32>} : memref<80x128xf32, #tpu.memory_space<vmem>>, vector<1x16xf32>,
        %swap3A_381 = vector.shape_cast %swap3A_380 : vector<1x16xf32> to vector<16xf32>
        %swap3A_382 = vector.shape_cast %mul3A_377 : vector<16xf32> to vector<1x16xf32>
        tpu.vector_store %arg15[%swap3A_378, %swap3A_379], %swap3A_382 {strides = array<i32>} : memref<80x128xf32, #tpu.memory_space<vmem>>, vector<1x16xf32>,
        %mul3A_383 = arith.constant 128 : i32
        %mul3A_384 = arith.muli %add3A_303, %mul3A_383 : i32
        %add3A_385 = arith.constant 80 : i32
        %add3A_386 = arith.addi %mul3A_384, %add3A_385 : i32
        %get3A_387 = arith.index_cast %add3A_386 : i32 to index
        %get3A_388 = tpu.vector_load %arg14[%get3A_387] {strides = array<i32>} : memref<10240xf32, #tpu.memory_space<vmem>>, vector<16xf32>,
        %get3A_389 = vector.shape_cast %get3A_388 : vector<16xf32> to vector<16xf32>
        %mul3A_390 = arith.mulf %get3A_389, %broadcast_in_dim3A_369 : vector<16xf32>
        %swap3A_391 = arith.index_cast %add3A_303 : i32 to index
        %swap3A_392 = arith.constant 80 : index
        %swap3A_393 = tpu.vector_load %arg15[%swap3A_391, %swap3A_392] {strides = array<i32>} : memref<80x128xf32, #tpu.memory_space<vmem>>, vector<1x16xf32>,
        %swap3A_394 = vector.shape_cast %swap3A_393 : vector<1x16xf32> to vector<16xf32>
        %swap3A_395 = vector.shape_cast %mul3A_390 : vector<16xf32> to vector<1x16xf32>
        tpu.vector_store %arg15[%swap3A_391, %swap3A_392], %swap3A_395 {strides = array<i32>} : memref<80x128xf32, #tpu.memory_space<vmem>>, vector<1x16xf32>,
        %slice3A_396 = vector.extract_strided_slice %get3A_308 {offsets = [3], sizes = [1], strides = [1]} : vector<16xf32> to vector<1xf32>
        %squeeze3A_397 = vector.extract %slice3A_396[0] : f32 from vector<1xf32>
        %broadcast_in_dim3A_398 = vector.broadcast %squeeze3A_397 : f32 to vector<16xf32>
        %mul3A_399 = arith.constant 128 : i32
        %mul3A_400 = arith.muli %add3A_303, %mul3A_399 : i32
        %add3A_401 = arith.constant 96 : i32
        %add3A_402 = arith.addi %mul3A_400, %add3A_401 : i32
        %get3A_403 = arith.index_cast %add3A_402 : i32 to index
        %get3A_404 = tpu.vector_load %arg14[%get3A_403] {strides = array<i32>} : memref<10240xf32, #tpu.memory_space<vmem>>, vector<16xf32>,
        %get3A_405 = vector.shape_cast %get3A_404 : vector<16xf32> to vector<16xf32>
        %mul3A_406 = arith.mulf %get3A_405, %broadcast_in_dim3A_398 : vector<16xf32>
        %swap3A_407 = arith.index_cast %add3A_303 : i32 to index
        %swap3A_408 = arith.constant 96 : index
        %swap3A_409 = tpu.vector_load %arg15[%swap3A_407, %swap3A_408] {strides = array<i32>} : memref<80x128xf32, #tpu.memory_space<vmem>>, vector<1x16xf32>,
        %swap3A_410 = vector.shape_cast %swap3A_409 : vector<1x16xf32> to vector<16xf32>
        %swap3A_411 = vector.shape_cast %mul3A_406 : vector<16xf32> to vector<1x16xf32>
        tpu.vector_store %arg15[%swap3A_407, %swap3A_408], %swap3A_411 {strides = array<i32>} : memref<80x128xf32, #tpu.memory_space<vmem>>, vector<1x16xf32>,
        %mul3A_412 = arith.constant 128 : i32
        %mul3A_413 = arith.muli %add3A_303, %mul3A_412 : i32
        %add3A_414 = arith.constant 112 : i32
        %add3A_415 = arith.addi %mul3A_413, %add3A_414 : i32
        %get3A_416 = arith.index_cast %add3A_415 : i32 to index
        %get3A_417 = tpu.vector_load %arg14[%get3A_416] {strides = array<i32>} : memref<10240xf32, #tpu.memory_space<vmem>>, vector<16xf32>,
        %get3A_418 = vector.shape_cast %get3A_417 : vector<16xf32> to vector<16xf32>
        %mul3A_419 = arith.mulf %get3A_418, %broadcast_in_dim3A_398 : vector<16xf32>
        %swap3A_420 = arith.index_cast %add3A_303 : i32 to index
        %swap3A_421 = arith.constant 112 : index
        %swap3A_422 = tpu.vector_load %arg15[%swap3A_420, %swap3A_421] {strides = array<i32>} : memref<80x128xf32, #tpu.memory_space<vmem>>, vector<1x16xf32>,
        %swap3A_423 = vector.shape_cast %swap3A_422 : vector<1x16xf32> to vector<16xf32>
        %swap3A_424 = vector.shape_cast %mul3A_419 : vector<16xf32> to vector<1x16xf32>
        tpu.vector_store %arg15[%swap3A_420, %swap3A_421], %swap3A_424 {strides = array<i32>} : memref<80x128xf32, #tpu.memory_space<vmem>>, vector<1x16xf32>,
        %jit3A = arith.constant 0.000000e+00 : f32
        %broadcast_in_dim3A_425 = vector.broadcast %jit3A : f32 to vector<16xf32>
        %select_n3A = arith.select %lt3A_23, %get3A_308, %broadcast_in_dim3A_425 : vector<16xi1>, vector<16xf32>
        %and3A = arith.constant 3 : i32
        %and3A_426 = arith.andi %squeeze3A, %and3A : i32
        %mul3A_427 = arith.constant 4 : i32
        %mul3A_428 = arith.muli %and3A_426, %mul3A_427 : i32
        %and3A_429 = arith.constant 31 : i32
        %and3A_430 = arith.andi %squeeze3A, %and3A_429 : i32
        %shift_right_arithmetic3A = arith.constant 2 : i32
        %shift_right_arithmetic3A_431 = arith.shrsi %and3A_430, %shift_right_arithmetic3A : i32
        %swap3A_432 = arith.index_cast %mul3A_428 : i32 to index
        %swap3A_433 = tpu.vector_load %arg18[%swap3A_432] {strides = array<i32>} : memref<32xf32, #tpu.memory_space<vmem>>, vector<16xf32>,
        %swap3A_434 = vector.shape_cast %swap3A_433 : vector<16xf32> to vector<16xf32>
        %swap3A_435 = vector.shape_cast %select_n3A : vector<16xf32> to vector<16xf32>
        tpu.vector_store %arg18[%swap3A_432], %swap3A_435 {strides = array<i32>} : memref<32xf32, #tpu.memory_space<vmem>>, vector<16xf32>,
        %get3A_436 = arith.constant 0 : index
        %get3A_437 = tpu.vector_load %arg18[%get3A_436] {strides = array<i32>} : memref<32xf32, #tpu.memory_space<vmem>>, vector<16xf32>,
        %get3A_438 = vector.shape_cast %get3A_437 : vector<16xf32> to vector<16xf32>
        %swap3A_439 = arith.index_cast %mul3A_428 : i32 to index
        %swap3A_440 = tpu.vector_load %arg18[%swap3A_439] {strides = array<i32>} : memref<32xf32, #tpu.memory_space<vmem>>, vector<16xf32>,
        %swap3A_441 = vector.shape_cast %swap3A_440 : vector<16xf32> to vector<16xf32>
        %swap3A_442 = vector.shape_cast %broadcast_in_dim3A_24 : vector<16xf32> to vector<16xf32>
        tpu.vector_store %arg18[%swap3A_439], %swap3A_442 {strides = array<i32>} : memref<32xf32, #tpu.memory_space<vmem>>, vector<16xf32>,
        %mul3A_443 = arith.constant 16 : i32
        %mul3A_444 = arith.muli %shift_right_arithmetic3A_431, %mul3A_443 : i32
        %swap3A_445 = arith.index_cast %add3A_303 : i32 to index
        %swap3A_446 = arith.index_cast %mul3A_444 : i32 to index
        %swap3A_447 = tpu.vector_load %arg16[%swap3A_445, %swap3A_446] {strides = array<i32>} : memref<80x128xf32, #tpu.memory_space<vmem>>, vector<1x16xf32>,
        %swap3A_448 = vector.shape_cast %swap3A_447 : vector<1x16xf32> to vector<16xf32>
        %swap3A_449 = vector.shape_cast %get3A_438 : vector<16xf32> to vector<1x16xf32>
        tpu.vector_store %arg16[%swap3A_445, %swap3A_446], %swap3A_449 {strides = array<i32>} : memref<80x128xf32, #tpu.memory_space<vmem>>, vector<1x16xf32>,
        %mul3A_450 = arith.constant 16 : i32
        %mul3A_451 = arith.muli %scan3A_294, %mul3A_450 : i32
        %add3A_452 = arith.constant 1 : i32
        %add3A_453 = arith.addi %mul3A_451, %add3A_452 : i32
        %slice3A_454 = vector.extract_strided_slice %get3A_299 {offsets = [1], sizes = [1], strides = [1]} : vector<16xi32> to vector<1xi32>
        %squeeze3A_455 = vector.extract %slice3A_454[0] : i32 from vector<1xi32>
        %mul3A_456 = arith.constant 4 : i32
        %mul3A_457 = arith.muli %add3A_453, %mul3A_456 : i32
        %get3A_458 = arith.index_cast %mul3A_457 : i32 to index
        %get3A_459 = tpu.vector_load %arg17[%get3A_458] {strides = array<i32>} : memref<336xf32, #tpu.memory_space<vmem>>, vector<16xf32>,
        %get3A_460 = vector.shape_cast %get3A_459 : vector<16xf32> to vector<16xf32>
        %slice3A_461 = vector.extract_strided_slice %get3A_460 {offsets = [0], sizes = [1], strides = [1]} : vector<16xf32> to vector<1xf32>
        %squeeze3A_462 = vector.extract %slice3A_461[0] : f32 from vector<1xf32>
        %broadcast_in_dim3A_463 = vector.broadcast %squeeze3A_462 : f32 to vector<16xf32>
        %mul3A_464 = arith.constant 128 : i32
        %mul3A_465 = arith.muli %add3A_453, %mul3A_464 : i32
        %add3A_466 = arith.constant 0 : i32
        %add3A_467 = arith.addi %mul3A_465, %add3A_466 : i32
        %get3A_468 = arith.index_cast %add3A_467 : i32 to index
        %get3A_469 = tpu.vector_load %arg14[%get3A_468] {strides = array<i32>} : memref<10240xf32, #tpu.memory_space<vmem>>, vector<16xf32>,
        %get3A_470 = vector.shape_cast %get3A_469 : vector<16xf32> to vector<16xf32>
        %mul3A_471 = arith.mulf %get3A_470, %broadcast_in_dim3A_463 : vector<16xf32>
        %swap3A_472 = arith.index_cast %add3A_453 : i32 to index
        %swap3A_473 = arith.constant 0 : index
        %swap3A_474 = tpu.vector_load %arg15[%swap3A_472, %swap3A_473] {strides = array<i32>} : memref<80x128xf32, #tpu.memory_space<vmem>>, vector<1x16xf32>,
        %swap3A_475 = vector.shape_cast %swap3A_474 : vector<1x16xf32> to vector<16xf32>
        %swap3A_476 = vector.shape_cast %mul3A_471 : vector<16xf32> to vector<1x16xf32>
        tpu.vector_store %arg15[%swap3A_472, %swap3A_473], %swap3A_476 {strides = array<i32>} : memref<80x128xf32, #tpu.memory_space<vmem>>, vector<1x16xf32>,
        %mul3A_477 = arith.constant 128 : i32
        %mul3A_478 = arith.muli %add3A_453, %mul3A_477 : i32
        %add3A_479 = arith.constant 16 : i32
        %add3A_480 = arith.addi %mul3A_478, %add3A_479 : i32
        %get3A_481 = arith.index_cast %add3A_480 : i32 to index
        %get3A_482 = tpu.vector_load %arg14[%get3A_481] {strides = array<i32>} : memref<10240xf32, #tpu.memory_space<vmem>>, vector<16xf32>,
        %get3A_483 = vector.shape_cast %get3A_482 : vector<16xf32> to vector<16xf32>
        %mul3A_484 = arith.mulf %get3A_483, %broadcast_in_dim3A_463 : vector<16xf32>
        %swap3A_485 = arith.index_cast %add3A_453 : i32 to index
        %swap3A_486 = arith.constant 16 : index
        %swap3A_487 = tpu.vector_load %arg15[%swap3A_485, %swap3A_486] {strides = array<i32>} : memref<80x128xf32, #tpu.memory_space<vmem>>, vector<1x16xf32>,
        %swap3A_488 = vector.shape_cast %swap3A_487 : vector<1x16xf32> to vector<16xf32>
        %swap3A_489 = vector.shape_cast %mul3A_484 : vector<16xf32> to vector<1x16xf32>
        tpu.vector_store %arg15[%swap3A_485, %swap3A_486], %swap3A_489 {strides = array<i32>} : memref<80x128xf32, #tpu.memory_space<vmem>>, vector<1x16xf32>,
        %slice3A_490 = vector.extract_strided_slice %get3A_460 {offsets = [1], sizes = [1], strides = [1]} : vector<16xf32> to vector<1xf32>
        %squeeze3A_491 = vector.extract %slice3A_490[0] : f32 from vector<1xf32>
        %broadcast_in_dim3A_492 = vector.broadcast %squeeze3A_491 : f32 to vector<16xf32>
        %mul3A_493 = arith.constant 128 : i32
        %mul3A_494 = arith.muli %add3A_453, %mul3A_493 : i32
        %add3A_495 = arith.constant 32 : i32
        %add3A_496 = arith.addi %mul3A_494, %add3A_495 : i32
        %get3A_497 = arith.index_cast %add3A_496 : i32 to index
        %get3A_498 = tpu.vector_load %arg14[%get3A_497] {strides = array<i32>} : memref<10240xf32, #tpu.memory_space<vmem>>, vector<16xf32>,
        %get3A_499 = vector.shape_cast %get3A_498 : vector<16xf32> to vector<16xf32>
        %mul3A_500 = arith.mulf %get3A_499, %broadcast_in_dim3A_492 : vector<16xf32>
        %swap3A_501 = arith.index_cast %add3A_453 : i32 to index
        %swap3A_502 = arith.constant 32 : index
        %swap3A_503 = tpu.vector_load %arg15[%swap3A_501, %swap3A_502] {strides = array<i32>} : memref<80x128xf32, #tpu.memory_space<vmem>>, vector<1x16xf32>,
        %swap3A_504 = vector.shape_cast %swap3A_503 : vector<1x16xf32> to vector<16xf32>
        %swap3A_505 = vector.shape_cast %mul3A_500 : vector<16xf32> to vector<1x16xf32>
        tpu.vector_store %arg15[%swap3A_501, %swap3A_502], %swap3A_505 {strides = array<i32>} : memref<80x128xf32, #tpu.memory_space<vmem>>, vector<1x16xf32>,
        %mul3A_506 = arith.constant 128 : i32
        %mul3A_507 = arith.muli %add3A_453, %mul3A_506 : i32
        %add3A_508 = arith.constant 48 : i32
        %add3A_509 = arith.addi %mul3A_507, %add3A_508 : i32
        %get3A_510 = arith.index_cast %add3A_509 : i32 to index
        %get3A_511 = tpu.vector_load %arg14[%get3A_510] {strides = array<i32>} : memref<10240xf32, #tpu.memory_space<vmem>>, vector<16xf32>,
        %get3A_512 = vector.shape_cast %get3A_511 : vector<16xf32> to vector<16xf32>
        %mul3A_513 = arith.mulf %get3A_512, %broadcast_in_dim3A_492 : vector<16xf32>
        %swap3A_514 = arith.index_cast %add3A_453 : i32 to index
        %swap3A_515 = arith.constant 48 : index
        %swap3A_516 = tpu.vector_load %arg15[%swap3A_514, %swap3A_515] {strides = array<i32>} : memref<80x128xf32, #tpu.memory_space<vmem>>, vector<1x16xf32>,
        %swap3A_517 = vector.shape_cast %swap3A_516 : vector<1x16xf32> to vector<16xf32>
        %swap3A_518 = vector.shape_cast %mul3A_513 : vector<16xf32> to vector<1x16xf32>
        tpu.vector_store %arg15[%swap3A_514, %swap3A_515], %swap3A_518 {strides = array<i32>} : memref<80x128xf32, #tpu.memory_space<vmem>>, vector<1x16xf32>,
        %slice3A_519 = vector.extract_strided_slice %get3A_460 {offsets = [2], sizes = [1], strides = [1]} : vector<16xf32> to vector<1xf32>
        %squeeze3A_520 = vector.extract %slice3A_519[0] : f32 from vector<1xf32>
        %broadcast_in_dim3A_521 = vector.broadcast %squeeze3A_520 : f32 to vector<16xf32>
        %mul3A_522 = arith.constant 128 : i32
        %mul3A_523 = arith.muli %add3A_453, %mul3A_522 : i32
        %add3A_524 = arith.constant 64 : i32
        %add3A_525 = arith.addi %mul3A_523, %add3A_524 : i32
        %get3A_526 = arith.index_cast %add3A_525 : i32 to index
        %get3A_527 = tpu.vector_load %arg14[%get3A_526] {strides = array<i32>} : memref<10240xf32, #tpu.memory_space<vmem>>, vector<16xf32>,
        %get3A_528 = vector.shape_cast %get3A_527 : vector<16xf32> to vector<16xf32>
        %mul3A_529 = arith.mulf %get3A_528, %broadcast_in_dim3A_521 : vector<16xf32>
        %swap3A_530 = arith.index_cast %add3A_453 : i32 to index
        %swap3A_531 = arith.constant 64 : index
        %swap3A_532 = tpu.vector_load %arg15[%swap3A_530, %swap3A_531] {strides = array<i32>} : memref<80x128xf32, #tpu.memory_space<vmem>>, vector<1x16xf32>,
        %swap3A_533 = vector.shape_cast %swap3A_532 : vector<1x16xf32> to vector<16xf32>
        %swap3A_534 = vector.shape_cast %mul3A_529 : vector<16xf32> to vector<1x16xf32>
        tpu.vector_store %arg15[%swap3A_530, %swap3A_531], %swap3A_534 {strides = array<i32>} : memref<80x128xf32, #tpu.memory_space<vmem>>, vector<1x16xf32>,
        %mul3A_535 = arith.constant 128 : i32
        %mul3A_536 = arith.muli %add3A_453, %mul3A_535 : i32
        %add3A_537 = arith.constant 80 : i32
        %add3A_538 = arith.addi %mul3A_536, %add3A_537 : i32
        %get3A_539 = arith.index_cast %add3A_538 : i32 to index
        %get3A_540 = tpu.vector_load %arg14[%get3A_539] {strides = array<i32>} : memref<10240xf32, #tpu.memory_space<vmem>>, vector<16xf32>,
        %get3A_541 = vector.shape_cast %get3A_540 : vector<16xf32> to vector<16xf32>
        %mul3A_542 = arith.mulf %get3A_541, %broadcast_in_dim3A_521 : vector<16xf32>
        %swap3A_543 = arith.index_cast %add3A_453 : i32 to index
        %swap3A_544 = arith.constant 80 : index
        %swap3A_545 = tpu.vector_load %arg15[%swap3A_543, %swap3A_544] {strides = array<i32>} : memref<80x128xf32, #tpu.memory_space<vmem>>, vector<1x16xf32>,
        %swap3A_546 = vector.shape_cast %swap3A_545 : vector<1x16xf32> to vector<16xf32>
        %swap3A_547 = vector.shape_cast %mul3A_542 : vector<16xf32> to vector<1x16xf32>
        tpu.vector_store %arg15[%swap3A_543, %swap3A_544], %swap3A_547 {strides = array<i32>} : memref<80x128xf32, #tpu.memory_space<vmem>>, vector<1x16xf32>,
        %slice3A_548 = vector.extract_strided_slice %get3A_460 {offsets = [3], sizes = [1], strides = [1]} : vector<16xf32> to vector<1xf32>
        %squeeze3A_549 = vector.extract %slice3A_548[0] : f32 from vector<1xf32>
        %broadcast_in_dim3A_550 = vector.broadcast %squeeze3A_549 : f32 to vector<16xf32>
        %mul3A_551 = arith.constant 128 : i32
        %mul3A_552 = arith.muli %add3A_453, %mul3A_551 : i32
        %add3A_553 = arith.constant 96 : i32
        %add3A_554 = arith.addi %mul3A_552, %add3A_553 : i32
        %get3A_555 = arith.index_cast %add3A_554 : i32 to index
        %get3A_556 = tpu.vector_load %arg14[%get3A_555] {strides = array<i32>} : memref<10240xf32, #tpu.memory_space<vmem>>, vector<16xf32>,
        %get3A_557 = vector.shape_cast %get3A_556 : vector<16xf32> to vector<16xf32>
        %mul3A_558 = arith.mulf %get3A_557, %broadcast_in_dim3A_550 : vector<16xf32>
        %swap3A_559 = arith.index_cast %add3A_453 : i32 to index
        %swap3A_560 = arith.constant 96 : index
        %swap3A_561 = tpu.vector_load %arg15[%swap3A_559, %swap3A_560] {strides = array<i32>} : memref<80x128xf32, #tpu.memory_space<vmem>>, vector<1x16xf32>,
        %swap3A_562 = vector.shape_cast %swap3A_561 : vector<1x16xf32> to vector<16xf32>
        %swap3A_563 = vector.shape_cast %mul3A_558 : vector<16xf32> to vector<1x16xf32>
        tpu.vector_store %arg15[%swap3A_559, %swap3A_560], %swap3A_563 {strides = array<i32>} : memref<80x128xf32, #tpu.memory_space<vmem>>, vector<1x16xf32>,
        %mul3A_564 = arith.constant 128 : i32
        %mul3A_565 = arith.muli %add3A_453, %mul3A_564 : i32
        %add3A_566 = arith.constant 112 : i32
        %add3A_567 = arith.addi %mul3A_565, %add3A_566 : i32
        %get3A_568 = arith.index_cast %add3A_567 : i32 to index
        %get3A_569 = tpu.vector_load %arg14[%get3A_568] {strides = array<i32>} : memref<10240xf32, #tpu.memory_space<vmem>>, vector<16xf32>,
        %get3A_570 = vector.shape_cast %get3A_569 : vector<16xf32> to vector<16xf32>
        %mul3A_571 = arith.mulf %get3A_570, %broadcast_in_dim3A_550 : vector<16xf32>
        %swap3A_572 = arith.index_cast %add3A_453 : i32 to index
        %swap3A_573 = arith.constant 112 : index
        %swap3A_574 = tpu.vector_load %arg15[%swap3A_572, %swap3A_573] {strides = array<i32>} : memref<80x128xf32, #tpu.memory_space<vmem>>, vector<1x16xf32>,
        %swap3A_575 = vector.shape_cast %swap3A_574 : vector<1x16xf32> to vector<16xf32>
        %swap3A_576 = vector.shape_cast %mul3A_571 : vector<16xf32> to vector<1x16xf32>
        tpu.vector_store %arg15[%swap3A_572, %swap3A_573], %swap3A_576 {strides = array<i32>} : memref<80x128xf32, #tpu.memory_space<vmem>>, vector<1x16xf32>,
        %jit3A_577 = arith.constant 0.000000e+00 : f32
        %broadcast_in_dim3A_578 = vector.broadcast %jit3A_577 : f32 to vector<16xf32>
        %select_n3A_579 = arith.select %lt3A_23, %get3A_460, %broadcast_in_dim3A_578 : vector<16xi1>, vector<16xf32>
        %and3A_580 = arith.constant 3 : i32
        %and3A_581 = arith.andi %squeeze3A_455, %and3A_580 : i32
        %mul3A_582 = arith.constant 4 : i32
        %mul3A_583 = arith.muli %and3A_581, %mul3A_582 : i32
        %and3A_584 = arith.constant 31 : i32
        %and3A_585 = arith.andi %squeeze3A_455, %and3A_584 : i32
        %shift_right_arithmetic3A_586 = arith.constant 2 : i32
        %shift_right_arithmetic3A_587 = arith.shrsi %and3A_585, %shift_right_arithmetic3A_586 : i32
        %swap3A_588 = arith.index_cast %mul3A_583 : i32 to index
        %swap3A_589 = tpu.vector_load %arg18[%swap3A_588] {strides = array<i32>} : memref<32xf32, #tpu.memory_space<vmem>>, vector<16xf32>,
        %swap3A_590 = vector.shape_cast %swap3A_589 : vector<16xf32> to vector<16xf32>
        %swap3A_591 = vector.shape_cast %select_n3A_579 : vector<16xf32> to vector<16xf32>
        tpu.vector_store %arg18[%swap3A_588], %swap3A_591 {strides = array<i32>} : memref<32xf32, #tpu.memory_space<vmem>>, vector<16xf32>,
        %get3A_592 = arith.constant 0 : index
        %get3A_593 = tpu.vector_load %arg18[%get3A_592] {strides = array<i32>} : memref<32xf32, #tpu.memory_space<vmem>>, vector<16xf32>,
        %get3A_594 = vector.shape_cast %get3A_593 : vector<16xf32> to vector<16xf32>
        %swap3A_595 = arith.index_cast %mul3A_583 : i32 to index
        %swap3A_596 = tpu.vector_load %arg18[%swap3A_595] {strides = array<i32>} : memref<32xf32, #tpu.memory_space<vmem>>, vector<16xf32>,
        %swap3A_597 = vector.shape_cast %swap3A_596 : vector<16xf32> to vector<16xf32>
        %swap3A_598 = vector.shape_cast %broadcast_in_dim3A_24 : vector<16xf32> to vector<16xf32>
        tpu.vector_store %arg18[%swap3A_595], %swap3A_598 {strides = array<i32>} : memref<32xf32, #tpu.memory_space<vmem>>, vector<16xf32>,
        %mul3A_599 = arith.constant 16 : i32
        %mul3A_600 = arith.muli %shift_right_arithmetic3A_587, %mul3A_599 : i32
        %swap3A_601 = arith.index_cast %add3A_453 : i32 to index
        %swap3A_602 = arith.index_cast %mul3A_600 : i32 to index
        %swap3A_603 = tpu.vector_load %arg16[%swap3A_601, %swap3A_602] {strides = array<i32>} : memref<80x128xf32, #tpu.memory_space<vmem>>, vector<1x16xf32>,
        %swap3A_604 = vector.shape_cast %swap3A_603 : vector<1x16xf32> to vector<16xf32>
        %swap3A_605 = vector.shape_cast %get3A_594 : vector<16xf32> to vector<1x16xf32>
        tpu.vector_store %arg16[%swap3A_601, %swap3A_602], %swap3A_605 {strides = array<i32>} : memref<80x128xf32, #tpu.memory_space<vmem>>, vector<1x16xf32>,
        %mul3A_606 = arith.constant 16 : i32
        %mul3A_607 = arith.muli %scan3A_294, %mul3A_606 : i32
        %add3A_608 = arith.constant 2 : i32
        %add3A_609 = arith.addi %mul3A_607, %add3A_608 : i32
        %slice3A_610 = vector.extract_strided_slice %get3A_299 {offsets = [2], sizes = [1], strides = [1]} : vector<16xi32> to vector<1xi32>
        %squeeze3A_611 = vector.extract %slice3A_610[0] : i32 from vector<1xi32>
        %mul3A_612 = arith.constant 4 : i32
        %mul3A_613 = arith.muli %add3A_609, %mul3A_612 : i32
        %get3A_614 = arith.index_cast %mul3A_613 : i32 to index
        %get3A_615 = tpu.vector_load %arg17[%get3A_614] {strides = array<i32>} : memref<336xf32, #tpu.memory_space<vmem>>, vector<16xf32>,
        %get3A_616 = vector.shape_cast %get3A_615 : vector<16xf32> to vector<16xf32>
        %slice3A_617 = vector.extract_strided_slice %get3A_616 {offsets = [0], sizes = [1], strides = [1]} : vector<16xf32> to vector<1xf32>
        %squeeze3A_618 = vector.extract %slice3A_617[0] : f32 from vector<1xf32>
        %broadcast_in_dim3A_619 = vector.broadcast %squeeze3A_618 : f32 to vector<16xf32>
        %mul3A_620 = arith.constant 128 : i32
        %mul3A_621 = arith.muli %add3A_609, %mul3A_620 : i32
        %add3A_622 = arith.constant 0 : i32
        %add3A_623 = arith.addi %mul3A_621, %add3A_622 : i32
        %get3A_624 = arith.index_cast %add3A_623 : i32 to index
        %get3A_625 = tpu.vector_load %arg14[%get3A_624] {strides = array<i32>} : memref<10240xf32, #tpu.memory_space<vmem>>, vector<16xf32>,
        %get3A_626 = vector.shape_cast %get3A_625 : vector<16xf32> to vector<16xf32>
        %mul3A_627 = arith.mulf %get3A_626, %broadcast_in_dim3A_619 : vector<16xf32>
        %swap3A_628 = arith.index_cast %add3A_609 : i32 to index
        %swap3A_629 = arith.constant 0 : index
        %swap3A_630 = tpu.vector_load %arg15[%swap3A_628, %swap3A_629] {strides = array<i32>} : memref<80x128xf32, #tpu.memory_space<vmem>>, vector<1x16xf32>,
        %swap3A_631 = vector.shape_cast %swap3A_630 : vector<1x16xf32> to vector<16xf32>
        %swap3A_632 = vector.shape_cast %mul3A_627 : vector<16xf32> to vector<1x16xf32>
        tpu.vector_store %arg15[%swap3A_628, %swap3A_629], %swap3A_632 {strides = array<i32>} : memref<80x128xf32, #tpu.memory_space<vmem>>, vector<1x16xf32>,
        %mul3A_633 = arith.constant 128 : i32
        %mul3A_634 = arith.muli %add3A_609, %mul3A_633 : i32
        %add3A_635 = arith.constant 16 : i32
        %add3A_636 = arith.addi %mul3A_634, %add3A_635 : i32
        %get3A_637 = arith.index_cast %add3A_636 : i32 to index
        %get3A_638 = tpu.vector_load %arg14[%get3A_637] {strides = array<i32>} : memref<10240xf32, #tpu.memory_space<vmem>>, vector<16xf32>,
        %get3A_639 = vector.shape_cast %get3A_638 : vector<16xf32> to vector<16xf32>
        %mul3A_640 = arith.mulf %get3A_639, %broadcast_in_dim3A_619 : vector<16xf32>
        %swap3A_641 = arith.index_cast %add3A_609 : i32 to index
        %swap3A_642 = arith.constant 16 : index
        %swap3A_643 = tpu.vector_load %arg15[%swap3A_641, %swap3A_642] {strides = array<i32>} : memref<80x128xf32, #tpu.memory_space<vmem>>, vector<1x16xf32>,
        %swap3A_644 = vector.shape_cast %swap3A_643 : vector<1x16xf32> to vector<16xf32>
        %swap3A_645 = vector.shape_cast %mul3A_640 : vector<16xf32> to vector<1x16xf32>
        tpu.vector_store %arg15[%swap3A_641, %swap3A_642], %swap3A_645 {strides = array<i32>} : memref<80x128xf32, #tpu.memory_space<vmem>>, vector<1x16xf32>,
        %slice3A_646 = vector.extract_strided_slice %get3A_616 {offsets = [1], sizes = [1], strides = [1]} : vector<16xf32> to vector<1xf32>
        %squeeze3A_647 = vector.extract %slice3A_646[0] : f32 from vector<1xf32>
        %broadcast_in_dim3A_648 = vector.broadcast %squeeze3A_647 : f32 to vector<16xf32>
        %mul3A_649 = arith.constant 128 : i32
        %mul3A_650 = arith.muli %add3A_609, %mul3A_649 : i32
        %add3A_651 = arith.constant 32 : i32
        %add3A_652 = arith.addi %mul3A_650, %add3A_651 : i32
        %get3A_653 = arith.index_cast %add3A_652 : i32 to index
        %get3A_654 = tpu.vector_load %arg14[%get3A_653] {strides = array<i32>} : memref<10240xf32, #tpu.memory_space<vmem>>, vector<16xf32>,
        %get3A_655 = vector.shape_cast %get3A_654 : vector<16xf32> to vector<16xf32>
        %mul3A_656 = arith.mulf %get3A_655, %broadcast_in_dim3A_648 : vector<16xf32>
        %swap3A_657 = arith.index_cast %add3A_609 : i32 to index
        %swap3A_658 = arith.constant 32 : index
        %swap3A_659 = tpu.vector_load %arg15[%swap3A_657, %swap3A_658] {strides = array<i32>} : memref<80x128xf32, #tpu.memory_space<vmem>>, vector<1x16xf32>,
        %swap3A_660 = vector.shape_cast %swap3A_659 : vector<1x16xf32> to vector<16xf32>
        %swap3A_661 = vector.shape_cast %mul3A_656 : vector<16xf32> to vector<1x16xf32>
        tpu.vector_store %arg15[%swap3A_657, %swap3A_658], %swap3A_661 {strides = array<i32>} : memref<80x128xf32, #tpu.memory_space<vmem>>, vector<1x16xf32>,
        %mul3A_662 = arith.constant 128 : i32
        %mul3A_663 = arith.muli %add3A_609, %mul3A_662 : i32
        %add3A_664 = arith.constant 48 : i32
        %add3A_665 = arith.addi %mul3A_663, %add3A_664 : i32
        %get3A_666 = arith.index_cast %add3A_665 : i32 to index
        %get3A_667 = tpu.vector_load %arg14[%get3A_666] {strides = array<i32>} : memref<10240xf32, #tpu.memory_space<vmem>>, vector<16xf32>,
        %get3A_668 = vector.shape_cast %get3A_667 : vector<16xf32> to vector<16xf32>
        %mul3A_669 = arith.mulf %get3A_668, %broadcast_in_dim3A_648 : vector<16xf32>
        %swap3A_670 = arith.index_cast %add3A_609 : i32 to index
        %swap3A_671 = arith.constant 48 : index
        %swap3A_672 = tpu.vector_load %arg15[%swap3A_670, %swap3A_671] {strides = array<i32>} : memref<80x128xf32, #tpu.memory_space<vmem>>, vector<1x16xf32>,
        %swap3A_673 = vector.shape_cast %swap3A_672 : vector<1x16xf32> to vector<16xf32>
        %swap3A_674 = vector.shape_cast %mul3A_669 : vector<16xf32> to vector<1x16xf32>
        tpu.vector_store %arg15[%swap3A_670, %swap3A_671], %swap3A_674 {strides = array<i32>} : memref<80x128xf32, #tpu.memory_space<vmem>>, vector<1x16xf32>,
        %slice3A_675 = vector.extract_strided_slice %get3A_616 {offsets = [2], sizes = [1], strides = [1]} : vector<16xf32> to vector<1xf32>
        %squeeze3A_676 = vector.extract %slice3A_675[0] : f32 from vector<1xf32>
        %broadcast_in_dim3A_677 = vector.broadcast %squeeze3A_676 : f32 to vector<16xf32>
        %mul3A_678 = arith.constant 128 : i32
        %mul3A_679 = arith.muli %add3A_609, %mul3A_678 : i32
        %add3A_680 = arith.constant 64 : i32
        %add3A_681 = arith.addi %mul3A_679, %add3A_680 : i32
        %get3A_682 = arith.index_cast %add3A_681 : i32 to index
        %get3A_683 = tpu.vector_load %arg14[%get3A_682] {strides = array<i32>} : memref<10240xf32, #tpu.memory_space<vmem>>, vector<16xf32>,
        %get3A_684 = vector.shape_cast %get3A_683 : vector<16xf32> to vector<16xf32>
        %mul3A_685 = arith.mulf %get3A_684, %broadcast_in_dim3A_677 : vector<16xf32>
        %swap3A_686 = arith.index_cast %add3A_609 : i32 to index
        %swap3A_687 = arith.constant 64 : index
        %swap3A_688 = tpu.vector_load %arg15[%swap3A_686, %swap3A_687] {strides = array<i32>} : memref<80x128xf32, #tpu.memory_space<vmem>>, vector<1x16xf32>,
        %swap3A_689 = vector.shape_cast %swap3A_688 : vector<1x16xf32> to vector<16xf32>
        %swap3A_690 = vector.shape_cast %mul3A_685 : vector<16xf32> to vector<1x16xf32>
        tpu.vector_store %arg15[%swap3A_686, %swap3A_687], %swap3A_690 {strides = array<i32>} : memref<80x128xf32, #tpu.memory_space<vmem>>, vector<1x16xf32>,
        %mul3A_691 = arith.constant 128 : i32
        %mul3A_692 = arith.muli %add3A_609, %mul3A_691 : i32
        %add3A_693 = arith.constant 80 : i32
        %add3A_694 = arith.addi %mul3A_692, %add3A_693 : i32
        %get3A_695 = arith.index_cast %add3A_694 : i32 to index
        %get3A_696 = tpu.vector_load %arg14[%get3A_695] {strides = array<i32>} : memref<10240xf32, #tpu.memory_space<vmem>>, vector<16xf32>,
        %get3A_697 = vector.shape_cast %get3A_696 : vector<16xf32> to vector<16xf32>
        %mul3A_698 = arith.mulf %get3A_697, %broadcast_in_dim3A_677 : vector<16xf32>
        %swap3A_699 = arith.index_cast %add3A_609 : i32 to index
        %swap3A_700 = arith.constant 80 : index
        %swap3A_701 = tpu.vector_load %arg15[%swap3A_699, %swap3A_700] {strides = array<i32>} : memref<80x128xf32, #tpu.memory_space<vmem>>, vector<1x16xf32>,
        %swap3A_702 = vector.shape_cast %swap3A_701 : vector<1x16xf32> to vector<16xf32>
        %swap3A_703 = vector.shape_cast %mul3A_698 : vector<16xf32> to vector<1x16xf32>
        tpu.vector_store %arg15[%swap3A_699, %swap3A_700], %swap3A_703 {strides = array<i32>} : memref<80x128xf32, #tpu.memory_space<vmem>>, vector<1x16xf32>,
        %slice3A_704 = vector.extract_strided_slice %get3A_616 {offsets = [3], sizes = [1], strides = [1]} : vector<16xf32> to vector<1xf32>
        %squeeze3A_705 = vector.extract %slice3A_704[0] : f32 from vector<1xf32>
        %broadcast_in_dim3A_706 = vector.broadcast %squeeze3A_705 : f32 to vector<16xf32>
        %mul3A_707 = arith.constant 128 : i32
        %mul3A_708 = arith.muli %add3A_609, %mul3A_707 : i32
        %add3A_709 = arith.constant 96 : i32
        %add3A_710 = arith.addi %mul3A_708, %add3A_709 : i32
        %get3A_711 = arith.index_cast %add3A_710 : i32 to index
        %get3A_712 = tpu.vector_load %arg14[%get3A_711] {strides = array<i32>} : memref<10240xf32, #tpu.memory_space<vmem>>, vector<16xf32>,
        %get3A_713 = vector.shape_cast %get3A_712 : vector<16xf32> to vector<16xf32>
        %mul3A_714 = arith.mulf %get3A_713, %broadcast_in_dim3A_706 : vector<16xf32>
        %swap3A_715 = arith.index_cast %add3A_609 : i32 to index
        %swap3A_716 = arith.constant 96 : index
        %swap3A_717 = tpu.vector_load %arg15[%swap3A_715, %swap3A_716] {strides = array<i32>} : memref<80x128xf32, #tpu.memory_space<vmem>>, vector<1x16xf32>,
        %swap3A_718 = vector.shape_cast %swap3A_717 : vector<1x16xf32> to vector<16xf32>
        %swap3A_719 = vector.shape_cast %mul3A_714 : vector<16xf32> to vector<1x16xf32>
        tpu.vector_store %arg15[%swap3A_715, %swap3A_716], %swap3A_719 {strides = array<i32>} : memref<80x128xf32, #tpu.memory_space<vmem>>, vector<1x16xf32>,
        %mul3A_720 = arith.constant 128 : i32
        %mul3A_721 = arith.muli %add3A_609, %mul3A_720 : i32
        %add3A_722 = arith.constant 112 : i32
        %add3A_723 = arith.addi %mul3A_721, %add3A_722 : i32
        %get3A_724 = arith.index_cast %add3A_723 : i32 to index
        %get3A_725 = tpu.vector_load %arg14[%get3A_724] {strides = array<i32>} : memref<10240xf32, #tpu.memory_space<vmem>>, vector<16xf32>,
        %get3A_726 = vector.shape_cast %get3A_725 : vector<16xf32> to vector<16xf32>
        %mul3A_727 = arith.mulf %get3A_726, %broadcast_in_dim3A_706 : vector<16xf32>
        %swap3A_728 = arith.index_cast %add3A_609 : i32 to index
        %swap3A_729 = arith.constant 112 : index
        %swap3A_730 = tpu.vector_load %arg15[%swap3A_728, %swap3A_729] {strides = array<i32>} : memref<80x128xf32, #tpu.memory_space<vmem>>, vector<1x16xf32>,
        %swap3A_731 = vector.shape_cast %swap3A_730 : vector<1x16xf32> to vector<16xf32>
        %swap3A_732 = vector.shape_cast %mul3A_727 : vector<16xf32> to vector<1x16xf32>
        tpu.vector_store %arg15[%swap3A_728, %swap3A_729], %swap3A_732 {strides = array<i32>} : memref<80x128xf32, #tpu.memory_space<vmem>>, vector<1x16xf32>,
        %jit3A_733 = arith.constant 0.000000e+00 : f32
        %broadcast_in_dim3A_734 = vector.broadcast %jit3A_733 : f32 to vector<16xf32>
        %select_n3A_735 = arith.select %lt3A_23, %get3A_616, %broadcast_in_dim3A_734 : vector<16xi1>, vector<16xf32>
        %and3A_736 = arith.constant 3 : i32
        %and3A_737 = arith.andi %squeeze3A_611, %and3A_736 : i32
        %mul3A_738 = arith.constant 4 : i32
        %mul3A_739 = arith.muli %and3A_737, %mul3A_738 : i32
        %and3A_740 = arith.constant 31 : i32
        %and3A_741 = arith.andi %squeeze3A_611, %and3A_740 : i32
        %shift_right_arithmetic3A_742 = arith.constant 2 : i32
        %shift_right_arithmetic3A_743 = arith.shrsi %and3A_741, %shift_right_arithmetic3A_742 : i32
        %swap3A_744 = arith.index_cast %mul3A_739 : i32 to index
        %swap3A_745 = tpu.vector_load %arg18[%swap3A_744] {strides = array<i32>} : memref<32xf32, #tpu.memory_space<vmem>>, vector<16xf32>,
        %swap3A_746 = vector.shape_cast %swap3A_745 : vector<16xf32> to vector<16xf32>
        %swap3A_747 = vector.shape_cast %select_n3A_735 : vector<16xf32> to vector<16xf32>
        tpu.vector_store %arg18[%swap3A_744], %swap3A_747 {strides = array<i32>} : memref<32xf32, #tpu.memory_space<vmem>>, vector<16xf32>,
        %get3A_748 = arith.constant 0 : index
        %get3A_749 = tpu.vector_load %arg18[%get3A_748] {strides = array<i32>} : memref<32xf32, #tpu.memory_space<vmem>>, vector<16xf32>,
        %get3A_750 = vector.shape_cast %get3A_749 : vector<16xf32> to vector<16xf32>
        %swap3A_751 = arith.index_cast %mul3A_739 : i32 to index
        %swap3A_752 = tpu.vector_load %arg18[%swap3A_751] {strides = array<i32>} : memref<32xf32, #tpu.memory_space<vmem>>, vector<16xf32>,
        %swap3A_753 = vector.shape_cast %swap3A_752 : vector<16xf32> to vector<16xf32>
        %swap3A_754 = vector.shape_cast %broadcast_in_dim3A_24 : vector<16xf32> to vector<16xf32>
        tpu.vector_store %arg18[%swap3A_751], %swap3A_754 {strides = array<i32>} : memref<32xf32, #tpu.memory_space<vmem>>, vector<16xf32>,
        %mul3A_755 = arith.constant 16 : i32
        %mul3A_756 = arith.muli %shift_right_arithmetic3A_743, %mul3A_755 : i32
        %swap3A_757 = arith.index_cast %add3A_609 : i32 to index
        %swap3A_758 = arith.index_cast %mul3A_756 : i32 to index
        %swap3A_759 = tpu.vector_load %arg16[%swap3A_757, %swap3A_758] {strides = array<i32>} : memref<80x128xf32, #tpu.memory_space<vmem>>, vector<1x16xf32>,
        %swap3A_760 = vector.shape_cast %swap3A_759 : vector<1x16xf32> to vector<16xf32>
        %swap3A_761 = vector.shape_cast %get3A_750 : vector<16xf32> to vector<1x16xf32>
        tpu.vector_store %arg16[%swap3A_757, %swap3A_758], %swap3A_761 {strides = array<i32>} : memref<80x128xf32, #tpu.memory_space<vmem>>, vector<1x16xf32>,
        %mul3A_762 = arith.constant 16 : i32
        %mul3A_763 = arith.muli %scan3A_294, %mul3A_762 : i32
        %add3A_764 = arith.constant 3 : i32
        %add3A_765 = arith.addi %mul3A_763, %add3A_764 : i32
        %slice3A_766 = vector.extract_strided_slice %get3A_299 {offsets = [3], sizes = [1], strides = [1]} : vector<16xi32> to vector<1xi32>
        %squeeze3A_767 = vector.extract %slice3A_766[0] : i32 from vector<1xi32>
        %mul3A_768 = arith.constant 4 : i32
        %mul3A_769 = arith.muli %add3A_765, %mul3A_768 : i32
        %get3A_770 = arith.index_cast %mul3A_769 : i32 to index
        %get3A_771 = tpu.vector_load %arg17[%get3A_770] {strides = array<i32>} : memref<336xf32, #tpu.memory_space<vmem>>, vector<16xf32>,
        %get3A_772 = vector.shape_cast %get3A_771 : vector<16xf32> to vector<16xf32>
        %slice3A_773 = vector.extract_strided_slice %get3A_772 {offsets = [0], sizes = [1], strides = [1]} : vector<16xf32> to vector<1xf32>
        %squeeze3A_774 = vector.extract %slice3A_773[0] : f32 from vector<1xf32>
        %broadcast_in_dim3A_775 = vector.broadcast %squeeze3A_774 : f32 to vector<16xf32>
        %mul3A_776 = arith.constant 128 : i32
        %mul3A_777 = arith.muli %add3A_765, %mul3A_776 : i32
        %add3A_778 = arith.constant 0 : i32
        %add3A_779 = arith.addi %mul3A_777, %add3A_778 : i32
        %get3A_780 = arith.index_cast %add3A_779 : i32 to index
        %get3A_781 = tpu.vector_load %arg14[%get3A_780] {strides = array<i32>} : memref<10240xf32, #tpu.memory_space<vmem>>, vector<16xf32>,
        %get3A_782 = vector.shape_cast %get3A_781 : vector<16xf32> to vector<16xf32>
        %mul3A_783 = arith.mulf %get3A_782, %broadcast_in_dim3A_775 : vector<16xf32>
        %swap3A_784 = arith.index_cast %add3A_765 : i32 to index
        %swap3A_785 = arith.constant 0 : index
        %swap3A_786 = tpu.vector_load %arg15[%swap3A_784, %swap3A_785] {strides = array<i32>} : memref<80x128xf32, #tpu.memory_space<vmem>>, vector<1x16xf32>,
        %swap3A_787 = vector.shape_cast %swap3A_786 : vector<1x16xf32> to vector<16xf32>
        %swap3A_788 = vector.shape_cast %mul3A_783 : vector<16xf32> to vector<1x16xf32>
        tpu.vector_store %arg15[%swap3A_784, %swap3A_785], %swap3A_788 {strides = array<i32>} : memref<80x128xf32, #tpu.memory_space<vmem>>, vector<1x16xf32>,
        %mul3A_789 = arith.constant 128 : i32
        %mul3A_790 = arith.muli %add3A_765, %mul3A_789 : i32
        %add3A_791 = arith.constant 16 : i32
        %add3A_792 = arith.addi %mul3A_790, %add3A_791 : i32
        %get3A_793 = arith.index_cast %add3A_792 : i32 to index
        %get3A_794 = tpu.vector_load %arg14[%get3A_793] {strides = array<i32>} : memref<10240xf32, #tpu.memory_space<vmem>>, vector<16xf32>,
        %get3A_795 = vector.shape_cast %get3A_794 : vector<16xf32> to vector<16xf32>
        %mul3A_796 = arith.mulf %get3A_795, %broadcast_in_dim3A_775 : vector<16xf32>
        %swap3A_797 = arith.index_cast %add3A_765 : i32 to index
        %swap3A_798 = arith.constant 16 : index
        %swap3A_799 = tpu.vector_load %arg15[%swap3A_797, %swap3A_798] {strides = array<i32>} : memref<80x128xf32, #tpu.memory_space<vmem>>, vector<1x16xf32>,
        %swap3A_800 = vector.shape_cast %swap3A_799 : vector<1x16xf32> to vector<16xf32>
        %swap3A_801 = vector.shape_cast %mul3A_796 : vector<16xf32> to vector<1x16xf32>
        tpu.vector_store %arg15[%swap3A_797, %swap3A_798], %swap3A_801 {strides = array<i32>} : memref<80x128xf32, #tpu.memory_space<vmem>>, vector<1x16xf32>,
        %slice3A_802 = vector.extract_strided_slice %get3A_772 {offsets = [1], sizes = [1], strides = [1]} : vector<16xf32> to vector<1xf32>
        %squeeze3A_803 = vector.extract %slice3A_802[0] : f32 from vector<1xf32>
        %broadcast_in_dim3A_804 = vector.broadcast %squeeze3A_803 : f32 to vector<16xf32>
        %mul3A_805 = arith.constant 128 : i32
        %mul3A_806 = arith.muli %add3A_765, %mul3A_805 : i32
        %add3A_807 = arith.constant 32 : i32
        %add3A_808 = arith.addi %mul3A_806, %add3A_807 : i32
        %get3A_809 = arith.index_cast %add3A_808 : i32 to index
        %get3A_810 = tpu.vector_load %arg14[%get3A_809] {strides = array<i32>} : memref<10240xf32, #tpu.memory_space<vmem>>, vector<16xf32>,
        %get3A_811 = vector.shape_cast %get3A_810 : vector<16xf32> to vector<16xf32>
        %mul3A_812 = arith.mulf %get3A_811, %broadcast_in_dim3A_804 : vector<16xf32>
        %swap3A_813 = arith.index_cast %add3A_765 : i32 to index
        %swap3A_814 = arith.constant 32 : index
        %swap3A_815 = tpu.vector_load %arg15[%swap3A_813, %swap3A_814] {strides = array<i32>} : memref<80x128xf32, #tpu.memory_space<vmem>>, vector<1x16xf32>,
        %swap3A_816 = vector.shape_cast %swap3A_815 : vector<1x16xf32> to vector<16xf32>
        %swap3A_817 = vector.shape_cast %mul3A_812 : vector<16xf32> to vector<1x16xf32>
        tpu.vector_store %arg15[%swap3A_813, %swap3A_814], %swap3A_817 {strides = array<i32>} : memref<80x128xf32, #tpu.memory_space<vmem>>, vector<1x16xf32>,
        %mul3A_818 = arith.constant 128 : i32
        %mul3A_819 = arith.muli %add3A_765, %mul3A_818 : i32
        %add3A_820 = arith.constant 48 : i32
        %add3A_821 = arith.addi %mul3A_819, %add3A_820 : i32
        %get3A_822 = arith.index_cast %add3A_821 : i32 to index
        %get3A_823 = tpu.vector_load %arg14[%get3A_822] {strides = array<i32>} : memref<10240xf32, #tpu.memory_space<vmem>>, vector<16xf32>,
        %get3A_824 = vector.shape_cast %get3A_823 : vector<16xf32> to vector<16xf32>
        %mul3A_825 = arith.mulf %get3A_824, %broadcast_in_dim3A_804 : vector<16xf32>
        %swap3A_826 = arith.index_cast %add3A_765 : i32 to index
        %swap3A_827 = arith.constant 48 : index
        %swap3A_828 = tpu.vector_load %arg15[%swap3A_826, %swap3A_827] {strides = array<i32>} : memref<80x128xf32, #tpu.memory_space<vmem>>, vector<1x16xf32>,
        %swap3A_829 = vector.shape_cast %swap3A_828 : vector<1x16xf32> to vector<16xf32>
        %swap3A_830 = vector.shape_cast %mul3A_825 : vector<16xf32> to vector<1x16xf32>
        tpu.vector_store %arg15[%swap3A_826, %swap3A_827], %swap3A_830 {strides = array<i32>} : memref<80x128xf32, #tpu.memory_space<vmem>>, vector<1x16xf32>,
        %slice3A_831 = vector.extract_strided_slice %get3A_772 {offsets = [2], sizes = [1], strides = [1]} : vector<16xf32> to vector<1xf32>
        %squeeze3A_832 = vector.extract %slice3A_831[0] : f32 from vector<1xf32>
        %broadcast_in_dim3A_833 = vector.broadcast %squeeze3A_832 : f32 to vector<16xf32>
        %mul3A_834 = arith.constant 128 : i32
        %mul3A_835 = arith.muli %add3A_765, %mul3A_834 : i32
        %add3A_836 = arith.constant 64 : i32
        %add3A_837 = arith.addi %mul3A_835, %add3A_836 : i32
        %get3A_838 = arith.index_cast %add3A_837 : i32 to index
        %get3A_839 = tpu.vector_load %arg14[%get3A_838] {strides = array<i32>} : memref<10240xf32, #tpu.memory_space<vmem>>, vector<16xf32>,
        %get3A_840 = vector.shape_cast %get3A_839 : vector<16xf32> to vector<16xf32>
        %mul3A_841 = arith.mulf %get3A_840, %broadcast_in_dim3A_833 : vector<16xf32>
        %swap3A_842 = arith.index_cast %add3A_765 : i32 to index
        %swap3A_843 = arith.constant 64 : index
        %swap3A_844 = tpu.vector_load %arg15[%swap3A_842, %swap3A_843] {strides = array<i32>} : memref<80x128xf32, #tpu.memory_space<vmem>>, vector<1x16xf32>,
        %swap3A_845 = vector.shape_cast %swap3A_844 : vector<1x16xf32> to vector<16xf32>
        %swap3A_846 = vector.shape_cast %mul3A_841 : vector<16xf32> to vector<1x16xf32>
        tpu.vector_store %arg15[%swap3A_842, %swap3A_843], %swap3A_846 {strides = array<i32>} : memref<80x128xf32, #tpu.memory_space<vmem>>, vector<1x16xf32>,
        %mul3A_847 = arith.constant 128 : i32
        %mul3A_848 = arith.muli %add3A_765, %mul3A_847 : i32
        %add3A_849 = arith.constant 80 : i32
        %add3A_850 = arith.addi %mul3A_848, %add3A_849 : i32
        %get3A_851 = arith.index_cast %add3A_850 : i32 to index
        %get3A_852 = tpu.vector_load %arg14[%get3A_851] {strides = array<i32>} : memref<10240xf32, #tpu.memory_space<vmem>>, vector<16xf32>,
        %get3A_853 = vector.shape_cast %get3A_852 : vector<16xf32> to vector<16xf32>
        %mul3A_854 = arith.mulf %get3A_853, %broadcast_in_dim3A_833 : vector<16xf32>
        %swap3A_855 = arith.index_cast %add3A_765 : i32 to index
        %swap3A_856 = arith.constant 80 : index
        %swap3A_857 = tpu.vector_load %arg15[%swap3A_855, %swap3A_856] {strides = array<i32>} : memref<80x128xf32, #tpu.memory_space<vmem>>, vector<1x16xf32>,
        %swap3A_858 = vector.shape_cast %swap3A_857 : vector<1x16xf32> to vector<16xf32>
        %swap3A_859 = vector.shape_cast %mul3A_854 : vector<16xf32> to vector<1x16xf32>
        tpu.vector_store %arg15[%swap3A_855, %swap3A_856], %swap3A_859 {strides = array<i32>} : memref<80x128xf32, #tpu.memory_space<vmem>>, vector<1x16xf32>,
        %slice3A_860 = vector.extract_strided_slice %get3A_772 {offsets = [3], sizes = [1], strides = [1]} : vector<16xf32> to vector<1xf32>
        %squeeze3A_861 = vector.extract %slice3A_860[0] : f32 from vector<1xf32>
        %broadcast_in_dim3A_862 = vector.broadcast %squeeze3A_861 : f32 to vector<16xf32>
        %mul3A_863 = arith.constant 128 : i32
        %mul3A_864 = arith.muli %add3A_765, %mul3A_863 : i32
        %add3A_865 = arith.constant 96 : i32
        %add3A_866 = arith.addi %mul3A_864, %add3A_865 : i32
        %get3A_867 = arith.index_cast %add3A_866 : i32 to index
        %get3A_868 = tpu.vector_load %arg14[%get3A_867] {strides = array<i32>} : memref<10240xf32, #tpu.memory_space<vmem>>, vector<16xf32>,
        %get3A_869 = vector.shape_cast %get3A_868 : vector<16xf32> to vector<16xf32>
        %mul3A_870 = arith.mulf %get3A_869, %broadcast_in_dim3A_862 : vector<16xf32>
        %swap3A_871 = arith.index_cast %add3A_765 : i32 to index
        %swap3A_872 = arith.constant 96 : index
        %swap3A_873 = tpu.vector_load %arg15[%swap3A_871, %swap3A_872] {strides = array<i32>} : memref<80x128xf32, #tpu.memory_space<vmem>>, vector<1x16xf32>,
        %swap3A_874 = vector.shape_cast %swap3A_873 : vector<1x16xf32> to vector<16xf32>
        %swap3A_875 = vector.shape_cast %mul3A_870 : vector<16xf32> to vector<1x16xf32>
        tpu.vector_store %arg15[%swap3A_871, %swap3A_872], %swap3A_875 {strides = array<i32>} : memref<80x128xf32, #tpu.memory_space<vmem>>, vector<1x16xf32>,
        %mul3A_876 = arith.constant 128 : i32
        %mul3A_877 = arith.muli %add3A_765, %mul3A_876 : i32
        %add3A_878 = arith.constant 112 : i32
        %add3A_879 = arith.addi %mul3A_877, %add3A_878 : i32
        %get3A_880 = arith.index_cast %add3A_879 : i32 to index
        %get3A_881 = tpu.vector_load %arg14[%get3A_880] {strides = array<i32>} : memref<10240xf32, #tpu.memory_space<vmem>>, vector<16xf32>,
        %get3A_882 = vector.shape_cast %get3A_881 : vector<16xf32> to vector<16xf32>
        %mul3A_883 = arith.mulf %get3A_882, %broadcast_in_dim3A_862 : vector<16xf32>
        %swap3A_884 = arith.index_cast %add3A_765 : i32 to index
        %swap3A_885 = arith.constant 112 : index
        %swap3A_886 = tpu.vector_load %arg15[%swap3A_884, %swap3A_885] {strides = array<i32>} : memref<80x128xf32, #tpu.memory_space<vmem>>, vector<1x16xf32>,
        %swap3A_887 = vector.shape_cast %swap3A_886 : vector<1x16xf32> to vector<16xf32>
        %swap3A_888 = vector.shape_cast %mul3A_883 : vector<16xf32> to vector<1x16xf32>
        tpu.vector_store %arg15[%swap3A_884, %swap3A_885], %swap3A_888 {strides = array<i32>} : memref<80x128xf32, #tpu.memory_space<vmem>>, vector<1x16xf32>,
        %jit3A_889 = arith.constant 0.000000e+00 : f32
        %broadcast_in_dim3A_890 = vector.broadcast %jit3A_889 : f32 to vector<16xf32>
        %select_n3A_891 = arith.select %lt3A_23, %get3A_772, %broadcast_in_dim3A_890 : vector<16xi1>, vector<16xf32>
        %and3A_892 = arith.constant 3 : i32
        %and3A_893 = arith.andi %squeeze3A_767, %and3A_892 : i32
        %mul3A_894 = arith.constant 4 : i32
        %mul3A_895 = arith.muli %and3A_893, %mul3A_894 : i32
        %and3A_896 = arith.constant 31 : i32
        %and3A_897 = arith.andi %squeeze3A_767, %and3A_896 : i32
        %shift_right_arithmetic3A_898 = arith.constant 2 : i32
        %shift_right_arithmetic3A_899 = arith.shrsi %and3A_897, %shift_right_arithmetic3A_898 : i32
        %swap3A_900 = arith.index_cast %mul3A_895 : i32 to index
        %swap3A_901 = tpu.vector_load %arg18[%swap3A_900] {strides = array<i32>} : memref<32xf32, #tpu.memory_space<vmem>>, vector<16xf32>,
        %swap3A_902 = vector.shape_cast %swap3A_901 : vector<16xf32> to vector<16xf32>
        %swap3A_903 = vector.shape_cast %select_n3A_891 : vector<16xf32> to vector<16xf32>
        tpu.vector_store %arg18[%swap3A_900], %swap3A_903 {strides = array<i32>} : memref<32xf32, #tpu.memory_space<vmem>>, vector<16xf32>,
        %get3A_904 = arith.constant 0 : index
        %get3A_905 = tpu.vector_load %arg18[%get3A_904] {strides = array<i32>} : memref<32xf32, #tpu.memory_space<vmem>>, vector<16xf32>,
        %get3A_906 = vector.shape_cast %get3A_905 : vector<16xf32> to vector<16xf32>
        %swap3A_907 = arith.index_cast %mul3A_895 : i32 to index
        %swap3A_908 = tpu.vector_load %arg18[%swap3A_907] {strides = array<i32>} : memref<32xf32, #tpu.memory_space<vmem>>, vector<16xf32>,
        %swap3A_909 = vector.shape_cast %swap3A_908 : vector<16xf32> to vector<16xf32>
        %swap3A_910 = vector.shape_cast %broadcast_in_dim3A_24 : vector<16xf32> to vector<16xf32>
        tpu.vector_store %arg18[%swap3A_907], %swap3A_910 {strides = array<i32>} : memref<32xf32, #tpu.memory_space<vmem>>, vector<16xf32>,
        %mul3A_911 = arith.constant 16 : i32
        %mul3A_912 = arith.muli %shift_right_arithmetic3A_899, %mul3A_911 : i32
        %swap3A_913 = arith.index_cast %add3A_765 : i32 to index
        %swap3A_914 = arith.index_cast %mul3A_912 : i32 to index
        %swap3A_915 = tpu.vector_load %arg16[%swap3A_913, %swap3A_914] {strides = array<i32>} : memref<80x128xf32, #tpu.memory_space<vmem>>, vector<1x16xf32>,
        %swap3A_916 = vector.shape_cast %swap3A_915 : vector<1x16xf32> to vector<16xf32>
        %swap3A_917 = vector.shape_cast %get3A_906 : vector<16xf32> to vector<1x16xf32>
        tpu.vector_store %arg16[%swap3A_913, %swap3A_914], %swap3A_917 {strides = array<i32>} : memref<80x128xf32, #tpu.memory_space<vmem>>, vector<1x16xf32>,
        %mul3A_918 = arith.constant 16 : i32
        %mul3A_919 = arith.muli %scan3A_294, %mul3A_918 : i32
        %add3A_920 = arith.constant 4 : i32
        %add3A_921 = arith.addi %mul3A_919, %add3A_920 : i32
        %slice3A_922 = vector.extract_strided_slice %get3A_299 {offsets = [4], sizes = [1], strides = [1]} : vector<16xi32> to vector<1xi32>
        %squeeze3A_923 = vector.extract %slice3A_922[0] : i32 from vector<1xi32>
        %mul3A_924 = arith.constant 4 : i32
        %mul3A_925 = arith.muli %add3A_921, %mul3A_924 : i32
        %get3A_926 = arith.index_cast %mul3A_925 : i32 to index
        %get3A_927 = tpu.vector_load %arg17[%get3A_926] {strides = array<i32>} : memref<336xf32, #tpu.memory_space<vmem>>, vector<16xf32>,
        %get3A_928 = vector.shape_cast %get3A_927 : vector<16xf32> to vector<16xf32>
        %slice3A_929 = vector.extract_strided_slice %get3A_928 {offsets = [0], sizes = [1], strides = [1]} : vector<16xf32> to vector<1xf32>
        %squeeze3A_930 = vector.extract %slice3A_929[0] : f32 from vector<1xf32>
        %broadcast_in_dim3A_931 = vector.broadcast %squeeze3A_930 : f32 to vector<16xf32>
        %mul3A_932 = arith.constant 128 : i32
        %mul3A_933 = arith.muli %add3A_921, %mul3A_932 : i32
        %add3A_934 = arith.constant 0 : i32
        %add3A_935 = arith.addi %mul3A_933, %add3A_934 : i32
        %get3A_936 = arith.index_cast %add3A_935 : i32 to index
        %get3A_937 = tpu.vector_load %arg14[%get3A_936] {strides = array<i32>} : memref<10240xf32, #tpu.memory_space<vmem>>, vector<16xf32>,
        %get3A_938 = vector.shape_cast %get3A_937 : vector<16xf32> to vector<16xf32>
        %mul3A_939 = arith.mulf %get3A_938, %broadcast_in_dim3A_931 : vector<16xf32>
        %swap3A_940 = arith.index_cast %add3A_921 : i32 to index
        %swap3A_941 = arith.constant 0 : index
        %swap3A_942 = tpu.vector_load %arg15[%swap3A_940, %swap3A_941] {strides = array<i32>} : memref<80x128xf32, #tpu.memory_space<vmem>>, vector<1x16xf32>,
        %swap3A_943 = vector.shape_cast %swap3A_942 : vector<1x16xf32> to vector<16xf32>
        %swap3A_944 = vector.shape_cast %mul3A_939 : vector<16xf32> to vector<1x16xf32>
        tpu.vector_store %arg15[%swap3A_940, %swap3A_941], %swap3A_944 {strides = array<i32>} : memref<80x128xf32, #tpu.memory_space<vmem>>, vector<1x16xf32>,
        %mul3A_945 = arith.constant 128 : i32
        %mul3A_946 = arith.muli %add3A_921, %mul3A_945 : i32
        %add3A_947 = arith.constant 16 : i32
        %add3A_948 = arith.addi %mul3A_946, %add3A_947 : i32
        %get3A_949 = arith.index_cast %add3A_948 : i32 to index
        %get3A_950 = tpu.vector_load %arg14[%get3A_949] {strides = array<i32>} : memref<10240xf32, #tpu.memory_space<vmem>>, vector<16xf32>,
        %get3A_951 = vector.shape_cast %get3A_950 : vector<16xf32> to vector<16xf32>
        %mul3A_952 = arith.mulf %get3A_951, %broadcast_in_dim3A_931 : vector<16xf32>
        %swap3A_953 = arith.index_cast %add3A_921 : i32 to index
        %swap3A_954 = arith.constant 16 : index
        %swap3A_955 = tpu.vector_load %arg15[%swap3A_953, %swap3A_954] {strides = array<i32>} : memref<80x128xf32, #tpu.memory_space<vmem>>, vector<1x16xf32>,
        %swap3A_956 = vector.shape_cast %swap3A_955 : vector<1x16xf32> to vector<16xf32>
        %swap3A_957 = vector.shape_cast %mul3A_952 : vector<16xf32> to vector<1x16xf32>
        tpu.vector_store %arg15[%swap3A_953, %swap3A_954], %swap3A_957 {strides = array<i32>} : memref<80x128xf32, #tpu.memory_space<vmem>>, vector<1x16xf32>,
        %slice3A_958 = vector.extract_strided_slice %get3A_928 {offsets = [1], sizes = [1], strides = [1]} : vector<16xf32> to vector<1xf32>
        %squeeze3A_959 = vector.extract %slice3A_958[0] : f32 from vector<1xf32>
        %broadcast_in_dim3A_960 = vector.broadcast %squeeze3A_959 : f32 to vector<16xf32>
        %mul3A_961 = arith.constant 128 : i32
        %mul3A_962 = arith.muli %add3A_921, %mul3A_961 : i32
        %add3A_963 = arith.constant 32 : i32
        %add3A_964 = arith.addi %mul3A_962, %add3A_963 : i32
        %get3A_965 = arith.index_cast %add3A_964 : i32 to index
        %get3A_966 = tpu.vector_load %arg14[%get3A_965] {strides = array<i32>} : memref<10240xf32, #tpu.memory_space<vmem>>, vector<16xf32>,
        %get3A_967 = vector.shape_cast %get3A_966 : vector<16xf32> to vector<16xf32>
        %mul3A_968 = arith.mulf %get3A_967, %broadcast_in_dim3A_960 : vector<16xf32>
        %swap3A_969 = arith.index_cast %add3A_921 : i32 to index
        %swap3A_970 = arith.constant 32 : index
        %swap3A_971 = tpu.vector_load %arg15[%swap3A_969, %swap3A_970] {strides = array<i32>} : memref<80x128xf32, #tpu.memory_space<vmem>>, vector<1x16xf32>,
        %swap3A_972 = vector.shape_cast %swap3A_971 : vector<1x16xf32> to vector<16xf32>
        %swap3A_973 = vector.shape_cast %mul3A_968 : vector<16xf32> to vector<1x16xf32>
        tpu.vector_store %arg15[%swap3A_969, %swap3A_970], %swap3A_973 {strides = array<i32>} : memref<80x128xf32, #tpu.memory_space<vmem>>, vector<1x16xf32>,
        %mul3A_974 = arith.constant 128 : i32
        %mul3A_975 = arith.muli %add3A_921, %mul3A_974 : i32
        %add3A_976 = arith.constant 48 : i32
        %add3A_977 = arith.addi %mul3A_975, %add3A_976 : i32
        %get3A_978 = arith.index_cast %add3A_977 : i32 to index
        %get3A_979 = tpu.vector_load %arg14[%get3A_978] {strides = array<i32>} : memref<10240xf32, #tpu.memory_space<vmem>>, vector<16xf32>,
        %get3A_980 = vector.shape_cast %get3A_979 : vector<16xf32> to vector<16xf32>
        %mul3A_981 = arith.mulf %get3A_980, %broadcast_in_dim3A_960 : vector<16xf32>
        %swap3A_982 = arith.index_cast %add3A_921 : i32 to index
        %swap3A_983 = arith.constant 48 : index
        %swap3A_984 = tpu.vector_load %arg15[%swap3A_982, %swap3A_983] {strides = array<i32>} : memref<80x128xf32, #tpu.memory_space<vmem>>, vector<1x16xf32>,
        %swap3A_985 = vector.shape_cast %swap3A_984 : vector<1x16xf32> to vector<16xf32>
        %swap3A_986 = vector.shape_cast %mul3A_981 : vector<16xf32> to vector<1x16xf32>
        tpu.vector_store %arg15[%swap3A_982, %swap3A_983], %swap3A_986 {strides = array<i32>} : memref<80x128xf32, #tpu.memory_space<vmem>>, vector<1x16xf32>,
        %slice3A_987 = vector.extract_strided_slice %get3A_928 {offsets = [2], sizes = [1], strides = [1]} : vector<16xf32> to vector<1xf32>
        %squeeze3A_988 = vector.extract %slice3A_987[0] : f32 from vector<1xf32>
        %broadcast_in_dim3A_989 = vector.broadcast %squeeze3A_988 : f32 to vector<16xf32>
        %mul3A_990 = arith.constant 128 : i32
        %mul3A_991 = arith.muli %add3A_921, %mul3A_990 : i32
        %add3A_992 = arith.constant 64 : i32
        %add3A_993 = arith.addi %mul3A_991, %add3A_992 : i32
        %get3A_994 = arith.index_cast %add3A_993 : i32 to index
        %get3A_995 = tpu.vector_load %arg14[%get3A_994] {strides = array<i32>} : memref<10240xf32, #tpu.memory_space<vmem>>, vector<16xf32>,
        %get3A_996 = vector.shape_cast %get3A_995 : vector<16xf32> to vector<16xf32>
        %mul3A_997 = arith.mulf %get3A_996, %broadcast_in_dim3A_989 : vector<16xf32>
        %swap3A_998 = arith.index_cast %add3A_921 : i32 to index
        %swap3A_999 = arith.constant 64 : index
        %swap3A_1000 = tpu.vector_load %arg15[%swap3A_998, %swap3A_999] {strides = array<i32>} : memref<80x128xf32, #tpu.memory_space<vmem>>, vector<1x16xf32>,
        %swap3A_1001 = vector.shape_cast %swap3A_1000 : vector<1x16xf32> to vector<16xf32>
        %swap3A_1002 = vector.shape_cast %mul3A_997 : vector<16xf32> to vector<1x16xf32>
        tpu.vector_store %arg15[%swap3A_998, %swap3A_999], %swap3A_1002 {strides = array<i32>} : memref<80x128xf32, #tpu.memory_space<vmem>>, vector<1x16xf32>,
        %mul3A_1003 = arith.constant 128 : i32
        %mul3A_1004 = arith.muli %add3A_921, %mul3A_1003 : i32
        %add3A_1005 = arith.constant 80 : i32
        %add3A_1006 = arith.addi %mul3A_1004, %add3A_1005 : i32
        %get3A_1007 = arith.index_cast %add3A_1006 : i32 to index
        %get3A_1008 = tpu.vector_load %arg14[%get3A_1007] {strides = array<i32>} : memref<10240xf32, #tpu.memory_space<vmem>>, vector<16xf32>,
        %get3A_1009 = vector.shape_cast %get3A_1008 : vector<16xf32> to vector<16xf32>
        %mul3A_1010 = arith.mulf %get3A_1009, %broadcast_in_dim3A_989 : vector<16xf32>
        %swap3A_1011 = arith.index_cast %add3A_921 : i32 to index
        %swap3A_1012 = arith.constant 80 : index
        %swap3A_1013 = tpu.vector_load %arg15[%swap3A_1011, %swap3A_1012] {strides = array<i32>} : memref<80x128xf32, #tpu.memory_space<vmem>>, vector<1x16xf32>,
        %swap3A_1014 = vector.shape_cast %swap3A_1013 : vector<1x16xf32> to vector<16xf32>
        %swap3A_1015 = vector.shape_cast %mul3A_1010 : vector<16xf32> to vector<1x16xf32>
        tpu.vector_store %arg15[%swap3A_1011, %swap3A_1012], %swap3A_1015 {strides = array<i32>} : memref<80x128xf32, #tpu.memory_space<vmem>>, vector<1x16xf32>,
        %slice3A_1016 = vector.extract_strided_slice %get3A_928 {offsets = [3], sizes = [1], strides = [1]} : vector<16xf32> to vector<1xf32>
        %squeeze3A_1017 = vector.extract %slice3A_1016[0] : f32 from vector<1xf32>
        %broadcast_in_dim3A_1018 = vector.broadcast %squeeze3A_1017 : f32 to vector<16xf32>
        %mul3A_1019 = arith.constant 128 : i32
        %mul3A_1020 = arith.muli %add3A_921, %mul3A_1019 : i32
        %add3A_1021 = arith.constant 96 : i32
        %add3A_1022 = arith.addi %mul3A_1020, %add3A_1021 : i32
        %get3A_1023 = arith.index_cast %add3A_1022 : i32 to index
        %get3A_1024 = tpu.vector_load %arg14[%get3A_1023] {strides = array<i32>} : memref<10240xf32, #tpu.memory_space<vmem>>, vector<16xf32>,
        %get3A_1025 = vector.shape_cast %get3A_1024 : vector<16xf32> to vector<16xf32>
        %mul3A_1026 = arith.mulf %get3A_1025, %broadcast_in_dim3A_1018 : vector<16xf32>
        %swap3A_1027 = arith.index_cast %add3A_921 : i32 to index
        %swap3A_1028 = arith.constant 96 : index
        %swap3A_1029 = tpu.vector_load %arg15[%swap3A_1027, %swap3A_1028] {strides = array<i32>} : memref<80x128xf32, #tpu.memory_space<vmem>>, vector<1x16xf32>,
        %swap3A_1030 = vector.shape_cast %swap3A_1029 : vector<1x16xf32> to vector<16xf32>
        %swap3A_1031 = vector.shape_cast %mul3A_1026 : vector<16xf32> to vector<1x16xf32>
        tpu.vector_store %arg15[%swap3A_1027, %swap3A_1028], %swap3A_1031 {strides = array<i32>} : memref<80x128xf32, #tpu.memory_space<vmem>>, vector<1x16xf32>,
        %mul3A_1032 = arith.constant 128 : i32
        %mul3A_1033 = arith.muli %add3A_921, %mul3A_1032 : i32
        %add3A_1034 = arith.constant 112 : i32
        %add3A_1035 = arith.addi %mul3A_1033, %add3A_1034 : i32
        %get3A_1036 = arith.index_cast %add3A_1035 : i32 to index
        %get3A_1037 = tpu.vector_load %arg14[%get3A_1036] {strides = array<i32>} : memref<10240xf32, #tpu.memory_space<vmem>>, vector<16xf32>,
        %get3A_1038 = vector.shape_cast %get3A_1037 : vector<16xf32> to vector<16xf32>
        %mul3A_1039 = arith.mulf %get3A_1038, %broadcast_in_dim3A_1018 : vector<16xf32>
        %swap3A_1040 = arith.index_cast %add3A_921 : i32 to index
        %swap3A_1041 = arith.constant 112 : index
        %swap3A_1042 = tpu.vector_load %arg15[%swap3A_1040, %swap3A_1041] {strides = array<i32>} : memref<80x128xf32, #tpu.memory_space<vmem>>, vector<1x16xf32>,
        %swap3A_1043 = vector.shape_cast %swap3A_1042 : vector<1x16xf32> to vector<16xf32>
        %swap3A_1044 = vector.shape_cast %mul3A_1039 : vector<16xf32> to vector<1x16xf32>
        tpu.vector_store %arg15[%swap3A_1040, %swap3A_1041], %swap3A_1044 {strides = array<i32>} : memref<80x128xf32, #tpu.memory_space<vmem>>, vector<1x16xf32>,
        %jit3A_1045 = arith.constant 0.000000e+00 : f32
        %broadcast_in_dim3A_1046 = vector.broadcast %jit3A_1045 : f32 to vector<16xf32>
        %select_n3A_1047 = arith.select %lt3A_23, %get3A_928, %broadcast_in_dim3A_1046 : vector<16xi1>, vector<16xf32>
        %and3A_1048 = arith.constant 3 : i32
        %and3A_1049 = arith.andi %squeeze3A_923, %and3A_1048 : i32
        %mul3A_1050 = arith.constant 4 : i32
        %mul3A_1051 = arith.muli %and3A_1049, %mul3A_1050 : i32
        %and3A_1052 = arith.constant 31 : i32
        %and3A_1053 = arith.andi %squeeze3A_923, %and3A_1052 : i32
        %shift_right_arithmetic3A_1054 = arith.constant 2 : i32
        %shift_right_arithmetic3A_1055 = arith.shrsi %and3A_1053, %shift_right_arithmetic3A_1054 : i32
        %swap3A_1056 = arith.index_cast %mul3A_1051 : i32 to index
        %swap3A_1057 = tpu.vector_load %arg18[%swap3A_1056] {strides = array<i32>} : memref<32xf32, #tpu.memory_space<vmem>>, vector<16xf32>,
        %swap3A_1058 = vector.shape_cast %swap3A_1057 : vector<16xf32> to vector<16xf32>
        %swap3A_1059 = vector.shape_cast %select_n3A_1047 : vector<16xf32> to vector<16xf32>
        tpu.vector_store %arg18[%swap3A_1056], %swap3A_1059 {strides = array<i32>} : memref<32xf32, #tpu.memory_space<vmem>>, vector<16xf32>,
        %get3A_1060 = arith.constant 0 : index
        %get3A_1061 = tpu.vector_load %arg18[%get3A_1060] {strides = array<i32>} : memref<32xf32, #tpu.memory_space<vmem>>, vector<16xf32>,
        %get3A_1062 = vector.shape_cast %get3A_1061 : vector<16xf32> to vector<16xf32>
        %swap3A_1063 = arith.index_cast %mul3A_1051 : i32 to index
        %swap3A_1064 = tpu.vector_load %arg18[%swap3A_1063] {strides = array<i32>} : memref<32xf32, #tpu.memory_space<vmem>>, vector<16xf32>,
        %swap3A_1065 = vector.shape_cast %swap3A_1064 : vector<16xf32> to vector<16xf32>
        %swap3A_1066 = vector.shape_cast %broadcast_in_dim3A_24 : vector<16xf32> to vector<16xf32>
        tpu.vector_store %arg18[%swap3A_1063], %swap3A_1066 {strides = array<i32>} : memref<32xf32, #tpu.memory_space<vmem>>, vector<16xf32>,
        %mul3A_1067 = arith.constant 16 : i32
        %mul3A_1068 = arith.muli %shift_right_arithmetic3A_1055, %mul3A_1067 : i32
        %swap3A_1069 = arith.index_cast %add3A_921 : i32 to index
        %swap3A_1070 = arith.index_cast %mul3A_1068 : i32 to index
        %swap3A_1071 = tpu.vector_load %arg16[%swap3A_1069, %swap3A_1070] {strides = array<i32>} : memref<80x128xf32, #tpu.memory_space<vmem>>, vector<1x16xf32>,
        %swap3A_1072 = vector.shape_cast %swap3A_1071 : vector<1x16xf32> to vector<16xf32>
        %swap3A_1073 = vector.shape_cast %get3A_1062 : vector<16xf32> to vector<1x16xf32>
        tpu.vector_store %arg16[%swap3A_1069, %swap3A_1070], %swap3A_1073 {strides = array<i32>} : memref<80x128xf32, #tpu.memory_space<vmem>>, vector<1x16xf32>,
        %mul3A_1074 = arith.constant 16 : i32
        %mul3A_1075 = arith.muli %scan3A_294, %mul3A_1074 : i32
        %add3A_1076 = arith.constant 5 : i32
        %add3A_1077 = arith.addi %mul3A_1075, %add3A_1076 : i32
        %slice3A_1078 = vector.extract_strided_slice %get3A_299 {offsets = [5], sizes = [1], strides = [1]} : vector<16xi32> to vector<1xi32>
        %squeeze3A_1079 = vector.extract %slice3A_1078[0] : i32 from vector<1xi32>
        %mul3A_1080 = arith.constant 4 : i32
        %mul3A_1081 = arith.muli %add3A_1077, %mul3A_1080 : i32
        %get3A_1082 = arith.index_cast %mul3A_1081 : i32 to index
        %get3A_1083 = tpu.vector_load %arg17[%get3A_1082] {strides = array<i32>} : memref<336xf32, #tpu.memory_space<vmem>>, vector<16xf32>,
        %get3A_1084 = vector.shape_cast %get3A_1083 : vector<16xf32> to vector<16xf32>
        %slice3A_1085 = vector.extract_strided_slice %get3A_1084 {offsets = [0], sizes = [1], strides = [1]} : vector<16xf32> to vector<1xf32>
        %squeeze3A_1086 = vector.extract %slice3A_1085[0] : f32 from vector<1xf32>
        %broadcast_in_dim3A_1087 = vector.broadcast %squeeze3A_1086 : f32 to vector<16xf32>
        %mul3A_1088 = arith.constant 128 : i32
        %mul3A_1089 = arith.muli %add3A_1077, %mul3A_1088 : i32
        %add3A_1090 = arith.constant 0 : i32
        %add3A_1091 = arith.addi %mul3A_1089, %add3A_1090 : i32
        %get3A_1092 = arith.index_cast %add3A_1091 : i32 to index
        %get3A_1093 = tpu.vector_load %arg14[%get3A_1092] {strides = array<i32>} : memref<10240xf32, #tpu.memory_space<vmem>>, vector<16xf32>,
        %get3A_1094 = vector.shape_cast %get3A_1093 : vector<16xf32> to vector<16xf32>
        %mul3A_1095 = arith.mulf %get3A_1094, %broadcast_in_dim3A_1087 : vector<16xf32>
        %swap3A_1096 = arith.index_cast %add3A_1077 : i32 to index
        %swap3A_1097 = arith.constant 0 : index
        %swap3A_1098 = tpu.vector_load %arg15[%swap3A_1096, %swap3A_1097] {strides = array<i32>} : memref<80x128xf32, #tpu.memory_space<vmem>>, vector<1x16xf32>,
        %swap3A_1099 = vector.shape_cast %swap3A_1098 : vector<1x16xf32> to vector<16xf32>
        %swap3A_1100 = vector.shape_cast %mul3A_1095 : vector<16xf32> to vector<1x16xf32>
        tpu.vector_store %arg15[%swap3A_1096, %swap3A_1097], %swap3A_1100 {strides = array<i32>} : memref<80x128xf32, #tpu.memory_space<vmem>>, vector<1x16xf32>,
        %mul3A_1101 = arith.constant 128 : i32
        %mul3A_1102 = arith.muli %add3A_1077, %mul3A_1101 : i32
        %add3A_1103 = arith.constant 16 : i32
        %add3A_1104 = arith.addi %mul3A_1102, %add3A_1103 : i32
        %get3A_1105 = arith.index_cast %add3A_1104 : i32 to index
        %get3A_1106 = tpu.vector_load %arg14[%get3A_1105] {strides = array<i32>} : memref<10240xf32, #tpu.memory_space<vmem>>, vector<16xf32>,
        %get3A_1107 = vector.shape_cast %get3A_1106 : vector<16xf32> to vector<16xf32>
        %mul3A_1108 = arith.mulf %get3A_1107, %broadcast_in_dim3A_1087 : vector<16xf32>
        %swap3A_1109 = arith.index_cast %add3A_1077 : i32 to index
        %swap3A_1110 = arith.constant 16 : index
        %swap3A_1111 = tpu.vector_load %arg15[%swap3A_1109, %swap3A_1110] {strides = array<i32>} : memref<80x128xf32, #tpu.memory_space<vmem>>, vector<1x16xf32>,
        %swap3A_1112 = vector.shape_cast %swap3A_1111 : vector<1x16xf32> to vector<16xf32>
        %swap3A_1113 = vector.shape_cast %mul3A_1108 : vector<16xf32> to vector<1x16xf32>
        tpu.vector_store %arg15[%swap3A_1109, %swap3A_1110], %swap3A_1113 {strides = array<i32>} : memref<80x128xf32, #tpu.memory_space<vmem>>, vector<1x16xf32>,
        %slice3A_1114 = vector.extract_strided_slice %get3A_1084 {offsets = [1], sizes = [1], strides = [1]} : vector<16xf32> to vector<1xf32>
        %squeeze3A_1115 = vector.extract %slice3A_1114[0] : f32 from vector<1xf32>
        %broadcast_in_dim3A_1116 = vector.broadcast %squeeze3A_1115 : f32 to vector<16xf32>
        %mul3A_1117 = arith.constant 128 : i32
        %mul3A_1118 = arith.muli %add3A_1077, %mul3A_1117 : i32
        %add3A_1119 = arith.constant 32 : i32
        %add3A_1120 = arith.addi %mul3A_1118, %add3A_1119 : i32
        %get3A_1121 = arith.index_cast %add3A_1120 : i32 to index
        %get3A_1122 = tpu.vector_load %arg14[%get3A_1121] {strides = array<i32>} : memref<10240xf32, #tpu.memory_space<vmem>>, vector<16xf32>,
        %get3A_1123 = vector.shape_cast %get3A_1122 : vector<16xf32> to vector<16xf32>
        %mul3A_1124 = arith.mulf %get3A_1123, %broadcast_in_dim3A_1116 : vector<16xf32>
        %swap3A_1125 = arith.index_cast %add3A_1077 : i32 to index
        %swap3A_1126 = arith.constant 32 : index
        %swap3A_1127 = tpu.vector_load %arg15[%swap3A_1125, %swap3A_1126] {strides = array<i32>} : memref<80x128xf32, #tpu.memory_space<vmem>>, vector<1x16xf32>,
        %swap3A_1128 = vector.shape_cast %swap3A_1127 : vector<1x16xf32> to vector<16xf32>
        %swap3A_1129 = vector.shape_cast %mul3A_1124 : vector<16xf32> to vector<1x16xf32>
        tpu.vector_store %arg15[%swap3A_1125, %swap3A_1126], %swap3A_1129 {strides = array<i32>} : memref<80x128xf32, #tpu.memory_space<vmem>>, vector<1x16xf32>,
        %mul3A_1130 = arith.constant 128 : i32
        %mul3A_1131 = arith.muli %add3A_1077, %mul3A_1130 : i32
        %add3A_1132 = arith.constant 48 : i32
        %add3A_1133 = arith.addi %mul3A_1131, %add3A_1132 : i32
        %get3A_1134 = arith.index_cast %add3A_1133 : i32 to index
        %get3A_1135 = tpu.vector_load %arg14[%get3A_1134] {strides = array<i32>} : memref<10240xf32, #tpu.memory_space<vmem>>, vector<16xf32>,
        %get3A_1136 = vector.shape_cast %get3A_1135 : vector<16xf32> to vector<16xf32>
        %mul3A_1137 = arith.mulf %get3A_1136, %broadcast_in_dim3A_1116 : vector<16xf32>
        %swap3A_1138 = arith.index_cast %add3A_1077 : i32 to index
        %swap3A_1139 = arith.constant 48 : index
        %swap3A_1140 = tpu.vector_load %arg15[%swap3A_1138, %swap3A_1139] {strides = array<i32>} : memref<80x128xf32, #tpu.memory_space<vmem>>, vector<1x16xf32>,
        %swap3A_1141 = vector.shape_cast %swap3A_1140 : vector<1x16xf32> to vector<16xf32>
        %swap3A_1142 = vector.shape_cast %mul3A_1137 : vector<16xf32> to vector<1x16xf32>
        tpu.vector_store %arg15[%swap3A_1138, %swap3A_1139], %swap3A_1142 {strides = array<i32>} : memref<80x128xf32, #tpu.memory_space<vmem>>, vector<1x16xf32>,
        %slice3A_1143 = vector.extract_strided_slice %get3A_1084 {offsets = [2], sizes = [1], strides = [1]} : vector<16xf32> to vector<1xf32>
        %squeeze3A_1144 = vector.extract %slice3A_1143[0] : f32 from vector<1xf32>
        %broadcast_in_dim3A_1145 = vector.broadcast %squeeze3A_1144 : f32 to vector<16xf32>
        %mul3A_1146 = arith.constant 128 : i32
        %mul3A_1147 = arith.muli %add3A_1077, %mul3A_1146 : i32
        %add3A_1148 = arith.constant 64 : i32
        %add3A_1149 = arith.addi %mul3A_1147, %add3A_1148 : i32
        %get3A_1150 = arith.index_cast %add3A_1149 : i32 to index
        %get3A_1151 = tpu.vector_load %arg14[%get3A_1150] {strides = array<i32>} : memref<10240xf32, #tpu.memory_space<vmem>>, vector<16xf32>,
        %get3A_1152 = vector.shape_cast %get3A_1151 : vector<16xf32> to vector<16xf32>
        %mul3A_1153 = arith.mulf %get3A_1152, %broadcast_in_dim3A_1145 : vector<16xf32>
        %swap3A_1154 = arith.index_cast %add3A_1077 : i32 to index
        %swap3A_1155 = arith.constant 64 : index
        %swap3A_1156 = tpu.vector_load %arg15[%swap3A_1154, %swap3A_1155] {strides = array<i32>} : memref<80x128xf32, #tpu.memory_space<vmem>>, vector<1x16xf32>,
        %swap3A_1157 = vector.shape_cast %swap3A_1156 : vector<1x16xf32> to vector<16xf32>
        %swap3A_1158 = vector.shape_cast %mul3A_1153 : vector<16xf32> to vector<1x16xf32>
        tpu.vector_store %arg15[%swap3A_1154, %swap3A_1155], %swap3A_1158 {strides = array<i32>} : memref<80x128xf32, #tpu.memory_space<vmem>>, vector<1x16xf32>,
        %mul3A_1159 = arith.constant 128 : i32
        %mul3A_1160 = arith.muli %add3A_1077, %mul3A_1159 : i32
        %add3A_1161 = arith.constant 80 : i32
        %add3A_1162 = arith.addi %mul3A_1160, %add3A_1161 : i32
        %get3A_1163 = arith.index_cast %add3A_1162 : i32 to index
        %get3A_1164 = tpu.vector_load %arg14[%get3A_1163] {strides = array<i32>} : memref<10240xf32, #tpu.memory_space<vmem>>, vector<16xf32>,
        %get3A_1165 = vector.shape_cast %get3A_1164 : vector<16xf32> to vector<16xf32>
        %mul3A_1166 = arith.mulf %get3A_1165, %broadcast_in_dim3A_1145 : vector<16xf32>
        %swap3A_1167 = arith.index_cast %add3A_1077 : i32 to index
        %swap3A_1168 = arith.constant 80 : index
        %swap3A_1169 = tpu.vector_load %arg15[%swap3A_1167, %swap3A_1168] {strides = array<i32>} : memref<80x128xf32, #tpu.memory_space<vmem>>, vector<1x16xf32>,
        %swap3A_1170 = vector.shape_cast %swap3A_1169 : vector<1x16xf32> to vector<16xf32>
        %swap3A_1171 = vector.shape_cast %mul3A_1166 : vector<16xf32> to vector<1x16xf32>
        tpu.vector_store %arg15[%swap3A_1167, %swap3A_1168], %swap3A_1171 {strides = array<i32>} : memref<80x128xf32, #tpu.memory_space<vmem>>, vector<1x16xf32>,
        %slice3A_1172 = vector.extract_strided_slice %get3A_1084 {offsets = [3], sizes = [1], strides = [1]} : vector<16xf32> to vector<1xf32>
        %squeeze3A_1173 = vector.extract %slice3A_1172[0] : f32 from vector<1xf32>
        %broadcast_in_dim3A_1174 = vector.broadcast %squeeze3A_1173 : f32 to vector<16xf32>
        %mul3A_1175 = arith.constant 128 : i32
        %mul3A_1176 = arith.muli %add3A_1077, %mul3A_1175 : i32
        %add3A_1177 = arith.constant 96 : i32
        %add3A_1178 = arith.addi %mul3A_1176, %add3A_1177 : i32
        %get3A_1179 = arith.index_cast %add3A_1178 : i32 to index
        %get3A_1180 = tpu.vector_load %arg14[%get3A_1179] {strides = array<i32>} : memref<10240xf32, #tpu.memory_space<vmem>>, vector<16xf32>,
        %get3A_1181 = vector.shape_cast %get3A_1180 : vector<16xf32> to vector<16xf32>
        %mul3A_1182 = arith.mulf %get3A_1181, %broadcast_in_dim3A_1174 : vector<16xf32>
        %swap3A_1183 = arith.index_cast %add3A_1077 : i32 to index
        %swap3A_1184 = arith.constant 96 : index
        %swap3A_1185 = tpu.vector_load %arg15[%swap3A_1183, %swap3A_1184] {strides = array<i32>} : memref<80x128xf32, #tpu.memory_space<vmem>>, vector<1x16xf32>,
        %swap3A_1186 = vector.shape_cast %swap3A_1185 : vector<1x16xf32> to vector<16xf32>
        %swap3A_1187 = vector.shape_cast %mul3A_1182 : vector<16xf32> to vector<1x16xf32>
        tpu.vector_store %arg15[%swap3A_1183, %swap3A_1184], %swap3A_1187 {strides = array<i32>} : memref<80x128xf32, #tpu.memory_space<vmem>>, vector<1x16xf32>,
        %mul3A_1188 = arith.constant 128 : i32
        %mul3A_1189 = arith.muli %add3A_1077, %mul3A_1188 : i32
        %add3A_1190 = arith.constant 112 : i32
        %add3A_1191 = arith.addi %mul3A_1189, %add3A_1190 : i32
        %get3A_1192 = arith.index_cast %add3A_1191 : i32 to index
        %get3A_1193 = tpu.vector_load %arg14[%get3A_1192] {strides = array<i32>} : memref<10240xf32, #tpu.memory_space<vmem>>, vector<16xf32>,
        %get3A_1194 = vector.shape_cast %get3A_1193 : vector<16xf32> to vector<16xf32>
        %mul3A_1195 = arith.mulf %get3A_1194, %broadcast_in_dim3A_1174 : vector<16xf32>
        %swap3A_1196 = arith.index_cast %add3A_1077 : i32 to index
        %swap3A_1197 = arith.constant 112 : index
        %swap3A_1198 = tpu.vector_load %arg15[%swap3A_1196, %swap3A_1197] {strides = array<i32>} : memref<80x128xf32, #tpu.memory_space<vmem>>, vector<1x16xf32>,
        %swap3A_1199 = vector.shape_cast %swap3A_1198 : vector<1x16xf32> to vector<16xf32>
        %swap3A_1200 = vector.shape_cast %mul3A_1195 : vector<16xf32> to vector<1x16xf32>
        tpu.vector_store %arg15[%swap3A_1196, %swap3A_1197], %swap3A_1200 {strides = array<i32>} : memref<80x128xf32, #tpu.memory_space<vmem>>, vector<1x16xf32>,
        %jit3A_1201 = arith.constant 0.000000e+00 : f32
        %broadcast_in_dim3A_1202 = vector.broadcast %jit3A_1201 : f32 to vector<16xf32>
        %select_n3A_1203 = arith.select %lt3A_23, %get3A_1084, %broadcast_in_dim3A_1202 : vector<16xi1>, vector<16xf32>
        %and3A_1204 = arith.constant 3 : i32
        %and3A_1205 = arith.andi %squeeze3A_1079, %and3A_1204 : i32
        %mul3A_1206 = arith.constant 4 : i32
        %mul3A_1207 = arith.muli %and3A_1205, %mul3A_1206 : i32
        %and3A_1208 = arith.constant 31 : i32
        %and3A_1209 = arith.andi %squeeze3A_1079, %and3A_1208 : i32
        %shift_right_arithmetic3A_1210 = arith.constant 2 : i32
        %shift_right_arithmetic3A_1211 = arith.shrsi %and3A_1209, %shift_right_arithmetic3A_1210 : i32
        %swap3A_1212 = arith.index_cast %mul3A_1207 : i32 to index
        %swap3A_1213 = tpu.vector_load %arg18[%swap3A_1212] {strides = array<i32>} : memref<32xf32, #tpu.memory_space<vmem>>, vector<16xf32>,
        %swap3A_1214 = vector.shape_cast %swap3A_1213 : vector<16xf32> to vector<16xf32>
        %swap3A_1215 = vector.shape_cast %select_n3A_1203 : vector<16xf32> to vector<16xf32>
        tpu.vector_store %arg18[%swap3A_1212], %swap3A_1215 {strides = array<i32>} : memref<32xf32, #tpu.memory_space<vmem>>, vector<16xf32>,
        %get3A_1216 = arith.constant 0 : index
        %get3A_1217 = tpu.vector_load %arg18[%get3A_1216] {strides = array<i32>} : memref<32xf32, #tpu.memory_space<vmem>>, vector<16xf32>,
        %get3A_1218 = vector.shape_cast %get3A_1217 : vector<16xf32> to vector<16xf32>
        %swap3A_1219 = arith.index_cast %mul3A_1207 : i32 to index
        %swap3A_1220 = tpu.vector_load %arg18[%swap3A_1219] {strides = array<i32>} : memref<32xf32, #tpu.memory_space<vmem>>, vector<16xf32>,
        %swap3A_1221 = vector.shape_cast %swap3A_1220 : vector<16xf32> to vector<16xf32>
        %swap3A_1222 = vector.shape_cast %broadcast_in_dim3A_24 : vector<16xf32> to vector<16xf32>
        tpu.vector_store %arg18[%swap3A_1219], %swap3A_1222 {strides = array<i32>} : memref<32xf32, #tpu.memory_space<vmem>>, vector<16xf32>,
        %mul3A_1223 = arith.constant 16 : i32
        %mul3A_1224 = arith.muli %shift_right_arithmetic3A_1211, %mul3A_1223 : i32
        %swap3A_1225 = arith.index_cast %add3A_1077 : i32 to index
        %swap3A_1226 = arith.index_cast %mul3A_1224 : i32 to index
        %swap3A_1227 = tpu.vector_load %arg16[%swap3A_1225, %swap3A_1226] {strides = array<i32>} : memref<80x128xf32, #tpu.memory_space<vmem>>, vector<1x16xf32>,
        %swap3A_1228 = vector.shape_cast %swap3A_1227 : vector<1x16xf32> to vector<16xf32>
        %swap3A_1229 = vector.shape_cast %get3A_1218 : vector<16xf32> to vector<1x16xf32>
        tpu.vector_store %arg16[%swap3A_1225, %swap3A_1226], %swap3A_1229 {strides = array<i32>} : memref<80x128xf32, #tpu.memory_space<vmem>>, vector<1x16xf32>,
        %mul3A_1230 = arith.constant 16 : i32
        %mul3A_1231 = arith.muli %scan3A_294, %mul3A_1230 : i32
        %add3A_1232 = arith.constant 6 : i32
        %add3A_1233 = arith.addi %mul3A_1231, %add3A_1232 : i32
        %slice3A_1234 = vector.extract_strided_slice %get3A_299 {offsets = [6], sizes = [1], strides = [1]} : vector<16xi32> to vector<1xi32>
        %squeeze3A_1235 = vector.extract %slice3A_1234[0] : i32 from vector<1xi32>
        %mul3A_1236 = arith.constant 4 : i32
        %mul3A_1237 = arith.muli %add3A_1233, %mul3A_1236 : i32
        %get3A_1238 = arith.index_cast %mul3A_1237 : i32 to index
        %get3A_1239 = tpu.vector_load %arg17[%get3A_1238] {strides = array<i32>} : memref<336xf32, #tpu.memory_space<vmem>>, vector<16xf32>,
        %get3A_1240 = vector.shape_cast %get3A_1239 : vector<16xf32> to vector<16xf32>
        %slice3A_1241 = vector.extract_strided_slice %get3A_1240 {offsets = [0], sizes = [1], strides = [1]} : vector<16xf32> to vector<1xf32>
        %squeeze3A_1242 = vector.extract %slice3A_1241[0] : f32 from vector<1xf32>
        %broadcast_in_dim3A_1243 = vector.broadcast %squeeze3A_1242 : f32 to vector<16xf32>
        %mul3A_1244 = arith.constant 128 : i32
        %mul3A_1245 = arith.muli %add3A_1233, %mul3A_1244 : i32
        %add3A_1246 = arith.constant 0 : i32
        %add3A_1247 = arith.addi %mul3A_1245, %add3A_1246 : i32
        %get3A_1248 = arith.index_cast %add3A_1247 : i32 to index
        %get3A_1249 = tpu.vector_load %arg14[%get3A_1248] {strides = array<i32>} : memref<10240xf32, #tpu.memory_space<vmem>>, vector<16xf32>,
        %get3A_1250 = vector.shape_cast %get3A_1249 : vector<16xf32> to vector<16xf32>
        %mul3A_1251 = arith.mulf %get3A_1250, %broadcast_in_dim3A_1243 : vector<16xf32>
        %swap3A_1252 = arith.index_cast %add3A_1233 : i32 to index
        %swap3A_1253 = arith.constant 0 : index
        %swap3A_1254 = tpu.vector_load %arg15[%swap3A_1252, %swap3A_1253] {strides = array<i32>} : memref<80x128xf32, #tpu.memory_space<vmem>>, vector<1x16xf32>,
        %swap3A_1255 = vector.shape_cast %swap3A_1254 : vector<1x16xf32> to vector<16xf32>
        %swap3A_1256 = vector.shape_cast %mul3A_1251 : vector<16xf32> to vector<1x16xf32>
        tpu.vector_store %arg15[%swap3A_1252, %swap3A_1253], %swap3A_1256 {strides = array<i32>} : memref<80x128xf32, #tpu.memory_space<vmem>>, vector<1x16xf32>,
        %mul3A_1257 = arith.constant 128 : i32
        %mul3A_1258 = arith.muli %add3A_1233, %mul3A_1257 : i32
        %add3A_1259 = arith.constant 16 : i32
        %add3A_1260 = arith.addi %mul3A_1258, %add3A_1259 : i32
        %get3A_1261 = arith.index_cast %add3A_1260 : i32 to index
        %get3A_1262 = tpu.vector_load %arg14[%get3A_1261] {strides = array<i32>} : memref<10240xf32, #tpu.memory_space<vmem>>, vector<16xf32>,
        %get3A_1263 = vector.shape_cast %get3A_1262 : vector<16xf32> to vector<16xf32>
        %mul3A_1264 = arith.mulf %get3A_1263, %broadcast_in_dim3A_1243 : vector<16xf32>
        %swap3A_1265 = arith.index_cast %add3A_1233 : i32 to index
        %swap3A_1266 = arith.constant 16 : index
        %swap3A_1267 = tpu.vector_load %arg15[%swap3A_1265, %swap3A_1266] {strides = array<i32>} : memref<80x128xf32, #tpu.memory_space<vmem>>, vector<1x16xf32>,
        %swap3A_1268 = vector.shape_cast %swap3A_1267 : vector<1x16xf32> to vector<16xf32>
        %swap3A_1269 = vector.shape_cast %mul3A_1264 : vector<16xf32> to vector<1x16xf32>
        tpu.vector_store %arg15[%swap3A_1265, %swap3A_1266], %swap3A_1269 {strides = array<i32>} : memref<80x128xf32, #tpu.memory_space<vmem>>, vector<1x16xf32>,
        %slice3A_1270 = vector.extract_strided_slice %get3A_1240 {offsets = [1], sizes = [1], strides = [1]} : vector<16xf32> to vector<1xf32>
        %squeeze3A_1271 = vector.extract %slice3A_1270[0] : f32 from vector<1xf32>
        %broadcast_in_dim3A_1272 = vector.broadcast %squeeze3A_1271 : f32 to vector<16xf32>
        %mul3A_1273 = arith.constant 128 : i32
        %mul3A_1274 = arith.muli %add3A_1233, %mul3A_1273 : i32
        %add3A_1275 = arith.constant 32 : i32
        %add3A_1276 = arith.addi %mul3A_1274, %add3A_1275 : i32
        %get3A_1277 = arith.index_cast %add3A_1276 : i32 to index
        %get3A_1278 = tpu.vector_load %arg14[%get3A_1277] {strides = array<i32>} : memref<10240xf32, #tpu.memory_space<vmem>>, vector<16xf32>,
        %get3A_1279 = vector.shape_cast %get3A_1278 : vector<16xf32> to vector<16xf32>
        %mul3A_1280 = arith.mulf %get3A_1279, %broadcast_in_dim3A_1272 : vector<16xf32>
        %swap3A_1281 = arith.index_cast %add3A_1233 : i32 to index
        %swap3A_1282 = arith.constant 32 : index
        %swap3A_1283 = tpu.vector_load %arg15[%swap3A_1281, %swap3A_1282] {strides = array<i32>} : memref<80x128xf32, #tpu.memory_space<vmem>>, vector<1x16xf32>,
        %swap3A_1284 = vector.shape_cast %swap3A_1283 : vector<1x16xf32> to vector<16xf32>
        %swap3A_1285 = vector.shape_cast %mul3A_1280 : vector<16xf32> to vector<1x16xf32>
        tpu.vector_store %arg15[%swap3A_1281, %swap3A_1282], %swap3A_1285 {strides = array<i32>} : memref<80x128xf32, #tpu.memory_space<vmem>>, vector<1x16xf32>,
        %mul3A_1286 = arith.constant 128 : i32
        %mul3A_1287 = arith.muli %add3A_1233, %mul3A_1286 : i32
        %add3A_1288 = arith.constant 48 : i32
        %add3A_1289 = arith.addi %mul3A_1287, %add3A_1288 : i32
        %get3A_1290 = arith.index_cast %add3A_1289 : i32 to index
        %get3A_1291 = tpu.vector_load %arg14[%get3A_1290] {strides = array<i32>} : memref<10240xf32, #tpu.memory_space<vmem>>, vector<16xf32>,
        %get3A_1292 = vector.shape_cast %get3A_1291 : vector<16xf32> to vector<16xf32>
        %mul3A_1293 = arith.mulf %get3A_1292, %broadcast_in_dim3A_1272 : vector<16xf32>
        %swap3A_1294 = arith.index_cast %add3A_1233 : i32 to index
        %swap3A_1295 = arith.constant 48 : index
        %swap3A_1296 = tpu.vector_load %arg15[%swap3A_1294, %swap3A_1295] {strides = array<i32>} : memref<80x128xf32, #tpu.memory_space<vmem>>, vector<1x16xf32>,
        %swap3A_1297 = vector.shape_cast %swap3A_1296 : vector<1x16xf32> to vector<16xf32>
        %swap3A_1298 = vector.shape_cast %mul3A_1293 : vector<16xf32> to vector<1x16xf32>
        tpu.vector_store %arg15[%swap3A_1294, %swap3A_1295], %swap3A_1298 {strides = array<i32>} : memref<80x128xf32, #tpu.memory_space<vmem>>, vector<1x16xf32>,
        %slice3A_1299 = vector.extract_strided_slice %get3A_1240 {offsets = [2], sizes = [1], strides = [1]} : vector<16xf32> to vector<1xf32>
        %squeeze3A_1300 = vector.extract %slice3A_1299[0] : f32 from vector<1xf32>
        %broadcast_in_dim3A_1301 = vector.broadcast %squeeze3A_1300 : f32 to vector<16xf32>
        %mul3A_1302 = arith.constant 128 : i32
        %mul3A_1303 = arith.muli %add3A_1233, %mul3A_1302 : i32
        %add3A_1304 = arith.constant 64 : i32
        %add3A_1305 = arith.addi %mul3A_1303, %add3A_1304 : i32
        %get3A_1306 = arith.index_cast %add3A_1305 : i32 to index
        %get3A_1307 = tpu.vector_load %arg14[%get3A_1306] {strides = array<i32>} : memref<10240xf32, #tpu.memory_space<vmem>>, vector<16xf32>,
        %get3A_1308 = vector.shape_cast %get3A_1307 : vector<16xf32> to vector<16xf32>
        %mul3A_1309 = arith.mulf %get3A_1308, %broadcast_in_dim3A_1301 : vector<16xf32>
        %swap3A_1310 = arith.index_cast %add3A_1233 : i32 to index
        %swap3A_1311 = arith.constant 64 : index
        %swap3A_1312 = tpu.vector_load %arg15[%swap3A_1310, %swap3A_1311] {strides = array<i32>} : memref<80x128xf32, #tpu.memory_space<vmem>>, vector<1x16xf32>,
        %swap3A_1313 = vector.shape_cast %swap3A_1312 : vector<1x16xf32> to vector<16xf32>
        %swap3A_1314 = vector.shape_cast %mul3A_1309 : vector<16xf32> to vector<1x16xf32>
        tpu.vector_store %arg15[%swap3A_1310, %swap3A_1311], %swap3A_1314 {strides = array<i32>} : memref<80x128xf32, #tpu.memory_space<vmem>>, vector<1x16xf32>,
        %mul3A_1315 = arith.constant 128 : i32
        %mul3A_1316 = arith.muli %add3A_1233, %mul3A_1315 : i32
        %add3A_1317 = arith.constant 80 : i32
        %add3A_1318 = arith.addi %mul3A_1316, %add3A_1317 : i32
        %get3A_1319 = arith.index_cast %add3A_1318 : i32 to index
        %get3A_1320 = tpu.vector_load %arg14[%get3A_1319] {strides = array<i32>} : memref<10240xf32, #tpu.memory_space<vmem>>, vector<16xf32>,
        %get3A_1321 = vector.shape_cast %get3A_1320 : vector<16xf32> to vector<16xf32>
        %mul3A_1322 = arith.mulf %get3A_1321, %broadcast_in_dim3A_1301 : vector<16xf32>
        %swap3A_1323 = arith.index_cast %add3A_1233 : i32 to index
        %swap3A_1324 = arith.constant 80 : index
        %swap3A_1325 = tpu.vector_load %arg15[%swap3A_1323, %swap3A_1324] {strides = array<i32>} : memref<80x128xf32, #tpu.memory_space<vmem>>, vector<1x16xf32>,
        %swap3A_1326 = vector.shape_cast %swap3A_1325 : vector<1x16xf32> to vector<16xf32>
        %swap3A_1327 = vector.shape_cast %mul3A_1322 : vector<16xf32> to vector<1x16xf32>
        tpu.vector_store %arg15[%swap3A_1323, %swap3A_1324], %swap3A_1327 {strides = array<i32>} : memref<80x128xf32, #tpu.memory_space<vmem>>, vector<1x16xf32>,
        %slice3A_1328 = vector.extract_strided_slice %get3A_1240 {offsets = [3], sizes = [1], strides = [1]} : vector<16xf32> to vector<1xf32>
        %squeeze3A_1329 = vector.extract %slice3A_1328[0] : f32 from vector<1xf32>
        %broadcast_in_dim3A_1330 = vector.broadcast %squeeze3A_1329 : f32 to vector<16xf32>
        %mul3A_1331 = arith.constant 128 : i32
        %mul3A_1332 = arith.muli %add3A_1233, %mul3A_1331 : i32
        %add3A_1333 = arith.constant 96 : i32
        %add3A_1334 = arith.addi %mul3A_1332, %add3A_1333 : i32
        %get3A_1335 = arith.index_cast %add3A_1334 : i32 to index
        %get3A_1336 = tpu.vector_load %arg14[%get3A_1335] {strides = array<i32>} : memref<10240xf32, #tpu.memory_space<vmem>>, vector<16xf32>,
        %get3A_1337 = vector.shape_cast %get3A_1336 : vector<16xf32> to vector<16xf32>
        %mul3A_1338 = arith.mulf %get3A_1337, %broadcast_in_dim3A_1330 : vector<16xf32>
        %swap3A_1339 = arith.index_cast %add3A_1233 : i32 to index
        %swap3A_1340 = arith.constant 96 : index
        %swap3A_1341 = tpu.vector_load %arg15[%swap3A_1339, %swap3A_1340] {strides = array<i32>} : memref<80x128xf32, #tpu.memory_space<vmem>>, vector<1x16xf32>,
        %swap3A_1342 = vector.shape_cast %swap3A_1341 : vector<1x16xf32> to vector<16xf32>
        %swap3A_1343 = vector.shape_cast %mul3A_1338 : vector<16xf32> to vector<1x16xf32>
        tpu.vector_store %arg15[%swap3A_1339, %swap3A_1340], %swap3A_1343 {strides = array<i32>} : memref<80x128xf32, #tpu.memory_space<vmem>>, vector<1x16xf32>,
        %mul3A_1344 = arith.constant 128 : i32
        %mul3A_1345 = arith.muli %add3A_1233, %mul3A_1344 : i32
        %add3A_1346 = arith.constant 112 : i32
        %add3A_1347 = arith.addi %mul3A_1345, %add3A_1346 : i32
        %get3A_1348 = arith.index_cast %add3A_1347 : i32 to index
        %get3A_1349 = tpu.vector_load %arg14[%get3A_1348] {strides = array<i32>} : memref<10240xf32, #tpu.memory_space<vmem>>, vector<16xf32>,
        %get3A_1350 = vector.shape_cast %get3A_1349 : vector<16xf32> to vector<16xf32>
        %mul3A_1351 = arith.mulf %get3A_1350, %broadcast_in_dim3A_1330 : vector<16xf32>
        %swap3A_1352 = arith.index_cast %add3A_1233 : i32 to index
        %swap3A_1353 = arith.constant 112 : index
        %swap3A_1354 = tpu.vector_load %arg15[%swap3A_1352, %swap3A_1353] {strides = array<i32>} : memref<80x128xf32, #tpu.memory_space<vmem>>, vector<1x16xf32>,
        %swap3A_1355 = vector.shape_cast %swap3A_1354 : vector<1x16xf32> to vector<16xf32>
        %swap3A_1356 = vector.shape_cast %mul3A_1351 : vector<16xf32> to vector<1x16xf32>
        tpu.vector_store %arg15[%swap3A_1352, %swap3A_1353], %swap3A_1356 {strides = array<i32>} : memref<80x128xf32, #tpu.memory_space<vmem>>, vector<1x16xf32>,
        %jit3A_1357 = arith.constant 0.000000e+00 : f32
        %broadcast_in_dim3A_1358 = vector.broadcast %jit3A_1357 : f32 to vector<16xf32>
        %select_n3A_1359 = arith.select %lt3A_23, %get3A_1240, %broadcast_in_dim3A_1358 : vector<16xi1>, vector<16xf32>
        %and3A_1360 = arith.constant 3 : i32
        %and3A_1361 = arith.andi %squeeze3A_1235, %and3A_1360 : i32
        %mul3A_1362 = arith.constant 4 : i32
        %mul3A_1363 = arith.muli %and3A_1361, %mul3A_1362 : i32
        %and3A_1364 = arith.constant 31 : i32
        %and3A_1365 = arith.andi %squeeze3A_1235, %and3A_1364 : i32
        %shift_right_arithmetic3A_1366 = arith.constant 2 : i32
        %shift_right_arithmetic3A_1367 = arith.shrsi %and3A_1365, %shift_right_arithmetic3A_1366 : i32
        %swap3A_1368 = arith.index_cast %mul3A_1363 : i32 to index
        %swap3A_1369 = tpu.vector_load %arg18[%swap3A_1368] {strides = array<i32>} : memref<32xf32, #tpu.memory_space<vmem>>, vector<16xf32>,
        %swap3A_1370 = vector.shape_cast %swap3A_1369 : vector<16xf32> to vector<16xf32>
        %swap3A_1371 = vector.shape_cast %select_n3A_1359 : vector<16xf32> to vector<16xf32>
        tpu.vector_store %arg18[%swap3A_1368], %swap3A_1371 {strides = array<i32>} : memref<32xf32, #tpu.memory_space<vmem>>, vector<16xf32>,
        %get3A_1372 = arith.constant 0 : index
        %get3A_1373 = tpu.vector_load %arg18[%get3A_1372] {strides = array<i32>} : memref<32xf32, #tpu.memory_space<vmem>>, vector<16xf32>,
        %get3A_1374 = vector.shape_cast %get3A_1373 : vector<16xf32> to vector<16xf32>
        %swap3A_1375 = arith.index_cast %mul3A_1363 : i32 to index
        %swap3A_1376 = tpu.vector_load %arg18[%swap3A_1375] {strides = array<i32>} : memref<32xf32, #tpu.memory_space<vmem>>, vector<16xf32>,
        %swap3A_1377 = vector.shape_cast %swap3A_1376 : vector<16xf32> to vector<16xf32>
        %swap3A_1378 = vector.shape_cast %broadcast_in_dim3A_24 : vector<16xf32> to vector<16xf32>
        tpu.vector_store %arg18[%swap3A_1375], %swap3A_1378 {strides = array<i32>} : memref<32xf32, #tpu.memory_space<vmem>>, vector<16xf32>,
        %mul3A_1379 = arith.constant 16 : i32
        %mul3A_1380 = arith.muli %shift_right_arithmetic3A_1367, %mul3A_1379 : i32
        %swap3A_1381 = arith.index_cast %add3A_1233 : i32 to index
        %swap3A_1382 = arith.index_cast %mul3A_1380 : i32 to index
        %swap3A_1383 = tpu.vector_load %arg16[%swap3A_1381, %swap3A_1382] {strides = array<i32>} : memref<80x128xf32, #tpu.memory_space<vmem>>, vector<1x16xf32>,
        %swap3A_1384 = vector.shape_cast %swap3A_1383 : vector<1x16xf32> to vector<16xf32>
        %swap3A_1385 = vector.shape_cast %get3A_1374 : vector<16xf32> to vector<1x16xf32>
        tpu.vector_store %arg16[%swap3A_1381, %swap3A_1382], %swap3A_1385 {strides = array<i32>} : memref<80x128xf32, #tpu.memory_space<vmem>>, vector<1x16xf32>,
        %mul3A_1386 = arith.constant 16 : i32
        %mul3A_1387 = arith.muli %scan3A_294, %mul3A_1386 : i32
        %add3A_1388 = arith.constant 7 : i32
        %add3A_1389 = arith.addi %mul3A_1387, %add3A_1388 : i32
        %slice3A_1390 = vector.extract_strided_slice %get3A_299 {offsets = [7], sizes = [1], strides = [1]} : vector<16xi32> to vector<1xi32>
        %squeeze3A_1391 = vector.extract %slice3A_1390[0] : i32 from vector<1xi32>
        %mul3A_1392 = arith.constant 4 : i32
        %mul3A_1393 = arith.muli %add3A_1389, %mul3A_1392 : i32
        %get3A_1394 = arith.index_cast %mul3A_1393 : i32 to index
        %get3A_1395 = tpu.vector_load %arg17[%get3A_1394] {strides = array<i32>} : memref<336xf32, #tpu.memory_space<vmem>>, vector<16xf32>,
        %get3A_1396 = vector.shape_cast %get3A_1395 : vector<16xf32> to vector<16xf32>
        %slice3A_1397 = vector.extract_strided_slice %get3A_1396 {offsets = [0], sizes = [1], strides = [1]} : vector<16xf32> to vector<1xf32>
        %squeeze3A_1398 = vector.extract %slice3A_1397[0] : f32 from vector<1xf32>
        %broadcast_in_dim3A_1399 = vector.broadcast %squeeze3A_1398 : f32 to vector<16xf32>
        %mul3A_1400 = arith.constant 128 : i32
        %mul3A_1401 = arith.muli %add3A_1389, %mul3A_1400 : i32
        %add3A_1402 = arith.constant 0 : i32
        %add3A_1403 = arith.addi %mul3A_1401, %add3A_1402 : i32
        %get3A_1404 = arith.index_cast %add3A_1403 : i32 to index
        %get3A_1405 = tpu.vector_load %arg14[%get3A_1404] {strides = array<i32>} : memref<10240xf32, #tpu.memory_space<vmem>>, vector<16xf32>,
        %get3A_1406 = vector.shape_cast %get3A_1405 : vector<16xf32> to vector<16xf32>
        %mul3A_1407 = arith.mulf %get3A_1406, %broadcast_in_dim3A_1399 : vector<16xf32>
        %swap3A_1408 = arith.index_cast %add3A_1389 : i32 to index
        %swap3A_1409 = arith.constant 0 : index
        %swap3A_1410 = tpu.vector_load %arg15[%swap3A_1408, %swap3A_1409] {strides = array<i32>} : memref<80x128xf32, #tpu.memory_space<vmem>>, vector<1x16xf32>,
        %swap3A_1411 = vector.shape_cast %swap3A_1410 : vector<1x16xf32> to vector<16xf32>
        %swap3A_1412 = vector.shape_cast %mul3A_1407 : vector<16xf32> to vector<1x16xf32>
        tpu.vector_store %arg15[%swap3A_1408, %swap3A_1409], %swap3A_1412 {strides = array<i32>} : memref<80x128xf32, #tpu.memory_space<vmem>>, vector<1x16xf32>,
        %mul3A_1413 = arith.constant 128 : i32
        %mul3A_1414 = arith.muli %add3A_1389, %mul3A_1413 : i32
        %add3A_1415 = arith.constant 16 : i32
        %add3A_1416 = arith.addi %mul3A_1414, %add3A_1415 : i32
        %get3A_1417 = arith.index_cast %add3A_1416 : i32 to index
        %get3A_1418 = tpu.vector_load %arg14[%get3A_1417] {strides = array<i32>} : memref<10240xf32, #tpu.memory_space<vmem>>, vector<16xf32>,
        %get3A_1419 = vector.shape_cast %get3A_1418 : vector<16xf32> to vector<16xf32>
        %mul3A_1420 = arith.mulf %get3A_1419, %broadcast_in_dim3A_1399 : vector<16xf32>
        %swap3A_1421 = arith.index_cast %add3A_1389 : i32 to index
        %swap3A_1422 = arith.constant 16 : index
        %swap3A_1423 = tpu.vector_load %arg15[%swap3A_1421, %swap3A_1422] {strides = array<i32>} : memref<80x128xf32, #tpu.memory_space<vmem>>, vector<1x16xf32>,
        %swap3A_1424 = vector.shape_cast %swap3A_1423 : vector<1x16xf32> to vector<16xf32>
        %swap3A_1425 = vector.shape_cast %mul3A_1420 : vector<16xf32> to vector<1x16xf32>
        tpu.vector_store %arg15[%swap3A_1421, %swap3A_1422], %swap3A_1425 {strides = array<i32>} : memref<80x128xf32, #tpu.memory_space<vmem>>, vector<1x16xf32>,
        %slice3A_1426 = vector.extract_strided_slice %get3A_1396 {offsets = [1], sizes = [1], strides = [1]} : vector<16xf32> to vector<1xf32>
        %squeeze3A_1427 = vector.extract %slice3A_1426[0] : f32 from vector<1xf32>
        %broadcast_in_dim3A_1428 = vector.broadcast %squeeze3A_1427 : f32 to vector<16xf32>
        %mul3A_1429 = arith.constant 128 : i32
        %mul3A_1430 = arith.muli %add3A_1389, %mul3A_1429 : i32
        %add3A_1431 = arith.constant 32 : i32
        %add3A_1432 = arith.addi %mul3A_1430, %add3A_1431 : i32
        %get3A_1433 = arith.index_cast %add3A_1432 : i32 to index
        %get3A_1434 = tpu.vector_load %arg14[%get3A_1433] {strides = array<i32>} : memref<10240xf32, #tpu.memory_space<vmem>>, vector<16xf32>,
        %get3A_1435 = vector.shape_cast %get3A_1434 : vector<16xf32> to vector<16xf32>
        %mul3A_1436 = arith.mulf %get3A_1435, %broadcast_in_dim3A_1428 : vector<16xf32>
        %swap3A_1437 = arith.index_cast %add3A_1389 : i32 to index
        %swap3A_1438 = arith.constant 32 : index
        %swap3A_1439 = tpu.vector_load %arg15[%swap3A_1437, %swap3A_1438] {strides = array<i32>} : memref<80x128xf32, #tpu.memory_space<vmem>>, vector<1x16xf32>,
        %swap3A_1440 = vector.shape_cast %swap3A_1439 : vector<1x16xf32> to vector<16xf32>
        %swap3A_1441 = vector.shape_cast %mul3A_1436 : vector<16xf32> to vector<1x16xf32>
        tpu.vector_store %arg15[%swap3A_1437, %swap3A_1438], %swap3A_1441 {strides = array<i32>} : memref<80x128xf32, #tpu.memory_space<vmem>>, vector<1x16xf32>,
        %mul3A_1442 = arith.constant 128 : i32
        %mul3A_1443 = arith.muli %add3A_1389, %mul3A_1442 : i32
        %add3A_1444 = arith.constant 48 : i32
        %add3A_1445 = arith.addi %mul3A_1443, %add3A_1444 : i32
        %get3A_1446 = arith.index_cast %add3A_1445 : i32 to index
        %get3A_1447 = tpu.vector_load %arg14[%get3A_1446] {strides = array<i32>} : memref<10240xf32, #tpu.memory_space<vmem>>, vector<16xf32>,
        %get3A_1448 = vector.shape_cast %get3A_1447 : vector<16xf32> to vector<16xf32>
        %mul3A_1449 = arith.mulf %get3A_1448, %broadcast_in_dim3A_1428 : vector<16xf32>
        %swap3A_1450 = arith.index_cast %add3A_1389 : i32 to index
        %swap3A_1451 = arith.constant 48 : index
        %swap3A_1452 = tpu.vector_load %arg15[%swap3A_1450, %swap3A_1451] {strides = array<i32>} : memref<80x128xf32, #tpu.memory_space<vmem>>, vector<1x16xf32>,
        %swap3A_1453 = vector.shape_cast %swap3A_1452 : vector<1x16xf32> to vector<16xf32>
        %swap3A_1454 = vector.shape_cast %mul3A_1449 : vector<16xf32> to vector<1x16xf32>
        tpu.vector_store %arg15[%swap3A_1450, %swap3A_1451], %swap3A_1454 {strides = array<i32>} : memref<80x128xf32, #tpu.memory_space<vmem>>, vector<1x16xf32>,
        %slice3A_1455 = vector.extract_strided_slice %get3A_1396 {offsets = [2], sizes = [1], strides = [1]} : vector<16xf32> to vector<1xf32>
        %squeeze3A_1456 = vector.extract %slice3A_1455[0] : f32 from vector<1xf32>
        %broadcast_in_dim3A_1457 = vector.broadcast %squeeze3A_1456 : f32 to vector<16xf32>
        %mul3A_1458 = arith.constant 128 : i32
        %mul3A_1459 = arith.muli %add3A_1389, %mul3A_1458 : i32
        %add3A_1460 = arith.constant 64 : i32
        %add3A_1461 = arith.addi %mul3A_1459, %add3A_1460 : i32
        %get3A_1462 = arith.index_cast %add3A_1461 : i32 to index
        %get3A_1463 = tpu.vector_load %arg14[%get3A_1462] {strides = array<i32>} : memref<10240xf32, #tpu.memory_space<vmem>>, vector<16xf32>,
        %get3A_1464 = vector.shape_cast %get3A_1463 : vector<16xf32> to vector<16xf32>
        %mul3A_1465 = arith.mulf %get3A_1464, %broadcast_in_dim3A_1457 : vector<16xf32>
        %swap3A_1466 = arith.index_cast %add3A_1389 : i32 to index
        %swap3A_1467 = arith.constant 64 : index
        %swap3A_1468 = tpu.vector_load %arg15[%swap3A_1466, %swap3A_1467] {strides = array<i32>} : memref<80x128xf32, #tpu.memory_space<vmem>>, vector<1x16xf32>,
        %swap3A_1469 = vector.shape_cast %swap3A_1468 : vector<1x16xf32> to vector<16xf32>
        %swap3A_1470 = vector.shape_cast %mul3A_1465 : vector<16xf32> to vector<1x16xf32>
        tpu.vector_store %arg15[%swap3A_1466, %swap3A_1467], %swap3A_1470 {strides = array<i32>} : memref<80x128xf32, #tpu.memory_space<vmem>>, vector<1x16xf32>,
        %mul3A_1471 = arith.constant 128 : i32
        %mul3A_1472 = arith.muli %add3A_1389, %mul3A_1471 : i32
        %add3A_1473 = arith.constant 80 : i32
        %add3A_1474 = arith.addi %mul3A_1472, %add3A_1473 : i32
        %get3A_1475 = arith.index_cast %add3A_1474 : i32 to index
        %get3A_1476 = tpu.vector_load %arg14[%get3A_1475] {strides = array<i32>} : memref<10240xf32, #tpu.memory_space<vmem>>, vector<16xf32>,
        %get3A_1477 = vector.shape_cast %get3A_1476 : vector<16xf32> to vector<16xf32>
        %mul3A_1478 = arith.mulf %get3A_1477, %broadcast_in_dim3A_1457 : vector<16xf32>
        %swap3A_1479 = arith.index_cast %add3A_1389 : i32 to index
        %swap3A_1480 = arith.constant 80 : index
        %swap3A_1481 = tpu.vector_load %arg15[%swap3A_1479, %swap3A_1480] {strides = array<i32>} : memref<80x128xf32, #tpu.memory_space<vmem>>, vector<1x16xf32>,
        %swap3A_1482 = vector.shape_cast %swap3A_1481 : vector<1x16xf32> to vector<16xf32>
        %swap3A_1483 = vector.shape_cast %mul3A_1478 : vector<16xf32> to vector<1x16xf32>
        tpu.vector_store %arg15[%swap3A_1479, %swap3A_1480], %swap3A_1483 {strides = array<i32>} : memref<80x128xf32, #tpu.memory_space<vmem>>, vector<1x16xf32>,
        %slice3A_1484 = vector.extract_strided_slice %get3A_1396 {offsets = [3], sizes = [1], strides = [1]} : vector<16xf32> to vector<1xf32>
        %squeeze3A_1485 = vector.extract %slice3A_1484[0] : f32 from vector<1xf32>
        %broadcast_in_dim3A_1486 = vector.broadcast %squeeze3A_1485 : f32 to vector<16xf32>
        %mul3A_1487 = arith.constant 128 : i32
        %mul3A_1488 = arith.muli %add3A_1389, %mul3A_1487 : i32
        %add3A_1489 = arith.constant 96 : i32
        %add3A_1490 = arith.addi %mul3A_1488, %add3A_1489 : i32
        %get3A_1491 = arith.index_cast %add3A_1490 : i32 to index
        %get3A_1492 = tpu.vector_load %arg14[%get3A_1491] {strides = array<i32>} : memref<10240xf32, #tpu.memory_space<vmem>>, vector<16xf32>,
        %get3A_1493 = vector.shape_cast %get3A_1492 : vector<16xf32> to vector<16xf32>
        %mul3A_1494 = arith.mulf %get3A_1493, %broadcast_in_dim3A_1486 : vector<16xf32>
        %swap3A_1495 = arith.index_cast %add3A_1389 : i32 to index
        %swap3A_1496 = arith.constant 96 : index
        %swap3A_1497 = tpu.vector_load %arg15[%swap3A_1495, %swap3A_1496] {strides = array<i32>} : memref<80x128xf32, #tpu.memory_space<vmem>>, vector<1x16xf32>,
        %swap3A_1498 = vector.shape_cast %swap3A_1497 : vector<1x16xf32> to vector<16xf32>
        %swap3A_1499 = vector.shape_cast %mul3A_1494 : vector<16xf32> to vector<1x16xf32>
        tpu.vector_store %arg15[%swap3A_1495, %swap3A_1496], %swap3A_1499 {strides = array<i32>} : memref<80x128xf32, #tpu.memory_space<vmem>>, vector<1x16xf32>,
        %mul3A_1500 = arith.constant 128 : i32
        %mul3A_1501 = arith.muli %add3A_1389, %mul3A_1500 : i32
        %add3A_1502 = arith.constant 112 : i32
        %add3A_1503 = arith.addi %mul3A_1501, %add3A_1502 : i32
        %get3A_1504 = arith.index_cast %add3A_1503 : i32 to index
        %get3A_1505 = tpu.vector_load %arg14[%get3A_1504] {strides = array<i32>} : memref<10240xf32, #tpu.memory_space<vmem>>, vector<16xf32>,
        %get3A_1506 = vector.shape_cast %get3A_1505 : vector<16xf32> to vector<16xf32>
        %mul3A_1507 = arith.mulf %get3A_1506, %broadcast_in_dim3A_1486 : vector<16xf32>
        %swap3A_1508 = arith.index_cast %add3A_1389 : i32 to index
        %swap3A_1509 = arith.constant 112 : index
        %swap3A_1510 = tpu.vector_load %arg15[%swap3A_1508, %swap3A_1509] {strides = array<i32>} : memref<80x128xf32, #tpu.memory_space<vmem>>, vector<1x16xf32>,
        %swap3A_1511 = vector.shape_cast %swap3A_1510 : vector<1x16xf32> to vector<16xf32>
        %swap3A_1512 = vector.shape_cast %mul3A_1507 : vector<16xf32> to vector<1x16xf32>
        tpu.vector_store %arg15[%swap3A_1508, %swap3A_1509], %swap3A_1512 {strides = array<i32>} : memref<80x128xf32, #tpu.memory_space<vmem>>, vector<1x16xf32>,
        %jit3A_1513 = arith.constant 0.000000e+00 : f32
        %broadcast_in_dim3A_1514 = vector.broadcast %jit3A_1513 : f32 to vector<16xf32>
        %select_n3A_1515 = arith.select %lt3A_23, %get3A_1396, %broadcast_in_dim3A_1514 : vector<16xi1>, vector<16xf32>
        %and3A_1516 = arith.constant 3 : i32
        %and3A_1517 = arith.andi %squeeze3A_1391, %and3A_1516 : i32
        %mul3A_1518 = arith.constant 4 : i32
        %mul3A_1519 = arith.muli %and3A_1517, %mul3A_1518 : i32
        %and3A_1520 = arith.constant 31 : i32
        %and3A_1521 = arith.andi %squeeze3A_1391, %and3A_1520 : i32
        %shift_right_arithmetic3A_1522 = arith.constant 2 : i32
        %shift_right_arithmetic3A_1523 = arith.shrsi %and3A_1521, %shift_right_arithmetic3A_1522 : i32
        %swap3A_1524 = arith.index_cast %mul3A_1519 : i32 to index
        %swap3A_1525 = tpu.vector_load %arg18[%swap3A_1524] {strides = array<i32>} : memref<32xf32, #tpu.memory_space<vmem>>, vector<16xf32>,
        %swap3A_1526 = vector.shape_cast %swap3A_1525 : vector<16xf32> to vector<16xf32>
        %swap3A_1527 = vector.shape_cast %select_n3A_1515 : vector<16xf32> to vector<16xf32>
        tpu.vector_store %arg18[%swap3A_1524], %swap3A_1527 {strides = array<i32>} : memref<32xf32, #tpu.memory_space<vmem>>, vector<16xf32>,
        %get3A_1528 = arith.constant 0 : index
        %get3A_1529 = tpu.vector_load %arg18[%get3A_1528] {strides = array<i32>} : memref<32xf32, #tpu.memory_space<vmem>>, vector<16xf32>,
        %get3A_1530 = vector.shape_cast %get3A_1529 : vector<16xf32> to vector<16xf32>
        %swap3A_1531 = arith.index_cast %mul3A_1519 : i32 to index
        %swap3A_1532 = tpu.vector_load %arg18[%swap3A_1531] {strides = array<i32>} : memref<32xf32, #tpu.memory_space<vmem>>, vector<16xf32>,
        %swap3A_1533 = vector.shape_cast %swap3A_1532 : vector<16xf32> to vector<16xf32>
        %swap3A_1534 = vector.shape_cast %broadcast_in_dim3A_24 : vector<16xf32> to vector<16xf32>
        tpu.vector_store %arg18[%swap3A_1531], %swap3A_1534 {strides = array<i32>} : memref<32xf32, #tpu.memory_space<vmem>>, vector<16xf32>,
        %mul3A_1535 = arith.constant 16 : i32
        %mul3A_1536 = arith.muli %shift_right_arithmetic3A_1523, %mul3A_1535 : i32
        %swap3A_1537 = arith.index_cast %add3A_1389 : i32 to index
        %swap3A_1538 = arith.index_cast %mul3A_1536 : i32 to index
        %swap3A_1539 = tpu.vector_load %arg16[%swap3A_1537, %swap3A_1538] {strides = array<i32>} : memref<80x128xf32, #tpu.memory_space<vmem>>, vector<1x16xf32>,
        %swap3A_1540 = vector.shape_cast %swap3A_1539 : vector<1x16xf32> to vector<16xf32>
        %swap3A_1541 = vector.shape_cast %get3A_1530 : vector<16xf32> to vector<1x16xf32>
        tpu.vector_store %arg16[%swap3A_1537, %swap3A_1538], %swap3A_1541 {strides = array<i32>} : memref<80x128xf32, #tpu.memory_space<vmem>>, vector<1x16xf32>,
        %mul3A_1542 = arith.constant 16 : i32
        %mul3A_1543 = arith.muli %scan3A_294, %mul3A_1542 : i32
        %add3A_1544 = arith.constant 8 : i32
        %add3A_1545 = arith.addi %mul3A_1543, %add3A_1544 : i32
        %slice3A_1546 = vector.extract_strided_slice %get3A_299 {offsets = [8], sizes = [1], strides = [1]} : vector<16xi32> to vector<1xi32>
        %squeeze3A_1547 = vector.extract %slice3A_1546[0] : i32 from vector<1xi32>
        %mul3A_1548 = arith.constant 4 : i32
        %mul3A_1549 = arith.muli %add3A_1545, %mul3A_1548 : i32
        %get3A_1550 = arith.index_cast %mul3A_1549 : i32 to index
        %get3A_1551 = tpu.vector_load %arg17[%get3A_1550] {strides = array<i32>} : memref<336xf32, #tpu.memory_space<vmem>>, vector<16xf32>,
        %get3A_1552 = vector.shape_cast %get3A_1551 : vector<16xf32> to vector<16xf32>
        %slice3A_1553 = vector.extract_strided_slice %get3A_1552 {offsets = [0], sizes = [1], strides = [1]} : vector<16xf32> to vector<1xf32>
        %squeeze3A_1554 = vector.extract %slice3A_1553[0] : f32 from vector<1xf32>
        %broadcast_in_dim3A_1555 = vector.broadcast %squeeze3A_1554 : f32 to vector<16xf32>
        %mul3A_1556 = arith.constant 128 : i32
        %mul3A_1557 = arith.muli %add3A_1545, %mul3A_1556 : i32
        %add3A_1558 = arith.constant 0 : i32
        %add3A_1559 = arith.addi %mul3A_1557, %add3A_1558 : i32
        %get3A_1560 = arith.index_cast %add3A_1559 : i32 to index
        %get3A_1561 = tpu.vector_load %arg14[%get3A_1560] {strides = array<i32>} : memref<10240xf32, #tpu.memory_space<vmem>>, vector<16xf32>,
        %get3A_1562 = vector.shape_cast %get3A_1561 : vector<16xf32> to vector<16xf32>
        %mul3A_1563 = arith.mulf %get3A_1562, %broadcast_in_dim3A_1555 : vector<16xf32>
        %swap3A_1564 = arith.index_cast %add3A_1545 : i32 to index
        %swap3A_1565 = arith.constant 0 : index
        %swap3A_1566 = tpu.vector_load %arg15[%swap3A_1564, %swap3A_1565] {strides = array<i32>} : memref<80x128xf32, #tpu.memory_space<vmem>>, vector<1x16xf32>,
        %swap3A_1567 = vector.shape_cast %swap3A_1566 : vector<1x16xf32> to vector<16xf32>
        %swap3A_1568 = vector.shape_cast %mul3A_1563 : vector<16xf32> to vector<1x16xf32>
        tpu.vector_store %arg15[%swap3A_1564, %swap3A_1565], %swap3A_1568 {strides = array<i32>} : memref<80x128xf32, #tpu.memory_space<vmem>>, vector<1x16xf32>,
        %mul3A_1569 = arith.constant 128 : i32
        %mul3A_1570 = arith.muli %add3A_1545, %mul3A_1569 : i32
        %add3A_1571 = arith.constant 16 : i32
        %add3A_1572 = arith.addi %mul3A_1570, %add3A_1571 : i32
        %get3A_1573 = arith.index_cast %add3A_1572 : i32 to index
        %get3A_1574 = tpu.vector_load %arg14[%get3A_1573] {strides = array<i32>} : memref<10240xf32, #tpu.memory_space<vmem>>, vector<16xf32>,
        %get3A_1575 = vector.shape_cast %get3A_1574 : vector<16xf32> to vector<16xf32>
        %mul3A_1576 = arith.mulf %get3A_1575, %broadcast_in_dim3A_1555 : vector<16xf32>
        %swap3A_1577 = arith.index_cast %add3A_1545 : i32 to index
        %swap3A_1578 = arith.constant 16 : index
        %swap3A_1579 = tpu.vector_load %arg15[%swap3A_1577, %swap3A_1578] {strides = array<i32>} : memref<80x128xf32, #tpu.memory_space<vmem>>, vector<1x16xf32>,
        %swap3A_1580 = vector.shape_cast %swap3A_1579 : vector<1x16xf32> to vector<16xf32>
        %swap3A_1581 = vector.shape_cast %mul3A_1576 : vector<16xf32> to vector<1x16xf32>
        tpu.vector_store %arg15[%swap3A_1577, %swap3A_1578], %swap3A_1581 {strides = array<i32>} : memref<80x128xf32, #tpu.memory_space<vmem>>, vector<1x16xf32>,
        %slice3A_1582 = vector.extract_strided_slice %get3A_1552 {offsets = [1], sizes = [1], strides = [1]} : vector<16xf32> to vector<1xf32>
        %squeeze3A_1583 = vector.extract %slice3A_1582[0] : f32 from vector<1xf32>
        %broadcast_in_dim3A_1584 = vector.broadcast %squeeze3A_1583 : f32 to vector<16xf32>
        %mul3A_1585 = arith.constant 128 : i32
        %mul3A_1586 = arith.muli %add3A_1545, %mul3A_1585 : i32
        %add3A_1587 = arith.constant 32 : i32
        %add3A_1588 = arith.addi %mul3A_1586, %add3A_1587 : i32
        %get3A_1589 = arith.index_cast %add3A_1588 : i32 to index
        %get3A_1590 = tpu.vector_load %arg14[%get3A_1589] {strides = array<i32>} : memref<10240xf32, #tpu.memory_space<vmem>>, vector<16xf32>,
        %get3A_1591 = vector.shape_cast %get3A_1590 : vector<16xf32> to vector<16xf32>
        %mul3A_1592 = arith.mulf %get3A_1591, %broadcast_in_dim3A_1584 : vector<16xf32>
        %swap3A_1593 = arith.index_cast %add3A_1545 : i32 to index
        %swap3A_1594 = arith.constant 32 : index
        %swap3A_1595 = tpu.vector_load %arg15[%swap3A_1593, %swap3A_1594] {strides = array<i32>} : memref<80x128xf32, #tpu.memory_space<vmem>>, vector<1x16xf32>,
        %swap3A_1596 = vector.shape_cast %swap3A_1595 : vector<1x16xf32> to vector<16xf32>
        %swap3A_1597 = vector.shape_cast %mul3A_1592 : vector<16xf32> to vector<1x16xf32>
        tpu.vector_store %arg15[%swap3A_1593, %swap3A_1594], %swap3A_1597 {strides = array<i32>} : memref<80x128xf32, #tpu.memory_space<vmem>>, vector<1x16xf32>,
        %mul3A_1598 = arith.constant 128 : i32
        %mul3A_1599 = arith.muli %add3A_1545, %mul3A_1598 : i32
        %add3A_1600 = arith.constant 48 : i32
        %add3A_1601 = arith.addi %mul3A_1599, %add3A_1600 : i32
        %get3A_1602 = arith.index_cast %add3A_1601 : i32 to index
        %get3A_1603 = tpu.vector_load %arg14[%get3A_1602] {strides = array<i32>} : memref<10240xf32, #tpu.memory_space<vmem>>, vector<16xf32>,
        %get3A_1604 = vector.shape_cast %get3A_1603 : vector<16xf32> to vector<16xf32>
        %mul3A_1605 = arith.mulf %get3A_1604, %broadcast_in_dim3A_1584 : vector<16xf32>
        %swap3A_1606 = arith.index_cast %add3A_1545 : i32 to index
        %swap3A_1607 = arith.constant 48 : index
        %swap3A_1608 = tpu.vector_load %arg15[%swap3A_1606, %swap3A_1607] {strides = array<i32>} : memref<80x128xf32, #tpu.memory_space<vmem>>, vector<1x16xf32>,
        %swap3A_1609 = vector.shape_cast %swap3A_1608 : vector<1x16xf32> to vector<16xf32>
        %swap3A_1610 = vector.shape_cast %mul3A_1605 : vector<16xf32> to vector<1x16xf32>
        tpu.vector_store %arg15[%swap3A_1606, %swap3A_1607], %swap3A_1610 {strides = array<i32>} : memref<80x128xf32, #tpu.memory_space<vmem>>, vector<1x16xf32>,
        %slice3A_1611 = vector.extract_strided_slice %get3A_1552 {offsets = [2], sizes = [1], strides = [1]} : vector<16xf32> to vector<1xf32>
        %squeeze3A_1612 = vector.extract %slice3A_1611[0] : f32 from vector<1xf32>
        %broadcast_in_dim3A_1613 = vector.broadcast %squeeze3A_1612 : f32 to vector<16xf32>
        %mul3A_1614 = arith.constant 128 : i32
        %mul3A_1615 = arith.muli %add3A_1545, %mul3A_1614 : i32
        %add3A_1616 = arith.constant 64 : i32
        %add3A_1617 = arith.addi %mul3A_1615, %add3A_1616 : i32
        %get3A_1618 = arith.index_cast %add3A_1617 : i32 to index
        %get3A_1619 = tpu.vector_load %arg14[%get3A_1618] {strides = array<i32>} : memref<10240xf32, #tpu.memory_space<vmem>>, vector<16xf32>,
        %get3A_1620 = vector.shape_cast %get3A_1619 : vector<16xf32> to vector<16xf32>
        %mul3A_1621 = arith.mulf %get3A_1620, %broadcast_in_dim3A_1613 : vector<16xf32>
        %swap3A_1622 = arith.index_cast %add3A_1545 : i32 to index
        %swap3A_1623 = arith.constant 64 : index
        %swap3A_1624 = tpu.vector_load %arg15[%swap3A_1622, %swap3A_1623] {strides = array<i32>} : memref<80x128xf32, #tpu.memory_space<vmem>>, vector<1x16xf32>,
        %swap3A_1625 = vector.shape_cast %swap3A_1624 : vector<1x16xf32> to vector<16xf32>
        %swap3A_1626 = vector.shape_cast %mul3A_1621 : vector<16xf32> to vector<1x16xf32>
        tpu.vector_store %arg15[%swap3A_1622, %swap3A_1623], %swap3A_1626 {strides = array<i32>} : memref<80x128xf32, #tpu.memory_space<vmem>>, vector<1x16xf32>,
        %mul3A_1627 = arith.constant 128 : i32
        %mul3A_1628 = arith.muli %add3A_1545, %mul3A_1627 : i32
        %add3A_1629 = arith.constant 80 : i32
        %add3A_1630 = arith.addi %mul3A_1628, %add3A_1629 : i32
        %get3A_1631 = arith.index_cast %add3A_1630 : i32 to index
        %get3A_1632 = tpu.vector_load %arg14[%get3A_1631] {strides = array<i32>} : memref<10240xf32, #tpu.memory_space<vmem>>, vector<16xf32>,
        %get3A_1633 = vector.shape_cast %get3A_1632 : vector<16xf32> to vector<16xf32>
        %mul3A_1634 = arith.mulf %get3A_1633, %broadcast_in_dim3A_1613 : vector<16xf32>
        %swap3A_1635 = arith.index_cast %add3A_1545 : i32 to index
        %swap3A_1636 = arith.constant 80 : index
        %swap3A_1637 = tpu.vector_load %arg15[%swap3A_1635, %swap3A_1636] {strides = array<i32>} : memref<80x128xf32, #tpu.memory_space<vmem>>, vector<1x16xf32>,
        %swap3A_1638 = vector.shape_cast %swap3A_1637 : vector<1x16xf32> to vector<16xf32>
        %swap3A_1639 = vector.shape_cast %mul3A_1634 : vector<16xf32> to vector<1x16xf32>
        tpu.vector_store %arg15[%swap3A_1635, %swap3A_1636], %swap3A_1639 {strides = array<i32>} : memref<80x128xf32, #tpu.memory_space<vmem>>, vector<1x16xf32>,
        %slice3A_1640 = vector.extract_strided_slice %get3A_1552 {offsets = [3], sizes = [1], strides = [1]} : vector<16xf32> to vector<1xf32>
        %squeeze3A_1641 = vector.extract %slice3A_1640[0] : f32 from vector<1xf32>
        %broadcast_in_dim3A_1642 = vector.broadcast %squeeze3A_1641 : f32 to vector<16xf32>
        %mul3A_1643 = arith.constant 128 : i32
        %mul3A_1644 = arith.muli %add3A_1545, %mul3A_1643 : i32
        %add3A_1645 = arith.constant 96 : i32
        %add3A_1646 = arith.addi %mul3A_1644, %add3A_1645 : i32
        %get3A_1647 = arith.index_cast %add3A_1646 : i32 to index
        %get3A_1648 = tpu.vector_load %arg14[%get3A_1647] {strides = array<i32>} : memref<10240xf32, #tpu.memory_space<vmem>>, vector<16xf32>,
        %get3A_1649 = vector.shape_cast %get3A_1648 : vector<16xf32> to vector<16xf32>
        %mul3A_1650 = arith.mulf %get3A_1649, %broadcast_in_dim3A_1642 : vector<16xf32>
        %swap3A_1651 = arith.index_cast %add3A_1545 : i32 to index
        %swap3A_1652 = arith.constant 96 : index
        %swap3A_1653 = tpu.vector_load %arg15[%swap3A_1651, %swap3A_1652] {strides = array<i32>} : memref<80x128xf32, #tpu.memory_space<vmem>>, vector<1x16xf32>,
        %swap3A_1654 = vector.shape_cast %swap3A_1653 : vector<1x16xf32> to vector<16xf32>
        %swap3A_1655 = vector.shape_cast %mul3A_1650 : vector<16xf32> to vector<1x16xf32>
        tpu.vector_store %arg15[%swap3A_1651, %swap3A_1652], %swap3A_1655 {strides = array<i32>} : memref<80x128xf32, #tpu.memory_space<vmem>>, vector<1x16xf32>,
        %mul3A_1656 = arith.constant 128 : i32
        %mul3A_1657 = arith.muli %add3A_1545, %mul3A_1656 : i32
        %add3A_1658 = arith.constant 112 : i32
        %add3A_1659 = arith.addi %mul3A_1657, %add3A_1658 : i32
        %get3A_1660 = arith.index_cast %add3A_1659 : i32 to index
        %get3A_1661 = tpu.vector_load %arg14[%get3A_1660] {strides = array<i32>} : memref<10240xf32, #tpu.memory_space<vmem>>, vector<16xf32>,
        %get3A_1662 = vector.shape_cast %get3A_1661 : vector<16xf32> to vector<16xf32>
        %mul3A_1663 = arith.mulf %get3A_1662, %broadcast_in_dim3A_1642 : vector<16xf32>
        %swap3A_1664 = arith.index_cast %add3A_1545 : i32 to index
        %swap3A_1665 = arith.constant 112 : index
        %swap3A_1666 = tpu.vector_load %arg15[%swap3A_1664, %swap3A_1665] {strides = array<i32>} : memref<80x128xf32, #tpu.memory_space<vmem>>, vector<1x16xf32>,
        %swap3A_1667 = vector.shape_cast %swap3A_1666 : vector<1x16xf32> to vector<16xf32>
        %swap3A_1668 = vector.shape_cast %mul3A_1663 : vector<16xf32> to vector<1x16xf32>
        tpu.vector_store %arg15[%swap3A_1664, %swap3A_1665], %swap3A_1668 {strides = array<i32>} : memref<80x128xf32, #tpu.memory_space<vmem>>, vector<1x16xf32>,
        %jit3A_1669 = arith.constant 0.000000e+00 : f32
        %broadcast_in_dim3A_1670 = vector.broadcast %jit3A_1669 : f32 to vector<16xf32>
        %select_n3A_1671 = arith.select %lt3A_23, %get3A_1552, %broadcast_in_dim3A_1670 : vector<16xi1>, vector<16xf32>
        %and3A_1672 = arith.constant 3 : i32
        %and3A_1673 = arith.andi %squeeze3A_1547, %and3A_1672 : i32
        %mul3A_1674 = arith.constant 4 : i32
        %mul3A_1675 = arith.muli %and3A_1673, %mul3A_1674 : i32
        %and3A_1676 = arith.constant 31 : i32
        %and3A_1677 = arith.andi %squeeze3A_1547, %and3A_1676 : i32
        %shift_right_arithmetic3A_1678 = arith.constant 2 : i32
        %shift_right_arithmetic3A_1679 = arith.shrsi %and3A_1677, %shift_right_arithmetic3A_1678 : i32
        %swap3A_1680 = arith.index_cast %mul3A_1675 : i32 to index
        %swap3A_1681 = tpu.vector_load %arg18[%swap3A_1680] {strides = array<i32>} : memref<32xf32, #tpu.memory_space<vmem>>, vector<16xf32>,
        %swap3A_1682 = vector.shape_cast %swap3A_1681 : vector<16xf32> to vector<16xf32>
        %swap3A_1683 = vector.shape_cast %select_n3A_1671 : vector<16xf32> to vector<16xf32>
        tpu.vector_store %arg18[%swap3A_1680], %swap3A_1683 {strides = array<i32>} : memref<32xf32, #tpu.memory_space<vmem>>, vector<16xf32>,
        %get3A_1684 = arith.constant 0 : index
        %get3A_1685 = tpu.vector_load %arg18[%get3A_1684] {strides = array<i32>} : memref<32xf32, #tpu.memory_space<vmem>>, vector<16xf32>,
        %get3A_1686 = vector.shape_cast %get3A_1685 : vector<16xf32> to vector<16xf32>
        %swap3A_1687 = arith.index_cast %mul3A_1675 : i32 to index
        %swap3A_1688 = tpu.vector_load %arg18[%swap3A_1687] {strides = array<i32>} : memref<32xf32, #tpu.memory_space<vmem>>, vector<16xf32>,
        %swap3A_1689 = vector.shape_cast %swap3A_1688 : vector<16xf32> to vector<16xf32>
        %swap3A_1690 = vector.shape_cast %broadcast_in_dim3A_24 : vector<16xf32> to vector<16xf32>
        tpu.vector_store %arg18[%swap3A_1687], %swap3A_1690 {strides = array<i32>} : memref<32xf32, #tpu.memory_space<vmem>>, vector<16xf32>,
        %mul3A_1691 = arith.constant 16 : i32
        %mul3A_1692 = arith.muli %shift_right_arithmetic3A_1679, %mul3A_1691 : i32
        %swap3A_1693 = arith.index_cast %add3A_1545 : i32 to index
        %swap3A_1694 = arith.index_cast %mul3A_1692 : i32 to index
        %swap3A_1695 = tpu.vector_load %arg16[%swap3A_1693, %swap3A_1694] {strides = array<i32>} : memref<80x128xf32, #tpu.memory_space<vmem>>, vector<1x16xf32>,
        %swap3A_1696 = vector.shape_cast %swap3A_1695 : vector<1x16xf32> to vector<16xf32>
        %swap3A_1697 = vector.shape_cast %get3A_1686 : vector<16xf32> to vector<1x16xf32>
        tpu.vector_store %arg16[%swap3A_1693, %swap3A_1694], %swap3A_1697 {strides = array<i32>} : memref<80x128xf32, #tpu.memory_space<vmem>>, vector<1x16xf32>,
        %mul3A_1698 = arith.constant 16 : i32
        %mul3A_1699 = arith.muli %scan3A_294, %mul3A_1698 : i32
        %add3A_1700 = arith.constant 9 : i32
        %add3A_1701 = arith.addi %mul3A_1699, %add3A_1700 : i32
        %slice3A_1702 = vector.extract_strided_slice %get3A_299 {offsets = [9], sizes = [1], strides = [1]} : vector<16xi32> to vector<1xi32>
        %squeeze3A_1703 = vector.extract %slice3A_1702[0] : i32 from vector<1xi32>
        %mul3A_1704 = arith.constant 4 : i32
        %mul3A_1705 = arith.muli %add3A_1701, %mul3A_1704 : i32
        %get3A_1706 = arith.index_cast %mul3A_1705 : i32 to index
        %get3A_1707 = tpu.vector_load %arg17[%get3A_1706] {strides = array<i32>} : memref<336xf32, #tpu.memory_space<vmem>>, vector<16xf32>,
        %get3A_1708 = vector.shape_cast %get3A_1707 : vector<16xf32> to vector<16xf32>
        %slice3A_1709 = vector.extract_strided_slice %get3A_1708 {offsets = [0], sizes = [1], strides = [1]} : vector<16xf32> to vector<1xf32>
        %squeeze3A_1710 = vector.extract %slice3A_1709[0] : f32 from vector<1xf32>
        %broadcast_in_dim3A_1711 = vector.broadcast %squeeze3A_1710 : f32 to vector<16xf32>
        %mul3A_1712 = arith.constant 128 : i32
        %mul3A_1713 = arith.muli %add3A_1701, %mul3A_1712 : i32
        %add3A_1714 = arith.constant 0 : i32
        %add3A_1715 = arith.addi %mul3A_1713, %add3A_1714 : i32
        %get3A_1716 = arith.index_cast %add3A_1715 : i32 to index
        %get3A_1717 = tpu.vector_load %arg14[%get3A_1716] {strides = array<i32>} : memref<10240xf32, #tpu.memory_space<vmem>>, vector<16xf32>,
        %get3A_1718 = vector.shape_cast %get3A_1717 : vector<16xf32> to vector<16xf32>
        %mul3A_1719 = arith.mulf %get3A_1718, %broadcast_in_dim3A_1711 : vector<16xf32>
        %swap3A_1720 = arith.index_cast %add3A_1701 : i32 to index
        %swap3A_1721 = arith.constant 0 : index
        %swap3A_1722 = tpu.vector_load %arg15[%swap3A_1720, %swap3A_1721] {strides = array<i32>} : memref<80x128xf32, #tpu.memory_space<vmem>>, vector<1x16xf32>,
        %swap3A_1723 = vector.shape_cast %swap3A_1722 : vector<1x16xf32> to vector<16xf32>
        %swap3A_1724 = vector.shape_cast %mul3A_1719 : vector<16xf32> to vector<1x16xf32>
        tpu.vector_store %arg15[%swap3A_1720, %swap3A_1721], %swap3A_1724 {strides = array<i32>} : memref<80x128xf32, #tpu.memory_space<vmem>>, vector<1x16xf32>,
        %mul3A_1725 = arith.constant 128 : i32
        %mul3A_1726 = arith.muli %add3A_1701, %mul3A_1725 : i32
        %add3A_1727 = arith.constant 16 : i32
        %add3A_1728 = arith.addi %mul3A_1726, %add3A_1727 : i32
        %get3A_1729 = arith.index_cast %add3A_1728 : i32 to index
        %get3A_1730 = tpu.vector_load %arg14[%get3A_1729] {strides = array<i32>} : memref<10240xf32, #tpu.memory_space<vmem>>, vector<16xf32>,
        %get3A_1731 = vector.shape_cast %get3A_1730 : vector<16xf32> to vector<16xf32>
        %mul3A_1732 = arith.mulf %get3A_1731, %broadcast_in_dim3A_1711 : vector<16xf32>
        %swap3A_1733 = arith.index_cast %add3A_1701 : i32 to index
        %swap3A_1734 = arith.constant 16 : index
        %swap3A_1735 = tpu.vector_load %arg15[%swap3A_1733, %swap3A_1734] {strides = array<i32>} : memref<80x128xf32, #tpu.memory_space<vmem>>, vector<1x16xf32>,
        %swap3A_1736 = vector.shape_cast %swap3A_1735 : vector<1x16xf32> to vector<16xf32>
        %swap3A_1737 = vector.shape_cast %mul3A_1732 : vector<16xf32> to vector<1x16xf32>
        tpu.vector_store %arg15[%swap3A_1733, %swap3A_1734], %swap3A_1737 {strides = array<i32>} : memref<80x128xf32, #tpu.memory_space<vmem>>, vector<1x16xf32>,
        %slice3A_1738 = vector.extract_strided_slice %get3A_1708 {offsets = [1], sizes = [1], strides = [1]} : vector<16xf32> to vector<1xf32>
        %squeeze3A_1739 = vector.extract %slice3A_1738[0] : f32 from vector<1xf32>
        %broadcast_in_dim3A_1740 = vector.broadcast %squeeze3A_1739 : f32 to vector<16xf32>
        %mul3A_1741 = arith.constant 128 : i32
        %mul3A_1742 = arith.muli %add3A_1701, %mul3A_1741 : i32
        %add3A_1743 = arith.constant 32 : i32
        %add3A_1744 = arith.addi %mul3A_1742, %add3A_1743 : i32
        %get3A_1745 = arith.index_cast %add3A_1744 : i32 to index
        %get3A_1746 = tpu.vector_load %arg14[%get3A_1745] {strides = array<i32>} : memref<10240xf32, #tpu.memory_space<vmem>>, vector<16xf32>,
        %get3A_1747 = vector.shape_cast %get3A_1746 : vector<16xf32> to vector<16xf32>
        %mul3A_1748 = arith.mulf %get3A_1747, %broadcast_in_dim3A_1740 : vector<16xf32>
        %swap3A_1749 = arith.index_cast %add3A_1701 : i32 to index
        %swap3A_1750 = arith.constant 32 : index
        %swap3A_1751 = tpu.vector_load %arg15[%swap3A_1749, %swap3A_1750] {strides = array<i32>} : memref<80x128xf32, #tpu.memory_space<vmem>>, vector<1x16xf32>,
        %swap3A_1752 = vector.shape_cast %swap3A_1751 : vector<1x16xf32> to vector<16xf32>
        %swap3A_1753 = vector.shape_cast %mul3A_1748 : vector<16xf32> to vector<1x16xf32>
        tpu.vector_store %arg15[%swap3A_1749, %swap3A_1750], %swap3A_1753 {strides = array<i32>} : memref<80x128xf32, #tpu.memory_space<vmem>>, vector<1x16xf32>,
        %mul3A_1754 = arith.constant 128 : i32
        %mul3A_1755 = arith.muli %add3A_1701, %mul3A_1754 : i32
        %add3A_1756 = arith.constant 48 : i32
        %add3A_1757 = arith.addi %mul3A_1755, %add3A_1756 : i32
        %get3A_1758 = arith.index_cast %add3A_1757 : i32 to index
        %get3A_1759 = tpu.vector_load %arg14[%get3A_1758] {strides = array<i32>} : memref<10240xf32, #tpu.memory_space<vmem>>, vector<16xf32>,
        %get3A_1760 = vector.shape_cast %get3A_1759 : vector<16xf32> to vector<16xf32>
        %mul3A_1761 = arith.mulf %get3A_1760, %broadcast_in_dim3A_1740 : vector<16xf32>
        %swap3A_1762 = arith.index_cast %add3A_1701 : i32 to index
        %swap3A_1763 = arith.constant 48 : index
        %swap3A_1764 = tpu.vector_load %arg15[%swap3A_1762, %swap3A_1763] {strides = array<i32>} : memref<80x128xf32, #tpu.memory_space<vmem>>, vector<1x16xf32>,
        %swap3A_1765 = vector.shape_cast %swap3A_1764 : vector<1x16xf32> to vector<16xf32>
        %swap3A_1766 = vector.shape_cast %mul3A_1761 : vector<16xf32> to vector<1x16xf32>
        tpu.vector_store %arg15[%swap3A_1762, %swap3A_1763], %swap3A_1766 {strides = array<i32>} : memref<80x128xf32, #tpu.memory_space<vmem>>, vector<1x16xf32>,
        %slice3A_1767 = vector.extract_strided_slice %get3A_1708 {offsets = [2], sizes = [1], strides = [1]} : vector<16xf32> to vector<1xf32>
        %squeeze3A_1768 = vector.extract %slice3A_1767[0] : f32 from vector<1xf32>
        %broadcast_in_dim3A_1769 = vector.broadcast %squeeze3A_1768 : f32 to vector<16xf32>
        %mul3A_1770 = arith.constant 128 : i32
        %mul3A_1771 = arith.muli %add3A_1701, %mul3A_1770 : i32
        %add3A_1772 = arith.constant 64 : i32
        %add3A_1773 = arith.addi %mul3A_1771, %add3A_1772 : i32
        %get3A_1774 = arith.index_cast %add3A_1773 : i32 to index
        %get3A_1775 = tpu.vector_load %arg14[%get3A_1774] {strides = array<i32>} : memref<10240xf32, #tpu.memory_space<vmem>>, vector<16xf32>,
        %get3A_1776 = vector.shape_cast %get3A_1775 : vector<16xf32> to vector<16xf32>
        %mul3A_1777 = arith.mulf %get3A_1776, %broadcast_in_dim3A_1769 : vector<16xf32>
        %swap3A_1778 = arith.index_cast %add3A_1701 : i32 to index
        %swap3A_1779 = arith.constant 64 : index
        %swap3A_1780 = tpu.vector_load %arg15[%swap3A_1778, %swap3A_1779] {strides = array<i32>} : memref<80x128xf32, #tpu.memory_space<vmem>>, vector<1x16xf32>,
        %swap3A_1781 = vector.shape_cast %swap3A_1780 : vector<1x16xf32> to vector<16xf32>
        %swap3A_1782 = vector.shape_cast %mul3A_1777 : vector<16xf32> to vector<1x16xf32>
        tpu.vector_store %arg15[%swap3A_1778, %swap3A_1779], %swap3A_1782 {strides = array<i32>} : memref<80x128xf32, #tpu.memory_space<vmem>>, vector<1x16xf32>,
        %mul3A_1783 = arith.constant 128 : i32
        %mul3A_1784 = arith.muli %add3A_1701, %mul3A_1783 : i32
        %add3A_1785 = arith.constant 80 : i32
        %add3A_1786 = arith.addi %mul3A_1784, %add3A_1785 : i32
        %get3A_1787 = arith.index_cast %add3A_1786 : i32 to index
        %get3A_1788 = tpu.vector_load %arg14[%get3A_1787] {strides = array<i32>} : memref<10240xf32, #tpu.memory_space<vmem>>, vector<16xf32>,
        %get3A_1789 = vector.shape_cast %get3A_1788 : vector<16xf32> to vector<16xf32>
        %mul3A_1790 = arith.mulf %get3A_1789, %broadcast_in_dim3A_1769 : vector<16xf32>
        %swap3A_1791 = arith.index_cast %add3A_1701 : i32 to index
        %swap3A_1792 = arith.constant 80 : index
        %swap3A_1793 = tpu.vector_load %arg15[%swap3A_1791, %swap3A_1792] {strides = array<i32>} : memref<80x128xf32, #tpu.memory_space<vmem>>, vector<1x16xf32>,
        %swap3A_1794 = vector.shape_cast %swap3A_1793 : vector<1x16xf32> to vector<16xf32>
        %swap3A_1795 = vector.shape_cast %mul3A_1790 : vector<16xf32> to vector<1x16xf32>
        tpu.vector_store %arg15[%swap3A_1791, %swap3A_1792], %swap3A_1795 {strides = array<i32>} : memref<80x128xf32, #tpu.memory_space<vmem>>, vector<1x16xf32>,
        %slice3A_1796 = vector.extract_strided_slice %get3A_1708 {offsets = [3], sizes = [1], strides = [1]} : vector<16xf32> to vector<1xf32>
        %squeeze3A_1797 = vector.extract %slice3A_1796[0] : f32 from vector<1xf32>
        %broadcast_in_dim3A_1798 = vector.broadcast %squeeze3A_1797 : f32 to vector<16xf32>
        %mul3A_1799 = arith.constant 128 : i32
        %mul3A_1800 = arith.muli %add3A_1701, %mul3A_1799 : i32
        %add3A_1801 = arith.constant 96 : i32
        %add3A_1802 = arith.addi %mul3A_1800, %add3A_1801 : i32
        %get3A_1803 = arith.index_cast %add3A_1802 : i32 to index
        %get3A_1804 = tpu.vector_load %arg14[%get3A_1803] {strides = array<i32>} : memref<10240xf32, #tpu.memory_space<vmem>>, vector<16xf32>,
        %get3A_1805 = vector.shape_cast %get3A_1804 : vector<16xf32> to vector<16xf32>
        %mul3A_1806 = arith.mulf %get3A_1805, %broadcast_in_dim3A_1798 : vector<16xf32>
        %swap3A_1807 = arith.index_cast %add3A_1701 : i32 to index
        %swap3A_1808 = arith.constant 96 : index
        %swap3A_1809 = tpu.vector_load %arg15[%swap3A_1807, %swap3A_1808] {strides = array<i32>} : memref<80x128xf32, #tpu.memory_space<vmem>>, vector<1x16xf32>,
        %swap3A_1810 = vector.shape_cast %swap3A_1809 : vector<1x16xf32> to vector<16xf32>
        %swap3A_1811 = vector.shape_cast %mul3A_1806 : vector<16xf32> to vector<1x16xf32>
        tpu.vector_store %arg15[%swap3A_1807, %swap3A_1808], %swap3A_1811 {strides = array<i32>} : memref<80x128xf32, #tpu.memory_space<vmem>>, vector<1x16xf32>,
        %mul3A_1812 = arith.constant 128 : i32
        %mul3A_1813 = arith.muli %add3A_1701, %mul3A_1812 : i32
        %add3A_1814 = arith.constant 112 : i32
        %add3A_1815 = arith.addi %mul3A_1813, %add3A_1814 : i32
        %get3A_1816 = arith.index_cast %add3A_1815 : i32 to index
        %get3A_1817 = tpu.vector_load %arg14[%get3A_1816] {strides = array<i32>} : memref<10240xf32, #tpu.memory_space<vmem>>, vector<16xf32>,
        %get3A_1818 = vector.shape_cast %get3A_1817 : vector<16xf32> to vector<16xf32>
        %mul3A_1819 = arith.mulf %get3A_1818, %broadcast_in_dim3A_1798 : vector<16xf32>
        %swap3A_1820 = arith.index_cast %add3A_1701 : i32 to index
        %swap3A_1821 = arith.constant 112 : index
        %swap3A_1822 = tpu.vector_load %arg15[%swap3A_1820, %swap3A_1821] {strides = array<i32>} : memref<80x128xf32, #tpu.memory_space<vmem>>, vector<1x16xf32>,
        %swap3A_1823 = vector.shape_cast %swap3A_1822 : vector<1x16xf32> to vector<16xf32>
        %swap3A_1824 = vector.shape_cast %mul3A_1819 : vector<16xf32> to vector<1x16xf32>
        tpu.vector_store %arg15[%swap3A_1820, %swap3A_1821], %swap3A_1824 {strides = array<i32>} : memref<80x128xf32, #tpu.memory_space<vmem>>, vector<1x16xf32>,
        %jit3A_1825 = arith.constant 0.000000e+00 : f32
        %broadcast_in_dim3A_1826 = vector.broadcast %jit3A_1825 : f32 to vector<16xf32>
        %select_n3A_1827 = arith.select %lt3A_23, %get3A_1708, %broadcast_in_dim3A_1826 : vector<16xi1>, vector<16xf32>
        %and3A_1828 = arith.constant 3 : i32
        %and3A_1829 = arith.andi %squeeze3A_1703, %and3A_1828 : i32
        %mul3A_1830 = arith.constant 4 : i32
        %mul3A_1831 = arith.muli %and3A_1829, %mul3A_1830 : i32
        %and3A_1832 = arith.constant 31 : i32
        %and3A_1833 = arith.andi %squeeze3A_1703, %and3A_1832 : i32
        %shift_right_arithmetic3A_1834 = arith.constant 2 : i32
        %shift_right_arithmetic3A_1835 = arith.shrsi %and3A_1833, %shift_right_arithmetic3A_1834 : i32
        %swap3A_1836 = arith.index_cast %mul3A_1831 : i32 to index
        %swap3A_1837 = tpu.vector_load %arg18[%swap3A_1836] {strides = array<i32>} : memref<32xf32, #tpu.memory_space<vmem>>, vector<16xf32>,
        %swap3A_1838 = vector.shape_cast %swap3A_1837 : vector<16xf32> to vector<16xf32>
        %swap3A_1839 = vector.shape_cast %select_n3A_1827 : vector<16xf32> to vector<16xf32>
        tpu.vector_store %arg18[%swap3A_1836], %swap3A_1839 {strides = array<i32>} : memref<32xf32, #tpu.memory_space<vmem>>, vector<16xf32>,
        %get3A_1840 = arith.constant 0 : index
        %get3A_1841 = tpu.vector_load %arg18[%get3A_1840] {strides = array<i32>} : memref<32xf32, #tpu.memory_space<vmem>>, vector<16xf32>,
        %get3A_1842 = vector.shape_cast %get3A_1841 : vector<16xf32> to vector<16xf32>
        %swap3A_1843 = arith.index_cast %mul3A_1831 : i32 to index
        %swap3A_1844 = tpu.vector_load %arg18[%swap3A_1843] {strides = array<i32>} : memref<32xf32, #tpu.memory_space<vmem>>, vector<16xf32>,
        %swap3A_1845 = vector.shape_cast %swap3A_1844 : vector<16xf32> to vector<16xf32>
        %swap3A_1846 = vector.shape_cast %broadcast_in_dim3A_24 : vector<16xf32> to vector<16xf32>
        tpu.vector_store %arg18[%swap3A_1843], %swap3A_1846 {strides = array<i32>} : memref<32xf32, #tpu.memory_space<vmem>>, vector<16xf32>,
        %mul3A_1847 = arith.constant 16 : i32
        %mul3A_1848 = arith.muli %shift_right_arithmetic3A_1835, %mul3A_1847 : i32
        %swap3A_1849 = arith.index_cast %add3A_1701 : i32 to index
        %swap3A_1850 = arith.index_cast %mul3A_1848 : i32 to index
        %swap3A_1851 = tpu.vector_load %arg16[%swap3A_1849, %swap3A_1850] {strides = array<i32>} : memref<80x128xf32, #tpu.memory_space<vmem>>, vector<1x16xf32>,
        %swap3A_1852 = vector.shape_cast %swap3A_1851 : vector<1x16xf32> to vector<16xf32>
        %swap3A_1853 = vector.shape_cast %get3A_1842 : vector<16xf32> to vector<1x16xf32>
        tpu.vector_store %arg16[%swap3A_1849, %swap3A_1850], %swap3A_1853 {strides = array<i32>} : memref<80x128xf32, #tpu.memory_space<vmem>>, vector<1x16xf32>,
        %mul3A_1854 = arith.constant 16 : i32
        %mul3A_1855 = arith.muli %scan3A_294, %mul3A_1854 : i32
        %add3A_1856 = arith.constant 10 : i32
        %add3A_1857 = arith.addi %mul3A_1855, %add3A_1856 : i32
        %slice3A_1858 = vector.extract_strided_slice %get3A_299 {offsets = [10], sizes = [1], strides = [1]} : vector<16xi32> to vector<1xi32>
        %squeeze3A_1859 = vector.extract %slice3A_1858[0] : i32 from vector<1xi32>
        %mul3A_1860 = arith.constant 4 : i32
        %mul3A_1861 = arith.muli %add3A_1857, %mul3A_1860 : i32
        %get3A_1862 = arith.index_cast %mul3A_1861 : i32 to index
        %get3A_1863 = tpu.vector_load %arg17[%get3A_1862] {strides = array<i32>} : memref<336xf32, #tpu.memory_space<vmem>>, vector<16xf32>,
        %get3A_1864 = vector.shape_cast %get3A_1863 : vector<16xf32> to vector<16xf32>
        %slice3A_1865 = vector.extract_strided_slice %get3A_1864 {offsets = [0], sizes = [1], strides = [1]} : vector<16xf32> to vector<1xf32>
        %squeeze3A_1866 = vector.extract %slice3A_1865[0] : f32 from vector<1xf32>
        %broadcast_in_dim3A_1867 = vector.broadcast %squeeze3A_1866 : f32 to vector<16xf32>
        %mul3A_1868 = arith.constant 128 : i32
        %mul3A_1869 = arith.muli %add3A_1857, %mul3A_1868 : i32
        %add3A_1870 = arith.constant 0 : i32
        %add3A_1871 = arith.addi %mul3A_1869, %add3A_1870 : i32
        %get3A_1872 = arith.index_cast %add3A_1871 : i32 to index
        %get3A_1873 = tpu.vector_load %arg14[%get3A_1872] {strides = array<i32>} : memref<10240xf32, #tpu.memory_space<vmem>>, vector<16xf32>,
        %get3A_1874 = vector.shape_cast %get3A_1873 : vector<16xf32> to vector<16xf32>
        %mul3A_1875 = arith.mulf %get3A_1874, %broadcast_in_dim3A_1867 : vector<16xf32>
        %swap3A_1876 = arith.index_cast %add3A_1857 : i32 to index
        %swap3A_1877 = arith.constant 0 : index
        %swap3A_1878 = tpu.vector_load %arg15[%swap3A_1876, %swap3A_1877] {strides = array<i32>} : memref<80x128xf32, #tpu.memory_space<vmem>>, vector<1x16xf32>,
        %swap3A_1879 = vector.shape_cast %swap3A_1878 : vector<1x16xf32> to vector<16xf32>
        %swap3A_1880 = vector.shape_cast %mul3A_1875 : vector<16xf32> to vector<1x16xf32>
        tpu.vector_store %arg15[%swap3A_1876, %swap3A_1877], %swap3A_1880 {strides = array<i32>} : memref<80x128xf32, #tpu.memory_space<vmem>>, vector<1x16xf32>,
        %mul3A_1881 = arith.constant 128 : i32
        %mul3A_1882 = arith.muli %add3A_1857, %mul3A_1881 : i32
        %add3A_1883 = arith.constant 16 : i32
        %add3A_1884 = arith.addi %mul3A_1882, %add3A_1883 : i32
        %get3A_1885 = arith.index_cast %add3A_1884 : i32 to index
        %get3A_1886 = tpu.vector_load %arg14[%get3A_1885] {strides = array<i32>} : memref<10240xf32, #tpu.memory_space<vmem>>, vector<16xf32>,
        %get3A_1887 = vector.shape_cast %get3A_1886 : vector<16xf32> to vector<16xf32>
        %mul3A_1888 = arith.mulf %get3A_1887, %broadcast_in_dim3A_1867 : vector<16xf32>
        %swap3A_1889 = arith.index_cast %add3A_1857 : i32 to index
        %swap3A_1890 = arith.constant 16 : index
        %swap3A_1891 = tpu.vector_load %arg15[%swap3A_1889, %swap3A_1890] {strides = array<i32>} : memref<80x128xf32, #tpu.memory_space<vmem>>, vector<1x16xf32>,
        %swap3A_1892 = vector.shape_cast %swap3A_1891 : vector<1x16xf32> to vector<16xf32>
        %swap3A_1893 = vector.shape_cast %mul3A_1888 : vector<16xf32> to vector<1x16xf32>
        tpu.vector_store %arg15[%swap3A_1889, %swap3A_1890], %swap3A_1893 {strides = array<i32>} : memref<80x128xf32, #tpu.memory_space<vmem>>, vector<1x16xf32>,
        %slice3A_1894 = vector.extract_strided_slice %get3A_1864 {offsets = [1], sizes = [1], strides = [1]} : vector<16xf32> to vector<1xf32>
        %squeeze3A_1895 = vector.extract %slice3A_1894[0] : f32 from vector<1xf32>
        %broadcast_in_dim3A_1896 = vector.broadcast %squeeze3A_1895 : f32 to vector<16xf32>
        %mul3A_1897 = arith.constant 128 : i32
        %mul3A_1898 = arith.muli %add3A_1857, %mul3A_1897 : i32
        %add3A_1899 = arith.constant 32 : i32
        %add3A_1900 = arith.addi %mul3A_1898, %add3A_1899 : i32
        %get3A_1901 = arith.index_cast %add3A_1900 : i32 to index
        %get3A_1902 = tpu.vector_load %arg14[%get3A_1901] {strides = array<i32>} : memref<10240xf32, #tpu.memory_space<vmem>>, vector<16xf32>,
        %get3A_1903 = vector.shape_cast %get3A_1902 : vector<16xf32> to vector<16xf32>
        %mul3A_1904 = arith.mulf %get3A_1903, %broadcast_in_dim3A_1896 : vector<16xf32>
        %swap3A_1905 = arith.index_cast %add3A_1857 : i32 to index
        %swap3A_1906 = arith.constant 32 : index
        %swap3A_1907 = tpu.vector_load %arg15[%swap3A_1905, %swap3A_1906] {strides = array<i32>} : memref<80x128xf32, #tpu.memory_space<vmem>>, vector<1x16xf32>,
        %swap3A_1908 = vector.shape_cast %swap3A_1907 : vector<1x16xf32> to vector<16xf32>
        %swap3A_1909 = vector.shape_cast %mul3A_1904 : vector<16xf32> to vector<1x16xf32>
        tpu.vector_store %arg15[%swap3A_1905, %swap3A_1906], %swap3A_1909 {strides = array<i32>} : memref<80x128xf32, #tpu.memory_space<vmem>>, vector<1x16xf32>,
        %mul3A_1910 = arith.constant 128 : i32
        %mul3A_1911 = arith.muli %add3A_1857, %mul3A_1910 : i32
        %add3A_1912 = arith.constant 48 : i32
        %add3A_1913 = arith.addi %mul3A_1911, %add3A_1912 : i32
        %get3A_1914 = arith.index_cast %add3A_1913 : i32 to index
        %get3A_1915 = tpu.vector_load %arg14[%get3A_1914] {strides = array<i32>} : memref<10240xf32, #tpu.memory_space<vmem>>, vector<16xf32>,
        %get3A_1916 = vector.shape_cast %get3A_1915 : vector<16xf32> to vector<16xf32>
        %mul3A_1917 = arith.mulf %get3A_1916, %broadcast_in_dim3A_1896 : vector<16xf32>
        %swap3A_1918 = arith.index_cast %add3A_1857 : i32 to index
        %swap3A_1919 = arith.constant 48 : index
        %swap3A_1920 = tpu.vector_load %arg15[%swap3A_1918, %swap3A_1919] {strides = array<i32>} : memref<80x128xf32, #tpu.memory_space<vmem>>, vector<1x16xf32>,
        %swap3A_1921 = vector.shape_cast %swap3A_1920 : vector<1x16xf32> to vector<16xf32>
        %swap3A_1922 = vector.shape_cast %mul3A_1917 : vector<16xf32> to vector<1x16xf32>
        tpu.vector_store %arg15[%swap3A_1918, %swap3A_1919], %swap3A_1922 {strides = array<i32>} : memref<80x128xf32, #tpu.memory_space<vmem>>, vector<1x16xf32>,
        %slice3A_1923 = vector.extract_strided_slice %get3A_1864 {offsets = [2], sizes = [1], strides = [1]} : vector<16xf32> to vector<1xf32>
        %squeeze3A_1924 = vector.extract %slice3A_1923[0] : f32 from vector<1xf32>
        %broadcast_in_dim3A_1925 = vector.broadcast %squeeze3A_1924 : f32 to vector<16xf32>
        %mul3A_1926 = arith.constant 128 : i32
        %mul3A_1927 = arith.muli %add3A_1857, %mul3A_1926 : i32
        %add3A_1928 = arith.constant 64 : i32
        %add3A_1929 = arith.addi %mul3A_1927, %add3A_1928 : i32
        %get3A_1930 = arith.index_cast %add3A_1929 : i32 to index
        %get3A_1931 = tpu.vector_load %arg14[%get3A_1930] {strides = array<i32>} : memref<10240xf32, #tpu.memory_space<vmem>>, vector<16xf32>,
        %get3A_1932 = vector.shape_cast %get3A_1931 : vector<16xf32> to vector<16xf32>
        %mul3A_1933 = arith.mulf %get3A_1932, %broadcast_in_dim3A_1925 : vector<16xf32>
        %swap3A_1934 = arith.index_cast %add3A_1857 : i32 to index
        %swap3A_1935 = arith.constant 64 : index
        %swap3A_1936 = tpu.vector_load %arg15[%swap3A_1934, %swap3A_1935] {strides = array<i32>} : memref<80x128xf32, #tpu.memory_space<vmem>>, vector<1x16xf32>,
        %swap3A_1937 = vector.shape_cast %swap3A_1936 : vector<1x16xf32> to vector<16xf32>
        %swap3A_1938 = vector.shape_cast %mul3A_1933 : vector<16xf32> to vector<1x16xf32>
        tpu.vector_store %arg15[%swap3A_1934, %swap3A_1935], %swap3A_1938 {strides = array<i32>} : memref<80x128xf32, #tpu.memory_space<vmem>>, vector<1x16xf32>,
        %mul3A_1939 = arith.constant 128 : i32
        %mul3A_1940 = arith.muli %add3A_1857, %mul3A_1939 : i32
        %add3A_1941 = arith.constant 80 : i32
        %add3A_1942 = arith.addi %mul3A_1940, %add3A_1941 : i32
        %get3A_1943 = arith.index_cast %add3A_1942 : i32 to index
        %get3A_1944 = tpu.vector_load %arg14[%get3A_1943] {strides = array<i32>} : memref<10240xf32, #tpu.memory_space<vmem>>, vector<16xf32>,
        %get3A_1945 = vector.shape_cast %get3A_1944 : vector<16xf32> to vector<16xf32>
        %mul3A_1946 = arith.mulf %get3A_1945, %broadcast_in_dim3A_1925 : vector<16xf32>
        %swap3A_1947 = arith.index_cast %add3A_1857 : i32 to index
        %swap3A_1948 = arith.constant 80 : index
        %swap3A_1949 = tpu.vector_load %arg15[%swap3A_1947, %swap3A_1948] {strides = array<i32>} : memref<80x128xf32, #tpu.memory_space<vmem>>, vector<1x16xf32>,
        %swap3A_1950 = vector.shape_cast %swap3A_1949 : vector<1x16xf32> to vector<16xf32>
        %swap3A_1951 = vector.shape_cast %mul3A_1946 : vector<16xf32> to vector<1x16xf32>
        tpu.vector_store %arg15[%swap3A_1947, %swap3A_1948], %swap3A_1951 {strides = array<i32>} : memref<80x128xf32, #tpu.memory_space<vmem>>, vector<1x16xf32>,
        %slice3A_1952 = vector.extract_strided_slice %get3A_1864 {offsets = [3], sizes = [1], strides = [1]} : vector<16xf32> to vector<1xf32>
        %squeeze3A_1953 = vector.extract %slice3A_1952[0] : f32 from vector<1xf32>
        %broadcast_in_dim3A_1954 = vector.broadcast %squeeze3A_1953 : f32 to vector<16xf32>
        %mul3A_1955 = arith.constant 128 : i32
        %mul3A_1956 = arith.muli %add3A_1857, %mul3A_1955 : i32
        %add3A_1957 = arith.constant 96 : i32
        %add3A_1958 = arith.addi %mul3A_1956, %add3A_1957 : i32
        %get3A_1959 = arith.index_cast %add3A_1958 : i32 to index
        %get3A_1960 = tpu.vector_load %arg14[%get3A_1959] {strides = array<i32>} : memref<10240xf32, #tpu.memory_space<vmem>>, vector<16xf32>,
        %get3A_1961 = vector.shape_cast %get3A_1960 : vector<16xf32> to vector<16xf32>
        %mul3A_1962 = arith.mulf %get3A_1961, %broadcast_in_dim3A_1954 : vector<16xf32>
        %swap3A_1963 = arith.index_cast %add3A_1857 : i32 to index
        %swap3A_1964 = arith.constant 96 : index
        %swap3A_1965 = tpu.vector_load %arg15[%swap3A_1963, %swap3A_1964] {strides = array<i32>} : memref<80x128xf32, #tpu.memory_space<vmem>>, vector<1x16xf32>,
        %swap3A_1966 = vector.shape_cast %swap3A_1965 : vector<1x16xf32> to vector<16xf32>
        %swap3A_1967 = vector.shape_cast %mul3A_1962 : vector<16xf32> to vector<1x16xf32>
        tpu.vector_store %arg15[%swap3A_1963, %swap3A_1964], %swap3A_1967 {strides = array<i32>} : memref<80x128xf32, #tpu.memory_space<vmem>>, vector<1x16xf32>,
        %mul3A_1968 = arith.constant 128 : i32
        %mul3A_1969 = arith.muli %add3A_1857, %mul3A_1968 : i32
        %add3A_1970 = arith.constant 112 : i32
        %add3A_1971 = arith.addi %mul3A_1969, %add3A_1970 : i32
        %get3A_1972 = arith.index_cast %add3A_1971 : i32 to index
        %get3A_1973 = tpu.vector_load %arg14[%get3A_1972] {strides = array<i32>} : memref<10240xf32, #tpu.memory_space<vmem>>, vector<16xf32>,
        %get3A_1974 = vector.shape_cast %get3A_1973 : vector<16xf32> to vector<16xf32>
        %mul3A_1975 = arith.mulf %get3A_1974, %broadcast_in_dim3A_1954 : vector<16xf32>
        %swap3A_1976 = arith.index_cast %add3A_1857 : i32 to index
        %swap3A_1977 = arith.constant 112 : index
        %swap3A_1978 = tpu.vector_load %arg15[%swap3A_1976, %swap3A_1977] {strides = array<i32>} : memref<80x128xf32, #tpu.memory_space<vmem>>, vector<1x16xf32>,
        %swap3A_1979 = vector.shape_cast %swap3A_1978 : vector<1x16xf32> to vector<16xf32>
        %swap3A_1980 = vector.shape_cast %mul3A_1975 : vector<16xf32> to vector<1x16xf32>
        tpu.vector_store %arg15[%swap3A_1976, %swap3A_1977], %swap3A_1980 {strides = array<i32>} : memref<80x128xf32, #tpu.memory_space<vmem>>, vector<1x16xf32>,
        %jit3A_1981 = arith.constant 0.000000e+00 : f32
        %broadcast_in_dim3A_1982 = vector.broadcast %jit3A_1981 : f32 to vector<16xf32>
        %select_n3A_1983 = arith.select %lt3A_23, %get3A_1864, %broadcast_in_dim3A_1982 : vector<16xi1>, vector<16xf32>
        %and3A_1984 = arith.constant 3 : i32
        %and3A_1985 = arith.andi %squeeze3A_1859, %and3A_1984 : i32
        %mul3A_1986 = arith.constant 4 : i32
        %mul3A_1987 = arith.muli %and3A_1985, %mul3A_1986 : i32
        %and3A_1988 = arith.constant 31 : i32
        %and3A_1989 = arith.andi %squeeze3A_1859, %and3A_1988 : i32
        %shift_right_arithmetic3A_1990 = arith.constant 2 : i32
        %shift_right_arithmetic3A_1991 = arith.shrsi %and3A_1989, %shift_right_arithmetic3A_1990 : i32
        %swap3A_1992 = arith.index_cast %mul3A_1987 : i32 to index
        %swap3A_1993 = tpu.vector_load %arg18[%swap3A_1992] {strides = array<i32>} : memref<32xf32, #tpu.memory_space<vmem>>, vector<16xf32>,
        %swap3A_1994 = vector.shape_cast %swap3A_1993 : vector<16xf32> to vector<16xf32>
        %swap3A_1995 = vector.shape_cast %select_n3A_1983 : vector<16xf32> to vector<16xf32>
        tpu.vector_store %arg18[%swap3A_1992], %swap3A_1995 {strides = array<i32>} : memref<32xf32, #tpu.memory_space<vmem>>, vector<16xf32>,
        %get3A_1996 = arith.constant 0 : index
        %get3A_1997 = tpu.vector_load %arg18[%get3A_1996] {strides = array<i32>} : memref<32xf32, #tpu.memory_space<vmem>>, vector<16xf32>,
        %get3A_1998 = vector.shape_cast %get3A_1997 : vector<16xf32> to vector<16xf32>
        %swap3A_1999 = arith.index_cast %mul3A_1987 : i32 to index
        %swap3A_2000 = tpu.vector_load %arg18[%swap3A_1999] {strides = array<i32>} : memref<32xf32, #tpu.memory_space<vmem>>, vector<16xf32>,
        %swap3A_2001 = vector.shape_cast %swap3A_2000 : vector<16xf32> to vector<16xf32>
        %swap3A_2002 = vector.shape_cast %broadcast_in_dim3A_24 : vector<16xf32> to vector<16xf32>
        tpu.vector_store %arg18[%swap3A_1999], %swap3A_2002 {strides = array<i32>} : memref<32xf32, #tpu.memory_space<vmem>>, vector<16xf32>,
        %mul3A_2003 = arith.constant 16 : i32
        %mul3A_2004 = arith.muli %shift_right_arithmetic3A_1991, %mul3A_2003 : i32
        %swap3A_2005 = arith.index_cast %add3A_1857 : i32 to index
        %swap3A_2006 = arith.index_cast %mul3A_2004 : i32 to index
        %swap3A_2007 = tpu.vector_load %arg16[%swap3A_2005, %swap3A_2006] {strides = array<i32>} : memref<80x128xf32, #tpu.memory_space<vmem>>, vector<1x16xf32>,
        %swap3A_2008 = vector.shape_cast %swap3A_2007 : vector<1x16xf32> to vector<16xf32>
        %swap3A_2009 = vector.shape_cast %get3A_1998 : vector<16xf32> to vector<1x16xf32>
        tpu.vector_store %arg16[%swap3A_2005, %swap3A_2006], %swap3A_2009 {strides = array<i32>} : memref<80x128xf32, #tpu.memory_space<vmem>>, vector<1x16xf32>,
        %mul3A_2010 = arith.constant 16 : i32
        %mul3A_2011 = arith.muli %scan3A_294, %mul3A_2010 : i32
        %add3A_2012 = arith.constant 11 : i32
        %add3A_2013 = arith.addi %mul3A_2011, %add3A_2012 : i32
        %slice3A_2014 = vector.extract_strided_slice %get3A_299 {offsets = [11], sizes = [1], strides = [1]} : vector<16xi32> to vector<1xi32>
        %squeeze3A_2015 = vector.extract %slice3A_2014[0] : i32 from vector<1xi32>
        %mul3A_2016 = arith.constant 4 : i32
        %mul3A_2017 = arith.muli %add3A_2013, %mul3A_2016 : i32
        %get3A_2018 = arith.index_cast %mul3A_2017 : i32 to index
        %get3A_2019 = tpu.vector_load %arg17[%get3A_2018] {strides = array<i32>} : memref<336xf32, #tpu.memory_space<vmem>>, vector<16xf32>,
        %get3A_2020 = vector.shape_cast %get3A_2019 : vector<16xf32> to vector<16xf32>
        %slice3A_2021 = vector.extract_strided_slice %get3A_2020 {offsets = [0], sizes = [1], strides = [1]} : vector<16xf32> to vector<1xf32>
        %squeeze3A_2022 = vector.extract %slice3A_2021[0] : f32 from vector<1xf32>
        %broadcast_in_dim3A_2023 = vector.broadcast %squeeze3A_2022 : f32 to vector<16xf32>
        %mul3A_2024 = arith.constant 128 : i32
        %mul3A_2025 = arith.muli %add3A_2013, %mul3A_2024 : i32
        %add3A_2026 = arith.constant 0 : i32
        %add3A_2027 = arith.addi %mul3A_2025, %add3A_2026 : i32
        %get3A_2028 = arith.index_cast %add3A_2027 : i32 to index
        %get3A_2029 = tpu.vector_load %arg14[%get3A_2028] {strides = array<i32>} : memref<10240xf32, #tpu.memory_space<vmem>>, vector<16xf32>,
        %get3A_2030 = vector.shape_cast %get3A_2029 : vector<16xf32> to vector<16xf32>
        %mul3A_2031 = arith.mulf %get3A_2030, %broadcast_in_dim3A_2023 : vector<16xf32>
        %swap3A_2032 = arith.index_cast %add3A_2013 : i32 to index
        %swap3A_2033 = arith.constant 0 : index
        %swap3A_2034 = tpu.vector_load %arg15[%swap3A_2032, %swap3A_2033] {strides = array<i32>} : memref<80x128xf32, #tpu.memory_space<vmem>>, vector<1x16xf32>,
        %swap3A_2035 = vector.shape_cast %swap3A_2034 : vector<1x16xf32> to vector<16xf32>
        %swap3A_2036 = vector.shape_cast %mul3A_2031 : vector<16xf32> to vector<1x16xf32>
        tpu.vector_store %arg15[%swap3A_2032, %swap3A_2033], %swap3A_2036 {strides = array<i32>} : memref<80x128xf32, #tpu.memory_space<vmem>>, vector<1x16xf32>,
        %mul3A_2037 = arith.constant 128 : i32
        %mul3A_2038 = arith.muli %add3A_2013, %mul3A_2037 : i32
        %add3A_2039 = arith.constant 16 : i32
        %add3A_2040 = arith.addi %mul3A_2038, %add3A_2039 : i32
        %get3A_2041 = arith.index_cast %add3A_2040 : i32 to index
        %get3A_2042 = tpu.vector_load %arg14[%get3A_2041] {strides = array<i32>} : memref<10240xf32, #tpu.memory_space<vmem>>, vector<16xf32>,
        %get3A_2043 = vector.shape_cast %get3A_2042 : vector<16xf32> to vector<16xf32>
        %mul3A_2044 = arith.mulf %get3A_2043, %broadcast_in_dim3A_2023 : vector<16xf32>
        %swap3A_2045 = arith.index_cast %add3A_2013 : i32 to index
        %swap3A_2046 = arith.constant 16 : index
        %swap3A_2047 = tpu.vector_load %arg15[%swap3A_2045, %swap3A_2046] {strides = array<i32>} : memref<80x128xf32, #tpu.memory_space<vmem>>, vector<1x16xf32>,
        %swap3A_2048 = vector.shape_cast %swap3A_2047 : vector<1x16xf32> to vector<16xf32>
        %swap3A_2049 = vector.shape_cast %mul3A_2044 : vector<16xf32> to vector<1x16xf32>
        tpu.vector_store %arg15[%swap3A_2045, %swap3A_2046], %swap3A_2049 {strides = array<i32>} : memref<80x128xf32, #tpu.memory_space<vmem>>, vector<1x16xf32>,
        %slice3A_2050 = vector.extract_strided_slice %get3A_2020 {offsets = [1], sizes = [1], strides = [1]} : vector<16xf32> to vector<1xf32>
        %squeeze3A_2051 = vector.extract %slice3A_2050[0] : f32 from vector<1xf32>
        %broadcast_in_dim3A_2052 = vector.broadcast %squeeze3A_2051 : f32 to vector<16xf32>
        %mul3A_2053 = arith.constant 128 : i32
        %mul3A_2054 = arith.muli %add3A_2013, %mul3A_2053 : i32
        %add3A_2055 = arith.constant 32 : i32
        %add3A_2056 = arith.addi %mul3A_2054, %add3A_2055 : i32
        %get3A_2057 = arith.index_cast %add3A_2056 : i32 to index
        %get3A_2058 = tpu.vector_load %arg14[%get3A_2057] {strides = array<i32>} : memref<10240xf32, #tpu.memory_space<vmem>>, vector<16xf32>,
        %get3A_2059 = vector.shape_cast %get3A_2058 : vector<16xf32> to vector<16xf32>
        %mul3A_2060 = arith.mulf %get3A_2059, %broadcast_in_dim3A_2052 : vector<16xf32>
        %swap3A_2061 = arith.index_cast %add3A_2013 : i32 to index
        %swap3A_2062 = arith.constant 32 : index
        %swap3A_2063 = tpu.vector_load %arg15[%swap3A_2061, %swap3A_2062] {strides = array<i32>} : memref<80x128xf32, #tpu.memory_space<vmem>>, vector<1x16xf32>,
        %swap3A_2064 = vector.shape_cast %swap3A_2063 : vector<1x16xf32> to vector<16xf32>
        %swap3A_2065 = vector.shape_cast %mul3A_2060 : vector<16xf32> to vector<1x16xf32>
        tpu.vector_store %arg15[%swap3A_2061, %swap3A_2062], %swap3A_2065 {strides = array<i32>} : memref<80x128xf32, #tpu.memory_space<vmem>>, vector<1x16xf32>,
        %mul3A_2066 = arith.constant 128 : i32
        %mul3A_2067 = arith.muli %add3A_2013, %mul3A_2066 : i32
        %add3A_2068 = arith.constant 48 : i32
        %add3A_2069 = arith.addi %mul3A_2067, %add3A_2068 : i32
        %get3A_2070 = arith.index_cast %add3A_2069 : i32 to index
        %get3A_2071 = tpu.vector_load %arg14[%get3A_2070] {strides = array<i32>} : memref<10240xf32, #tpu.memory_space<vmem>>, vector<16xf32>,
        %get3A_2072 = vector.shape_cast %get3A_2071 : vector<16xf32> to vector<16xf32>
        %mul3A_2073 = arith.mulf %get3A_2072, %broadcast_in_dim3A_2052 : vector<16xf32>
        %swap3A_2074 = arith.index_cast %add3A_2013 : i32 to index
        %swap3A_2075 = arith.constant 48 : index
        %swap3A_2076 = tpu.vector_load %arg15[%swap3A_2074, %swap3A_2075] {strides = array<i32>} : memref<80x128xf32, #tpu.memory_space<vmem>>, vector<1x16xf32>,
        %swap3A_2077 = vector.shape_cast %swap3A_2076 : vector<1x16xf32> to vector<16xf32>
        %swap3A_2078 = vector.shape_cast %mul3A_2073 : vector<16xf32> to vector<1x16xf32>
        tpu.vector_store %arg15[%swap3A_2074, %swap3A_2075], %swap3A_2078 {strides = array<i32>} : memref<80x128xf32, #tpu.memory_space<vmem>>, vector<1x16xf32>,
        %slice3A_2079 = vector.extract_strided_slice %get3A_2020 {offsets = [2], sizes = [1], strides = [1]} : vector<16xf32> to vector<1xf32>
        %squeeze3A_2080 = vector.extract %slice3A_2079[0] : f32 from vector<1xf32>
        %broadcast_in_dim3A_2081 = vector.broadcast %squeeze3A_2080 : f32 to vector<16xf32>
        %mul3A_2082 = arith.constant 128 : i32
        %mul3A_2083 = arith.muli %add3A_2013, %mul3A_2082 : i32
        %add3A_2084 = arith.constant 64 : i32
        %add3A_2085 = arith.addi %mul3A_2083, %add3A_2084 : i32
        %get3A_2086 = arith.index_cast %add3A_2085 : i32 to index
        %get3A_2087 = tpu.vector_load %arg14[%get3A_2086] {strides = array<i32>} : memref<10240xf32, #tpu.memory_space<vmem>>, vector<16xf32>,
        %get3A_2088 = vector.shape_cast %get3A_2087 : vector<16xf32> to vector<16xf32>
        %mul3A_2089 = arith.mulf %get3A_2088, %broadcast_in_dim3A_2081 : vector<16xf32>
        %swap3A_2090 = arith.index_cast %add3A_2013 : i32 to index
        %swap3A_2091 = arith.constant 64 : index
        %swap3A_2092 = tpu.vector_load %arg15[%swap3A_2090, %swap3A_2091] {strides = array<i32>} : memref<80x128xf32, #tpu.memory_space<vmem>>, vector<1x16xf32>,
        %swap3A_2093 = vector.shape_cast %swap3A_2092 : vector<1x16xf32> to vector<16xf32>
        %swap3A_2094 = vector.shape_cast %mul3A_2089 : vector<16xf32> to vector<1x16xf32>
        tpu.vector_store %arg15[%swap3A_2090, %swap3A_2091], %swap3A_2094 {strides = array<i32>} : memref<80x128xf32, #tpu.memory_space<vmem>>, vector<1x16xf32>,
        %mul3A_2095 = arith.constant 128 : i32
        %mul3A_2096 = arith.muli %add3A_2013, %mul3A_2095 : i32
        %add3A_2097 = arith.constant 80 : i32
        %add3A_2098 = arith.addi %mul3A_2096, %add3A_2097 : i32
        %get3A_2099 = arith.index_cast %add3A_2098 : i32 to index
        %get3A_2100 = tpu.vector_load %arg14[%get3A_2099] {strides = array<i32>} : memref<10240xf32, #tpu.memory_space<vmem>>, vector<16xf32>,
        %get3A_2101 = vector.shape_cast %get3A_2100 : vector<16xf32> to vector<16xf32>
        %mul3A_2102 = arith.mulf %get3A_2101, %broadcast_in_dim3A_2081 : vector<16xf32>
        %swap3A_2103 = arith.index_cast %add3A_2013 : i32 to index
        %swap3A_2104 = arith.constant 80 : index
        %swap3A_2105 = tpu.vector_load %arg15[%swap3A_2103, %swap3A_2104] {strides = array<i32>} : memref<80x128xf32, #tpu.memory_space<vmem>>, vector<1x16xf32>,
        %swap3A_2106 = vector.shape_cast %swap3A_2105 : vector<1x16xf32> to vector<16xf32>
        %swap3A_2107 = vector.shape_cast %mul3A_2102 : vector<16xf32> to vector<1x16xf32>
        tpu.vector_store %arg15[%swap3A_2103, %swap3A_2104], %swap3A_2107 {strides = array<i32>} : memref<80x128xf32, #tpu.memory_space<vmem>>, vector<1x16xf32>,
        %slice3A_2108 = vector.extract_strided_slice %get3A_2020 {offsets = [3], sizes = [1], strides = [1]} : vector<16xf32> to vector<1xf32>
        %squeeze3A_2109 = vector.extract %slice3A_2108[0] : f32 from vector<1xf32>
        %broadcast_in_dim3A_2110 = vector.broadcast %squeeze3A_2109 : f32 to vector<16xf32>
        %mul3A_2111 = arith.constant 128 : i32
        %mul3A_2112 = arith.muli %add3A_2013, %mul3A_2111 : i32
        %add3A_2113 = arith.constant 96 : i32
        %add3A_2114 = arith.addi %mul3A_2112, %add3A_2113 : i32
        %get3A_2115 = arith.index_cast %add3A_2114 : i32 to index
        %get3A_2116 = tpu.vector_load %arg14[%get3A_2115] {strides = array<i32>} : memref<10240xf32, #tpu.memory_space<vmem>>, vector<16xf32>,
        %get3A_2117 = vector.shape_cast %get3A_2116 : vector<16xf32> to vector<16xf32>
        %mul3A_2118 = arith.mulf %get3A_2117, %broadcast_in_dim3A_2110 : vector<16xf32>
        %swap3A_2119 = arith.index_cast %add3A_2013 : i32 to index
        %swap3A_2120 = arith.constant 96 : index
        %swap3A_2121 = tpu.vector_load %arg15[%swap3A_2119, %swap3A_2120] {strides = array<i32>} : memref<80x128xf32, #tpu.memory_space<vmem>>, vector<1x16xf32>,
        %swap3A_2122 = vector.shape_cast %swap3A_2121 : vector<1x16xf32> to vector<16xf32>
        %swap3A_2123 = vector.shape_cast %mul3A_2118 : vector<16xf32> to vector<1x16xf32>
        tpu.vector_store %arg15[%swap3A_2119, %swap3A_2120], %swap3A_2123 {strides = array<i32>} : memref<80x128xf32, #tpu.memory_space<vmem>>, vector<1x16xf32>,
        %mul3A_2124 = arith.constant 128 : i32
        %mul3A_2125 = arith.muli %add3A_2013, %mul3A_2124 : i32
        %add3A_2126 = arith.constant 112 : i32
        %add3A_2127 = arith.addi %mul3A_2125, %add3A_2126 : i32
        %get3A_2128 = arith.index_cast %add3A_2127 : i32 to index
        %get3A_2129 = tpu.vector_load %arg14[%get3A_2128] {strides = array<i32>} : memref<10240xf32, #tpu.memory_space<vmem>>, vector<16xf32>,
        %get3A_2130 = vector.shape_cast %get3A_2129 : vector<16xf32> to vector<16xf32>
        %mul3A_2131 = arith.mulf %get3A_2130, %broadcast_in_dim3A_2110 : vector<16xf32>
        %swap3A_2132 = arith.index_cast %add3A_2013 : i32 to index
        %swap3A_2133 = arith.constant 112 : index
        %swap3A_2134 = tpu.vector_load %arg15[%swap3A_2132, %swap3A_2133] {strides = array<i32>} : memref<80x128xf32, #tpu.memory_space<vmem>>, vector<1x16xf32>,
        %swap3A_2135 = vector.shape_cast %swap3A_2134 : vector<1x16xf32> to vector<16xf32>
        %swap3A_2136 = vector.shape_cast %mul3A_2131 : vector<16xf32> to vector<1x16xf32>
        tpu.vector_store %arg15[%swap3A_2132, %swap3A_2133], %swap3A_2136 {strides = array<i32>} : memref<80x128xf32, #tpu.memory_space<vmem>>, vector<1x16xf32>,
        %jit3A_2137 = arith.constant 0.000000e+00 : f32
        %broadcast_in_dim3A_2138 = vector.broadcast %jit3A_2137 : f32 to vector<16xf32>
        %select_n3A_2139 = arith.select %lt3A_23, %get3A_2020, %broadcast_in_dim3A_2138 : vector<16xi1>, vector<16xf32>
        %and3A_2140 = arith.constant 3 : i32
        %and3A_2141 = arith.andi %squeeze3A_2015, %and3A_2140 : i32
        %mul3A_2142 = arith.constant 4 : i32
        %mul3A_2143 = arith.muli %and3A_2141, %mul3A_2142 : i32
        %and3A_2144 = arith.constant 31 : i32
        %and3A_2145 = arith.andi %squeeze3A_2015, %and3A_2144 : i32
        %shift_right_arithmetic3A_2146 = arith.constant 2 : i32
        %shift_right_arithmetic3A_2147 = arith.shrsi %and3A_2145, %shift_right_arithmetic3A_2146 : i32
        %swap3A_2148 = arith.index_cast %mul3A_2143 : i32 to index
        %swap3A_2149 = tpu.vector_load %arg18[%swap3A_2148] {strides = array<i32>} : memref<32xf32, #tpu.memory_space<vmem>>, vector<16xf32>,
        %swap3A_2150 = vector.shape_cast %swap3A_2149 : vector<16xf32> to vector<16xf32>
        %swap3A_2151 = vector.shape_cast %select_n3A_2139 : vector<16xf32> to vector<16xf32>
        tpu.vector_store %arg18[%swap3A_2148], %swap3A_2151 {strides = array<i32>} : memref<32xf32, #tpu.memory_space<vmem>>, vector<16xf32>,
        %get3A_2152 = arith.constant 0 : index
        %get3A_2153 = tpu.vector_load %arg18[%get3A_2152] {strides = array<i32>} : memref<32xf32, #tpu.memory_space<vmem>>, vector<16xf32>,
        %get3A_2154 = vector.shape_cast %get3A_2153 : vector<16xf32> to vector<16xf32>
        %swap3A_2155 = arith.index_cast %mul3A_2143 : i32 to index
        %swap3A_2156 = tpu.vector_load %arg18[%swap3A_2155] {strides = array<i32>} : memref<32xf32, #tpu.memory_space<vmem>>, vector<16xf32>,
        %swap3A_2157 = vector.shape_cast %swap3A_2156 : vector<16xf32> to vector<16xf32>
        %swap3A_2158 = vector.shape_cast %broadcast_in_dim3A_24 : vector<16xf32> to vector<16xf32>
        tpu.vector_store %arg18[%swap3A_2155], %swap3A_2158 {strides = array<i32>} : memref<32xf32, #tpu.memory_space<vmem>>, vector<16xf32>,
        %mul3A_2159 = arith.constant 16 : i32
        %mul3A_2160 = arith.muli %shift_right_arithmetic3A_2147, %mul3A_2159 : i32
        %swap3A_2161 = arith.index_cast %add3A_2013 : i32 to index
        %swap3A_2162 = arith.index_cast %mul3A_2160 : i32 to index
        %swap3A_2163 = tpu.vector_load %arg16[%swap3A_2161, %swap3A_2162] {strides = array<i32>} : memref<80x128xf32, #tpu.memory_space<vmem>>, vector<1x16xf32>,
        %swap3A_2164 = vector.shape_cast %swap3A_2163 : vector<1x16xf32> to vector<16xf32>
        %swap3A_2165 = vector.shape_cast %get3A_2154 : vector<16xf32> to vector<1x16xf32>
        tpu.vector_store %arg16[%swap3A_2161, %swap3A_2162], %swap3A_2165 {strides = array<i32>} : memref<80x128xf32, #tpu.memory_space<vmem>>, vector<1x16xf32>,
        %mul3A_2166 = arith.constant 16 : i32
        %mul3A_2167 = arith.muli %scan3A_294, %mul3A_2166 : i32
        %add3A_2168 = arith.constant 12 : i32
        %add3A_2169 = arith.addi %mul3A_2167, %add3A_2168 : i32
        %slice3A_2170 = vector.extract_strided_slice %get3A_299 {offsets = [12], sizes = [1], strides = [1]} : vector<16xi32> to vector<1xi32>
        %squeeze3A_2171 = vector.extract %slice3A_2170[0] : i32 from vector<1xi32>
        %mul3A_2172 = arith.constant 4 : i32
        %mul3A_2173 = arith.muli %add3A_2169, %mul3A_2172 : i32
        %get3A_2174 = arith.index_cast %mul3A_2173 : i32 to index
        %get3A_2175 = tpu.vector_load %arg17[%get3A_2174] {strides = array<i32>} : memref<336xf32, #tpu.memory_space<vmem>>, vector<16xf32>,
        %get3A_2176 = vector.shape_cast %get3A_2175 : vector<16xf32> to vector<16xf32>
        %slice3A_2177 = vector.extract_strided_slice %get3A_2176 {offsets = [0], sizes = [1], strides = [1]} : vector<16xf32> to vector<1xf32>
        %squeeze3A_2178 = vector.extract %slice3A_2177[0] : f32 from vector<1xf32>
        %broadcast_in_dim3A_2179 = vector.broadcast %squeeze3A_2178 : f32 to vector<16xf32>
        %mul3A_2180 = arith.constant 128 : i32
        %mul3A_2181 = arith.muli %add3A_2169, %mul3A_2180 : i32
        %add3A_2182 = arith.constant 0 : i32
        %add3A_2183 = arith.addi %mul3A_2181, %add3A_2182 : i32
        %get3A_2184 = arith.index_cast %add3A_2183 : i32 to index
        %get3A_2185 = tpu.vector_load %arg14[%get3A_2184] {strides = array<i32>} : memref<10240xf32, #tpu.memory_space<vmem>>, vector<16xf32>,
        %get3A_2186 = vector.shape_cast %get3A_2185 : vector<16xf32> to vector<16xf32>
        %mul3A_2187 = arith.mulf %get3A_2186, %broadcast_in_dim3A_2179 : vector<16xf32>
        %swap3A_2188 = arith.index_cast %add3A_2169 : i32 to index
        %swap3A_2189 = arith.constant 0 : index
        %swap3A_2190 = tpu.vector_load %arg15[%swap3A_2188, %swap3A_2189] {strides = array<i32>} : memref<80x128xf32, #tpu.memory_space<vmem>>, vector<1x16xf32>,
        %swap3A_2191 = vector.shape_cast %swap3A_2190 : vector<1x16xf32> to vector<16xf32>
        %swap3A_2192 = vector.shape_cast %mul3A_2187 : vector<16xf32> to vector<1x16xf32>
        tpu.vector_store %arg15[%swap3A_2188, %swap3A_2189], %swap3A_2192 {strides = array<i32>} : memref<80x128xf32, #tpu.memory_space<vmem>>, vector<1x16xf32>,
        %mul3A_2193 = arith.constant 128 : i32
        %mul3A_2194 = arith.muli %add3A_2169, %mul3A_2193 : i32
        %add3A_2195 = arith.constant 16 : i32
        %add3A_2196 = arith.addi %mul3A_2194, %add3A_2195 : i32
        %get3A_2197 = arith.index_cast %add3A_2196 : i32 to index
        %get3A_2198 = tpu.vector_load %arg14[%get3A_2197] {strides = array<i32>} : memref<10240xf32, #tpu.memory_space<vmem>>, vector<16xf32>,
        %get3A_2199 = vector.shape_cast %get3A_2198 : vector<16xf32> to vector<16xf32>
        %mul3A_2200 = arith.mulf %get3A_2199, %broadcast_in_dim3A_2179 : vector<16xf32>
        %swap3A_2201 = arith.index_cast %add3A_2169 : i32 to index
        %swap3A_2202 = arith.constant 16 : index
        %swap3A_2203 = tpu.vector_load %arg15[%swap3A_2201, %swap3A_2202] {strides = array<i32>} : memref<80x128xf32, #tpu.memory_space<vmem>>, vector<1x16xf32>,
        %swap3A_2204 = vector.shape_cast %swap3A_2203 : vector<1x16xf32> to vector<16xf32>
        %swap3A_2205 = vector.shape_cast %mul3A_2200 : vector<16xf32> to vector<1x16xf32>
        tpu.vector_store %arg15[%swap3A_2201, %swap3A_2202], %swap3A_2205 {strides = array<i32>} : memref<80x128xf32, #tpu.memory_space<vmem>>, vector<1x16xf32>,
        %slice3A_2206 = vector.extract_strided_slice %get3A_2176 {offsets = [1], sizes = [1], strides = [1]} : vector<16xf32> to vector<1xf32>
        %squeeze3A_2207 = vector.extract %slice3A_2206[0] : f32 from vector<1xf32>
        %broadcast_in_dim3A_2208 = vector.broadcast %squeeze3A_2207 : f32 to vector<16xf32>
        %mul3A_2209 = arith.constant 128 : i32
        %mul3A_2210 = arith.muli %add3A_2169, %mul3A_2209 : i32
        %add3A_2211 = arith.constant 32 : i32
        %add3A_2212 = arith.addi %mul3A_2210, %add3A_2211 : i32
        %get3A_2213 = arith.index_cast %add3A_2212 : i32 to index
        %get3A_2214 = tpu.vector_load %arg14[%get3A_2213] {strides = array<i32>} : memref<10240xf32, #tpu.memory_space<vmem>>, vector<16xf32>,
        %get3A_2215 = vector.shape_cast %get3A_2214 : vector<16xf32> to vector<16xf32>
        %mul3A_2216 = arith.mulf %get3A_2215, %broadcast_in_dim3A_2208 : vector<16xf32>
        %swap3A_2217 = arith.index_cast %add3A_2169 : i32 to index
        %swap3A_2218 = arith.constant 32 : index
        %swap3A_2219 = tpu.vector_load %arg15[%swap3A_2217, %swap3A_2218] {strides = array<i32>} : memref<80x128xf32, #tpu.memory_space<vmem>>, vector<1x16xf32>,
        %swap3A_2220 = vector.shape_cast %swap3A_2219 : vector<1x16xf32> to vector<16xf32>
        %swap3A_2221 = vector.shape_cast %mul3A_2216 : vector<16xf32> to vector<1x16xf32>
        tpu.vector_store %arg15[%swap3A_2217, %swap3A_2218], %swap3A_2221 {strides = array<i32>} : memref<80x128xf32, #tpu.memory_space<vmem>>, vector<1x16xf32>,
        %mul3A_2222 = arith.constant 128 : i32
        %mul3A_2223 = arith.muli %add3A_2169, %mul3A_2222 : i32
        %add3A_2224 = arith.constant 48 : i32
        %add3A_2225 = arith.addi %mul3A_2223, %add3A_2224 : i32
        %get3A_2226 = arith.index_cast %add3A_2225 : i32 to index
        %get3A_2227 = tpu.vector_load %arg14[%get3A_2226] {strides = array<i32>} : memref<10240xf32, #tpu.memory_space<vmem>>, vector<16xf32>,
        %get3A_2228 = vector.shape_cast %get3A_2227 : vector<16xf32> to vector<16xf32>
        %mul3A_2229 = arith.mulf %get3A_2228, %broadcast_in_dim3A_2208 : vector<16xf32>
        %swap3A_2230 = arith.index_cast %add3A_2169 : i32 to index
        %swap3A_2231 = arith.constant 48 : index
        %swap3A_2232 = tpu.vector_load %arg15[%swap3A_2230, %swap3A_2231] {strides = array<i32>} : memref<80x128xf32, #tpu.memory_space<vmem>>, vector<1x16xf32>,
        %swap3A_2233 = vector.shape_cast %swap3A_2232 : vector<1x16xf32> to vector<16xf32>
        %swap3A_2234 = vector.shape_cast %mul3A_2229 : vector<16xf32> to vector<1x16xf32>
        tpu.vector_store %arg15[%swap3A_2230, %swap3A_2231], %swap3A_2234 {strides = array<i32>} : memref<80x128xf32, #tpu.memory_space<vmem>>, vector<1x16xf32>,
        %slice3A_2235 = vector.extract_strided_slice %get3A_2176 {offsets = [2], sizes = [1], strides = [1]} : vector<16xf32> to vector<1xf32>
        %squeeze3A_2236 = vector.extract %slice3A_2235[0] : f32 from vector<1xf32>
        %broadcast_in_dim3A_2237 = vector.broadcast %squeeze3A_2236 : f32 to vector<16xf32>
        %mul3A_2238 = arith.constant 128 : i32
        %mul3A_2239 = arith.muli %add3A_2169, %mul3A_2238 : i32
        %add3A_2240 = arith.constant 64 : i32
        %add3A_2241 = arith.addi %mul3A_2239, %add3A_2240 : i32
        %get3A_2242 = arith.index_cast %add3A_2241 : i32 to index
        %get3A_2243 = tpu.vector_load %arg14[%get3A_2242] {strides = array<i32>} : memref<10240xf32, #tpu.memory_space<vmem>>, vector<16xf32>,
        %get3A_2244 = vector.shape_cast %get3A_2243 : vector<16xf32> to vector<16xf32>
        %mul3A_2245 = arith.mulf %get3A_2244, %broadcast_in_dim3A_2237 : vector<16xf32>
        %swap3A_2246 = arith.index_cast %add3A_2169 : i32 to index
        %swap3A_2247 = arith.constant 64 : index
        %swap3A_2248 = tpu.vector_load %arg15[%swap3A_2246, %swap3A_2247] {strides = array<i32>} : memref<80x128xf32, #tpu.memory_space<vmem>>, vector<1x16xf32>,
        %swap3A_2249 = vector.shape_cast %swap3A_2248 : vector<1x16xf32> to vector<16xf32>
        %swap3A_2250 = vector.shape_cast %mul3A_2245 : vector<16xf32> to vector<1x16xf32>
        tpu.vector_store %arg15[%swap3A_2246, %swap3A_2247], %swap3A_2250 {strides = array<i32>} : memref<80x128xf32, #tpu.memory_space<vmem>>, vector<1x16xf32>,
        %mul3A_2251 = arith.constant 128 : i32
        %mul3A_2252 = arith.muli %add3A_2169, %mul3A_2251 : i32
        %add3A_2253 = arith.constant 80 : i32
        %add3A_2254 = arith.addi %mul3A_2252, %add3A_2253 : i32
        %get3A_2255 = arith.index_cast %add3A_2254 : i32 to index
        %get3A_2256 = tpu.vector_load %arg14[%get3A_2255] {strides = array<i32>} : memref<10240xf32, #tpu.memory_space<vmem>>, vector<16xf32>,
        %get3A_2257 = vector.shape_cast %get3A_2256 : vector<16xf32> to vector<16xf32>
        %mul3A_2258 = arith.mulf %get3A_2257, %broadcast_in_dim3A_2237 : vector<16xf32>
        %swap3A_2259 = arith.index_cast %add3A_2169 : i32 to index
        %swap3A_2260 = arith.constant 80 : index
        %swap3A_2261 = tpu.vector_load %arg15[%swap3A_2259, %swap3A_2260] {strides = array<i32>} : memref<80x128xf32, #tpu.memory_space<vmem>>, vector<1x16xf32>,
        %swap3A_2262 = vector.shape_cast %swap3A_2261 : vector<1x16xf32> to vector<16xf32>
        %swap3A_2263 = vector.shape_cast %mul3A_2258 : vector<16xf32> to vector<1x16xf32>
        tpu.vector_store %arg15[%swap3A_2259, %swap3A_2260], %swap3A_2263 {strides = array<i32>} : memref<80x128xf32, #tpu.memory_space<vmem>>, vector<1x16xf32>,
        %slice3A_2264 = vector.extract_strided_slice %get3A_2176 {offsets = [3], sizes = [1], strides = [1]} : vector<16xf32> to vector<1xf32>
        %squeeze3A_2265 = vector.extract %slice3A_2264[0] : f32 from vector<1xf32>
        %broadcast_in_dim3A_2266 = vector.broadcast %squeeze3A_2265 : f32 to vector<16xf32>
        %mul3A_2267 = arith.constant 128 : i32
        %mul3A_2268 = arith.muli %add3A_2169, %mul3A_2267 : i32
        %add3A_2269 = arith.constant 96 : i32
        %add3A_2270 = arith.addi %mul3A_2268, %add3A_2269 : i32
        %get3A_2271 = arith.index_cast %add3A_2270 : i32 to index
        %get3A_2272 = tpu.vector_load %arg14[%get3A_2271] {strides = array<i32>} : memref<10240xf32, #tpu.memory_space<vmem>>, vector<16xf32>,
        %get3A_2273 = vector.shape_cast %get3A_2272 : vector<16xf32> to vector<16xf32>
        %mul3A_2274 = arith.mulf %get3A_2273, %broadcast_in_dim3A_2266 : vector<16xf32>
        %swap3A_2275 = arith.index_cast %add3A_2169 : i32 to index
        %swap3A_2276 = arith.constant 96 : index
        %swap3A_2277 = tpu.vector_load %arg15[%swap3A_2275, %swap3A_2276] {strides = array<i32>} : memref<80x128xf32, #tpu.memory_space<vmem>>, vector<1x16xf32>,
        %swap3A_2278 = vector.shape_cast %swap3A_2277 : vector<1x16xf32> to vector<16xf32>
        %swap3A_2279 = vector.shape_cast %mul3A_2274 : vector<16xf32> to vector<1x16xf32>
        tpu.vector_store %arg15[%swap3A_2275, %swap3A_2276], %swap3A_2279 {strides = array<i32>} : memref<80x128xf32, #tpu.memory_space<vmem>>, vector<1x16xf32>,
        %mul3A_2280 = arith.constant 128 : i32
        %mul3A_2281 = arith.muli %add3A_2169, %mul3A_2280 : i32
        %add3A_2282 = arith.constant 112 : i32
        %add3A_2283 = arith.addi %mul3A_2281, %add3A_2282 : i32
        %get3A_2284 = arith.index_cast %add3A_2283 : i32 to index
        %get3A_2285 = tpu.vector_load %arg14[%get3A_2284] {strides = array<i32>} : memref<10240xf32, #tpu.memory_space<vmem>>, vector<16xf32>,
        %get3A_2286 = vector.shape_cast %get3A_2285 : vector<16xf32> to vector<16xf32>
        %mul3A_2287 = arith.mulf %get3A_2286, %broadcast_in_dim3A_2266 : vector<16xf32>
        %swap3A_2288 = arith.index_cast %add3A_2169 : i32 to index
        %swap3A_2289 = arith.constant 112 : index
        %swap3A_2290 = tpu.vector_load %arg15[%swap3A_2288, %swap3A_2289] {strides = array<i32>} : memref<80x128xf32, #tpu.memory_space<vmem>>, vector<1x16xf32>,
        %swap3A_2291 = vector.shape_cast %swap3A_2290 : vector<1x16xf32> to vector<16xf32>
        %swap3A_2292 = vector.shape_cast %mul3A_2287 : vector<16xf32> to vector<1x16xf32>
        tpu.vector_store %arg15[%swap3A_2288, %swap3A_2289], %swap3A_2292 {strides = array<i32>} : memref<80x128xf32, #tpu.memory_space<vmem>>, vector<1x16xf32>,
        %jit3A_2293 = arith.constant 0.000000e+00 : f32
        %broadcast_in_dim3A_2294 = vector.broadcast %jit3A_2293 : f32 to vector<16xf32>
        %select_n3A_2295 = arith.select %lt3A_23, %get3A_2176, %broadcast_in_dim3A_2294 : vector<16xi1>, vector<16xf32>
        %and3A_2296 = arith.constant 3 : i32
        %and3A_2297 = arith.andi %squeeze3A_2171, %and3A_2296 : i32
        %mul3A_2298 = arith.constant 4 : i32
        %mul3A_2299 = arith.muli %and3A_2297, %mul3A_2298 : i32
        %and3A_2300 = arith.constant 31 : i32
        %and3A_2301 = arith.andi %squeeze3A_2171, %and3A_2300 : i32
        %shift_right_arithmetic3A_2302 = arith.constant 2 : i32
        %shift_right_arithmetic3A_2303 = arith.shrsi %and3A_2301, %shift_right_arithmetic3A_2302 : i32
        %swap3A_2304 = arith.index_cast %mul3A_2299 : i32 to index
        %swap3A_2305 = tpu.vector_load %arg18[%swap3A_2304] {strides = array<i32>} : memref<32xf32, #tpu.memory_space<vmem>>, vector<16xf32>,
        %swap3A_2306 = vector.shape_cast %swap3A_2305 : vector<16xf32> to vector<16xf32>
        %swap3A_2307 = vector.shape_cast %select_n3A_2295 : vector<16xf32> to vector<16xf32>
        tpu.vector_store %arg18[%swap3A_2304], %swap3A_2307 {strides = array<i32>} : memref<32xf32, #tpu.memory_space<vmem>>, vector<16xf32>,
        %get3A_2308 = arith.constant 0 : index
        %get3A_2309 = tpu.vector_load %arg18[%get3A_2308] {strides = array<i32>} : memref<32xf32, #tpu.memory_space<vmem>>, vector<16xf32>,
        %get3A_2310 = vector.shape_cast %get3A_2309 : vector<16xf32> to vector<16xf32>
        %swap3A_2311 = arith.index_cast %mul3A_2299 : i32 to index
        %swap3A_2312 = tpu.vector_load %arg18[%swap3A_2311] {strides = array<i32>} : memref<32xf32, #tpu.memory_space<vmem>>, vector<16xf32>,
        %swap3A_2313 = vector.shape_cast %swap3A_2312 : vector<16xf32> to vector<16xf32>
        %swap3A_2314 = vector.shape_cast %broadcast_in_dim3A_24 : vector<16xf32> to vector<16xf32>
        tpu.vector_store %arg18[%swap3A_2311], %swap3A_2314 {strides = array<i32>} : memref<32xf32, #tpu.memory_space<vmem>>, vector<16xf32>,
        %mul3A_2315 = arith.constant 16 : i32
        %mul3A_2316 = arith.muli %shift_right_arithmetic3A_2303, %mul3A_2315 : i32
        %swap3A_2317 = arith.index_cast %add3A_2169 : i32 to index
        %swap3A_2318 = arith.index_cast %mul3A_2316 : i32 to index
        %swap3A_2319 = tpu.vector_load %arg16[%swap3A_2317, %swap3A_2318] {strides = array<i32>} : memref<80x128xf32, #tpu.memory_space<vmem>>, vector<1x16xf32>,
        %swap3A_2320 = vector.shape_cast %swap3A_2319 : vector<1x16xf32> to vector<16xf32>
        %swap3A_2321 = vector.shape_cast %get3A_2310 : vector<16xf32> to vector<1x16xf32>
        tpu.vector_store %arg16[%swap3A_2317, %swap3A_2318], %swap3A_2321 {strides = array<i32>} : memref<80x128xf32, #tpu.memory_space<vmem>>, vector<1x16xf32>,
        %mul3A_2322 = arith.constant 16 : i32
        %mul3A_2323 = arith.muli %scan3A_294, %mul3A_2322 : i32
        %add3A_2324 = arith.constant 13 : i32
        %add3A_2325 = arith.addi %mul3A_2323, %add3A_2324 : i32
        %slice3A_2326 = vector.extract_strided_slice %get3A_299 {offsets = [13], sizes = [1], strides = [1]} : vector<16xi32> to vector<1xi32>
        %squeeze3A_2327 = vector.extract %slice3A_2326[0] : i32 from vector<1xi32>
        %mul3A_2328 = arith.constant 4 : i32
        %mul3A_2329 = arith.muli %add3A_2325, %mul3A_2328 : i32
        %get3A_2330 = arith.index_cast %mul3A_2329 : i32 to index
        %get3A_2331 = tpu.vector_load %arg17[%get3A_2330] {strides = array<i32>} : memref<336xf32, #tpu.memory_space<vmem>>, vector<16xf32>,
        %get3A_2332 = vector.shape_cast %get3A_2331 : vector<16xf32> to vector<16xf32>
        %slice3A_2333 = vector.extract_strided_slice %get3A_2332 {offsets = [0], sizes = [1], strides = [1]} : vector<16xf32> to vector<1xf32>
        %squeeze3A_2334 = vector.extract %slice3A_2333[0] : f32 from vector<1xf32>
        %broadcast_in_dim3A_2335 = vector.broadcast %squeeze3A_2334 : f32 to vector<16xf32>
        %mul3A_2336 = arith.constant 128 : i32
        %mul3A_2337 = arith.muli %add3A_2325, %mul3A_2336 : i32
        %add3A_2338 = arith.constant 0 : i32
        %add3A_2339 = arith.addi %mul3A_2337, %add3A_2338 : i32
        %get3A_2340 = arith.index_cast %add3A_2339 : i32 to index
        %get3A_2341 = tpu.vector_load %arg14[%get3A_2340] {strides = array<i32>} : memref<10240xf32, #tpu.memory_space<vmem>>, vector<16xf32>,
        %get3A_2342 = vector.shape_cast %get3A_2341 : vector<16xf32> to vector<16xf32>
        %mul3A_2343 = arith.mulf %get3A_2342, %broadcast_in_dim3A_2335 : vector<16xf32>
        %swap3A_2344 = arith.index_cast %add3A_2325 : i32 to index
        %swap3A_2345 = arith.constant 0 : index
        %swap3A_2346 = tpu.vector_load %arg15[%swap3A_2344, %swap3A_2345] {strides = array<i32>} : memref<80x128xf32, #tpu.memory_space<vmem>>, vector<1x16xf32>,
        %swap3A_2347 = vector.shape_cast %swap3A_2346 : vector<1x16xf32> to vector<16xf32>
        %swap3A_2348 = vector.shape_cast %mul3A_2343 : vector<16xf32> to vector<1x16xf32>
        tpu.vector_store %arg15[%swap3A_2344, %swap3A_2345], %swap3A_2348 {strides = array<i32>} : memref<80x128xf32, #tpu.memory_space<vmem>>, vector<1x16xf32>,
        %mul3A_2349 = arith.constant 128 : i32
        %mul3A_2350 = arith.muli %add3A_2325, %mul3A_2349 : i32
        %add3A_2351 = arith.constant 16 : i32
        %add3A_2352 = arith.addi %mul3A_2350, %add3A_2351 : i32
        %get3A_2353 = arith.index_cast %add3A_2352 : i32 to index
        %get3A_2354 = tpu.vector_load %arg14[%get3A_2353] {strides = array<i32>} : memref<10240xf32, #tpu.memory_space<vmem>>, vector<16xf32>,
        %get3A_2355 = vector.shape_cast %get3A_2354 : vector<16xf32> to vector<16xf32>
        %mul3A_2356 = arith.mulf %get3A_2355, %broadcast_in_dim3A_2335 : vector<16xf32>
        %swap3A_2357 = arith.index_cast %add3A_2325 : i32 to index
        %swap3A_2358 = arith.constant 16 : index
        %swap3A_2359 = tpu.vector_load %arg15[%swap3A_2357, %swap3A_2358] {strides = array<i32>} : memref<80x128xf32, #tpu.memory_space<vmem>>, vector<1x16xf32>,
        %swap3A_2360 = vector.shape_cast %swap3A_2359 : vector<1x16xf32> to vector<16xf32>
        %swap3A_2361 = vector.shape_cast %mul3A_2356 : vector<16xf32> to vector<1x16xf32>
        tpu.vector_store %arg15[%swap3A_2357, %swap3A_2358], %swap3A_2361 {strides = array<i32>} : memref<80x128xf32, #tpu.memory_space<vmem>>, vector<1x16xf32>,
        %slice3A_2362 = vector.extract_strided_slice %get3A_2332 {offsets = [1], sizes = [1], strides = [1]} : vector<16xf32> to vector<1xf32>
        %squeeze3A_2363 = vector.extract %slice3A_2362[0] : f32 from vector<1xf32>
        %broadcast_in_dim3A_2364 = vector.broadcast %squeeze3A_2363 : f32 to vector<16xf32>
        %mul3A_2365 = arith.constant 128 : i32
        %mul3A_2366 = arith.muli %add3A_2325, %mul3A_2365 : i32
        %add3A_2367 = arith.constant 32 : i32
        %add3A_2368 = arith.addi %mul3A_2366, %add3A_2367 : i32
        %get3A_2369 = arith.index_cast %add3A_2368 : i32 to index
        %get3A_2370 = tpu.vector_load %arg14[%get3A_2369] {strides = array<i32>} : memref<10240xf32, #tpu.memory_space<vmem>>, vector<16xf32>,
        %get3A_2371 = vector.shape_cast %get3A_2370 : vector<16xf32> to vector<16xf32>
        %mul3A_2372 = arith.mulf %get3A_2371, %broadcast_in_dim3A_2364 : vector<16xf32>
        %swap3A_2373 = arith.index_cast %add3A_2325 : i32 to index
        %swap3A_2374 = arith.constant 32 : index
        %swap3A_2375 = tpu.vector_load %arg15[%swap3A_2373, %swap3A_2374] {strides = array<i32>} : memref<80x128xf32, #tpu.memory_space<vmem>>, vector<1x16xf32>,
        %swap3A_2376 = vector.shape_cast %swap3A_2375 : vector<1x16xf32> to vector<16xf32>
        %swap3A_2377 = vector.shape_cast %mul3A_2372 : vector<16xf32> to vector<1x16xf32>
        tpu.vector_store %arg15[%swap3A_2373, %swap3A_2374], %swap3A_2377 {strides = array<i32>} : memref<80x128xf32, #tpu.memory_space<vmem>>, vector<1x16xf32>,
        %mul3A_2378 = arith.constant 128 : i32
        %mul3A_2379 = arith.muli %add3A_2325, %mul3A_2378 : i32
        %add3A_2380 = arith.constant 48 : i32
        %add3A_2381 = arith.addi %mul3A_2379, %add3A_2380 : i32
        %get3A_2382 = arith.index_cast %add3A_2381 : i32 to index
        %get3A_2383 = tpu.vector_load %arg14[%get3A_2382] {strides = array<i32>} : memref<10240xf32, #tpu.memory_space<vmem>>, vector<16xf32>,
        %get3A_2384 = vector.shape_cast %get3A_2383 : vector<16xf32> to vector<16xf32>
        %mul3A_2385 = arith.mulf %get3A_2384, %broadcast_in_dim3A_2364 : vector<16xf32>
        %swap3A_2386 = arith.index_cast %add3A_2325 : i32 to index
        %swap3A_2387 = arith.constant 48 : index
        %swap3A_2388 = tpu.vector_load %arg15[%swap3A_2386, %swap3A_2387] {strides = array<i32>} : memref<80x128xf32, #tpu.memory_space<vmem>>, vector<1x16xf32>,
        %swap3A_2389 = vector.shape_cast %swap3A_2388 : vector<1x16xf32> to vector<16xf32>
        %swap3A_2390 = vector.shape_cast %mul3A_2385 : vector<16xf32> to vector<1x16xf32>
        tpu.vector_store %arg15[%swap3A_2386, %swap3A_2387], %swap3A_2390 {strides = array<i32>} : memref<80x128xf32, #tpu.memory_space<vmem>>, vector<1x16xf32>,
        %slice3A_2391 = vector.extract_strided_slice %get3A_2332 {offsets = [2], sizes = [1], strides = [1]} : vector<16xf32> to vector<1xf32>
        %squeeze3A_2392 = vector.extract %slice3A_2391[0] : f32 from vector<1xf32>
        %broadcast_in_dim3A_2393 = vector.broadcast %squeeze3A_2392 : f32 to vector<16xf32>
        %mul3A_2394 = arith.constant 128 : i32
        %mul3A_2395 = arith.muli %add3A_2325, %mul3A_2394 : i32
        %add3A_2396 = arith.constant 64 : i32
        %add3A_2397 = arith.addi %mul3A_2395, %add3A_2396 : i32
        %get3A_2398 = arith.index_cast %add3A_2397 : i32 to index
        %get3A_2399 = tpu.vector_load %arg14[%get3A_2398] {strides = array<i32>} : memref<10240xf32, #tpu.memory_space<vmem>>, vector<16xf32>,
        %get3A_2400 = vector.shape_cast %get3A_2399 : vector<16xf32> to vector<16xf32>
        %mul3A_2401 = arith.mulf %get3A_2400, %broadcast_in_dim3A_2393 : vector<16xf32>
        %swap3A_2402 = arith.index_cast %add3A_2325 : i32 to index
        %swap3A_2403 = arith.constant 64 : index
        %swap3A_2404 = tpu.vector_load %arg15[%swap3A_2402, %swap3A_2403] {strides = array<i32>} : memref<80x128xf32, #tpu.memory_space<vmem>>, vector<1x16xf32>,
        %swap3A_2405 = vector.shape_cast %swap3A_2404 : vector<1x16xf32> to vector<16xf32>
        %swap3A_2406 = vector.shape_cast %mul3A_2401 : vector<16xf32> to vector<1x16xf32>
        tpu.vector_store %arg15[%swap3A_2402, %swap3A_2403], %swap3A_2406 {strides = array<i32>} : memref<80x128xf32, #tpu.memory_space<vmem>>, vector<1x16xf32>,
        %mul3A_2407 = arith.constant 128 : i32
        %mul3A_2408 = arith.muli %add3A_2325, %mul3A_2407 : i32
        %add3A_2409 = arith.constant 80 : i32
        %add3A_2410 = arith.addi %mul3A_2408, %add3A_2409 : i32
        %get3A_2411 = arith.index_cast %add3A_2410 : i32 to index
        %get3A_2412 = tpu.vector_load %arg14[%get3A_2411] {strides = array<i32>} : memref<10240xf32, #tpu.memory_space<vmem>>, vector<16xf32>,
        %get3A_2413 = vector.shape_cast %get3A_2412 : vector<16xf32> to vector<16xf32>
        %mul3A_2414 = arith.mulf %get3A_2413, %broadcast_in_dim3A_2393 : vector<16xf32>
        %swap3A_2415 = arith.index_cast %add3A_2325 : i32 to index
        %swap3A_2416 = arith.constant 80 : index
        %swap3A_2417 = tpu.vector_load %arg15[%swap3A_2415, %swap3A_2416] {strides = array<i32>} : memref<80x128xf32, #tpu.memory_space<vmem>>, vector<1x16xf32>,
        %swap3A_2418 = vector.shape_cast %swap3A_2417 : vector<1x16xf32> to vector<16xf32>
        %swap3A_2419 = vector.shape_cast %mul3A_2414 : vector<16xf32> to vector<1x16xf32>
        tpu.vector_store %arg15[%swap3A_2415, %swap3A_2416], %swap3A_2419 {strides = array<i32>} : memref<80x128xf32, #tpu.memory_space<vmem>>, vector<1x16xf32>,
        %slice3A_2420 = vector.extract_strided_slice %get3A_2332 {offsets = [3], sizes = [1], strides = [1]} : vector<16xf32> to vector<1xf32>
        %squeeze3A_2421 = vector.extract %slice3A_2420[0] : f32 from vector<1xf32>
        %broadcast_in_dim3A_2422 = vector.broadcast %squeeze3A_2421 : f32 to vector<16xf32>
        %mul3A_2423 = arith.constant 128 : i32
        %mul3A_2424 = arith.muli %add3A_2325, %mul3A_2423 : i32
        %add3A_2425 = arith.constant 96 : i32
        %add3A_2426 = arith.addi %mul3A_2424, %add3A_2425 : i32
        %get3A_2427 = arith.index_cast %add3A_2426 : i32 to index
        %get3A_2428 = tpu.vector_load %arg14[%get3A_2427] {strides = array<i32>} : memref<10240xf32, #tpu.memory_space<vmem>>, vector<16xf32>,
        %get3A_2429 = vector.shape_cast %get3A_2428 : vector<16xf32> to vector<16xf32>
        %mul3A_2430 = arith.mulf %get3A_2429, %broadcast_in_dim3A_2422 : vector<16xf32>
        %swap3A_2431 = arith.index_cast %add3A_2325 : i32 to index
        %swap3A_2432 = arith.constant 96 : index
        %swap3A_2433 = tpu.vector_load %arg15[%swap3A_2431, %swap3A_2432] {strides = array<i32>} : memref<80x128xf32, #tpu.memory_space<vmem>>, vector<1x16xf32>,
        %swap3A_2434 = vector.shape_cast %swap3A_2433 : vector<1x16xf32> to vector<16xf32>
        %swap3A_2435 = vector.shape_cast %mul3A_2430 : vector<16xf32> to vector<1x16xf32>
        tpu.vector_store %arg15[%swap3A_2431, %swap3A_2432], %swap3A_2435 {strides = array<i32>} : memref<80x128xf32, #tpu.memory_space<vmem>>, vector<1x16xf32>,
        %mul3A_2436 = arith.constant 128 : i32
        %mul3A_2437 = arith.muli %add3A_2325, %mul3A_2436 : i32
        %add3A_2438 = arith.constant 112 : i32
        %add3A_2439 = arith.addi %mul3A_2437, %add3A_2438 : i32
        %get3A_2440 = arith.index_cast %add3A_2439 : i32 to index
        %get3A_2441 = tpu.vector_load %arg14[%get3A_2440] {strides = array<i32>} : memref<10240xf32, #tpu.memory_space<vmem>>, vector<16xf32>,
        %get3A_2442 = vector.shape_cast %get3A_2441 : vector<16xf32> to vector<16xf32>
        %mul3A_2443 = arith.mulf %get3A_2442, %broadcast_in_dim3A_2422 : vector<16xf32>
        %swap3A_2444 = arith.index_cast %add3A_2325 : i32 to index
        %swap3A_2445 = arith.constant 112 : index
        %swap3A_2446 = tpu.vector_load %arg15[%swap3A_2444, %swap3A_2445] {strides = array<i32>} : memref<80x128xf32, #tpu.memory_space<vmem>>, vector<1x16xf32>,
        %swap3A_2447 = vector.shape_cast %swap3A_2446 : vector<1x16xf32> to vector<16xf32>
        %swap3A_2448 = vector.shape_cast %mul3A_2443 : vector<16xf32> to vector<1x16xf32>
        tpu.vector_store %arg15[%swap3A_2444, %swap3A_2445], %swap3A_2448 {strides = array<i32>} : memref<80x128xf32, #tpu.memory_space<vmem>>, vector<1x16xf32>,
        %jit3A_2449 = arith.constant 0.000000e+00 : f32
        %broadcast_in_dim3A_2450 = vector.broadcast %jit3A_2449 : f32 to vector<16xf32>
        %select_n3A_2451 = arith.select %lt3A_23, %get3A_2332, %broadcast_in_dim3A_2450 : vector<16xi1>, vector<16xf32>
        %and3A_2452 = arith.constant 3 : i32
        %and3A_2453 = arith.andi %squeeze3A_2327, %and3A_2452 : i32
        %mul3A_2454 = arith.constant 4 : i32
        %mul3A_2455 = arith.muli %and3A_2453, %mul3A_2454 : i32
        %and3A_2456 = arith.constant 31 : i32
        %and3A_2457 = arith.andi %squeeze3A_2327, %and3A_2456 : i32
        %shift_right_arithmetic3A_2458 = arith.constant 2 : i32
        %shift_right_arithmetic3A_2459 = arith.shrsi %and3A_2457, %shift_right_arithmetic3A_2458 : i32
        %swap3A_2460 = arith.index_cast %mul3A_2455 : i32 to index
        %swap3A_2461 = tpu.vector_load %arg18[%swap3A_2460] {strides = array<i32>} : memref<32xf32, #tpu.memory_space<vmem>>, vector<16xf32>,
        %swap3A_2462 = vector.shape_cast %swap3A_2461 : vector<16xf32> to vector<16xf32>
        %swap3A_2463 = vector.shape_cast %select_n3A_2451 : vector<16xf32> to vector<16xf32>
        tpu.vector_store %arg18[%swap3A_2460], %swap3A_2463 {strides = array<i32>} : memref<32xf32, #tpu.memory_space<vmem>>, vector<16xf32>,
        %get3A_2464 = arith.constant 0 : index
        %get3A_2465 = tpu.vector_load %arg18[%get3A_2464] {strides = array<i32>} : memref<32xf32, #tpu.memory_space<vmem>>, vector<16xf32>,
        %get3A_2466 = vector.shape_cast %get3A_2465 : vector<16xf32> to vector<16xf32>
        %swap3A_2467 = arith.index_cast %mul3A_2455 : i32 to index
        %swap3A_2468 = tpu.vector_load %arg18[%swap3A_2467] {strides = array<i32>} : memref<32xf32, #tpu.memory_space<vmem>>, vector<16xf32>,
        %swap3A_2469 = vector.shape_cast %swap3A_2468 : vector<16xf32> to vector<16xf32>
        %swap3A_2470 = vector.shape_cast %broadcast_in_dim3A_24 : vector<16xf32> to vector<16xf32>
        tpu.vector_store %arg18[%swap3A_2467], %swap3A_2470 {strides = array<i32>} : memref<32xf32, #tpu.memory_space<vmem>>, vector<16xf32>,
        %mul3A_2471 = arith.constant 16 : i32
        %mul3A_2472 = arith.muli %shift_right_arithmetic3A_2459, %mul3A_2471 : i32
        %swap3A_2473 = arith.index_cast %add3A_2325 : i32 to index
        %swap3A_2474 = arith.index_cast %mul3A_2472 : i32 to index
        %swap3A_2475 = tpu.vector_load %arg16[%swap3A_2473, %swap3A_2474] {strides = array<i32>} : memref<80x128xf32, #tpu.memory_space<vmem>>, vector<1x16xf32>,
        %swap3A_2476 = vector.shape_cast %swap3A_2475 : vector<1x16xf32> to vector<16xf32>
        %swap3A_2477 = vector.shape_cast %get3A_2466 : vector<16xf32> to vector<1x16xf32>
        tpu.vector_store %arg16[%swap3A_2473, %swap3A_2474], %swap3A_2477 {strides = array<i32>} : memref<80x128xf32, #tpu.memory_space<vmem>>, vector<1x16xf32>,
        %mul3A_2478 = arith.constant 16 : i32
        %mul3A_2479 = arith.muli %scan3A_294, %mul3A_2478 : i32
        %add3A_2480 = arith.constant 14 : i32
        %add3A_2481 = arith.addi %mul3A_2479, %add3A_2480 : i32
        %slice3A_2482 = vector.extract_strided_slice %get3A_299 {offsets = [14], sizes = [1], strides = [1]} : vector<16xi32> to vector<1xi32>
        %squeeze3A_2483 = vector.extract %slice3A_2482[0] : i32 from vector<1xi32>
        %mul3A_2484 = arith.constant 4 : i32
        %mul3A_2485 = arith.muli %add3A_2481, %mul3A_2484 : i32
        %get3A_2486 = arith.index_cast %mul3A_2485 : i32 to index
        %get3A_2487 = tpu.vector_load %arg17[%get3A_2486] {strides = array<i32>} : memref<336xf32, #tpu.memory_space<vmem>>, vector<16xf32>,
        %get3A_2488 = vector.shape_cast %get3A_2487 : vector<16xf32> to vector<16xf32>
        %slice3A_2489 = vector.extract_strided_slice %get3A_2488 {offsets = [0], sizes = [1], strides = [1]} : vector<16xf32> to vector<1xf32>
        %squeeze3A_2490 = vector.extract %slice3A_2489[0] : f32 from vector<1xf32>
        %broadcast_in_dim3A_2491 = vector.broadcast %squeeze3A_2490 : f32 to vector<16xf32>
        %mul3A_2492 = arith.constant 128 : i32
        %mul3A_2493 = arith.muli %add3A_2481, %mul3A_2492 : i32
        %add3A_2494 = arith.constant 0 : i32
        %add3A_2495 = arith.addi %mul3A_2493, %add3A_2494 : i32
        %get3A_2496 = arith.index_cast %add3A_2495 : i32 to index
        %get3A_2497 = tpu.vector_load %arg14[%get3A_2496] {strides = array<i32>} : memref<10240xf32, #tpu.memory_space<vmem>>, vector<16xf32>,
        %get3A_2498 = vector.shape_cast %get3A_2497 : vector<16xf32> to vector<16xf32>
        %mul3A_2499 = arith.mulf %get3A_2498, %broadcast_in_dim3A_2491 : vector<16xf32>
        %swap3A_2500 = arith.index_cast %add3A_2481 : i32 to index
        %swap3A_2501 = arith.constant 0 : index
        %swap3A_2502 = tpu.vector_load %arg15[%swap3A_2500, %swap3A_2501] {strides = array<i32>} : memref<80x128xf32, #tpu.memory_space<vmem>>, vector<1x16xf32>,
        %swap3A_2503 = vector.shape_cast %swap3A_2502 : vector<1x16xf32> to vector<16xf32>
        %swap3A_2504 = vector.shape_cast %mul3A_2499 : vector<16xf32> to vector<1x16xf32>
        tpu.vector_store %arg15[%swap3A_2500, %swap3A_2501], %swap3A_2504 {strides = array<i32>} : memref<80x128xf32, #tpu.memory_space<vmem>>, vector<1x16xf32>,
        %mul3A_2505 = arith.constant 128 : i32
        %mul3A_2506 = arith.muli %add3A_2481, %mul3A_2505 : i32
        %add3A_2507 = arith.constant 16 : i32
        %add3A_2508 = arith.addi %mul3A_2506, %add3A_2507 : i32
        %get3A_2509 = arith.index_cast %add3A_2508 : i32 to index
        %get3A_2510 = tpu.vector_load %arg14[%get3A_2509] {strides = array<i32>} : memref<10240xf32, #tpu.memory_space<vmem>>, vector<16xf32>,
        %get3A_2511 = vector.shape_cast %get3A_2510 : vector<16xf32> to vector<16xf32>
        %mul3A_2512 = arith.mulf %get3A_2511, %broadcast_in_dim3A_2491 : vector<16xf32>
        %swap3A_2513 = arith.index_cast %add3A_2481 : i32 to index
        %swap3A_2514 = arith.constant 16 : index
        %swap3A_2515 = tpu.vector_load %arg15[%swap3A_2513, %swap3A_2514] {strides = array<i32>} : memref<80x128xf32, #tpu.memory_space<vmem>>, vector<1x16xf32>,
        %swap3A_2516 = vector.shape_cast %swap3A_2515 : vector<1x16xf32> to vector<16xf32>
        %swap3A_2517 = vector.shape_cast %mul3A_2512 : vector<16xf32> to vector<1x16xf32>
        tpu.vector_store %arg15[%swap3A_2513, %swap3A_2514], %swap3A_2517 {strides = array<i32>} : memref<80x128xf32, #tpu.memory_space<vmem>>, vector<1x16xf32>,
        %slice3A_2518 = vector.extract_strided_slice %get3A_2488 {offsets = [1], sizes = [1], strides = [1]} : vector<16xf32> to vector<1xf32>
        %squeeze3A_2519 = vector.extract %slice3A_2518[0] : f32 from vector<1xf32>
        %broadcast_in_dim3A_2520 = vector.broadcast %squeeze3A_2519 : f32 to vector<16xf32>
        %mul3A_2521 = arith.constant 128 : i32
        %mul3A_2522 = arith.muli %add3A_2481, %mul3A_2521 : i32
        %add3A_2523 = arith.constant 32 : i32
        %add3A_2524 = arith.addi %mul3A_2522, %add3A_2523 : i32
        %get3A_2525 = arith.index_cast %add3A_2524 : i32 to index
        %get3A_2526 = tpu.vector_load %arg14[%get3A_2525] {strides = array<i32>} : memref<10240xf32, #tpu.memory_space<vmem>>, vector<16xf32>,
        %get3A_2527 = vector.shape_cast %get3A_2526 : vector<16xf32> to vector<16xf32>
        %mul3A_2528 = arith.mulf %get3A_2527, %broadcast_in_dim3A_2520 : vector<16xf32>
        %swap3A_2529 = arith.index_cast %add3A_2481 : i32 to index
        %swap3A_2530 = arith.constant 32 : index
        %swap3A_2531 = tpu.vector_load %arg15[%swap3A_2529, %swap3A_2530] {strides = array<i32>} : memref<80x128xf32, #tpu.memory_space<vmem>>, vector<1x16xf32>,
        %swap3A_2532 = vector.shape_cast %swap3A_2531 : vector<1x16xf32> to vector<16xf32>
        %swap3A_2533 = vector.shape_cast %mul3A_2528 : vector<16xf32> to vector<1x16xf32>
        tpu.vector_store %arg15[%swap3A_2529, %swap3A_2530], %swap3A_2533 {strides = array<i32>} : memref<80x128xf32, #tpu.memory_space<vmem>>, vector<1x16xf32>,
        %mul3A_2534 = arith.constant 128 : i32
        %mul3A_2535 = arith.muli %add3A_2481, %mul3A_2534 : i32
        %add3A_2536 = arith.constant 48 : i32
        %add3A_2537 = arith.addi %mul3A_2535, %add3A_2536 : i32
        %get3A_2538 = arith.index_cast %add3A_2537 : i32 to index
        %get3A_2539 = tpu.vector_load %arg14[%get3A_2538] {strides = array<i32>} : memref<10240xf32, #tpu.memory_space<vmem>>, vector<16xf32>,
        %get3A_2540 = vector.shape_cast %get3A_2539 : vector<16xf32> to vector<16xf32>
        %mul3A_2541 = arith.mulf %get3A_2540, %broadcast_in_dim3A_2520 : vector<16xf32>
        %swap3A_2542 = arith.index_cast %add3A_2481 : i32 to index
        %swap3A_2543 = arith.constant 48 : index
        %swap3A_2544 = tpu.vector_load %arg15[%swap3A_2542, %swap3A_2543] {strides = array<i32>} : memref<80x128xf32, #tpu.memory_space<vmem>>, vector<1x16xf32>,
        %swap3A_2545 = vector.shape_cast %swap3A_2544 : vector<1x16xf32> to vector<16xf32>
        %swap3A_2546 = vector.shape_cast %mul3A_2541 : vector<16xf32> to vector<1x16xf32>
        tpu.vector_store %arg15[%swap3A_2542, %swap3A_2543], %swap3A_2546 {strides = array<i32>} : memref<80x128xf32, #tpu.memory_space<vmem>>, vector<1x16xf32>,
        %slice3A_2547 = vector.extract_strided_slice %get3A_2488 {offsets = [2], sizes = [1], strides = [1]} : vector<16xf32> to vector<1xf32>
        %squeeze3A_2548 = vector.extract %slice3A_2547[0] : f32 from vector<1xf32>
        %broadcast_in_dim3A_2549 = vector.broadcast %squeeze3A_2548 : f32 to vector<16xf32>
        %mul3A_2550 = arith.constant 128 : i32
        %mul3A_2551 = arith.muli %add3A_2481, %mul3A_2550 : i32
        %add3A_2552 = arith.constant 64 : i32
        %add3A_2553 = arith.addi %mul3A_2551, %add3A_2552 : i32
        %get3A_2554 = arith.index_cast %add3A_2553 : i32 to index
        %get3A_2555 = tpu.vector_load %arg14[%get3A_2554] {strides = array<i32>} : memref<10240xf32, #tpu.memory_space<vmem>>, vector<16xf32>,
        %get3A_2556 = vector.shape_cast %get3A_2555 : vector<16xf32> to vector<16xf32>
        %mul3A_2557 = arith.mulf %get3A_2556, %broadcast_in_dim3A_2549 : vector<16xf32>
        %swap3A_2558 = arith.index_cast %add3A_2481 : i32 to index
        %swap3A_2559 = arith.constant 64 : index
        %swap3A_2560 = tpu.vector_load %arg15[%swap3A_2558, %swap3A_2559] {strides = array<i32>} : memref<80x128xf32, #tpu.memory_space<vmem>>, vector<1x16xf32>,
        %swap3A_2561 = vector.shape_cast %swap3A_2560 : vector<1x16xf32> to vector<16xf32>
        %swap3A_2562 = vector.shape_cast %mul3A_2557 : vector<16xf32> to vector<1x16xf32>
        tpu.vector_store %arg15[%swap3A_2558, %swap3A_2559], %swap3A_2562 {strides = array<i32>} : memref<80x128xf32, #tpu.memory_space<vmem>>, vector<1x16xf32>,
        %mul3A_2563 = arith.constant 128 : i32
        %mul3A_2564 = arith.muli %add3A_2481, %mul3A_2563 : i32
        %add3A_2565 = arith.constant 80 : i32
        %add3A_2566 = arith.addi %mul3A_2564, %add3A_2565 : i32
        %get3A_2567 = arith.index_cast %add3A_2566 : i32 to index
        %get3A_2568 = tpu.vector_load %arg14[%get3A_2567] {strides = array<i32>} : memref<10240xf32, #tpu.memory_space<vmem>>, vector<16xf32>,
        %get3A_2569 = vector.shape_cast %get3A_2568 : vector<16xf32> to vector<16xf32>
        %mul3A_2570 = arith.mulf %get3A_2569, %broadcast_in_dim3A_2549 : vector<16xf32>
        %swap3A_2571 = arith.index_cast %add3A_2481 : i32 to index
        %swap3A_2572 = arith.constant 80 : index
        %swap3A_2573 = tpu.vector_load %arg15[%swap3A_2571, %swap3A_2572] {strides = array<i32>} : memref<80x128xf32, #tpu.memory_space<vmem>>, vector<1x16xf32>,
        %swap3A_2574 = vector.shape_cast %swap3A_2573 : vector<1x16xf32> to vector<16xf32>
        %swap3A_2575 = vector.shape_cast %mul3A_2570 : vector<16xf32> to vector<1x16xf32>
        tpu.vector_store %arg15[%swap3A_2571, %swap3A_2572], %swap3A_2575 {strides = array<i32>} : memref<80x128xf32, #tpu.memory_space<vmem>>, vector<1x16xf32>,
        %slice3A_2576 = vector.extract_strided_slice %get3A_2488 {offsets = [3], sizes = [1], strides = [1]} : vector<16xf32> to vector<1xf32>
        %squeeze3A_2577 = vector.extract %slice3A_2576[0] : f32 from vector<1xf32>
        %broadcast_in_dim3A_2578 = vector.broadcast %squeeze3A_2577 : f32 to vector<16xf32>
        %mul3A_2579 = arith.constant 128 : i32
        %mul3A_2580 = arith.muli %add3A_2481, %mul3A_2579 : i32
        %add3A_2581 = arith.constant 96 : i32
        %add3A_2582 = arith.addi %mul3A_2580, %add3A_2581 : i32
        %get3A_2583 = arith.index_cast %add3A_2582 : i32 to index
        %get3A_2584 = tpu.vector_load %arg14[%get3A_2583] {strides = array<i32>} : memref<10240xf32, #tpu.memory_space<vmem>>, vector<16xf32>,
        %get3A_2585 = vector.shape_cast %get3A_2584 : vector<16xf32> to vector<16xf32>
        %mul3A_2586 = arith.mulf %get3A_2585, %broadcast_in_dim3A_2578 : vector<16xf32>
        %swap3A_2587 = arith.index_cast %add3A_2481 : i32 to index
        %swap3A_2588 = arith.constant 96 : index
        %swap3A_2589 = tpu.vector_load %arg15[%swap3A_2587, %swap3A_2588] {strides = array<i32>} : memref<80x128xf32, #tpu.memory_space<vmem>>, vector<1x16xf32>,
        %swap3A_2590 = vector.shape_cast %swap3A_2589 : vector<1x16xf32> to vector<16xf32>
        %swap3A_2591 = vector.shape_cast %mul3A_2586 : vector<16xf32> to vector<1x16xf32>
        tpu.vector_store %arg15[%swap3A_2587, %swap3A_2588], %swap3A_2591 {strides = array<i32>} : memref<80x128xf32, #tpu.memory_space<vmem>>, vector<1x16xf32>,
        %mul3A_2592 = arith.constant 128 : i32
        %mul3A_2593 = arith.muli %add3A_2481, %mul3A_2592 : i32
        %add3A_2594 = arith.constant 112 : i32
        %add3A_2595 = arith.addi %mul3A_2593, %add3A_2594 : i32
        %get3A_2596 = arith.index_cast %add3A_2595 : i32 to index
        %get3A_2597 = tpu.vector_load %arg14[%get3A_2596] {strides = array<i32>} : memref<10240xf32, #tpu.memory_space<vmem>>, vector<16xf32>,
        %get3A_2598 = vector.shape_cast %get3A_2597 : vector<16xf32> to vector<16xf32>
        %mul3A_2599 = arith.mulf %get3A_2598, %broadcast_in_dim3A_2578 : vector<16xf32>
        %swap3A_2600 = arith.index_cast %add3A_2481 : i32 to index
        %swap3A_2601 = arith.constant 112 : index
        %swap3A_2602 = tpu.vector_load %arg15[%swap3A_2600, %swap3A_2601] {strides = array<i32>} : memref<80x128xf32, #tpu.memory_space<vmem>>, vector<1x16xf32>,
        %swap3A_2603 = vector.shape_cast %swap3A_2602 : vector<1x16xf32> to vector<16xf32>
        %swap3A_2604 = vector.shape_cast %mul3A_2599 : vector<16xf32> to vector<1x16xf32>
        tpu.vector_store %arg15[%swap3A_2600, %swap3A_2601], %swap3A_2604 {strides = array<i32>} : memref<80x128xf32, #tpu.memory_space<vmem>>, vector<1x16xf32>,
        %jit3A_2605 = arith.constant 0.000000e+00 : f32
        %broadcast_in_dim3A_2606 = vector.broadcast %jit3A_2605 : f32 to vector<16xf32>
        %select_n3A_2607 = arith.select %lt3A_23, %get3A_2488, %broadcast_in_dim3A_2606 : vector<16xi1>, vector<16xf32>
        %and3A_2608 = arith.constant 3 : i32
        %and3A_2609 = arith.andi %squeeze3A_2483, %and3A_2608 : i32
        %mul3A_2610 = arith.constant 4 : i32
        %mul3A_2611 = arith.muli %and3A_2609, %mul3A_2610 : i32
        %and3A_2612 = arith.constant 31 : i32
        %and3A_2613 = arith.andi %squeeze3A_2483, %and3A_2612 : i32
        %shift_right_arithmetic3A_2614 = arith.constant 2 : i32
        %shift_right_arithmetic3A_2615 = arith.shrsi %and3A_2613, %shift_right_arithmetic3A_2614 : i32
        %swap3A_2616 = arith.index_cast %mul3A_2611 : i32 to index
        %swap3A_2617 = tpu.vector_load %arg18[%swap3A_2616] {strides = array<i32>} : memref<32xf32, #tpu.memory_space<vmem>>, vector<16xf32>,
        %swap3A_2618 = vector.shape_cast %swap3A_2617 : vector<16xf32> to vector<16xf32>
        %swap3A_2619 = vector.shape_cast %select_n3A_2607 : vector<16xf32> to vector<16xf32>
        tpu.vector_store %arg18[%swap3A_2616], %swap3A_2619 {strides = array<i32>} : memref<32xf32, #tpu.memory_space<vmem>>, vector<16xf32>,
        %get3A_2620 = arith.constant 0 : index
        %get3A_2621 = tpu.vector_load %arg18[%get3A_2620] {strides = array<i32>} : memref<32xf32, #tpu.memory_space<vmem>>, vector<16xf32>,
        %get3A_2622 = vector.shape_cast %get3A_2621 : vector<16xf32> to vector<16xf32>
        %swap3A_2623 = arith.index_cast %mul3A_2611 : i32 to index
        %swap3A_2624 = tpu.vector_load %arg18[%swap3A_2623] {strides = array<i32>} : memref<32xf32, #tpu.memory_space<vmem>>, vector<16xf32>,
        %swap3A_2625 = vector.shape_cast %swap3A_2624 : vector<16xf32> to vector<16xf32>
        %swap3A_2626 = vector.shape_cast %broadcast_in_dim3A_24 : vector<16xf32> to vector<16xf32>
        tpu.vector_store %arg18[%swap3A_2623], %swap3A_2626 {strides = array<i32>} : memref<32xf32, #tpu.memory_space<vmem>>, vector<16xf32>,
        %mul3A_2627 = arith.constant 16 : i32
        %mul3A_2628 = arith.muli %shift_right_arithmetic3A_2615, %mul3A_2627 : i32
        %swap3A_2629 = arith.index_cast %add3A_2481 : i32 to index
        %swap3A_2630 = arith.index_cast %mul3A_2628 : i32 to index
        %swap3A_2631 = tpu.vector_load %arg16[%swap3A_2629, %swap3A_2630] {strides = array<i32>} : memref<80x128xf32, #tpu.memory_space<vmem>>, vector<1x16xf32>,
        %swap3A_2632 = vector.shape_cast %swap3A_2631 : vector<1x16xf32> to vector<16xf32>
        %swap3A_2633 = vector.shape_cast %get3A_2622 : vector<16xf32> to vector<1x16xf32>
        tpu.vector_store %arg16[%swap3A_2629, %swap3A_2630], %swap3A_2633 {strides = array<i32>} : memref<80x128xf32, #tpu.memory_space<vmem>>, vector<1x16xf32>,
        %mul3A_2634 = arith.constant 16 : i32
        %mul3A_2635 = arith.muli %scan3A_294, %mul3A_2634 : i32
        %add3A_2636 = arith.constant 15 : i32
        %add3A_2637 = arith.addi %mul3A_2635, %add3A_2636 : i32
        %slice3A_2638 = vector.extract_strided_slice %get3A_299 {offsets = [15], sizes = [1], strides = [1]} : vector<16xi32> to vector<1xi32>
        %squeeze3A_2639 = vector.extract %slice3A_2638[0] : i32 from vector<1xi32>
        %mul3A_2640 = arith.constant 4 : i32
        %mul3A_2641 = arith.muli %add3A_2637, %mul3A_2640 : i32
        %get3A_2642 = arith.index_cast %mul3A_2641 : i32 to index
        %get3A_2643 = tpu.vector_load %arg17[%get3A_2642] {strides = array<i32>} : memref<336xf32, #tpu.memory_space<vmem>>, vector<16xf32>,
        %get3A_2644 = vector.shape_cast %get3A_2643 : vector<16xf32> to vector<16xf32>
        %slice3A_2645 = vector.extract_strided_slice %get3A_2644 {offsets = [0], sizes = [1], strides = [1]} : vector<16xf32> to vector<1xf32>
        %squeeze3A_2646 = vector.extract %slice3A_2645[0] : f32 from vector<1xf32>
        %broadcast_in_dim3A_2647 = vector.broadcast %squeeze3A_2646 : f32 to vector<16xf32>
        %mul3A_2648 = arith.constant 128 : i32
        %mul3A_2649 = arith.muli %add3A_2637, %mul3A_2648 : i32
        %add3A_2650 = arith.constant 0 : i32
        %add3A_2651 = arith.addi %mul3A_2649, %add3A_2650 : i32
        %get3A_2652 = arith.index_cast %add3A_2651 : i32 to index
        %get3A_2653 = tpu.vector_load %arg14[%get3A_2652] {strides = array<i32>} : memref<10240xf32, #tpu.memory_space<vmem>>, vector<16xf32>,
        %get3A_2654 = vector.shape_cast %get3A_2653 : vector<16xf32> to vector<16xf32>
        %mul3A_2655 = arith.mulf %get3A_2654, %broadcast_in_dim3A_2647 : vector<16xf32>
        %swap3A_2656 = arith.index_cast %add3A_2637 : i32 to index
        %swap3A_2657 = arith.constant 0 : index
        %swap3A_2658 = tpu.vector_load %arg15[%swap3A_2656, %swap3A_2657] {strides = array<i32>} : memref<80x128xf32, #tpu.memory_space<vmem>>, vector<1x16xf32>,
        %swap3A_2659 = vector.shape_cast %swap3A_2658 : vector<1x16xf32> to vector<16xf32>
        %swap3A_2660 = vector.shape_cast %mul3A_2655 : vector<16xf32> to vector<1x16xf32>
        tpu.vector_store %arg15[%swap3A_2656, %swap3A_2657], %swap3A_2660 {strides = array<i32>} : memref<80x128xf32, #tpu.memory_space<vmem>>, vector<1x16xf32>,
        %mul3A_2661 = arith.constant 128 : i32
        %mul3A_2662 = arith.muli %add3A_2637, %mul3A_2661 : i32
        %add3A_2663 = arith.constant 16 : i32
        %add3A_2664 = arith.addi %mul3A_2662, %add3A_2663 : i32
        %get3A_2665 = arith.index_cast %add3A_2664 : i32 to index
        %get3A_2666 = tpu.vector_load %arg14[%get3A_2665] {strides = array<i32>} : memref<10240xf32, #tpu.memory_space<vmem>>, vector<16xf32>,
        %get3A_2667 = vector.shape_cast %get3A_2666 : vector<16xf32> to vector<16xf32>
        %mul3A_2668 = arith.mulf %get3A_2667, %broadcast_in_dim3A_2647 : vector<16xf32>
        %swap3A_2669 = arith.index_cast %add3A_2637 : i32 to index
        %swap3A_2670 = arith.constant 16 : index
        %swap3A_2671 = tpu.vector_load %arg15[%swap3A_2669, %swap3A_2670] {strides = array<i32>} : memref<80x128xf32, #tpu.memory_space<vmem>>, vector<1x16xf32>,
        %swap3A_2672 = vector.shape_cast %swap3A_2671 : vector<1x16xf32> to vector<16xf32>
        %swap3A_2673 = vector.shape_cast %mul3A_2668 : vector<16xf32> to vector<1x16xf32>
        tpu.vector_store %arg15[%swap3A_2669, %swap3A_2670], %swap3A_2673 {strides = array<i32>} : memref<80x128xf32, #tpu.memory_space<vmem>>, vector<1x16xf32>,
        %slice3A_2674 = vector.extract_strided_slice %get3A_2644 {offsets = [1], sizes = [1], strides = [1]} : vector<16xf32> to vector<1xf32>
        %squeeze3A_2675 = vector.extract %slice3A_2674[0] : f32 from vector<1xf32>
        %broadcast_in_dim3A_2676 = vector.broadcast %squeeze3A_2675 : f32 to vector<16xf32>
        %mul3A_2677 = arith.constant 128 : i32
        %mul3A_2678 = arith.muli %add3A_2637, %mul3A_2677 : i32
        %add3A_2679 = arith.constant 32 : i32
        %add3A_2680 = arith.addi %mul3A_2678, %add3A_2679 : i32
        %get3A_2681 = arith.index_cast %add3A_2680 : i32 to index
        %get3A_2682 = tpu.vector_load %arg14[%get3A_2681] {strides = array<i32>} : memref<10240xf32, #tpu.memory_space<vmem>>, vector<16xf32>,
        %get3A_2683 = vector.shape_cast %get3A_2682 : vector<16xf32> to vector<16xf32>
        %mul3A_2684 = arith.mulf %get3A_2683, %broadcast_in_dim3A_2676 : vector<16xf32>
        %swap3A_2685 = arith.index_cast %add3A_2637 : i32 to index
        %swap3A_2686 = arith.constant 32 : index
        %swap3A_2687 = tpu.vector_load %arg15[%swap3A_2685, %swap3A_2686] {strides = array<i32>} : memref<80x128xf32, #tpu.memory_space<vmem>>, vector<1x16xf32>,
        %swap3A_2688 = vector.shape_cast %swap3A_2687 : vector<1x16xf32> to vector<16xf32>
        %swap3A_2689 = vector.shape_cast %mul3A_2684 : vector<16xf32> to vector<1x16xf32>
        tpu.vector_store %arg15[%swap3A_2685, %swap3A_2686], %swap3A_2689 {strides = array<i32>} : memref<80x128xf32, #tpu.memory_space<vmem>>, vector<1x16xf32>,
        %mul3A_2690 = arith.constant 128 : i32
        %mul3A_2691 = arith.muli %add3A_2637, %mul3A_2690 : i32
        %add3A_2692 = arith.constant 48 : i32
        %add3A_2693 = arith.addi %mul3A_2691, %add3A_2692 : i32
        %get3A_2694 = arith.index_cast %add3A_2693 : i32 to index
        %get3A_2695 = tpu.vector_load %arg14[%get3A_2694] {strides = array<i32>} : memref<10240xf32, #tpu.memory_space<vmem>>, vector<16xf32>,
        %get3A_2696 = vector.shape_cast %get3A_2695 : vector<16xf32> to vector<16xf32>
        %mul3A_2697 = arith.mulf %get3A_2696, %broadcast_in_dim3A_2676 : vector<16xf32>
        %swap3A_2698 = arith.index_cast %add3A_2637 : i32 to index
        %swap3A_2699 = arith.constant 48 : index
        %swap3A_2700 = tpu.vector_load %arg15[%swap3A_2698, %swap3A_2699] {strides = array<i32>} : memref<80x128xf32, #tpu.memory_space<vmem>>, vector<1x16xf32>,
        %swap3A_2701 = vector.shape_cast %swap3A_2700 : vector<1x16xf32> to vector<16xf32>
        %swap3A_2702 = vector.shape_cast %mul3A_2697 : vector<16xf32> to vector<1x16xf32>
        tpu.vector_store %arg15[%swap3A_2698, %swap3A_2699], %swap3A_2702 {strides = array<i32>} : memref<80x128xf32, #tpu.memory_space<vmem>>, vector<1x16xf32>,
        %slice3A_2703 = vector.extract_strided_slice %get3A_2644 {offsets = [2], sizes = [1], strides = [1]} : vector<16xf32> to vector<1xf32>
        %squeeze3A_2704 = vector.extract %slice3A_2703[0] : f32 from vector<1xf32>
        %broadcast_in_dim3A_2705 = vector.broadcast %squeeze3A_2704 : f32 to vector<16xf32>
        %mul3A_2706 = arith.constant 128 : i32
        %mul3A_2707 = arith.muli %add3A_2637, %mul3A_2706 : i32
        %add3A_2708 = arith.constant 64 : i32
        %add3A_2709 = arith.addi %mul3A_2707, %add3A_2708 : i32
        %get3A_2710 = arith.index_cast %add3A_2709 : i32 to index
        %get3A_2711 = tpu.vector_load %arg14[%get3A_2710] {strides = array<i32>} : memref<10240xf32, #tpu.memory_space<vmem>>, vector<16xf32>,
        %get3A_2712 = vector.shape_cast %get3A_2711 : vector<16xf32> to vector<16xf32>
        %mul3A_2713 = arith.mulf %get3A_2712, %broadcast_in_dim3A_2705 : vector<16xf32>
        %swap3A_2714 = arith.index_cast %add3A_2637 : i32 to index
        %swap3A_2715 = arith.constant 64 : index
        %swap3A_2716 = tpu.vector_load %arg15[%swap3A_2714, %swap3A_2715] {strides = array<i32>} : memref<80x128xf32, #tpu.memory_space<vmem>>, vector<1x16xf32>,
        %swap3A_2717 = vector.shape_cast %swap3A_2716 : vector<1x16xf32> to vector<16xf32>
        %swap3A_2718 = vector.shape_cast %mul3A_2713 : vector<16xf32> to vector<1x16xf32>
        tpu.vector_store %arg15[%swap3A_2714, %swap3A_2715], %swap3A_2718 {strides = array<i32>} : memref<80x128xf32, #tpu.memory_space<vmem>>, vector<1x16xf32>,
        %mul3A_2719 = arith.constant 128 : i32
        %mul3A_2720 = arith.muli %add3A_2637, %mul3A_2719 : i32
        %add3A_2721 = arith.constant 80 : i32
        %add3A_2722 = arith.addi %mul3A_2720, %add3A_2721 : i32
        %get3A_2723 = arith.index_cast %add3A_2722 : i32 to index
        %get3A_2724 = tpu.vector_load %arg14[%get3A_2723] {strides = array<i32>} : memref<10240xf32, #tpu.memory_space<vmem>>, vector<16xf32>,
        %get3A_2725 = vector.shape_cast %get3A_2724 : vector<16xf32> to vector<16xf32>
        %mul3A_2726 = arith.mulf %get3A_2725, %broadcast_in_dim3A_2705 : vector<16xf32>
        %swap3A_2727 = arith.index_cast %add3A_2637 : i32 to index
        %swap3A_2728 = arith.constant 80 : index
        %swap3A_2729 = tpu.vector_load %arg15[%swap3A_2727, %swap3A_2728] {strides = array<i32>} : memref<80x128xf32, #tpu.memory_space<vmem>>, vector<1x16xf32>,
        %swap3A_2730 = vector.shape_cast %swap3A_2729 : vector<1x16xf32> to vector<16xf32>
        %swap3A_2731 = vector.shape_cast %mul3A_2726 : vector<16xf32> to vector<1x16xf32>
        tpu.vector_store %arg15[%swap3A_2727, %swap3A_2728], %swap3A_2731 {strides = array<i32>} : memref<80x128xf32, #tpu.memory_space<vmem>>, vector<1x16xf32>,
        %slice3A_2732 = vector.extract_strided_slice %get3A_2644 {offsets = [3], sizes = [1], strides = [1]} : vector<16xf32> to vector<1xf32>
        %squeeze3A_2733 = vector.extract %slice3A_2732[0] : f32 from vector<1xf32>
        %broadcast_in_dim3A_2734 = vector.broadcast %squeeze3A_2733 : f32 to vector<16xf32>
        %mul3A_2735 = arith.constant 128 : i32
        %mul3A_2736 = arith.muli %add3A_2637, %mul3A_2735 : i32
        %add3A_2737 = arith.constant 96 : i32
        %add3A_2738 = arith.addi %mul3A_2736, %add3A_2737 : i32
        %get3A_2739 = arith.index_cast %add3A_2738 : i32 to index
        %get3A_2740 = tpu.vector_load %arg14[%get3A_2739] {strides = array<i32>} : memref<10240xf32, #tpu.memory_space<vmem>>, vector<16xf32>,
        %get3A_2741 = vector.shape_cast %get3A_2740 : vector<16xf32> to vector<16xf32>
        %mul3A_2742 = arith.mulf %get3A_2741, %broadcast_in_dim3A_2734 : vector<16xf32>
        %swap3A_2743 = arith.index_cast %add3A_2637 : i32 to index
        %swap3A_2744 = arith.constant 96 : index
        %swap3A_2745 = tpu.vector_load %arg15[%swap3A_2743, %swap3A_2744] {strides = array<i32>} : memref<80x128xf32, #tpu.memory_space<vmem>>, vector<1x16xf32>,
        %swap3A_2746 = vector.shape_cast %swap3A_2745 : vector<1x16xf32> to vector<16xf32>
        %swap3A_2747 = vector.shape_cast %mul3A_2742 : vector<16xf32> to vector<1x16xf32>
        tpu.vector_store %arg15[%swap3A_2743, %swap3A_2744], %swap3A_2747 {strides = array<i32>} : memref<80x128xf32, #tpu.memory_space<vmem>>, vector<1x16xf32>,
        %mul3A_2748 = arith.constant 128 : i32
        %mul3A_2749 = arith.muli %add3A_2637, %mul3A_2748 : i32
        %add3A_2750 = arith.constant 112 : i32
        %add3A_2751 = arith.addi %mul3A_2749, %add3A_2750 : i32
        %get3A_2752 = arith.index_cast %add3A_2751 : i32 to index
        %get3A_2753 = tpu.vector_load %arg14[%get3A_2752] {strides = array<i32>} : memref<10240xf32, #tpu.memory_space<vmem>>, vector<16xf32>,
        %get3A_2754 = vector.shape_cast %get3A_2753 : vector<16xf32> to vector<16xf32>
        %mul3A_2755 = arith.mulf %get3A_2754, %broadcast_in_dim3A_2734 : vector<16xf32>
        %swap3A_2756 = arith.index_cast %add3A_2637 : i32 to index
        %swap3A_2757 = arith.constant 112 : index
        %swap3A_2758 = tpu.vector_load %arg15[%swap3A_2756, %swap3A_2757] {strides = array<i32>} : memref<80x128xf32, #tpu.memory_space<vmem>>, vector<1x16xf32>,
        %swap3A_2759 = vector.shape_cast %swap3A_2758 : vector<1x16xf32> to vector<16xf32>
        %swap3A_2760 = vector.shape_cast %mul3A_2755 : vector<16xf32> to vector<1x16xf32>
        tpu.vector_store %arg15[%swap3A_2756, %swap3A_2757], %swap3A_2760 {strides = array<i32>} : memref<80x128xf32, #tpu.memory_space<vmem>>, vector<1x16xf32>,
        %jit3A_2761 = arith.constant 0.000000e+00 : f32
        %broadcast_in_dim3A_2762 = vector.broadcast %jit3A_2761 : f32 to vector<16xf32>
        %select_n3A_2763 = arith.select %lt3A_23, %get3A_2644, %broadcast_in_dim3A_2762 : vector<16xi1>, vector<16xf32>
        %and3A_2764 = arith.constant 3 : i32
        %and3A_2765 = arith.andi %squeeze3A_2639, %and3A_2764 : i32
        %mul3A_2766 = arith.constant 4 : i32
        %mul3A_2767 = arith.muli %and3A_2765, %mul3A_2766 : i32
        %and3A_2768 = arith.constant 31 : i32
        %and3A_2769 = arith.andi %squeeze3A_2639, %and3A_2768 : i32
        %shift_right_arithmetic3A_2770 = arith.constant 2 : i32
        %shift_right_arithmetic3A_2771 = arith.shrsi %and3A_2769, %shift_right_arithmetic3A_2770 : i32
        %swap3A_2772 = arith.index_cast %mul3A_2767 : i32 to index
        %swap3A_2773 = tpu.vector_load %arg18[%swap3A_2772] {strides = array<i32>} : memref<32xf32, #tpu.memory_space<vmem>>, vector<16xf32>,
        %swap3A_2774 = vector.shape_cast %swap3A_2773 : vector<16xf32> to vector<16xf32>
        %swap3A_2775 = vector.shape_cast %select_n3A_2763 : vector<16xf32> to vector<16xf32>
        tpu.vector_store %arg18[%swap3A_2772], %swap3A_2775 {strides = array<i32>} : memref<32xf32, #tpu.memory_space<vmem>>, vector<16xf32>,
        %get3A_2776 = arith.constant 0 : index
        %get3A_2777 = tpu.vector_load %arg18[%get3A_2776] {strides = array<i32>} : memref<32xf32, #tpu.memory_space<vmem>>, vector<16xf32>,
        %get3A_2778 = vector.shape_cast %get3A_2777 : vector<16xf32> to vector<16xf32>
        %swap3A_2779 = arith.index_cast %mul3A_2767 : i32 to index
        %swap3A_2780 = tpu.vector_load %arg18[%swap3A_2779] {strides = array<i32>} : memref<32xf32, #tpu.memory_space<vmem>>, vector<16xf32>,
        %swap3A_2781 = vector.shape_cast %swap3A_2780 : vector<16xf32> to vector<16xf32>
        %swap3A_2782 = vector.shape_cast %broadcast_in_dim3A_24 : vector<16xf32> to vector<16xf32>
        tpu.vector_store %arg18[%swap3A_2779], %swap3A_2782 {strides = array<i32>} : memref<32xf32, #tpu.memory_space<vmem>>, vector<16xf32>,
        %mul3A_2783 = arith.constant 16 : i32
        %mul3A_2784 = arith.muli %shift_right_arithmetic3A_2771, %mul3A_2783 : i32
        %swap3A_2785 = arith.index_cast %add3A_2637 : i32 to index
        %swap3A_2786 = arith.index_cast %mul3A_2784 : i32 to index
        %swap3A_2787 = tpu.vector_load %arg16[%swap3A_2785, %swap3A_2786] {strides = array<i32>} : memref<80x128xf32, #tpu.memory_space<vmem>>, vector<1x16xf32>,
        %swap3A_2788 = vector.shape_cast %swap3A_2787 : vector<1x16xf32> to vector<16xf32>
        %swap3A_2789 = vector.shape_cast %get3A_2778 : vector<16xf32> to vector<1x16xf32>
        tpu.vector_store %arg16[%swap3A_2785, %swap3A_2786], %swap3A_2789 {strides = array<i32>} : memref<80x128xf32, #tpu.memory_space<vmem>>, vector<1x16xf32>,
      }
      %scan3A_293 = arith.constant 5 : i32
      "tpu.region"() ({
        %run_scoped3A = tpu.sem_alloc : memref<!tpu.dma_semaphore, #tpu.memory_space<semaphore_mem>>
        %dma_start3A = arith.constant 0 : i32
        %dma_start3A_294 = arith.constant 0 : i32
        %dma_start3A_295 = tpu.memref_slice %arg9[%dma_start3A, %dma_start3A_294] : memref<10000x128xf32, #tpu.memory_space<vmem_shared>> -> memref<10000x128xf32, #tpu.memory_space<vmem_shared>>
        tpu.enqueue_indirect_dma source(%arg15 : memref<80x128xf32, #tpu.memory_space<vmem>>) target(%dma_start3A_295 : memref<10000x128xf32, #tpu.memory_space<vmem_shared>>) offsets(%arg12 : memref<80xi32, #tpu.memory_space<vmem>>) semaphore(%run_scoped3A : memref<!tpu.dma_semaphore, #tpu.memory_space<semaphore_mem>>) {add = true}
        %dma_wait3A = arith.constant 0 : i32
        %dma_wait3A_296 = arith.constant 0 : i32
        %dma_wait3A_297 = tpu.memref_slice %arg9[%dma_wait3A, %dma_wait3A_296] : memref<10000x128xf32, #tpu.memory_space<vmem_shared>> -> memref<10000x128xf32, #tpu.memory_space<vmem_shared>>
        tpu.wait_indirect_dma semaphore(%run_scoped3A : memref<!tpu.dma_semaphore, #tpu.memory_space<semaphore_mem>>) src(%arg15 : memref<80x128xf32, #tpu.memory_space<vmem>>) dst(%dma_wait3A_297 : memref<10000x128xf32, #tpu.memory_space<vmem_shared>>)
        tpu.yield
      }) : () -> ()
      "tpu.region"() ({
        %run_scoped3A = tpu.sem_alloc : memref<!tpu.dma_semaphore, #tpu.memory_space<semaphore_mem>>
        %dma_start3A = arith.constant 0 : i32
        %dma_start3A_294 = arith.constant 0 : i32
        %dma_start3A_295 = tpu.memref_slice %arg10[%dma_start3A, %dma_start3A_294] : memref<320x128xf32, #tpu.memory_space<vmem_shared>> -> memref<320x128xf32, #tpu.memory_space<vmem_shared>>
        tpu.enqueue_indirect_dma source(%arg16 : memref<80x128xf32, #tpu.memory_space<vmem>>) target(%dma_start3A_295 : memref<320x128xf32, #tpu.memory_space<vmem_shared>>) offsets(%arg13 : memref<80xi32, #tpu.memory_space<vmem>>) semaphore(%run_scoped3A : memref<!tpu.dma_semaphore, #tpu.memory_space<semaphore_mem>>) {add = true}
        %dma_wait3A = arith.constant 0 : i32
        %dma_wait3A_296 = arith.constant 0 : i32
        %dma_wait3A_297 = tpu.memref_slice %arg10[%dma_wait3A, %dma_wait3A_296] : memref<320x128xf32, #tpu.memory_space<vmem_shared>> -> memref<320x128xf32, #tpu.memory_space<vmem_shared>>
        tpu.wait_indirect_dma semaphore(%run_scoped3A : memref<!tpu.dma_semaphore, #tpu.memory_space<semaphore_mem>>) src(%arg16 : memref<80x128xf32, #tpu.memory_space<vmem>>) dst(%dma_wait3A_297 : memref<320x128xf32, #tpu.memory_space<vmem_shared>>)
        tpu.yield
      }) : () -> ()
    }
    %scan3A_36 = arith.constant 125 : i32
    %barrier3A_37 = arith.constant 0 : index
    tpu.barrier barrier_id(%barrier3A_37)
    %lt3A_38 = arith.constant 15 : i32
    %lt3A_39 = arith.cmpi slt, %arg1, %lt3A_38 : i32
    %convert_element_type3A_40 = arith.extui %lt3A_39 : i1 to i32
    %cond3A_41 = arith.constant 0 : i32
    %cond3A_42 = arith.cmpi ne, %convert_element_type3A_40, %cond3A_41 : i32
    scf.if %cond3A_42 {
      %mul3A_53 = arith.constant 632 : i32
      %mul3A_54 = arith.muli %arg1, %mul3A_53 : i32
      %mul3A_55 = arith.constant 632 : i32
      %mul3A_56 = arith.muli %arg1, %mul3A_55 : i32
      "tpu.region"() ({
        %run_scoped3A = tpu.sem_alloc : memref<!tpu.dma_semaphore, #tpu.memory_space<semaphore_mem>>
        %dma_start3A = arith.constant 0 : i32
        %dma_start3A_57 = tpu.memref_slice %arg7[%arg0, %mul3A_56, %dma_start3A] : memref<2x10000x128xf32, #tpu.memory_space<hbm>> -> memref<1x632x128xf32, #tpu.memory_space<hbm>>
        %dma_start3A_58 = tpu.memref_squeeze %dma_start3A_57 : memref<1x632x128xf32, #tpu.memory_space<hbm>> -> memref<632x128xf32, #tpu.memory_space<hbm>>
        %dma_start3A_59 = arith.constant 0 : i32
        %dma_start3A_60 = tpu.memref_slice %arg9[%mul3A_54, %dma_start3A_59] : memref<10000x128xf32, #tpu.memory_space<vmem_shared>> -> memref<632x128xf32, #tpu.memory_space<vmem_shared>>
        tpu.enqueue_dma source(%dma_start3A_60 : memref<632x128xf32, #tpu.memory_space<vmem_shared>>) target(%dma_start3A_58 : memref<632x128xf32, #tpu.memory_space<hbm>>) target_semaphore(%run_scoped3A : memref<!tpu.dma_semaphore, #tpu.memory_space<semaphore_mem>>)
        %dma_wait3A = arith.constant 0 : i32
        %dma_wait3A_61 = tpu.memref_slice %arg7[%arg0, %mul3A_56, %dma_wait3A] : memref<2x10000x128xf32, #tpu.memory_space<hbm>> -> memref<1x632x128xf32, #tpu.memory_space<hbm>>
        %dma_wait3A_62 = tpu.memref_squeeze %dma_wait3A_61 : memref<1x632x128xf32, #tpu.memory_space<hbm>> -> memref<632x128xf32, #tpu.memory_space<hbm>>
        %dma_wait3A_63 = arith.constant 0 : i32
        %dma_wait3A_64 = tpu.memref_slice %arg9[%mul3A_54, %dma_wait3A_63] : memref<10000x128xf32, #tpu.memory_space<vmem_shared>> -> memref<632x128xf32, #tpu.memory_space<vmem_shared>>
        tpu.wait_dma2 semaphore(%run_scoped3A : memref<!tpu.dma_semaphore, #tpu.memory_space<semaphore_mem>>) src(%dma_wait3A_64 : memref<632x128xf32, #tpu.memory_space<vmem_shared>>) dst(%dma_wait3A_62 : memref<632x128xf32, #tpu.memory_space<hbm>>)
        tpu.yield
      }) : () -> ()
    } else {
    }
    %eq3A_43 = arith.constant 15 : i32
    %eq3A_44 = arith.cmpi eq, %arg1, %eq3A_43 : i32
    %convert_element_type3A_45 = arith.extui %eq3A_44 : i1 to i32
    %cond3A_46 = arith.constant 0 : i32
    %cond3A_47 = arith.cmpi ne, %convert_element_type3A_45, %cond3A_46 : i32
    scf.if %cond3A_47 {
      "tpu.region"() ({
        %run_scoped3A = tpu.sem_alloc : memref<!tpu.dma_semaphore, #tpu.memory_space<semaphore_mem>>
        %dma_start3A = arith.constant 9480 : i32
        %dma_start3A_53 = arith.constant 0 : i32
        %dma_start3A_54 = tpu.memref_slice %arg7[%arg0, %dma_start3A, %dma_start3A_53] : memref<2x10000x128xf32, #tpu.memory_space<hbm>> -> memref<1x520x128xf32, #tpu.memory_space<hbm>>
        %dma_start3A_55 = tpu.memref_squeeze %dma_start3A_54 : memref<1x520x128xf32, #tpu.memory_space<hbm>> -> memref<520x128xf32, #tpu.memory_space<hbm>>
        %dma_start3A_56 = arith.constant 9480 : i32
        %dma_start3A_57 = arith.constant 0 : i32
        %dma_start3A_58 = tpu.memref_slice %arg9[%dma_start3A_56, %dma_start3A_57] : memref<10000x128xf32, #tpu.memory_space<vmem_shared>> -> memref<520x128xf32, #tpu.memory_space<vmem_shared>>
        tpu.enqueue_dma source(%dma_start3A_58 : memref<520x128xf32, #tpu.memory_space<vmem_shared>>) target(%dma_start3A_55 : memref<520x128xf32, #tpu.memory_space<hbm>>) target_semaphore(%run_scoped3A : memref<!tpu.dma_semaphore, #tpu.memory_space<semaphore_mem>>)
        %dma_wait3A = arith.constant 9480 : i32
        %dma_wait3A_59 = arith.constant 0 : i32
        %dma_wait3A_60 = tpu.memref_slice %arg7[%arg0, %dma_wait3A, %dma_wait3A_59] : memref<2x10000x128xf32, #tpu.memory_space<hbm>> -> memref<1x520x128xf32, #tpu.memory_space<hbm>>
        %dma_wait3A_61 = tpu.memref_squeeze %dma_wait3A_60 : memref<1x520x128xf32, #tpu.memory_space<hbm>> -> memref<520x128xf32, #tpu.memory_space<hbm>>
        %dma_wait3A_62 = arith.constant 9480 : i32
        %dma_wait3A_63 = arith.constant 0 : i32
        %dma_wait3A_64 = tpu.memref_slice %arg9[%dma_wait3A_62, %dma_wait3A_63] : memref<10000x128xf32, #tpu.memory_space<vmem_shared>> -> memref<520x128xf32, #tpu.memory_space<vmem_shared>>
        tpu.wait_dma2 semaphore(%run_scoped3A : memref<!tpu.dma_semaphore, #tpu.memory_space<semaphore_mem>>) src(%dma_wait3A_64 : memref<520x128xf32, #tpu.memory_space<vmem_shared>>) dst(%dma_wait3A_61 : memref<520x128xf32, #tpu.memory_space<hbm>>)
        tpu.yield
      }) : () -> ()
    } else {
    }
    %lt3A_48 = arith.constant 10 : i32
    %lt3A_49 = arith.cmpi slt, %arg1, %lt3A_48 : i32
    %convert_element_type3A_50 = arith.extui %lt3A_49 : i1 to i32
    %cond3A_51 = arith.constant 0 : i32
    %cond3A_52 = arith.cmpi ne, %convert_element_type3A_50, %cond3A_51 : i32
    scf.if %cond3A_52 {
      %mul3A_53 = arith.constant 32 : i32
      %mul3A_54 = arith.muli %arg1, %mul3A_53 : i32
      %mul3A_55 = arith.constant 32 : i32
      %mul3A_56 = arith.muli %arg1, %mul3A_55 : i32
      "tpu.region"() ({
        %run_scoped3A = tpu.sem_alloc : memref<!tpu.dma_semaphore, #tpu.memory_space<semaphore_mem>>
        %dma_start3A = arith.constant 0 : i32
        %dma_start3A_57 = tpu.memref_slice %arg8[%arg0, %mul3A_56, %dma_start3A] : memref<2x320x128xf32, #tpu.memory_space<hbm>> -> memref<1x32x128xf32, #tpu.memory_space<hbm>>
        %dma_start3A_58 = tpu.memref_squeeze %dma_start3A_57 : memref<1x32x128xf32, #tpu.memory_space<hbm>> -> memref<32x128xf32, #tpu.memory_space<hbm>>
        %dma_start3A_59 = arith.constant 0 : i32
        %dma_start3A_60 = tpu.memref_slice %arg10[%mul3A_54, %dma_start3A_59] : memref<320x128xf32, #tpu.memory_space<vmem_shared>> -> memref<32x128xf32, #tpu.memory_space<vmem_shared>>
        tpu.enqueue_dma source(%dma_start3A_60 : memref<32x128xf32, #tpu.memory_space<vmem_shared>>) target(%dma_start3A_58 : memref<32x128xf32, #tpu.memory_space<hbm>>) target_semaphore(%run_scoped3A : memref<!tpu.dma_semaphore, #tpu.memory_space<semaphore_mem>>)
        %dma_wait3A = arith.constant 0 : i32
        %dma_wait3A_61 = tpu.memref_slice %arg8[%arg0, %mul3A_56, %dma_wait3A] : memref<2x320x128xf32, #tpu.memory_space<hbm>> -> memref<1x32x128xf32, #tpu.memory_space<hbm>>
        %dma_wait3A_62 = tpu.memref_squeeze %dma_wait3A_61 : memref<1x32x128xf32, #tpu.memory_space<hbm>> -> memref<32x128xf32, #tpu.memory_space<hbm>>
        %dma_wait3A_63 = arith.constant 0 : i32
        %dma_wait3A_64 = tpu.memref_slice %arg10[%mul3A_54, %dma_wait3A_63] : memref<320x128xf32, #tpu.memory_space<vmem_shared>> -> memref<32x128xf32, #tpu.memory_space<vmem_shared>>
        tpu.wait_dma2 semaphore(%run_scoped3A : memref<!tpu.dma_semaphore, #tpu.memory_space<semaphore_mem>>) src(%dma_wait3A_64 : memref<32x128xf32, #tpu.memory_space<vmem_shared>>) dst(%dma_wait3A_62 : memref<32x128xf32, #tpu.memory_space<hbm>>)
        tpu.yield
      }) : () -> ()
    } else {
    }
    return
  }
}

#map = affine_map<(d0, d1) -> (0, 0)>
#map1 = affine_map<(d0, d1) -> (0)>
module attributes {stable_mosaic.version = 14 : i64} {
  func.func @gather_k(%arg0: i32, %arg1: i32, %arg2: memref<10000x128xf32, #tpu.memory_space<hbm>>, %arg3: memref<10000x128xf32, #tpu.memory_space<hbm>>, %arg4: memref<320000xi32, #tpu.memory_space<hbm>>, %arg5: memref<320000xi32, #tpu.memory_space<hbm>>, %arg6: memref<320000x128xf32, #tpu.memory_space<hbm>>, %arg7: memref<320000x128xf32, #tpu.memory_space<hbm>>, %arg8: memref<80xi32, #tpu.memory_space<vmem>>, %arg9: memref<80xi32, #tpu.memory_space<vmem>>, %arg10: memref<80x128xf32, #tpu.memory_space<vmem>>, %arg11: memref<80x128xf32, #tpu.memory_space<vmem>>, %arg12: memref<!tpu.dma_semaphore, #tpu.memory_space<semaphore_mem>>) attributes {dimension_semantics = [#tpu.dimension_semantics<core_parallel>, #tpu.dimension_semantics<subcore_parallel>], iteration_bounds = array<i64: 2, 16>, scalar_prefetch = 0 : i64, scratch_operands = 5 : i64, tpu.core_type = #tpu.core_type<sc_vector_subcore>, window_params = [{transform_indices = #map}, {transform_indices = #map}, {transform_indices = #map1}, {transform_indices = #map1}, {transform_indices = #map}, {transform_indices = #map}]} {
    %mul3A = arith.constant 2 : i32
    %mul3A_0 = arith.muli %arg1, %mul3A : i32
    %add3A = arith.addi %mul3A_0, %arg0 : i32
    %mul3A_1 = arith.constant 10000 : i32
    %mul3A_2 = arith.muli %add3A, %mul3A_1 : i32
    %scan3A = arith.constant 0 : i32
    %scan3A_3 = arith.constant 0 : i32
    %scan3A_4 = arith.constant 125 : i32
    %scan3A_5 = arith.addi %scan3A_3, %scan3A_4 : i32
    %scan3A_6 = arith.constant 1 : i32
    scf.for %scan3A_8 = %scan3A_3 to %scan3A_5 step %scan3A_6  : i32 {
      %mul3A_9 = arith.constant 80 : i32
      %mul3A_10 = arith.muli %scan3A_8, %mul3A_9 : i32
      %add3A_11 = arith.addi %mul3A_2, %mul3A_10 : i32
      "tpu.region"() ({
        %run_scoped3A = tpu.sem_alloc : memref<!tpu.dma_semaphore, #tpu.memory_space<semaphore_mem>>
        %dma_start3A_22 = tpu.memref_slice %arg4[%add3A_11] : memref<320000xi32, #tpu.memory_space<hbm>> -> memref<80xi32, #tpu.memory_space<hbm>>
        %dma_start3A_23 = tpu.memref_slice %arg4[%add3A_11] : memref<320000xi32, #tpu.memory_space<hbm>> -> memref<80xi32, #tpu.memory_space<hbm>>
        tpu.enqueue_dma source(%dma_start3A_23 : memref<80xi32, #tpu.memory_space<hbm>>) target(%arg8 : memref<80xi32, #tpu.memory_space<vmem>>) target_semaphore(%run_scoped3A : memref<!tpu.dma_semaphore, #tpu.memory_space<semaphore_mem>>)
        %dma_wait3A_24 = tpu.memref_slice %arg4[%add3A_11] : memref<320000xi32, #tpu.memory_space<hbm>> -> memref<80xi32, #tpu.memory_space<hbm>>
        %dma_wait3A_25 = tpu.memref_slice %arg4[%add3A_11] : memref<320000xi32, #tpu.memory_space<hbm>> -> memref<80xi32, #tpu.memory_space<hbm>>
        tpu.wait_dma2 semaphore(%run_scoped3A : memref<!tpu.dma_semaphore, #tpu.memory_space<semaphore_mem>>) src(%dma_wait3A_25 : memref<80xi32, #tpu.memory_space<hbm>>) dst(%arg8 : memref<80xi32, #tpu.memory_space<vmem>>)
        tpu.yield
      }) : () -> ()
      "tpu.region"() ({
        %run_scoped3A = tpu.sem_alloc : memref<!tpu.dma_semaphore, #tpu.memory_space<semaphore_mem>>
        %dma_start3A_22 = tpu.memref_slice %arg5[%add3A_11] : memref<320000xi32, #tpu.memory_space<hbm>> -> memref<80xi32, #tpu.memory_space<hbm>>
        %dma_start3A_23 = tpu.memref_slice %arg5[%add3A_11] : memref<320000xi32, #tpu.memory_space<hbm>> -> memref<80xi32, #tpu.memory_space<hbm>>
        tpu.enqueue_dma source(%dma_start3A_23 : memref<80xi32, #tpu.memory_space<hbm>>) target(%arg9 : memref<80xi32, #tpu.memory_space<vmem>>) target_semaphore(%run_scoped3A : memref<!tpu.dma_semaphore, #tpu.memory_space<semaphore_mem>>)
        %dma_wait3A_24 = tpu.memref_slice %arg5[%add3A_11] : memref<320000xi32, #tpu.memory_space<hbm>> -> memref<80xi32, #tpu.memory_space<hbm>>
        %dma_wait3A_25 = tpu.memref_slice %arg5[%add3A_11] : memref<320000xi32, #tpu.memory_space<hbm>> -> memref<80xi32, #tpu.memory_space<hbm>>
        tpu.wait_dma2 semaphore(%run_scoped3A : memref<!tpu.dma_semaphore, #tpu.memory_space<semaphore_mem>>) src(%dma_wait3A_25 : memref<80xi32, #tpu.memory_space<hbm>>) dst(%arg9 : memref<80xi32, #tpu.memory_space<vmem>>)
        tpu.yield
      }) : () -> ()
      %dma_start3A = arith.constant 0 : i32
      %dma_start3A_12 = arith.constant 0 : i32
      %dma_start3A_13 = tpu.memref_slice %arg2[%dma_start3A, %dma_start3A_12] : memref<10000x128xf32, #tpu.memory_space<hbm>> -> memref<10000x128xf32, #tpu.memory_space<hbm>>
      tpu.enqueue_indirect_dma source(%dma_start3A_13 : memref<10000x128xf32, #tpu.memory_space<hbm>>) target(%arg10 : memref<80x128xf32, #tpu.memory_space<vmem>>) offsets(%arg8 : memref<80xi32, #tpu.memory_space<vmem>>) semaphore(%arg12 : memref<!tpu.dma_semaphore, #tpu.memory_space<semaphore_mem>>)
      %dma_start3A_14 = arith.constant 0 : i32
      %dma_start3A_15 = arith.constant 0 : i32
      %dma_start3A_16 = tpu.memref_slice %arg3[%dma_start3A_14, %dma_start3A_15] : memref<10000x128xf32, #tpu.memory_space<hbm>> -> memref<10000x128xf32, #tpu.memory_space<hbm>>
      tpu.enqueue_indirect_dma source(%dma_start3A_16 : memref<10000x128xf32, #tpu.memory_space<hbm>>) target(%arg11 : memref<80x128xf32, #tpu.memory_space<vmem>>) offsets(%arg9 : memref<80xi32, #tpu.memory_space<vmem>>) semaphore(%arg12 : memref<!tpu.dma_semaphore, #tpu.memory_space<semaphore_mem>>)
      %dma_wait3A = arith.constant 0 : i32
      %dma_wait3A_17 = arith.constant 0 : i32
      %dma_wait3A_18 = tpu.memref_slice %arg2[%dma_wait3A, %dma_wait3A_17] : memref<10000x128xf32, #tpu.memory_space<hbm>> -> memref<10000x128xf32, #tpu.memory_space<hbm>>
      tpu.wait_indirect_dma semaphore(%arg12 : memref<!tpu.dma_semaphore, #tpu.memory_space<semaphore_mem>>) src(%dma_wait3A_18 : memref<10000x128xf32, #tpu.memory_space<hbm>>) dst(%arg10 : memref<80x128xf32, #tpu.memory_space<vmem>>)
      %dma_wait3A_19 = arith.constant 0 : i32
      %dma_wait3A_20 = arith.constant 0 : i32
      %dma_wait3A_21 = tpu.memref_slice %arg3[%dma_wait3A_19, %dma_wait3A_20] : memref<10000x128xf32, #tpu.memory_space<hbm>> -> memref<10000x128xf32, #tpu.memory_space<hbm>>
      tpu.wait_indirect_dma semaphore(%arg12 : memref<!tpu.dma_semaphore, #tpu.memory_space<semaphore_mem>>) src(%dma_wait3A_21 : memref<10000x128xf32, #tpu.memory_space<hbm>>) dst(%arg11 : memref<80x128xf32, #tpu.memory_space<vmem>>)
      "tpu.region"() ({
        %run_scoped3A = tpu.sem_alloc : memref<!tpu.dma_semaphore, #tpu.memory_space<semaphore_mem>>
        %dma_start3A_22 = arith.constant 0 : i32
        %dma_start3A_23 = tpu.memref_slice %arg6[%add3A_11, %dma_start3A_22] : memref<320000x128xf32, #tpu.memory_space<hbm>> -> memref<80x128xf32, #tpu.memory_space<hbm>>
        %dma_start3A_24 = arith.constant 0 : i32
        %dma_start3A_25 = tpu.memref_slice %arg6[%add3A_11, %dma_start3A_24] : memref<320000x128xf32, #tpu.memory_space<hbm>> -> memref<80x128xf32, #tpu.memory_space<hbm>>
        tpu.enqueue_dma source(%arg10 : memref<80x128xf32, #tpu.memory_space<vmem>>) target(%dma_start3A_25 : memref<80x128xf32, #tpu.memory_space<hbm>>) target_semaphore(%run_scoped3A : memref<!tpu.dma_semaphore, #tpu.memory_space<semaphore_mem>>)
        %dma_wait3A_26 = arith.constant 0 : i32
        %dma_wait3A_27 = tpu.memref_slice %arg6[%add3A_11, %dma_wait3A_26] : memref<320000x128xf32, #tpu.memory_space<hbm>> -> memref<80x128xf32, #tpu.memory_space<hbm>>
        %dma_wait3A_28 = arith.constant 0 : i32
        %dma_wait3A_29 = tpu.memref_slice %arg6[%add3A_11, %dma_wait3A_28] : memref<320000x128xf32, #tpu.memory_space<hbm>> -> memref<80x128xf32, #tpu.memory_space<hbm>>
        tpu.wait_dma2 semaphore(%run_scoped3A : memref<!tpu.dma_semaphore, #tpu.memory_space<semaphore_mem>>) src(%arg10 : memref<80x128xf32, #tpu.memory_space<vmem>>) dst(%dma_wait3A_29 : memref<80x128xf32, #tpu.memory_space<hbm>>)
        tpu.yield
      }) : () -> ()
      "tpu.region"() ({
        %run_scoped3A = tpu.sem_alloc : memref<!tpu.dma_semaphore, #tpu.memory_space<semaphore_mem>>
        %dma_start3A_22 = arith.constant 0 : i32
        %dma_start3A_23 = tpu.memref_slice %arg7[%add3A_11, %dma_start3A_22] : memref<320000x128xf32, #tpu.memory_space<hbm>> -> memref<80x128xf32, #tpu.memory_space<hbm>>
        %dma_start3A_24 = arith.constant 0 : i32
        %dma_start3A_25 = tpu.memref_slice %arg7[%add3A_11, %dma_start3A_24] : memref<320000x128xf32, #tpu.memory_space<hbm>> -> memref<80x128xf32, #tpu.memory_space<hbm>>
        tpu.enqueue_dma source(%arg11 : memref<80x128xf32, #tpu.memory_space<vmem>>) target(%dma_start3A_25 : memref<80x128xf32, #tpu.memory_space<hbm>>) target_semaphore(%run_scoped3A : memref<!tpu.dma_semaphore, #tpu.memory_space<semaphore_mem>>)
        %dma_wait3A_26 = arith.constant 0 : i32
        %dma_wait3A_27 = tpu.memref_slice %arg7[%add3A_11, %dma_wait3A_26] : memref<320000x128xf32, #tpu.memory_space<hbm>> -> memref<80x128xf32, #tpu.memory_space<hbm>>
        %dma_wait3A_28 = arith.constant 0 : i32
        %dma_wait3A_29 = tpu.memref_slice %arg7[%add3A_11, %dma_wait3A_28] : memref<320000x128xf32, #tpu.memory_space<hbm>> -> memref<80x128xf32, #tpu.memory_space<hbm>>
        tpu.wait_dma2 semaphore(%run_scoped3A : memref<!tpu.dma_semaphore, #tpu.memory_space<semaphore_mem>>) src(%arg11 : memref<80x128xf32, #tpu.memory_space<vmem>>) dst(%dma_wait3A_29 : memref<80x128xf32, #tpu.memory_space<hbm>>)
        tpu.yield
      }) : () -> ()
    }
    %scan3A_7 = arith.constant 125 : i32
    return
  }
}

module attributes {stable_mosaic.version = 14 : i64} {
  func.func @_proj_body(%arg0: i32, %arg1: memref<1000x128xf32, #tpu.memory_space<vmem>>, %arg2: memref<128x128xf32, #tpu.memory_space<vmem>>, %arg3: memref<128x128xf32, #tpu.memory_space<vmem>>, %arg4: memref<1000x128xf32, #tpu.memory_space<vmem>>, %arg5: memref<1000x128xf32, #tpu.memory_space<vmem>>) attributes {dimension_semantics = [#tpu.dimension_semantics<arbitrary>], iteration_bounds = array<i64: 10>, scalar_prefetch = 0 : i64, scratch_operands = 0 : i64, tpu.core_type = #tpu.core_type<tc>, window_params = [{transform_indices = @transform_0, window_bounds = array<i64: 1000, 128>}, {pipeline_mode = #tpu.pipeline_mode<synchronous>, transform_indices = @transform_1, window_bounds = array<i64: 128, 128>}, {pipeline_mode = #tpu.pipeline_mode<synchronous>, transform_indices = @transform_2, window_bounds = array<i64: 128, 128>}, {transform_indices = @transform_3, window_bounds = array<i64: 1000, 128>}, {transform_indices = @transform_4, window_bounds = array<i64: 1000, 128>}]} {
    %get3A = arith.constant 0 : index
    %get3A_0 = arith.constant 0 : index
    %get3A_1 = vector.load %arg1[%get3A, %get3A_0] : memref<1000x128xf32, #tpu.memory_space<vmem>>, vector<1000x128xf32>
    %get3A_2 = arith.constant 0 : index
    %get3A_3 = arith.constant 0 : index
    %get3A_4 = vector.load %arg2[%get3A_2, %get3A_3] : memref<128x128xf32, #tpu.memory_space<vmem>>, vector<128x128xf32>
    %dot_general3A = arith.constant dense<0.000000e+00> : vector<1000x128xf32>
    %dot_general3A_5 = tpu.matmul %get3A_1, %get3A_4, %dot_general3A {dimension_numbers = #tpu.dot_dimension_numbers<[1], [1], [0], [0], [0, 0, 1, 0], [], []>, transpose_lhs_hint = false} : vector<1000x128xf32>, vector<128x128xf32>, vector<1000x128xf32> -> vector<1000x128xf32>
    %swap3A = arith.constant 0 : index
    %swap3A_6 = arith.constant 0 : index
    %swap3A_7 = vector.load %arg4[%swap3A, %swap3A_6] : memref<1000x128xf32, #tpu.memory_space<vmem>>, vector<1000x128xf32>
    tpu.vector_store %arg4[%swap3A, %swap3A_6], %dot_general3A_5 {strides = array<i32>} : memref<1000x128xf32, #tpu.memory_space<vmem>>, vector<1000x128xf32>,
    %get3A_8 = arith.constant 0 : index
    %get3A_9 = arith.constant 0 : index
    %get3A_10 = vector.load %arg3[%get3A_8, %get3A_9] : memref<128x128xf32, #tpu.memory_space<vmem>>, vector<128x128xf32>
    %dot_general3A_11 = arith.constant dense<0.000000e+00> : vector<1000x128xf32>
    %dot_general3A_12 = tpu.matmul %get3A_1, %get3A_10, %dot_general3A_11 {dimension_numbers = #tpu.dot_dimension_numbers<[1], [1], [0], [0], [0, 0, 1, 0], [], []>, transpose_lhs_hint = false} : vector<1000x128xf32>, vector<128x128xf32>, vector<1000x128xf32> -> vector<1000x128xf32>
    %swap3A_13 = arith.constant 0 : index
    %swap3A_14 = arith.constant 0 : index
    %swap3A_15 = vector.load %arg5[%swap3A_13, %swap3A_14] : memref<1000x128xf32, #tpu.memory_space<vmem>>, vector<1000x128xf32>
    tpu.vector_store %arg5[%swap3A_13, %swap3A_14], %dot_general3A_12 {strides = array<i32>} : memref<1000x128xf32, #tpu.memory_space<vmem>>, vector<1000x128xf32>,
    return
  }
  func.func @transform_0(%arg0: i32) -> (i32, i32) {
    %c0_i32 = arith.constant 0 : i32
    %c0_i32_0 = arith.constant 0 : i32
    return %arg0, %c0_i32 : i32, i32
  }
  func.func @transform_1(%arg0: i32) -> (i32, i32) {
    %c0_i32 = arith.constant 0 : i32
    %c0_i32_0 = arith.constant 0 : i32
    %c0_i32_1 = arith.constant 0 : i32
    return %c0_i32, %c0_i32_0 : i32, i32
  }
  func.func @transform_2(%arg0: i32) -> (i32, i32) {
    %c0_i32 = arith.constant 0 : i32
    %c0_i32_0 = arith.constant 0 : i32
    %c0_i32_1 = arith.constant 0 : i32
    return %c0_i32, %c0_i32_0 : i32, i32
  }
  func.func @transform_3(%arg0: i32) -> (i32, i32) {
    %c0_i32 = arith.constant 0 : i32
    %c0_i32_0 = arith.constant 0 : i32
    return %arg0, %c0_i32 : i32, i32
  }
  func.func @transform_4(%arg0: i32) -> (i32, i32) {
    %c0_i32 = arith.constant 0 : i32
    %c0_i32_0 = arith.constant 0 : i32
    return %arg0, %c0_i32 : i32, i32
  }
}

module attributes {stable_mosaic.version = 14 : i64} {
  func.func @_alpha_body(%arg0: i32, %arg1: memref<2560x128xf32, #tpu.memory_space<vmem>>, %arg2: memref<2560x128xf32, #tpu.memory_space<vmem>>, %arg3: memref<2560x16xf32, #tpu.memory_space<vmem>>, %arg4: memref<128x16xf32, #tpu.memory_space<vmem>>, %arg5: memref<4x128xf32, #tpu.memory_space<vmem>>, %arg6: memref<2560x4xf32, #tpu.memory_space<vmem>>, %arg7: memref<1x1xf32, #tpu.memory_space<smem>>) attributes {dimension_semantics = [#tpu.dimension_semantics<arbitrary>], iteration_bounds = array<i64: 125>, scalar_prefetch = 0 : i64, scratch_operands = 0 : i64, tpu.core_type = #tpu.core_type<tc>, window_params = [{transform_indices = @transform_0, window_bounds = array<i64: 2560, 128>}, {transform_indices = @transform_1, window_bounds = array<i64: 2560, 128>}, {transform_indices = @transform_2, window_bounds = array<i64: 2560, 16>}, {pipeline_mode = #tpu.pipeline_mode<synchronous>, transform_indices = @transform_3, window_bounds = array<i64: 128, 16>}, {pipeline_mode = #tpu.pipeline_mode<synchronous>, transform_indices = @transform_4, window_bounds = array<i64: 4, 128>}, {transform_indices = @transform_5, window_bounds = array<i64: 2560, 4>}, {transform_indices = @transform_6, window_bounds = array<i64: 1, 1>}]} {
    %get3A = arith.constant 0 : index
    %get3A_0 = arith.constant 0 : index
    %get3A_1 = vector.load %arg1[%get3A, %get3A_0] : memref<2560x128xf32, #tpu.memory_space<vmem>>, vector<2560x128xf32>
    %get3A_2 = arith.constant 0 : index
    %get3A_3 = arith.constant 0 : index
    %get3A_4 = vector.load %arg2[%get3A_2, %get3A_3] : memref<2560x128xf32, #tpu.memory_space<vmem>>, vector<2560x128xf32>
    %add3A = arith.addf %get3A_1, %get3A_4 : vector<2560x128xf32>
    %get3A_5 = arith.constant 0 : index
    %get3A_6 = arith.constant 0 : index
    %get3A_7 = vector.load %arg3[%get3A_5, %get3A_6] : memref<2560x16xf32, #tpu.memory_space<vmem>>, vector<2560x16xf32>
    %get3A_8 = arith.constant 0 : index
    %get3A_9 = arith.constant 0 : index
    %get3A_10 = vector.load %arg4[%get3A_8, %get3A_9] : memref<128x16xf32, #tpu.memory_space<vmem>>, vector<128x16xf32>
    %dot_general3A = arith.constant dense<0.000000e+00> : vector<2560x128xf32>
    %dot_general3A_11 = tpu.matmul %get3A_7, %get3A_10, %dot_general3A {dimension_numbers = #tpu.dot_dimension_numbers<[1], [1], [0], [0], [0, 0, 1, 0], [], []>, transpose_lhs_hint = false} : vector<2560x16xf32>, vector<128x16xf32>, vector<2560x128xf32> -> vector<2560x128xf32>
    %add3A_12 = arith.addf %add3A, %dot_general3A_11 : vector<2560x128xf32>
    %mul3A = arith.constant 2.000000e-01 : f32
    %mul3A_13 = vector.broadcast %mul3A : f32 to vector<2560x128xf32>
    %mul3A_14 = arith.mulf %mul3A_13, %add3A_12 : vector<2560x128xf32>
    %max3A = arith.maximumf %add3A_12, %mul3A_14 : vector<2560x128xf32>
    %get3A_15 = arith.constant 0 : index
    %get3A_16 = arith.constant 0 : index
    %get3A_17 = vector.load %arg5[%get3A_15, %get3A_16] : memref<4x128xf32, #tpu.memory_space<vmem>>, vector<4x128xf32>
    %dot_general3A_18 = arith.constant dense<0.000000e+00> : vector<2560x4xf32>
    %dot_general3A_19 = tpu.matmul %max3A, %get3A_17, %dot_general3A_18 {dimension_numbers = #tpu.dot_dimension_numbers<[1], [1], [0], [0], [0, 0, 1, 0], [], []>, transpose_lhs_hint = false} : vector<2560x128xf32>, vector<4x128xf32>, vector<2560x4xf32> -> vector<2560x4xf32>
    %swap3A = arith.constant 0 : index
    %swap3A_20 = arith.constant 0 : index
    %swap3A_21 = vector.load %arg6[%swap3A, %swap3A_20] : memref<2560x4xf32, #tpu.memory_space<vmem>>, vector<2560x4xf32>
    tpu.vector_store %arg6[%swap3A, %swap3A_20], %dot_general3A_19 {strides = array<i32>} : memref<2560x4xf32, #tpu.memory_space<vmem>>, vector<2560x4xf32>,
    %reduce_max3A = vector.shape_cast %dot_general3A_19 : vector<2560x4xf32> to vector<1x2560x4xf32>
    %reduce_max3A_22 = arith.constant dense<0xFF800000> : vector<1xf32>
    %reduce_max3A_23 = vector.multi_reduction <maximumf>, %reduce_max3A, %reduce_max3A_22 [1, 2] : vector<1x2560x4xf32> to vector<1xf32>
    %reduce_max3A_24 = vector.shape_cast %reduce_max3A_23 : vector<1xf32> to vector<1x1x1xf32>
    %reduce_max3A_25 = vector.extract %reduce_max3A_24[0, 0, 0] : f32 from vector<1x1x1xf32>
    %eq3A = arith.constant 0 : i32
    %eq3A_26 = arith.cmpi eq, %arg0, %eq3A : i32
    %convert_element_type3A = arith.extui %eq3A_26 : i1 to i32
    %cond3A = arith.constant 0 : i32
    %cond3A_27 = arith.cmpi ne, %convert_element_type3A, %cond3A : i32
    scf.if %cond3A_27 {
      %swap3A_32 = arith.constant 0 : index
      %swap3A_33 = arith.constant 0 : index
      %swap3A_34 = memref.load %arg7[%swap3A_32, %swap3A_33] : memref<1x1xf32, #tpu.memory_space<smem>>
      memref.store %reduce_max3A_25, %arg7[%swap3A_32, %swap3A_33] : memref<1x1xf32, #tpu.memory_space<smem>>
    } else {
    }
    %gt3A = arith.constant 0 : i32
    %gt3A_28 = arith.cmpi sgt, %arg0, %gt3A : i32
    %convert_element_type3A_29 = arith.extui %gt3A_28 : i1 to i32
    %cond3A_30 = arith.constant 0 : i32
    %cond3A_31 = arith.cmpi ne, %convert_element_type3A_29, %cond3A_30 : i32
    scf.if %cond3A_31 {
      %get3A_32 = arith.constant 0 : index
      %get3A_33 = arith.constant 0 : index
      %get3A_34 = memref.load %arg7[%get3A_32, %get3A_33] : memref<1x1xf32, #tpu.memory_space<smem>>
      %max3A_35 = arith.maximumf %get3A_34, %reduce_max3A_25 : f32
      %swap3A_36 = arith.constant 0 : index
      %swap3A_37 = arith.constant 0 : index
      %swap3A_38 = memref.load %arg7[%swap3A_36, %swap3A_37] : memref<1x1xf32, #tpu.memory_space<smem>>
      memref.store %max3A_35, %arg7[%swap3A_36, %swap3A_37] : memref<1x1xf32, #tpu.memory_space<smem>>
    } else {
    }
    return
  }
  func.func @transform_0(%arg0: i32) -> (i32, i32) {
    %c0_i32 = arith.constant 0 : i32
    %c0_i32_0 = arith.constant 0 : i32
    return %arg0, %c0_i32 : i32, i32
  }
  func.func @transform_1(%arg0: i32) -> (i32, i32) {
    %c0_i32 = arith.constant 0 : i32
    %c0_i32_0 = arith.constant 0 : i32
    return %arg0, %c0_i32 : i32, i32
  }
  func.func @transform_2(%arg0: i32) -> (i32, i32) {
    %c0_i32 = arith.constant 0 : i32
    %c0_i32_0 = arith.constant 0 : i32
    return %arg0, %c0_i32 : i32, i32
  }
  func.func @transform_3(%arg0: i32) -> (i32, i32) {
    %c0_i32 = arith.constant 0 : i32
    %c0_i32_0 = arith.constant 0 : i32
    %c0_i32_1 = arith.constant 0 : i32
    return %c0_i32, %c0_i32_0 : i32, i32
  }
  func.func @transform_4(%arg0: i32) -> (i32, i32) {
    %c0_i32 = arith.constant 0 : i32
    %c0_i32_0 = arith.constant 0 : i32
    %c0_i32_1 = arith.constant 0 : i32
    return %c0_i32, %c0_i32_0 : i32, i32
  }
  func.func @transform_5(%arg0: i32) -> (i32, i32) {
    %c0_i32 = arith.constant 0 : i32
    %c0_i32_0 = arith.constant 0 : i32
    return %arg0, %c0_i32 : i32, i32
  }
  func.func @transform_6(%arg0: i32) -> (i32, i32) {
    %c0_i32 = arith.constant 0 : i32
    %c0_i32_0 = arith.constant 0 : i32
    %c0_i32_1 = arith.constant 0 : i32
    return %c0_i32, %c0_i32_0 : i32, i32
  }
}

module attributes {stable_mosaic.version = 14 : i64} {
  func.func @_final_body(%arg0: i32, %arg1: memref<2x1000x128xf32, #tpu.memory_space<vmem>>, %arg2: memref<2x1000x4xf32, #tpu.memory_space<vmem>>, %arg3: memref<1000x128xf32, #tpu.memory_space<vmem>>, %arg4: memref<1x128xf32, #tpu.memory_space<vmem>>, %arg5: memref<1x128xf32, #tpu.memory_space<vmem>>, %arg6: memref<1000x128xf32, #tpu.memory_space<vmem>>) attributes {dimension_semantics = [#tpu.dimension_semantics<arbitrary>], iteration_bounds = array<i64: 10>, scalar_prefetch = 0 : i64, scratch_operands = 0 : i64, tpu.core_type = #tpu.core_type<tc>, window_params = [{transform_indices = @transform_0, window_bounds = array<i64: 2, 1000, 128>}, {transform_indices = @transform_1, window_bounds = array<i64: 2, 1000, 4>}, {transform_indices = @transform_2, window_bounds = array<i64: 1000, 128>}, {pipeline_mode = #tpu.pipeline_mode<synchronous>, transform_indices = @transform_3, window_bounds = array<i64: 1, 128>}, {pipeline_mode = #tpu.pipeline_mode<synchronous>, transform_indices = @transform_4, window_bounds = array<i64: 1, 128>}, {transform_indices = @transform_5, window_bounds = array<i64: 1000, 128>}]} {
    %get3A = arith.constant 0 : index
    %get3A_0 = arith.constant 0 : index
    %get3A_1 = arith.constant 0 : index
    %get3A_2 = vector.load %arg1[%get3A, %get3A_0, %get3A_1] : memref<2x1000x128xf32, #tpu.memory_space<vmem>>, vector<1x1000x128xf32>
    %get3A_3 = vector.shape_cast %get3A_2 : vector<1x1000x128xf32> to vector<1000x128xf32>
    %get3A_4 = arith.constant 0 : index
    %get3A_5 = arith.constant 0 : index
    %get3A_6 = arith.constant 0 : index
    %get3A_7 = vector.load %arg2[%get3A_4, %get3A_5, %get3A_6] : memref<2x1000x4xf32, #tpu.memory_space<vmem>>, vector<1x1000x4xf32>
    %get3A_8 = vector.shape_cast %get3A_7 : vector<1x1000x4xf32> to vector<1000x4xf32>
    %get3A_9 = arith.constant 1 : index
    %get3A_10 = arith.constant 0 : index
    %get3A_11 = arith.constant 0 : index
    %get3A_12 = vector.load %arg1[%get3A_9, %get3A_10, %get3A_11] : memref<2x1000x128xf32, #tpu.memory_space<vmem>>, vector<1x1000x128xf32>
    %get3A_13 = vector.shape_cast %get3A_12 : vector<1x1000x128xf32> to vector<1000x128xf32>
    %add3A = arith.addf %get3A_3, %get3A_13 : vector<1000x128xf32>
    %get3A_14 = arith.constant 1 : index
    %get3A_15 = arith.constant 0 : index
    %get3A_16 = arith.constant 0 : index
    %get3A_17 = vector.load %arg2[%get3A_14, %get3A_15, %get3A_16] : memref<2x1000x4xf32, #tpu.memory_space<vmem>>, vector<1x1000x4xf32>
    %get3A_18 = vector.shape_cast %get3A_17 : vector<1x1000x4xf32> to vector<1000x4xf32>
    %add3A_19 = arith.addf %get3A_8, %get3A_18 : vector<1000x4xf32>
    %slice3A = vector.extract_strided_slice %add3A {offsets = [0, 0], sizes = [1000, 32], strides = [1, 1]} : vector<1000x128xf32> to vector<1000x32xf32>
    %slice3A_20 = vector.extract_strided_slice %add3A_19 {offsets = [0, 0], sizes = [1000, 1], strides = [1, 1]} : vector<1000x4xf32> to vector<1000x1xf32>
    %add3A_21 = arith.constant 9.99999971E-10 : f32
    %add3A_22 = vector.broadcast %add3A_21 : f32 to vector<1000x1xf32>
    %add3A_23 = arith.addf %slice3A_20, %add3A_22 : vector<1000x1xf32>
    %div3A = vector.broadcast %add3A_23 : vector<1000x1xf32> to vector<1000x32xf32>
    %div3A_24 = arith.divf %slice3A, %div3A : vector<1000x32xf32>
    %slice3A_25 = vector.extract_strided_slice %add3A {offsets = [0, 32], sizes = [1000, 32], strides = [1, 1]} : vector<1000x128xf32> to vector<1000x32xf32>
    %slice3A_26 = vector.extract_strided_slice %add3A_19 {offsets = [0, 1], sizes = [1000, 1], strides = [1, 1]} : vector<1000x4xf32> to vector<1000x1xf32>
    %add3A_27 = arith.constant 9.99999971E-10 : f32
    %add3A_28 = vector.broadcast %add3A_27 : f32 to vector<1000x1xf32>
    %add3A_29 = arith.addf %slice3A_26, %add3A_28 : vector<1000x1xf32>
    %div3A_30 = vector.broadcast %add3A_29 : vector<1000x1xf32> to vector<1000x32xf32>
    %div3A_31 = arith.divf %slice3A_25, %div3A_30 : vector<1000x32xf32>
    %slice3A_32 = vector.extract_strided_slice %add3A {offsets = [0, 64], sizes = [1000, 32], strides = [1, 1]} : vector<1000x128xf32> to vector<1000x32xf32>
    %slice3A_33 = vector.extract_strided_slice %add3A_19 {offsets = [0, 2], sizes = [1000, 1], strides = [1, 1]} : vector<1000x4xf32> to vector<1000x1xf32>
    %add3A_34 = arith.constant 9.99999971E-10 : f32
    %add3A_35 = vector.broadcast %add3A_34 : f32 to vector<1000x1xf32>
    %add3A_36 = arith.addf %slice3A_33, %add3A_35 : vector<1000x1xf32>
    %div3A_37 = vector.broadcast %add3A_36 : vector<1000x1xf32> to vector<1000x32xf32>
    %div3A_38 = arith.divf %slice3A_32, %div3A_37 : vector<1000x32xf32>
    %slice3A_39 = vector.extract_strided_slice %add3A {offsets = [0, 96], sizes = [1000, 32], strides = [1, 1]} : vector<1000x128xf32> to vector<1000x32xf32>
    %slice3A_40 = vector.extract_strided_slice %add3A_19 {offsets = [0, 3], sizes = [1000, 1], strides = [1, 1]} : vector<1000x4xf32> to vector<1000x1xf32>
    %add3A_41 = arith.constant 9.99999971E-10 : f32
    %add3A_42 = vector.broadcast %add3A_41 : f32 to vector<1000x1xf32>
    %add3A_43 = arith.addf %slice3A_40, %add3A_42 : vector<1000x1xf32>
    %div3A_44 = vector.broadcast %add3A_43 : vector<1000x1xf32> to vector<1000x32xf32>
    %div3A_45 = arith.divf %slice3A_39, %div3A_44 : vector<1000x32xf32>
    %concatenate3A = tpu.concatenate %div3A_24, %div3A_31, %div3A_38, %div3A_45 in 1 : vector<1000x32xf32>, vector<1000x32xf32>, vector<1000x32xf32>, vector<1000x32xf32> -> vector<1000x128xf32>
    %get3A_46 = arith.constant 0 : index
    %get3A_47 = arith.constant 0 : index
    %get3A_48 = vector.load %arg3[%get3A_46, %get3A_47] : memref<1000x128xf32, #tpu.memory_space<vmem>>, vector<1000x128xf32>
    %add3A_49 = arith.addf %concatenate3A, %get3A_48 : vector<1000x128xf32>
    %reduce_sum3A = arith.constant dense<0.000000e+00> : vector<1000xf32>
    %reduce_sum3A_50 = vector.multi_reduction <add>, %add3A_49, %reduce_sum3A [1] : vector<1000x128xf32> to vector<1000xf32>
    %broadcast_in_dim3A = vector.shape_cast %reduce_sum3A_50 : vector<1000xf32> to vector<1000x1xf32>
    %div3A_51 = arith.constant 1.280000e+02 : f32
    %div3A_52 = vector.broadcast %div3A_51 : f32 to vector<1000x1xf32>
    %div3A_53 = arith.divf %broadcast_in_dim3A, %div3A_52 : vector<1000x1xf32>
    %sub3A = vector.broadcast %div3A_53 : vector<1000x1xf32> to vector<1000x128xf32>
    %sub3A_54 = arith.subf %add3A_49, %sub3A : vector<1000x128xf32>
    %integer_pow3A = arith.mulf %sub3A_54, %sub3A_54 : vector<1000x128xf32>
    %reduce_sum3A_55 = arith.constant dense<0.000000e+00> : vector<1000xf32>
    %reduce_sum3A_56 = vector.multi_reduction <add>, %integer_pow3A, %reduce_sum3A_55 [1] : vector<1000x128xf32> to vector<1000xf32>
    %broadcast_in_dim3A_57 = vector.shape_cast %reduce_sum3A_56 : vector<1000xf32> to vector<1000x1xf32>
    %div3A_58 = arith.constant 1.280000e+02 : f32
    %div3A_59 = vector.broadcast %div3A_58 : f32 to vector<1000x1xf32>
    %div3A_60 = arith.divf %broadcast_in_dim3A_57, %div3A_59 : vector<1000x1xf32>
    %sub3A_61 = vector.broadcast %div3A_53 : vector<1000x1xf32> to vector<1000x128xf32>
    %sub3A_62 = arith.subf %add3A_49, %sub3A_61 : vector<1000x128xf32>
    %add3A_63 = arith.constant 9.99999974E-6 : f32
    %add3A_64 = vector.broadcast %add3A_63 : f32 to vector<1000x1xf32>
    %add3A_65 = arith.addf %div3A_60, %add3A_64 : vector<1000x1xf32>
    %rsqrt3A = math.rsqrt %add3A_65 : vector<1000x1xf32>
    %mul3A = vector.broadcast %rsqrt3A : vector<1000x1xf32> to vector<1000x128xf32>
    %mul3A_66 = arith.mulf %sub3A_62, %mul3A : vector<1000x128xf32>
    %get3A_67 = arith.constant 0 : index
    %get3A_68 = arith.constant 0 : index
    %get3A_69 = vector.load %arg4[%get3A_67, %get3A_68] : memref<1x128xf32, #tpu.memory_space<vmem>>, vector<1x128xf32>
    %mul3A_70 = vector.broadcast %get3A_69 : vector<1x128xf32> to vector<1000x128xf32>
    %mul3A_71 = arith.mulf %mul3A_66, %mul3A_70 : vector<1000x128xf32>
    %get3A_72 = arith.constant 0 : index
    %get3A_73 = arith.constant 0 : index
    %get3A_74 = vector.load %arg5[%get3A_72, %get3A_73] : memref<1x128xf32, #tpu.memory_space<vmem>>, vector<1x128xf32>
    %add3A_75 = vector.broadcast %get3A_74 : vector<1x128xf32> to vector<1000x128xf32>
    %add3A_76 = arith.addf %mul3A_71, %add3A_75 : vector<1000x128xf32>
    %swap3A = arith.constant 0 : index
    %swap3A_77 = arith.constant 0 : index
    %swap3A_78 = vector.load %arg6[%swap3A, %swap3A_77] : memref<1000x128xf32, #tpu.memory_space<vmem>>, vector<1000x128xf32>
    tpu.vector_store %arg6[%swap3A, %swap3A_77], %add3A_76 {strides = array<i32>} : memref<1000x128xf32, #tpu.memory_space<vmem>>, vector<1000x128xf32>,
    return
  }
  func.func @transform_0(%arg0: i32) -> (i32, i32, i32) {
    %c0_i32 = arith.constant 0 : i32
    %c0_i32_0 = arith.constant 0 : i32
    %c0_i32_1 = arith.constant 0 : i32
    return %c0_i32, %arg0, %c0_i32_0 : i32, i32, i32
  }
  func.func @transform_1(%arg0: i32) -> (i32, i32, i32) {
    %c0_i32 = arith.constant 0 : i32
    %c0_i32_0 = arith.constant 0 : i32
    %c0_i32_1 = arith.constant 0 : i32
    return %c0_i32, %arg0, %c0_i32_0 : i32, i32, i32
  }
  func.func @transform_2(%arg0: i32) -> (i32, i32) {
    %c0_i32 = arith.constant 0 : i32
    %c0_i32_0 = arith.constant 0 : i32
    return %arg0, %c0_i32 : i32, i32
  }
  func.func @transform_3(%arg0: i32) -> (i32, i32) {
    %c0_i32 = arith.constant 0 : i32
    %c0_i32_0 = arith.constant 0 : i32
    %c0_i32_1 = arith.constant 0 : i32
    return %c0_i32, %c0_i32_0 : i32, i32
  }
  func.func @transform_4(%arg0: i32) -> (i32, i32) {
    %c0_i32 = arith.constant 0 : i32
    %c0_i32_0 = arith.constant 0 : i32
    %c0_i32_1 = arith.constant 0 : i32
    return %c0_i32, %c0_i32_0 : i32, i32
  }
  func.func @transform_5(%arg0: i32) -> (i32, i32) {
    %c0_i32 = arith.constant 0 : i32
    %c0_i32_0 = arith.constant 0 : i32
    return %arg0, %c0_i32 : i32, i32
  }
}

</mosaic_0001>

<sc_bundles>
// kernel: kernel.10.cloned.1.call-start
scs
__scs_entry_jumppad:
0x0: {  	(pc) =	sbr.rel $0x88, $3  }
0x1: {  	(tag) =	ssettag $0x0;
	lr =	simm.s32 $0x1  }
0x2: {  	[smem:$0x3F98] =	sst lr;
	_ =	strace $0xD0000000  }
0x3: {  	_ = 	snop  }
0x4: {  	_ = 	snop  }
0x5: {  	_ = 	snop  }
0x6: {  	_ = 	snop  }
0x7: {  	_ = 	snop  }
__scs_overlays_trampoline_lowered:
0x8: {  	[smem:$0x3FA7] =	sst s0  }
0x9: {  	[smem:$0x3FA8] =	sst s1  }
0xa: {  	[smem:$0x3FA9] =	sst s2  }
0xb: {  	[smem:$0x3FAA] =	sst s3  }
0xc: {  	[smem:$0x3FAB] =	sst s4  }
0xd: {  	[smem:$0x3FAC] =	sst s5  }
0xe: {  	[smem:$0x3FAD] =	sst s6  }
0xf: {  	[smem:$0x3FAE] =	sst s7  }
0x10: {  	[smem:$0x3FAF] =	sst s8  }
0x11: {  	[smem:$0x3FB0] =	sst s9;
	s0 =	simm.s32 @!p0 $0x0  }
0x12: {  	s1 =	sld [smem:$0x3F96];
	s0 =	simm.s32 @p0 $0x1  }
0x13: {  	[smem:$0x3FB1] =	sst s0;
	s0 =	simm.s32 @!p1 $0x0  }
0x14: {  	s2 =	sld [smem:$0x3F95];
	s0 =	simm.s32 @p1 $0x1  }
0x15: {  	[smem:$0x3FB2] =	sst s0;
	s0 =	simm.s32 @!p2 $0x0  }
0x16: {  	s3 =	sld [smem:$0x3FDB];
	s0 =	simm.s32 @p2 $0x1  }
0x17: {  	s4 =	simm.s32 $0x1BF5;
	[smem:$0x3FB4] =	sst s0  }
0x18: {  	s0 =	sld [smem:$0x3F97];
	_ =	swait.ge [sflag:s4], $0x0  }
0x19: {  	s7 =	sld [smem:$0x3F98]  }
0x1a: {  	s8 =	sadd.s32 $0xFFFFE003, lr  }
0x1b: {  	s9 =	sadd.s32 $0xFFFFFEF7, lr;
	s5 =	simm.s32 $0xFFFFFFFF;
	p2 =	slt.u32 s8, $0xFFFFF086  }
0x1c: {  	p1 =	slt.u32 s9, $0xF7A;
	s5 =	simm.s32 @!p2 $0x0  }
0x1d: {  	s5 =	simm.s32 @p1 $0x1;
	p0 =	seq.s32 s7, s2  }
0x1e: {  	s7 =	smul.u32 @!p0 $0xF7A, s2;
	p2 =	seq.s32 @!p0 s5, $0x0  }
0x1f: {  	s9 =	smul.u32 $0xF7A, s1;
	s8 =	simm.s32 @!p0 $0x1BF5;
	p2 =	por !p2, p0  }
0x20: {  	[sflag:s8] =	ssyncset.s32 @!p0 $0xFFFFF086;
	s6 =	sadd.s32 @!p0 s3, s7;
	s7 =	simm.s32 @!p0 $0x108  }
0x21: {  	s3 =	sadd.s32 s3, s9;
	s6 =	sadd.s32 @!p0 $0x88, s6;
	s7 =	simm.s32 @p2 $0x1082  }
0x22: {  	[simem:s7], [sflag:s8] =	dma.local @!p0 [hbm:s6], $0xF7A  }
0x23: {  	s9 =	sor.u32 $0xD0000000, s2;
	s6 =	simm.s32 $0x108;
	_ =	swait.ge @!p0 [sflag:s8], $0x0  }
0x24: {  	s3 =	sadd.s32 $0x88, s3;
	s6 =	simm.s32 @!p1 $0x1082;
	[sflag:s4] =	ssyncset.s32 $0xFFFFF086  }
0x25: {  	[simem:s6], [sflag:s4] =	dma.local [hbm:s3], $0xF7A  }
0x26: {  	[smem:$0x3F98] =	sst s1;
	(tag) =	ssettag s2;
	_ =	strace s9  }
0x27: {  	s1 =	sld [smem:$0x3FA8]  }
0x28: {  	s2 =	sld [smem:$0x3FA9]  }
0x29: {  	s4 =	sld [smem:$0x3FAB]  }
0x2a: {  	p0 =	seq.s32 s5, $0x0;
	s5 =	sld [smem:$0x3FAC]  }
0x2b: {  	s6 =	sld [smem:$0x3FAD]  }
0x2c: {  	s7 =	sld [smem:$0x3FAE]  }
0x2d: {  	s3 =	simm.s32 $0x108;
	s8 =	sld [smem:$0x3FAF]  }
0x2e: {  	s3 =	simm.s32 @!p0 $0x1082;
	s9 =	sld [smem:$0x3FB0]  }
0x2f: {  	lr =	sadd.s32 s0, s3;
	s0 =	sld [smem:$0x3FA7]  }
0x30: {  	s3 =	sld [smem:$0x3FAA]  }
0x31: {  	[smem:$0x3FB3] =	sst s10  }
0x32: {  	s10 =	sld [smem:$0x3FB1];
	_ =	sdelay $0x3  }
0x33: {  	p0 =	seq.s32 s10, $0x1;
	s10 =	sld [smem:$0x3FB3];
	_ =	sdelay $0x3  }
0x34: {  	[smem:$0x3FB3] =	sst s10  }
0x35: {  	s10 =	sld [smem:$0x3FB2];
	_ =	sdelay $0x3  }
0x36: {  	p1 =	seq.s32 s10, $0x1;
	s10 =	sld [smem:$0x3FB3];
	_ =	sdelay $0x3  }
0x37: {  	[smem:$0x3FB3] =	sst s10  }
0x38: {  	s10 =	sld [smem:$0x3FB4]  }
0x39: {  	_ = 	snop;
	(pc) =	sbr.ind lr, $3  }
0x3a: {  	_ = 	snop  }
0x3b: {  	_ = 	snop  }
0x3c: {  	p2 =	seq.s32 s10, $0x1;
	s10 =	sld [smem:$0x3FB3]  }
0x3d: {  	_ =	shalt  }
0x3e: {  	_ =	shalt  }
0x3f: {  	_ =	shalt  }
0x40: {  	_ =	shalt  }
0x41: {  	_ =	shalt  }
0x42: {  	_ =	shalt  }
0x43: {  	_ =	shalt  }
0x44: {  	_ =	shalt  }
0x45: {  	_ =	shalt  }
0x46: {  	_ =	shalt  }
0x47: {  	_ =	shalt  }
0x48: {  	_ =	shalt  }
0x49: {  	_ =	shalt  }
0x4a: {  	_ =	shalt  }
0x4b: {  	_ =	shalt  }
0x4c: {  	_ =	shalt  }
0x4d: {  	_ =	shalt  }
0x4e: {  	_ =	shalt  }
0x4f: {  	_ =	shalt  }
0x50: {  	_ =	shalt  }
0x51: {  	_ =	shalt  }
0x52: {  	_ =	shalt  }
0x53: {  	_ =	shalt  }
0x54: {  	_ =	shalt  }
0x55: {  	_ =	shalt  }
0x56: {  	_ =	shalt  }
0x57: {  	_ =	shalt  }
0x58: {  	_ =	shalt  }
0x59: {  	_ =	shalt  }
0x5a: {  	_ =	shalt  }
0x5b: {  	_ =	shalt  }
0x5c: {  	_ =	shalt  }
0x5d: {  	_ =	shalt  }
0x5e: {  	_ =	shalt  }
0x5f: {  	_ =	shalt  }
0x60: {  	_ =	shalt  }
0x61: {  	_ =	shalt  }
0x62: {  	_ =	shalt  }
0x63: {  	_ =	shalt  }
0x64: {  	_ =	shalt  }
0x65: {  	_ =	shalt  }
0x66: {  	_ =	shalt  }
0x67: {  	_ =	shalt  }
0x68: {  	_ =	shalt  }
0x69: {  	_ =	shalt  }
0x6a: {  	_ =	shalt  }
0x6b: {  	_ =	shalt  }
0x6c: {  	_ =	shalt  }
0x6d: {  	_ =	shalt  }
0x6e: {  	_ =	shalt  }
0x6f: {  	_ =	shalt  }
0x70: {  	_ =	shalt  }
0x71: {  	_ =	shalt  }
0x72: {  	_ =	shalt  }
0x73: {  	_ =	shalt  }
0x74: {  	_ =	shalt  }
0x75: {  	_ =	shalt  }
0x76: {  	_ =	shalt  }
0x77: {  	_ =	shalt  }
0x78: {  	_ =	shalt  }
0x79: {  	_ =	shalt  }
0x7a: {  	_ =	shalt  }
0x7b: {  	_ =	shalt  }
0x7c: {  	_ =	shalt  }
0x7d: {  	_ =	shalt  }
0x7e: {  	_ =	shalt  }
0x7f: {  	_ =	shalt  }
0x80: {  	_ =	shalt  }
0x81: {  	_ =	shalt  }
0x82: {  	_ =	shalt  }
0x83: {  	_ =	shalt  }
0x84: {  	_ =	shalt  }
0x85: {  	_ =	shalt  }
0x86: {  	_ =	shalt  }
0x87: {  	_ =	shalt  }
.Lfunc_end0:
.L_simem_size_0:
called_computation.1_lowered:
.L_overlay_start_0:
0x88: {  	s2 =	sld [smem:$0x3FD9]  }
0x89: {  	s3 =	sld [smem:$0x3FFE];
	_ =	sdelay $0x1  }
0x8a: {  	s1 =	srdreg.scid  }
0x8b: {  	s0 =	sand.u32 $0x1, s1  }
0x8c: {  	s17 =	sshll.u32 s0, $0xA;
	s2 =	sadd.s32 s3, s2  }
0x8d: {  	s2 =	sadd.s32 s2, s17  }
0x8e: {  	[smem:$0x3FBF] =	sst s2  }
0x8f: {  	_ = 	snop  }
0x90: {  	s2 =	sld [smem:$0x3FD0];
	(tm) =	ssettm $0x1  }
0x91: {  	s18 =	sld [smem:$0x3FFB];
	_ =	sdelay $0x3  }
0x92: {  	_ =	strace s18  }
0x93: {  	s3 =	sld [smem:$0x3FFC];
	_ =	sdelay $0x3  }
0x94: {  	_ =	strace s3  }
0x95: {  	s3 =	sld [smem:$0x3FFD];
	_ =	sdelay $0x3  }
0x96: {  	_ =	strace s3  }
0x97: {  	_ =	strace $0x8FFFFFFF  }
0x98: {  	s19 =	sld [smem:$0x3FDB];
	_ =	sdelay $0x1  }
0x99: {  	s4 =	simm.s32 $_scs_section_size  }
0x9a: {  	s5 =	simm.s32 $_size__tile_overlayer_lowered;
	s6 =	simm.s32 $_tile_overlayer_lowered  }
0x9b: {  	s22 =	simm.s32 $0x1BFF;
	s21 =	sshll.u32 s6, $0x1;
	s3 =	sadd.s32 s4, s19  }
0x9c: {  	s7 =	simm.s32 $0x0;
	s20 =	sshll.u32 s5, $0x1;
	s5 =	sadd.s32 s21, s3  }
0x9d: {  	[timem:s7], [sflag:s22] =	dma.local [hbm:s5], s20  }
0x9e: {  	_ =	swait.ge [sflag:s22], s20  }
0x9f: {  	s4 =	ssub.s32 $0x0, s20;
	[sflag:s22] =	ssyncset.done $0x0  }
0xa0: {  	[sflag:s22] =	ssyncadd.s32 s4;
	_ =	sdelay $0x1  }
0xa1: {  	s23 =	simm.s32 $0x1B8B  }
0xa2: {  	_ =	swait.ge [sflag:s23], $0x1  }
0xa3: {  	[sflag:s23] =	ssyncset.done $0x0  }
0xa4: {  	s25 =	simm.s32 $0x1B8E;
	s24 =	sld [smem:$0x3FFE];
	[sflag:s23] =	ssyncadd.s32 $0xFFFFFFFF  }
0xa5: {  	s26 =	simm.s32 $execute0_lowered;
	[smem:$0x3FD2] =	sst s25  }
0xa6: {  	s5 =	sshll.u32 s26, $0x1;
	_ =	strace $0x80000049;
	[dreg:$0x1] =	wrdreg $0xFFFFFFFF  }
0xa7: {  	s28 =	simm.s32 $_size_execute0_lowered;
	s3 =	sadd.s32 s3, s5;
	[dreg:$0x0] =	wrdreg $0x0  }
0xa8: {  	s5 =	sshll.u32 s28, $0x1;
	[dreg:$0x2] =	wrdreg s3  }
0xa9: {  	[dreg:$0x3] =	wrdreg s5  }
0xaa: {  	[dreg:$0x4] =	wrdreg $0xC0  }
0xab: {  	_ =	task [dreg:s7], $0x5FFFF  }
0xac: {  	[dreg:$0x1] =	wrdreg $0xFFFFFFFF  }
0xad: {  	[dreg:$0x0] =	wrdreg $0x60  }
0xae: {  	[dreg:$0x2] =	wrdreg s24  }
0xaf: {  	[dreg:$0x3] =	wrdreg s2  }
0xb0: {  	[dreg:$0x4] =	wrdreg $0x0  }
0xb1: {  	[dreg:$0x5] =	wrdreg $0x138800  }
0xb2: {  	[dreg:$0x6] =	wrdreg $0x142800  }
0xb3: {  	[dreg:$0x7] =	wrdreg $0x9  }
0xb4: {  	_ =	task.clear_ibuf [dreg:s7], $0x8FFFF;
	_ =	strace $0x90000049  }
0xb5: {  	s29 =	simm.s32 $0x9;
	_ =	strace $0x8000004B  }
0xb6: {  	_ =	swait.ge [sflag:s29], $0x1  }
0xb7: {  	[sflag:s29] =	ssyncadd.s32 $0xFFFFFFFF  }
0xb8: {  	_ =	strace $0x9000004B  }
0xb9: {  	_ =	sfence  }
0xba: {  	s30 =	sld [smem:$0x0];
	_ =	sdelay $0x2  }
0xbb: {  	s31 =	sshll.u32 s1, $0xD;
	s1 =	sshrl.u32 s1, $0x2  }
0xbc: {  	s3 =	sand.u32 $0x4000, s31;
	s1 =	sadd.s32 s1, s30  }
0xbd: {  	s0 =	sor.u32 s3, s0;
	s1 =	sshll.u32 s1, $0x11  }
0xbe: {  	s0 =	sor.u32 s1, s0  }
0xbf: {  	s0 =	sadd.s32 $0x8F2B, s0  }
0xc0: {  	[sflag:s0] =	ssyncadd.remote.s32 $0x1  }
0xc1: {  	_ =	sfence.sel $0xFFFF  }
0xc2: {  	[dreg:$0x0] =	wrdreg $0xFFFFFFFF;
	(pc) =	sbr.abs _section_cstart, $3  }
0xc3: {  	[dreg:$0x1] =	wrdreg $0xFFFFFFFF  }
0xc4: {  	_ =	task.clear_ibuf [dreg:s7], $0x2FFFF;
	_ =	strace $0x9FFFFFFF  }
0xc5: {  	(tm) =	ssettm $0x7FFFFFFF  }
tec
execute0_lowered:
.L_overlay_start_1:
0x0: {  	(tag) =	ssettag $0x1  }
0x1: {  	s0 =	rddreg [dreg:$0x0]  }
0x2: {  	s1 =	rddreg [dreg:$0x1]  }
0x3: {  	s2 =	rddreg [dreg:$0x2]  }
0x4: {  	s3 =	rddreg [dreg:$0x3]  }
0x5: {  	s4 =	rddreg [dreg:$0x4]  }
0x6: {  	s5 =	simm.s32 $0x0;
	s17 =	srdreg.scid;
	s6 =	stileid.u32  }
0x7: {  	s28 =	simm.s32 $0x14500;
	s29 =	simm.s32 $0x14600;
	s30 =	simm.s32 $0x1BE00  }
0x8: {  	s31 =	simm.s32 $0x19600;
	[smem:$0x7FF] =	sst s5;
	s7 =	sadd.s32 $0x520A00, s0  }
0x9: {  	s8 =	sadd.s32 $0xDA00, s0;
	s5 =	sand.u32 $0x1, s17;
	s9 =	sadd.s32 $0x3E00, s0  }
0xa: {  	s11 =	sshll.u32 s6, $0x1;
	s10 =	sadd.s32 $0x3EA00, s0;
	s14 =	smul.u32 $0x4F000, s6  }
0xb: {  	s13 =	sshll.u32 s6, $0xC;
	s16 =	sadd.s32 $0x65C00, s0;
	s17 =	smul.u32 $0x2780, s6  }
0xc: {  	s22 =	smul.u32 $0x13C00, s6;
	p0 =	sne.s32 s6, $0xF;
	p5 =	seq.s32 s6, $0xF  }
0xd: {  	_ =	strace $0x8000004A;
	[dreg:$0x6] =	wrdreg s9;
	s18 =	smul.u32 $0xA000, s5  }
0xe: {  	s11 =	sor.u32 s5, s11;
	s12 =	ssub.s32 $0x2, s5;
	s5 =	smul.u32 $0x138800, s5  }
0xf: {  	p4 =	sgt.u32 @p0 s6, $0x9;
	s11 =	smul.u32 $0x2710, s11;
	s15 =	sshrl.u32 s12, $0x1  }
0x10: {  	s19 =	sshrl.u32 s14, $0x2;
	s21 =	sadd.s32 s10, s17;
	s14 =	sadd.s32 s13, s3  }
0x11: {  	p1 =	por p4, !p0;
	s9 =	sadd.s32 s13, s18;
	s20 =	ssub.s32 s12, s15  }
0x12: {  	s12 =	sadd.s32 s19, s2;
	[dreg:$0x7] =	wrdreg s21;
	s15 =	sadd.s32 $0x128400, s2  }
0x13: {  	s23 =	sadd.s32 s22, s5;
	s5 =	sshrl.u32 s5, $0x3;
	p3 =	sne.s32 @!p1 s6, $0x0  }
0x14: {  	s9 =	sshrl.u32 s9, $0x3;
	s5 =	sadd.s32 s16, s5;
	s26 =	smax.u32 s20, $0x1  }
0x15: {  	p2 =	por @p0 p3, p4;
	p3 =	por @p0 !p3, p4;
	s9 =	sadd.s32 s9, s0  }
0x16: {  	s0 =	sadd.s32 $0x63A80, s0;
	s24 =	sadd.s32 $0x25080, s5;
	[dreg:$0xc] =	wrdreg s26  }
0x17: {  	p2 =	por p2, !p0;
	[dreg:$0x8] =	wrdreg s0;
	s0 =	sshrl.u32 s23, $0x3  }
0x18: {  	p3 =	por !p3, !p0;
	s26 =	simm.s32 $0x1;
	s0 =	sadd.s32 s16, s0  }
0x19: {  	s5 =	simm.s32 $0x16E00;
	[dreg:$0x9] =	wrdreg s0;
	s0 =	sshll.u32 @p0 s6, $0x6  }
0x1a: {  	[dreg:$0xa] =	wrdreg s24;
	s21 =	sor.u32 @p0 $0x1C01, s0;
	s0 =	sshrl.u32 @p0 s12, $0x3  }
0x1b: {  	s25 =	sadd.s32 $0x4000, s9;
	[dreg:$0xd] =	wrdreg s0;
	s0 =	simm.s32 @!p3 $0x0  }
0x1c: {  	s23 =	sshrl.u32 @!p1 s14, $0x3;
	s0 =	simm.s32 @p3 $0x1;
	p3 =	por !p4, !p0  }
0x1d: {  	s24 =	sshrl.u32 @!p2 s4, $0x3;
	[smem:$0x7FC] =	sst s0;
	s0 =	simm.s32 @!p3 $0x0  }
0x1e: {  	s9 =	simm.s32 $0x0;
	[dreg:$0xb] =	wrdreg s25;
	s0 =	simm.s32 @p3 $0x1  }
0x1f: {  	v0 =	vimm.f32 $0.0e+00;
	vm0 =	vmmov $0xf;
	s25 =	simm.s32 $0x14580;
	[smem:$0x7FD] =	sst s0;
	s0 =	simm.s32 $0x50  }
.LBB2_1:
0x20: {  	s13 =	rddreg [dreg:$0x7]  }
0x21: {  	s16 =	rddreg [dreg:$0xd]  }
0x22: {  	[spmem:s16], [sflag:s21] =	dma.local @p0 [hbm:s13], $0x2780  }
0x23: {  	s13 =	simm.s32 @p0 $0x1  }
0x24: {  	_ =	swait.ge @p0 [sflag:s13], $0x2780  }
0x25: {  	[sflag:s13] =	ssyncset.done @p0 $0x0  }
0x26: {  	[sflag:s13] =	ssyncadd.s32 @p0 $0xFFFFD880;
	s13 =	simm.s32 @!p1 $0x1  }
0x27: {  	[spmem:s23], [sflag:s21] =	dma.local @!p1 [hbm:s10], $0x200  }
0x28: {  	_ =	swait.ge @!p1 [sflag:s13], $0x200  }
0x29: {  	[sflag:s13] =	ssyncset.done @!p1 $0x0  }
0x2a: {  	[sflag:s13] =	ssyncadd.s32 @!p1 $0xFFFFFE00;
	s13 =	simm.s32 @!p2 $0x1C01  }
0x2b: {  	[spmem:s24], [sflag:s13] =	dma.local @!p2 [hbm:s10], $0x500  }
0x2c: {  	s13 =	simm.s32 @!p2 $0x1  }
0x2d: {  	_ =	swait.ge @!p2 [sflag:s13], $0x500  }
0x2e: {  	s16 =	simm.s32 @!p0 $0x1FC1;
	[sflag:s13] =	ssyncset.done @!p2 $0x0  }
0x2f: {  	s17 =	rddreg [dreg:$0x8];
	[sflag:s13] =	ssyncadd.s32 @!p2 $0xFFFFFB00;
	s13 =	sshrl.u32 @!p0 s15, $0x3  }
0x30: {  	[spmem:s13], [sflag:s16] =	dma.local @!p0 [hbm:s17], $0x2080  }
0x31: {  	s13 =	simm.s32 @!p0 $0x1  }
0x32: {  	_ =	swait.ge @!p0 [sflag:s13], $0x2080  }
0x33: {  	s19 =	simm.s32 $0x1C000;
	[sflag:s13] =	ssyncset.done @!p0 $0x0  }
0x34: {  	s17 =	simm.s32 $0x0;
	s18 =	rddreg [dreg:$0x6];
	[sflag:s13] =	ssyncadd.s32 @!p0 $0xFFFFDF80  }
0x35: {  	[tilespmem:s19], [sflag:$0x1] =	stream.linear.gather [hbm4b:s18+s17], $0x80, $0x38;
	[tilespmem:$0x1C080] =	vst v63  }
0x36: {  	_ =	swait.ge [sflag:s26], $0x80  }
0x37: {  	[sflag:s26] =	ssyncset.done $0x0  }
0x38: {  	[sflag:s26] =	ssyncadd.s32 $0xFFFFFF80  }
0x39: {  	s20 =	sld [smem:$0x7FC];
	[bflag:$0x0] =	sbarrier.arrive $0xFFFF  }
0x3a: {  	s22 =	sld [smem:$0x7FD];
	_ =	sdelay $0x1  }
0x3b: {  	p6 =	por @!p1 $0x1, $0x1;
	p3 =	por @!p2 $0x1, $0x1;
	p4 =	seq.s32 s20, $0x1  }
0x3c: {  	p6 =	por @!p4 p3, p3;
	p3 =	por @p0 $0x0, $0x0;
	p4 =	seq.s32 s22, $0x1  }
0x3d: {  	[tilespmem:$0x1BF80] =	vst v0;
	p6 =	por @!p4 p3, p3;
	p3 =	por @!p0 $0x0, $0x0  }
0x3e: {  	s13 =	simm.s32 $0x0;
	v1 =	vld [tilespmem:$0x1C000];
	[tilespmem:$0x1BF90] =	vst v0;
	p6 =	por @!p0 p3, p3  }
.LBB2_2:
0x3f: {  	s16 =	smul.u32 $0x50, s13;
	_ =	sdelay $0x1  }
0x40: {  	s17 =	sadd.s32 s11, s16  }
0x41: {  	s16 =	sshrl.u32 s17, $0x3  }
0x42: {  	s18 =	sadd.s32 s8, s16;
	s16 =	simm.s32 $0x0  }
0x43: {  	[tilespmem:s28], [sflag:$0x1] =	stream.linear.gather [hbm4b:s18+s16], $0x50, $0x38;
	[tilespmem:$0x1C080] =	vst v63  }
0x44: {  	_ =	swait.ge [sflag:s26], $0x50  }
0x45: {  	s22 =	sshll.u32 s17, $0x4;
	[sflag:s26] =	ssyncset.done $0x0  }
0x46: {  	s18 =	sadd.s32 s7, s22;
	[sflag:s26] =	ssyncadd.s32 $0xFFFFFFB0  }
0x47: {  	[tilespmem:s29], [sflag:$0x1] =	stream.linear.gather [hbm4b:s18+s16], $0x2800, $0x38;
	[tilespmem:$0x1C080] =	vst v63  }
0x48: {  	_ =	swait.ge [sflag:s26], $0x2800  }
0x49: {  	s17 =	sshrl.u32 s17, $0x1;
	[sflag:s26] =	ssyncset.done $0x0  }
0x4a: {  	s17 =	sadd.s32 s1, s17;
	[sflag:s26] =	ssyncadd.s32 $0xFFFFD800  }
0x4b: {  	[tilespmem:s30], [sflag:$0x1] =	stream.linear.gather [hbm4b:s17+s16], $0x140, $0x38;
	[tilespmem:$0x1C080] =	vst v63  }
0x4c: {  	_ =	swait.ge [sflag:s26], $0x140  }
0x4d: {  	[sflag:s26] =	ssyncset.done $0x0  }
0x4e: {  	[sflag:s26] =	ssyncadd.s32 $0xFFFFFEC0  }
0x4f: {  	[tilespmem:s31], [sflag:$0x1] =	stream.linear.gather [spmem:s4], $0x2800, $0x38;
	[tilespmem:$0x1C080] =	vst v63  }
0x50: {  	_ =	swait.ge [sflag:s26], $0x2800  }
0x51: {  	[sflag:s26] =	ssyncset.done $0x0  }
0x52: {  	[sflag:s26] =	ssyncadd.s32 $0xFFFFD800  }
0x53: {  	v2 =	vld [tilespmem:$0x1BE00]  }
0x54: {  	v3 =	vld [tilespmem:$0x1BE10]  }
0x55: {  	v4 =	vld [tilespmem:$0x1BE20]  }
0x56: {  	v5 =	vld [tilespmem:$0x1BE30]  }
0x57: {  	v6 =	vld [tilespmem:$0x1BE40]  }
0x58: {  	v7 =	vld [tilespmem:$0x1BE50];
	v2 =	vsub.f32 v2, v1  }
0x59: {  	v8 =	vld [tilespmem:$0x1BE60];
	v3 =	vsub.f32 v3, v1  }
0x5a: {  	v9 =	vld [tilespmem:$0x1BE70];
	v4 =	vsub.f32 v4, v1;
	v2 =	vmul.f32 $1.442695020e+00, v2  }
0x5b: {  	v10 =	vld [tilespmem:$0x1BE80];
	v5 =	vsub.f32 v5, v1;
	v3 =	vmul.f32 $1.442695020e+00, v3  }
0x5c: {  	v22 =	vld [tilespmem:$0x1BE90];
	v21 =	vsub.f32 v6, v1;
	(erf) = vpow2.f32 v2;
	v2 =	vmul.f32 $1.442695020e+00, v4  }
0x5d: {  	v24 =	vld [tilespmem:$0x1BEA0];
	v23 =	vsub.f32 v7, v1;
	(erf) = vpow2.f32 v3;
	v3 =	vmul.f32 $1.442695020e+00, v5  }
0x5e: {  	v26 =	vld [tilespmem:$0x1BEB0];
	v25 =	vsub.f32 v8, v1;
	(erf) = vpow2.f32 v2;
	v2 =	vmul.f32 $1.442695020e+00, v21  }
0x5f: {  	v28 =	vld [tilespmem:$0x1BEC0];
	v27 =	vsub.f32 v9, v1;
	(erf) = vpow2.f32 v3;
	v3 =	vmul.f32 $1.442695020e+00, v23  }
0x60: {  	v30 =	vld [tilespmem:$0x1BED0];
	v29 =	vsub.f32 v10, v1;
	(erf) = vpow2.f32 v2;
	v2 =	vmul.f32 $1.442695020e+00, v25  }
0x61: {  	v32 =	vld [tilespmem:$0x1BEE0];
	v31 =	vsub.f32 v22, v1;
	(erf) = vpow2.f32 v3;
	v3 =	vmul.f32 $1.442695020e+00, v27  }
0x62: {  	v34 =	vld [tilespmem:$0x1BEF0];
	v33 =	vsub.f32 v24, v1;
	(erf) = vpow2.f32 v2;
	v2 =	vmul.f32 $1.442695020e+00, v29  }
0x63: {  	v36 =	vld [tilespmem:$0x1BF00];
	v35 =	vsub.f32 v26, v1;
	(erf) = vpow2.f32 v3;
	v3 =	vmul.f32 $1.442695020e+00, v31  }
0x64: {  	v38 =	vld [tilespmem:$0x1BF10];
	v37 =	vsub.f32 v28, v1;
	(erf) = vpow2.f32 v2;
	v2 =	vmul.f32 $1.442695020e+00, v33  }
0x65: {  	v40 =	vld [tilespmem:$0x1BF20];
	v39 =	vsub.f32 v30, v1;
	v11 =	vpop (erf);
	(erf) = vpow2.f32 v3;
	v3 =	vmul.f32 $1.442695020e+00, v35  }
0x66: {  	v43 =	vld [tilespmem:$0x1BF30];
	v42 =	vsub.f32 v32, v1;
	v41 =	vpop (erf);
	(erf) = vpow2.f32 v2;
	v2 =	vmul.f32 $1.442695020e+00, v37  }
0x67: {  	v45 =	vsub.f32 v34, v1;
	[tilespmem:$0x1BE00] =	vst v11;
	v44 =	vpop (erf);
	(erf) = vpow2.f32 v3;
	v3 =	vmul.f32 $1.442695020e+00, v39  }
0x68: {  	v47 =	vsub.f32 v36, v1;
	[tilespmem:$0x1BE10] =	vst v41;
	v46 =	vpop (erf);
	(erf) = vpow2.f32 v2;
	v2 =	vmul.f32 $1.442695020e+00, v42  }
0x69: {  	v49 =	vsub.f32 v38, v1;
	[tilespmem:$0x1BE20] =	vst v44;
	v48 =	vpop (erf);
	(erf) = vpow2.f32 v3;
	v3 =	vmul.f32 $1.442695020e+00, v45  }
0x6a: {  	v51 =	vsub.f32 v40, v1;
	[tilespmem:$0x1BE30] =	vst v46;
	v50 =	vpop (erf);
	(erf) = vpow2.f32 v2;
	v2 =	vmul.f32 $1.442695020e+00, v47  }
0x6b: {  	v53 =	vsub.f32 v43, v1;
	[tilespmem:$0x1BE40] =	vst v48;
	v52 =	vpop (erf);
	(erf) = vpow2.f32 v3;
	v3 =	vmul.f32 $1.442695020e+00, v49  }
0x6c: {  	[tilespmem:$0x1BE50] =	vst v50;
	v54 =	vpop (erf);
	(erf) = vpow2.f32 v2;
	v2 =	vmul.f32 $1.442695020e+00, v51  }
0x6d: {  	[tilespmem:$0x1BE60] =	vst v52;
	v55 =	vpop (erf);
	(erf) = vpow2.f32 v3;
	v3 =	vmul.f32 $1.442695020e+00, v53  }
0x6e: {  	[tilespmem:$0x1BE70] =	vst v54  }
0x6f: {  	[tilespmem:$0x1BE80] =	vst v55;
	v56 =	vpop (erf);
	(erf) = vpow2.f32 v2  }
0x70: {  	[tilespmem:$0x1BE90] =	vst v56;
	v2 =	vpop (erf);
	(erf) = vpow2.f32 v3  }
0x71: {  	v3 =	vpop (erf);
	[tilespmem:$0x1BEA0] =	vst v2  }
0x72: {  	v2 =	vpop (erf);
	[tilespmem:$0x1BEB0] =	vst v3  }
0x73: {  	v3 =	vpop (erf);
	[tilespmem:$0x1BEC0] =	vst v2  }
0x74: {  	v2 =	vpop (erf);
	[tilespmem:$0x1BED0] =	vst v3  }
0x75: {  	v3 =	vpop (erf);
	[tilespmem:$0x1BEE0] =	vst v2;
	v2 =	vld [tilespmem:$0x14500]  }
0x76: {  	v57 =	vpop (erf);
	[tilespmem:$0x1BEF0] =	vst v3;
	v3 =	vld [tilespmem:$0x14510]  }
0x77: {  	v59 =	vld [tilespmem:$0x14520];
	v58 =	vpop (erf);
	[tilespmem:$0x1BF00] =	vst v57  }
0x78: {  	v61 =	vld [tilespmem:$0x14530];
	v60 =	vpop (erf);
	[tilespmem:$0x1BF10] =	vst v58  }
0x79: {  	v63 =	vld [tilespmem:$0x14540];
	[tilespmem:$0x1BF20] =	vst v60;
	v62 =	vpop (erf)  }
0x7a: {  	[tilespmem:$0x1BF30] =	vst v62;
	v2 =	vshrl.u32 v2, $0x5  }
0x7b: {  	[tilespmem:$0x14580] =	vst v2;
	v2 =	vshrl.u32 v3, $0x5  }
0x7c: {  	[tilespmem:$0x14590] =	vst v2;
	v2 =	vshrl.u32 v59, $0x5  }
0x7d: {  	[tilespmem:$0x145A0] =	vst v2;
	v2 =	vshrl.u32 v61, $0x5  }
0x7e: {  	[tilespmem:$0x145B0] =	vst v2;
	v2 =	vshrl.u32 v63, $0x5  }
0x7f: {  	[tilespmem:$0x145C0] =	vst v2  }
.LBB2_3:
0x80: {  	s17 =	sshll.u32 s16, $0x4  }
0x81: {  	v2 =	vld [tilespmem:s17+$0x14500];
	_ =	sdelay $0x3  }
0x82: {  	s18 =	sshll.u32 s16, $0x6  }
0x83: {  	s18 =	sand.u32 $0x3FFFFFC0, s18;
	v2 =	vshll.u32 v2, $0x2  }
0x84: {  	v3 =	vld [tilespmem:s18+$0x1BE00];
	(v2sf) =	vpush v2, $0x0  }
0x85: {  	s18 =	sshll.u32 s16, $0xB  }
0x86: {  	v4 =	vld [tilespmem:s18+$0x14600]  }
0x87: {  	v5 =	vld [tilespmem:s18+$0x14610]  }
0x88: {  	v6 =	vld [tilespmem:s18+$0x14620]  }
0x89: {  	v8 =	vld [tilespmem:s18+$0x14630];
	v7 =	vbroadcast v3, $0x0  }
0x8a: {  	v9 =	vld [tilespmem:s18+$0x14640]  }
0x8b: {  	v11 =	vld [tilespmem:s18+$0x14650];
	v10 =	vbroadcast v3, $0x1;
	v4 =	vmul.f32 v7, v4  }
0x8c: {  	v51 =	vld [tilespmem:s18+$0x14660];
	v5 =	vmul.f32 v5, v7  }
0x8d: {  	v12 =	vld [tilespmem:s18+$0x14670];
	v53 =	vbroadcast v3, $0x2;
	v52 =	vmul.f32 v6, v10;
	[tilespmem:s18+$0x16E00] =	vst v4  }
0x8e: {  	v54 =	vmul.f32 v8, v10;
	[tilespmem:s18+$0x16E10] =	vst v5  }
0x8f: {  	v56 =	vbroadcast v3, $0x3;
	v55 =	vmul.f32 v9, v53;
	[tilespmem:s18+$0x16E20] =	vst v52  }
0x90: {  	v57 =	vmul.f32 v11, v53;
	[tilespmem:s18+$0x16E30] =	vst v54  }
0x91: {  	v58 =	vmul.f32 v51, v56;
	[tilespmem:s18+$0x16E40] =	vst v55  }
0x92: {  	v59 =	vmul.f32 v12, v56;
	[tilespmem:s18+$0x16E50] =	vst v57  }
0x93: {  	[tilespmem:s18+$0x16E60] =	vst v58;
	s19 =	spop (v2sf)  }
0x94: {  	v3 =	vnsel vm0, $0x0, v3;
	[tilespmem:s18+$0x16E70] =	vst v59;
	s20 =	sand.u32 $0xC, s19  }
0x95: {  	[tilespmem:s20+$0x1BF80] =	vst v3  }
0x96: {  	v3 =	vld [tilespmem:$0x1BF80];
	_ =	sdelay $0x2  }
0x97: {  	s22 =	sor.u32 $0x1, s17;
	s19 =	sand.u32 $0x70, s19  }
0x98: {  	s18 =	sor.u32 s19, s18;
	[tilespmem:s20+$0x1BF80] =	vst v0;
	s20 =	sshll.u32 s22, $0x2  }
0x99: {  	s19 =	sand.u32 $0x3FFFFFC4, s20;
	[tilespmem:s18+$0x19600] =	vst v3  }
0x9a: {  	s18 =	sshll.u32 s22, $0x7;
	v3 =	vld [tilespmem:s19+$0x1BE00]  }
0x9b: {  	s20 =	sand.u32 $0x3FFFF880, s18  }
0x9c: {  	v4 =	vld [tilespmem:s20+$0x14600];
	_ =	sdelay $0x2  }
0x9d: {  	v60 =	vbroadcast v3, $0x0;
	_ =	sdelay $0x1  }
0x9e: {  	v4 =	vmul.f32 v60, v4;
	_ =	sdelay $0x1  }
0x9f: {  	[tilespmem:s18+$0x16E00] =	vst v4  }
0xa0: {  	v4 =	vld [tilespmem:s20+$0x14610];
	_ =	sdelay $0x4  }
0xa1: {  	v4 =	vmul.f32 v4, v60;
	_ =	sdelay $0x1  }
0xa2: {  	[tilespmem:s18+$0x16E10] =	vst v4  }
0xa3: {  	v4 =	vld [tilespmem:s20+$0x14620];
	_ =	sdelay $0x2  }
0xa4: {  	v61 =	vbroadcast v3, $0x1;
	_ =	sdelay $0x1  }
0xa5: {  	v4 =	vmul.f32 v4, v61;
	_ =	sdelay $0x1  }
0xa6: {  	[tilespmem:s18+$0x16E20] =	vst v4  }
0xa7: {  	v4 =	vld [tilespmem:s20+$0x14630];
	_ =	sdelay $0x4  }
0xa8: {  	v4 =	vmul.f32 v4, v61;
	_ =	sdelay $0x1  }
0xa9: {  	[tilespmem:s18+$0x16E30] =	vst v4  }
0xaa: {  	v4 =	vld [tilespmem:s20+$0x14640];
	_ =	sdelay $0x2  }
0xab: {  	v62 =	vbroadcast v3, $0x2;
	_ =	sdelay $0x1  }
0xac: {  	v4 =	vmul.f32 v4, v62;
	_ =	sdelay $0x1  }
0xad: {  	[tilespmem:s18+$0x16E40] =	vst v4  }
0xae: {  	v4 =	vld [tilespmem:s20+$0x14650];
	_ =	sdelay $0x4  }
0xaf: {  	v4 =	vmul.f32 v4, v62;
	_ =	sdelay $0x1  }
0xb0: {  	(v2sf) =	vpush v2, $0x1;
	[tilespmem:s18+$0x16E50] =	vst v4  }
0xb1: {  	v4 =	vld [tilespmem:s20+$0x14660];
	_ =	sdelay $0x2  }
0xb2: {  	v63 =	vbroadcast v3, $0x3;
	_ =	sdelay $0x1  }
0xb3: {  	v4 =	vmul.f32 v4, v63;
	_ =	sdelay $0x1  }
0xb4: {  	[tilespmem:s18+$0x16E60] =	vst v4  }
0xb5: {  	v4 =	vld [tilespmem:s20+$0x14670];
	_ =	sdelay $0x4  }
0xb6: {  	v4 =	vmul.f32 v4, v63  }
0xb7: {  	s22 =	spop (v2sf)  }
0xb8: {  	v3 =	vnsel vm0, $0x0, v3;
	s20 =	sand.u32 $0xC, s22;
	[tilespmem:s18+$0x16E70] =	vst v4  }
0xb9: {  	[tilespmem:s20+$0x1BF80] =	vst v3  }
0xba: {  	v3 =	vld [tilespmem:$0x1BF80];
	_ =	sdelay $0x2  }
0xbb: {  	s19 =	sand.u32 $0x70, s22;
	s22 =	sor.u32 $0x2, s17  }
0xbc: {  	s18 =	sor.u32 s19, s18;
	[tilespmem:s20+$0x1BF80] =	vst v0;
	s20 =	sshll.u32 s22, $0x2  }
0xbd: {  	s19 =	sand.u32 $0x3FFFFFC8, s20;
	[tilespmem:s18+$0x19600] =	vst v3  }
0xbe: {  	s18 =	sshll.u32 s22, $0x7;
	v3 =	vld [tilespmem:s19+$0x1BE00]  }
0xbf: {  	s20 =	sand.u32 $0x3FFFF900, s18  }
0xc0: {  	v4 =	vld [tilespmem:s20+$0x14600];
	_ =	sdelay $0x2  }
0xc1: {  	v8 =	vbroadcast v3, $0x0;
	_ =	sdelay $0x1  }
0xc2: {  	v4 =	vmul.f32 v8, v4;
	_ =	sdelay $0x1  }
0xc3: {  	[tilespmem:s18+$0x16E00] =	vst v4  }
0xc4: {  	v4 =	vld [tilespmem:s20+$0x14610];
	_ =	sdelay $0x4  }
0xc5: {  	v4 =	vmul.f32 v4, v8;
	_ =	sdelay $0x1  }
0xc6: {  	[tilespmem:s18+$0x16E10] =	vst v4  }
0xc7: {  	v4 =	vld [tilespmem:s20+$0x14620];
	_ =	sdelay $0x2  }
0xc8: {  	v9 =	vbroadcast v3, $0x1;
	_ =	sdelay $0x1  }
0xc9: {  	v4 =	vmul.f32 v4, v9;
	_ =	sdelay $0x1  }
0xca: {  	[tilespmem:s18+$0x16E20] =	vst v4  }
0xcb: {  	v4 =	vld [tilespmem:s20+$0x14630];
	_ =	sdelay $0x4  }
0xcc: {  	v4 =	vmul.f32 v4, v9;
	_ =	sdelay $0x1  }
0xcd: {  	[tilespmem:s18+$0x16E30] =	vst v4  }
0xce: {  	v4 =	vld [tilespmem:s20+$0x14640];
	_ =	sdelay $0x2  }
0xcf: {  	v10 =	vbroadcast v3, $0x2;
	_ =	sdelay $0x1  }
0xd0: {  	v4 =	vmul.f32 v4, v10;
	_ =	sdelay $0x1  }
0xd1: {  	[tilespmem:s18+$0x16E40] =	vst v4  }
0xd2: {  	v4 =	vld [tilespmem:s20+$0x14650];
	_ =	sdelay $0x4  }
0xd3: {  	v4 =	vmul.f32 v4, v10;
	_ =	sdelay $0x1  }
0xd4: {  	(v2sf) =	vpush v2, $0x2;
	[tilespmem:s18+$0x16E50] =	vst v4  }
0xd5: {  	v4 =	vld [tilespmem:s20+$0x14660];
	_ =	sdelay $0x2  }
0xd6: {  	v11 =	vbroadcast v3, $0x3;
	_ =	sdelay $0x1  }
0xd7: {  	v4 =	vmul.f32 v4, v11;
	_ =	sdelay $0x1  }
0xd8: {  	[tilespmem:s18+$0x16E60] =	vst v4  }
0xd9: {  	v4 =	vld [tilespmem:s20+$0x14670];
	_ =	sdelay $0x4  }
0xda: {  	v4 =	vmul.f32 v4, v11  }
0xdb: {  	s22 =	spop (v2sf)  }
0xdc: {  	v3 =	vnsel vm0, $0x0, v3;
	s20 =	sand.u32 $0xC, s22;
	[tilespmem:s18+$0x16E70] =	vst v4  }
0xdd: {  	[tilespmem:s20+$0x1BF80] =	vst v3  }
0xde: {  	v3 =	vld [tilespmem:$0x1BF80];
	_ =	sdelay $0x2  }
0xdf: {  	s19 =	sand.u32 $0x70, s22;
	s22 =	sor.u32 $0x3, s17  }
0xe0: {  	s18 =	sor.u32 s19, s18;
	[tilespmem:s20+$0x1BF80] =	vst v0;
	s20 =	sshll.u32 s22, $0x2  }
0xe1: {  	s19 =	sand.u32 $0x3FFFFFCC, s20;
	[tilespmem:s18+$0x19600] =	vst v3  }
0xe2: {  	s18 =	sshll.u32 s22, $0x7;
	v3 =	vld [tilespmem:s19+$0x1BE00]  }
0xe3: {  	s20 =	sand.u32 $0x3FFFF980, s18  }
0xe4: {  	v4 =	vld [tilespmem:s20+$0x14600];
	_ =	sdelay $0x2  }
0xe5: {  	v12 =	vbroadcast v3, $0x0;
	_ =	sdelay $0x1  }
0xe6: {  	v4 =	vmul.f32 v12, v4;
	_ =	sdelay $0x1  }
0xe7: {  	[tilespmem:s18+$0x16E00] =	vst v4  }
0xe8: {  	v4 =	vld [tilespmem:s20+$0x14610];
	_ =	sdelay $0x4  }
0xe9: {  	v4 =	vmul.f32 v4, v12;
	_ =	sdelay $0x1  }
0xea: {  	[tilespmem:s18+$0x16E10] =	vst v4  }
0xeb: {  	v4 =	vld [tilespmem:s20+$0x14620];
	_ =	sdelay $0x2  }
0xec: {  	v13 =	vbroadcast v3, $0x1;
	_ =	sdelay $0x1  }
0xed: {  	v4 =	vmul.f32 v4, v13;
	_ =	sdelay $0x1  }
0xee: {  	[tilespmem:s18+$0x16E20] =	vst v4  }
0xef: {  	v4 =	vld [tilespmem:s20+$0x14630];
	_ =	sdelay $0x4  }
0xf0: {  	v4 =	vmul.f32 v4, v13;
	_ =	sdelay $0x1  }
0xf1: {  	[tilespmem:s18+$0x16E30] =	vst v4  }
0xf2: {  	v4 =	vld [tilespmem:s20+$0x14640];
	_ =	sdelay $0x2  }
0xf3: {  	v14 =	vbroadcast v3, $0x2;
	_ =	sdelay $0x1  }
0xf4: {  	v4 =	vmul.f32 v4, v14;
	_ =	sdelay $0x1  }
0xf5: {  	[tilespmem:s18+$0x16E40] =	vst v4  }
0xf6: {  	v4 =	vld [tilespmem:s20+$0x14650];
	_ =	sdelay $0x4  }
0xf7: {  	v4 =	vmul.f32 v4, v14;
	_ =	sdelay $0x1  }
0xf8: {  	(v2sf) =	vpush v2, $0x3;
	[tilespmem:s18+$0x16E50] =	vst v4  }
0xf9: {  	v4 =	vld [tilespmem:s20+$0x14660];
	_ =	sdelay $0x2  }
0xfa: {  	v15 =	vbroadcast v3, $0x3;
	_ =	sdelay $0x1  }
0xfb: {  	v4 =	vmul.f32 v4, v15;
	_ =	sdelay $0x1  }
0xfc: {  	[tilespmem:s18+$0x16E60] =	vst v4  }
0xfd: {  	v4 =	vld [tilespmem:s20+$0x14670];
	_ =	sdelay $0x4  }
0xfe: {  	v4 =	vmul.f32 v4, v15  }
0xff: {  	s22 =	spop (v2sf)  }
0x100: {  	v3 =	vnsel vm0, $0x0, v3;
	s20 =	sand.u32 $0xC, s22;
	[tilespmem:s18+$0x16E70] =	vst v4  }
0x101: {  	[tilespmem:s20+$0x1BF80] =	vst v3  }
0x102: {  	v3 =	vld [tilespmem:$0x1BF80];
	_ =	sdelay $0x2  }
0x103: {  	s19 =	sand.u32 $0x70, s22;
	s22 =	sor.u32 $0x4, s17  }
0x104: {  	s18 =	sor.u32 s19, s18;
	[tilespmem:s20+$0x1BF80] =	vst v0;
	s20 =	sshll.u32 s22, $0x2  }
0x105: {  	s19 =	sand.u32 $0x3FFFFFD0, s20;
	[tilespmem:s18+$0x19600] =	vst v3  }
0x106: {  	s18 =	sshll.u32 s22, $0x7;
	v3 =	vld [tilespmem:s19+$0x1BE00]  }
0x107: {  	s20 =	sand.u32 $0x3FFFFA00, s18  }
0x108: {  	v4 =	vld [tilespmem:s20+$0x14600];
	_ =	sdelay $0x2  }
0x109: {  	v16 =	vbroadcast v3, $0x0;
	_ =	sdelay $0x1  }
0x10a: {  	v4 =	vmul.f32 v16, v4;
	_ =	sdelay $0x1  }
0x10b: {  	[tilespmem:s18+$0x16E00] =	vst v4  }
0x10c: {  	v4 =	vld [tilespmem:s20+$0x14610];
	_ =	sdelay $0x4  }
0x10d: {  	v4 =	vmul.f32 v4, v16;
	_ =	sdelay $0x1  }
0x10e: {  	[tilespmem:s18+$0x16E10] =	vst v4  }
0x10f: {  	v4 =	vld [tilespmem:s20+$0x14620];
	_ =	sdelay $0x2  }
0x110: {  	v17 =	vbroadcast v3, $0x1;
	_ =	sdelay $0x1  }
0x111: {  	v4 =	vmul.f32 v4, v17;
	_ =	sdelay $0x1  }
0x112: {  	[tilespmem:s18+$0x16E20] =	vst v4  }
0x113: {  	v4 =	vld [tilespmem:s20+$0x14630];
	_ =	sdelay $0x4  }
0x114: {  	v4 =	vmul.f32 v4, v17;
	_ =	sdelay $0x1  }
0x115: {  	[tilespmem:s18+$0x16E30] =	vst v4  }
0x116: {  	v4 =	vld [tilespmem:s20+$0x14640];
	_ =	sdelay $0x2  }
0x117: {  	v18 =	vbroadcast v3, $0x2;
	_ =	sdelay $0x1  }
0x118: {  	v4 =	vmul.f32 v4, v18;
	_ =	sdelay $0x1  }
0x119: {  	[tilespmem:s18+$0x16E40] =	vst v4  }
0x11a: {  	v4 =	vld [tilespmem:s20+$0x14650];
	_ =	sdelay $0x4  }
0x11b: {  	v4 =	vmul.f32 v4, v18;
	_ =	sdelay $0x1  }
0x11c: {  	(v2sf) =	vpush v2, $0x4;
	[tilespmem:s18+$0x16E50] =	vst v4  }
0x11d: {  	v4 =	vld [tilespmem:s20+$0x14660];
	_ =	sdelay $0x2  }
0x11e: {  	v19 =	vbroadcast v3, $0x3;
	_ =	sdelay $0x1  }
0x11f: {  	v4 =	vmul.f32 v4, v19;
	_ =	sdelay $0x1  }
0x120: {  	[tilespmem:s18+$0x16E60] =	vst v4  }
0x121: {  	v4 =	vld [tilespmem:s20+$0x14670];
	_ =	sdelay $0x4  }
0x122: {  	v4 =	vmul.f32 v4, v19  }
0x123: {  	s22 =	spop (v2sf)  }
0x124: {  	v3 =	vnsel vm0, $0x0, v3;
	s20 =	sand.u32 $0xC, s22;
	[tilespmem:s18+$0x16E70] =	vst v4  }
0x125: {  	[tilespmem:s20+$0x1BF80] =	vst v3  }
0x126: {  	v3 =	vld [tilespmem:$0x1BF80];
	_ =	sdelay $0x2  }
0x127: {  	s19 =	sand.u32 $0x70, s22;
	s22 =	sor.u32 $0x5, s17  }
0x128: {  	s18 =	sor.u32 s19, s18;
	[tilespmem:s20+$0x1BF80] =	vst v0;
	s20 =	sshll.u32 s22, $0x2  }
0x129: {  	s19 =	sand.u32 $0x3FFFFFD4, s20;
	[tilespmem:s18+$0x19600] =	vst v3  }
0x12a: {  	s18 =	sshll.u32 s22, $0x7;
	v3 =	vld [tilespmem:s19+$0x1BE00]  }
0x12b: {  	s20 =	sand.u32 $0x3FFFFA80, s18  }
0x12c: {  	v4 =	vld [tilespmem:s20+$0x14600];
	_ =	sdelay $0x2  }
0x12d: {  	v20 =	vbroadcast v3, $0x0;
	_ =	sdelay $0x1  }
0x12e: {  	v4 =	vmul.f32 v20, v4;
	_ =	sdelay $0x1  }
0x12f: {  	[tilespmem:s18+$0x16E00] =	vst v4  }
0x130: {  	v4 =	vld [tilespmem:s20+$0x14610];
	_ =	sdelay $0x4  }
0x131: {  	v4 =	vmul.f32 v4, v20;
	_ =	sdelay $0x1  }
0x132: {  	[tilespmem:s18+$0x16E10] =	vst v4  }
0x133: {  	v4 =	vld [tilespmem:s20+$0x14620];
	_ =	sdelay $0x2  }
0x134: {  	v21 =	vbroadcast v3, $0x1;
	_ =	sdelay $0x1  }
0x135: {  	v4 =	vmul.f32 v4, v21;
	_ =	sdelay $0x1  }
0x136: {  	[tilespmem:s18+$0x16E20] =	vst v4  }
0x137: {  	v4 =	vld [tilespmem:s20+$0x14630];
	_ =	sdelay $0x4  }
0x138: {  	v4 =	vmul.f32 v4, v21;
	_ =	sdelay $0x1  }
0x139: {  	[tilespmem:s18+$0x16E30] =	vst v4  }
0x13a: {  	v4 =	vld [tilespmem:s20+$0x14640];
	_ =	sdelay $0x2  }
0x13b: {  	v22 =	vbroadcast v3, $0x2;
	_ =	sdelay $0x1  }
0x13c: {  	v4 =	vmul.f32 v4, v22;
	_ =	sdelay $0x1  }
0x13d: {  	[tilespmem:s18+$0x16E40] =	vst v4  }
0x13e: {  	v4 =	vld [tilespmem:s20+$0x14650];
	_ =	sdelay $0x4  }
0x13f: {  	v4 =	vmul.f32 v4, v22;
	_ =	sdelay $0x1  }
0x140: {  	(v2sf) =	vpush v2, $0x5;
	[tilespmem:s18+$0x16E50] =	vst v4  }
0x141: {  	v4 =	vld [tilespmem:s20+$0x14660];
	_ =	sdelay $0x2  }
0x142: {  	v23 =	vbroadcast v3, $0x3;
	_ =	sdelay $0x1  }
0x143: {  	v4 =	vmul.f32 v4, v23;
	_ =	sdelay $0x1  }
0x144: {  	[tilespmem:s18+$0x16E60] =	vst v4  }
0x145: {  	v4 =	vld [tilespmem:s20+$0x14670];
	_ =	sdelay $0x4  }
0x146: {  	v4 =	vmul.f32 v4, v23  }
0x147: {  	s22 =	spop (v2sf)  }
0x148: {  	v3 =	vnsel vm0, $0x0, v3;
	s20 =	sand.u32 $0xC, s22;
	[tilespmem:s18+$0x16E70] =	vst v4  }
0x149: {  	[tilespmem:s20+$0x1BF80] =	vst v3  }
0x14a: {  	v3 =	vld [tilespmem:$0x1BF80];
	_ =	sdelay $0x2  }
0x14b: {  	s19 =	sand.u32 $0x70, s22;
	s22 =	sor.u32 $0x6, s17  }
0x14c: {  	s18 =	sor.u32 s19, s18;
	[tilespmem:s20+$0x1BF80] =	vst v0;
	s20 =	sshll.u32 s22, $0x2  }
0x14d: {  	s19 =	sand.u32 $0x3FFFFFD8, s20;
	[tilespmem:s18+$0x19600] =	vst v3  }
0x14e: {  	s18 =	sshll.u32 s22, $0x7;
	v3 =	vld [tilespmem:s19+$0x1BE00]  }
0x14f: {  	s20 =	sand.u32 $0x3FFFFB00, s18  }
0x150: {  	v4 =	vld [tilespmem:s20+$0x14600];
	_ =	sdelay $0x2  }
0x151: {  	v24 =	vbroadcast v3, $0x0;
	_ =	sdelay $0x1  }
0x152: {  	v4 =	vmul.f32 v24, v4;
	_ =	sdelay $0x1  }
0x153: {  	[tilespmem:s18+$0x16E00] =	vst v4  }
0x154: {  	v4 =	vld [tilespmem:s20+$0x14610];
	_ =	sdelay $0x4  }
0x155: {  	v4 =	vmul.f32 v4, v24;
	_ =	sdelay $0x1  }
0x156: {  	[tilespmem:s18+$0x16E10] =	vst v4  }
0x157: {  	v4 =	vld [tilespmem:s20+$0x14620];
	_ =	sdelay $0x2  }
0x158: {  	v25 =	vbroadcast v3, $0x1;
	_ =	sdelay $0x1  }
0x159: {  	v4 =	vmul.f32 v4, v25;
	_ =	sdelay $0x1  }
0x15a: {  	[tilespmem:s18+$0x16E20] =	vst v4  }
0x15b: {  	v4 =	vld [tilespmem:s20+$0x14630];
	_ =	sdelay $0x4  }
0x15c: {  	v4 =	vmul.f32 v4, v25;
	_ =	sdelay $0x1  }
0x15d: {  	[tilespmem:s18+$0x16E30] =	vst v4  }
0x15e: {  	v4 =	vld [tilespmem:s20+$0x14640];
	_ =	sdelay $0x2  }
0x15f: {  	v26 =	vbroadcast v3, $0x2;
	_ =	sdelay $0x1  }
0x160: {  	v4 =	vmul.f32 v4, v26;
	_ =	sdelay $0x1  }
0x161: {  	[tilespmem:s18+$0x16E40] =	vst v4  }
0x162: {  	v4 =	vld [tilespmem:s20+$0x14650];
	_ =	sdelay $0x4  }
0x163: {  	v4 =	vmul.f32 v4, v26;
	_ =	sdelay $0x1  }
0x164: {  	(v2sf) =	vpush v2, $0x6;
	[tilespmem:s18+$0x16E50] =	vst v4  }
0x165: {  	v4 =	vld [tilespmem:s20+$0x14660];
	_ =	sdelay $0x2  }
0x166: {  	v27 =	vbroadcast v3, $0x3;
	_ =	sdelay $0x1  }
0x167: {  	v4 =	vmul.f32 v4, v27;
	_ =	sdelay $0x1  }
0x168: {  	[tilespmem:s18+$0x16E60] =	vst v4  }
0x169: {  	v4 =	vld [tilespmem:s20+$0x14670];
	_ =	sdelay $0x4  }
0x16a: {  	v4 =	vmul.f32 v4, v27  }
0x16b: {  	s22 =	spop (v2sf)  }
0x16c: {  	v3 =	vnsel vm0, $0x0, v3;
	s20 =	sand.u32 $0xC, s22;
	[tilespmem:s18+$0x16E70] =	vst v4  }
0x16d: {  	[tilespmem:s20+$0x1BF80] =	vst v3  }
0x16e: {  	v3 =	vld [tilespmem:$0x1BF80];
	_ =	sdelay $0x2  }
0x16f: {  	s19 =	sand.u32 $0x70, s22;
	s22 =	sor.u32 $0x7, s17  }
0x170: {  	s18 =	sor.u32 s19, s18;
	[tilespmem:s20+$0x1BF80] =	vst v0;
	s20 =	sshll.u32 s22, $0x2  }
0x171: {  	s19 =	sand.u32 $0x3FFFFFDC, s20;
	[tilespmem:s18+$0x19600] =	vst v3  }
0x172: {  	s18 =	sshll.u32 s22, $0x7;
	v3 =	vld [tilespmem:s19+$0x1BE00]  }
0x173: {  	s20 =	sand.u32 $0x3FFFFB80, s18  }
0x174: {  	v4 =	vld [tilespmem:s20+$0x14600];
	_ =	sdelay $0x2  }
0x175: {  	v28 =	vbroadcast v3, $0x0;
	_ =	sdelay $0x1  }
0x176: {  	v4 =	vmul.f32 v28, v4;
	_ =	sdelay $0x1  }
0x177: {  	[tilespmem:s18+$0x16E00] =	vst v4  }
0x178: {  	v4 =	vld [tilespmem:s20+$0x14610];
	_ =	sdelay $0x4  }
0x179: {  	v4 =	vmul.f32 v4, v28;
	_ =	sdelay $0x1  }
0x17a: {  	[tilespmem:s18+$0x16E10] =	vst v4  }
0x17b: {  	v4 =	vld [tilespmem:s20+$0x14620];
	_ =	sdelay $0x2  }
0x17c: {  	v29 =	vbroadcast v3, $0x1;
	_ =	sdelay $0x1  }
0x17d: {  	v4 =	vmul.f32 v4, v29;
	_ =	sdelay $0x1  }
0x17e: {  	[tilespmem:s18+$0x16E20] =	vst v4  }
0x17f: {  	v4 =	vld [tilespmem:s20+$0x14630];
	_ =	sdelay $0x4  }
0x180: {  	v4 =	vmul.f32 v4, v29;
	_ =	sdelay $0x1  }
0x181: {  	[tilespmem:s18+$0x16E30] =	vst v4  }
0x182: {  	v4 =	vld [tilespmem:s20+$0x14640];
	_ =	sdelay $0x2  }
0x183: {  	v30 =	vbroadcast v3, $0x2;
	_ =	sdelay $0x1  }
0x184: {  	v4 =	vmul.f32 v4, v30;
	_ =	sdelay $0x1  }
0x185: {  	[tilespmem:s18+$0x16E40] =	vst v4  }
0x186: {  	v4 =	vld [tilespmem:s20+$0x14650];
	_ =	sdelay $0x4  }
0x187: {  	v4 =	vmul.f32 v4, v30;
	_ =	sdelay $0x1  }
0x188: {  	(v2sf) =	vpush v2, $0x7;
	[tilespmem:s18+$0x16E50] =	vst v4  }
0x189: {  	v4 =	vld [tilespmem:s20+$0x14660];
	_ =	sdelay $0x2  }
0x18a: {  	v31 =	vbroadcast v3, $0x3;
	_ =	sdelay $0x1  }
0x18b: {  	v4 =	vmul.f32 v4, v31;
	_ =	sdelay $0x1  }
0x18c: {  	[tilespmem:s18+$0x16E60] =	vst v4  }
0x18d: {  	v4 =	vld [tilespmem:s20+$0x14670];
	_ =	sdelay $0x4  }
0x18e: {  	v4 =	vmul.f32 v4, v31  }
0x18f: {  	s22 =	spop (v2sf)  }
0x190: {  	v3 =	vnsel vm0, $0x0, v3;
	s20 =	sand.u32 $0xC, s22;
	[tilespmem:s18+$0x16E70] =	vst v4  }
0x191: {  	[tilespmem:s20+$0x1BF80] =	vst v3  }
0x192: {  	v3 =	vld [tilespmem:$0x1BF80];
	_ =	sdelay $0x2  }
0x193: {  	s19 =	sand.u32 $0x70, s22;
	s22 =	sor.u32 $0x8, s17  }
0x194: {  	s18 =	sor.u32 s19, s18;
	[tilespmem:s20+$0x1BF80] =	vst v0;
	s20 =	sshll.u32 s22, $0x2  }
0x195: {  	s19 =	sand.u32 $0x3FFFFFE0, s20;
	[tilespmem:s18+$0x19600] =	vst v3  }
0x196: {  	s18 =	sshll.u32 s22, $0x7;
	v3 =	vld [tilespmem:s19+$0x1BE00]  }
0x197: {  	s20 =	sand.u32 $0x3FFFFC00, s18  }
0x198: {  	v4 =	vld [tilespmem:s20+$0x14600];
	_ =	sdelay $0x2  }
0x199: {  	v32 =	vbroadcast v3, $0x0;
	_ =	sdelay $0x1  }
0x19a: {  	v4 =	vmul.f32 v32, v4;
	_ =	sdelay $0x1  }
0x19b: {  	[tilespmem:s18+$0x16E00] =	vst v4  }
0x19c: {  	v4 =	vld [tilespmem:s20+$0x14610];
	_ =	sdelay $0x4  }
0x19d: {  	v4 =	vmul.f32 v4, v32;
	_ =	sdelay $0x1  }
0x19e: {  	[tilespmem:s18+$0x16E10] =	vst v4  }
0x19f: {  	v4 =	vld [tilespmem:s20+$0x14620];
	_ =	sdelay $0x2  }
0x1a0: {  	v33 =	vbroadcast v3, $0x1;
	_ =	sdelay $0x1  }
0x1a1: {  	v4 =	vmul.f32 v4, v33;
	_ =	sdelay $0x1  }
0x1a2: {  	[tilespmem:s18+$0x16E20] =	vst v4  }
0x1a3: {  	v4 =	vld [tilespmem:s20+$0x14630];
	_ =	sdelay $0x4  }
0x1a4: {  	v4 =	vmul.f32 v4, v33;
	_ =	sdelay $0x1  }
0x1a5: {  	[tilespmem:s18+$0x16E30] =	vst v4  }
0x1a6: {  	v4 =	vld [tilespmem:s20+$0x14640];
	_ =	sdelay $0x2  }
0x1a7: {  	v34 =	vbroadcast v3, $0x2;
	_ =	sdelay $0x1  }
0x1a8: {  	v4 =	vmul.f32 v4, v34;
	_ =	sdelay $0x1  }
0x1a9: {  	[tilespmem:s18+$0x16E40] =	vst v4  }
0x1aa: {  	v4 =	vld [tilespmem:s20+$0x14650];
	_ =	sdelay $0x4  }
0x1ab: {  	v4 =	vmul.f32 v4, v34;
	_ =	sdelay $0x1  }
0x1ac: {  	(v2sf) =	vpush v2, $0x8;
	[tilespmem:s18+$0x16E50] =	vst v4  }
0x1ad: {  	v4 =	vld [tilespmem:s20+$0x14660];
	_ =	sdelay $0x2  }
0x1ae: {  	v35 =	vbroadcast v3, $0x3;
	_ =	sdelay $0x1  }
0x1af: {  	v4 =	vmul.f32 v4, v35;
	_ =	sdelay $0x1  }
0x1b0: {  	[tilespmem:s18+$0x16E60] =	vst v4  }
0x1b1: {  	v4 =	vld [tilespmem:s20+$0x14670];
	_ =	sdelay $0x4  }
0x1b2: {  	v4 =	vmul.f32 v4, v35  }
0x1b3: {  	s22 =	spop (v2sf)  }
0x1b4: {  	v3 =	vnsel vm0, $0x0, v3;
	s20 =	sand.u32 $0xC, s22;
	[tilespmem:s18+$0x16E70] =	vst v4  }
0x1b5: {  	[tilespmem:s20+$0x1BF80] =	vst v3  }
0x1b6: {  	v3 =	vld [tilespmem:$0x1BF80];
	_ =	sdelay $0x2  }
0x1b7: {  	s19 =	sand.u32 $0x70, s22;
	s22 =	sor.u32 $0x9, s17  }
0x1b8: {  	s18 =	sor.u32 s19, s18;
	[tilespmem:s20+$0x1BF80] =	vst v0;
	s20 =	sshll.u32 s22, $0x2  }
0x1b9: {  	s19 =	sand.u32 $0x3FFFFFE4, s20;
	[tilespmem:s18+$0x19600] =	vst v3  }
0x1ba: {  	s18 =	sshll.u32 s22, $0x7;
	v3 =	vld [tilespmem:s19+$0x1BE00]  }
0x1bb: {  	s20 =	sand.u32 $0x3FFFFC80, s18  }
0x1bc: {  	v4 =	vld [tilespmem:s20+$0x14600];
	_ =	sdelay $0x2  }
0x1bd: {  	v36 =	vbroadcast v3, $0x0;
	_ =	sdelay $0x1  }
0x1be: {  	v4 =	vmul.f32 v36, v4;
	_ =	sdelay $0x1  }
0x1bf: {  	[tilespmem:s18+$0x16E00] =	vst v4  }
0x1c0: {  	v4 =	vld [tilespmem:s20+$0x14610];
	_ =	sdelay $0x4  }
0x1c1: {  	v4 =	vmul.f32 v4, v36;
	_ =	sdelay $0x1  }
0x1c2: {  	[tilespmem:s18+$0x16E10] =	vst v4  }
0x1c3: {  	v4 =	vld [tilespmem:s20+$0x14620];
	_ =	sdelay $0x2  }
0x1c4: {  	v37 =	vbroadcast v3, $0x1;
	_ =	sdelay $0x1  }
0x1c5: {  	v4 =	vmul.f32 v4, v37;
	_ =	sdelay $0x1  }
0x1c6: {  	[tilespmem:s18+$0x16E20] =	vst v4  }
0x1c7: {  	v4 =	vld [tilespmem:s20+$0x14630];
	_ =	sdelay $0x4  }
0x1c8: {  	v4 =	vmul.f32 v4, v37;
	_ =	sdelay $0x1  }
0x1c9: {  	[tilespmem:s18+$0x16E30] =	vst v4  }
0x1ca: {  	v4 =	vld [tilespmem:s20+$0x14640];
	_ =	sdelay $0x2  }
0x1cb: {  	v38 =	vbroadcast v3, $0x2;
	_ =	sdelay $0x1  }
0x1cc: {  	v4 =	vmul.f32 v4, v38;
	_ =	sdelay $0x1  }
0x1cd: {  	[tilespmem:s18+$0x16E40] =	vst v4  }
0x1ce: {  	v4 =	vld [tilespmem:s20+$0x14650];
	_ =	sdelay $0x4  }
0x1cf: {  	v4 =	vmul.f32 v4, v38;
	_ =	sdelay $0x1  }
0x1d0: {  	(v2sf) =	vpush v2, $0x9;
	[tilespmem:s18+$0x16E50] =	vst v4  }
0x1d1: {  	v4 =	vld [tilespmem:s20+$0x14660];
	_ =	sdelay $0x2  }
0x1d2: {  	v39 =	vbroadcast v3, $0x3;
	_ =	sdelay $0x1  }
0x1d3: {  	v4 =	vmul.f32 v4, v39;
	_ =	sdelay $0x1  }
0x1d4: {  	[tilespmem:s18+$0x16E60] =	vst v4  }
0x1d5: {  	v4 =	vld [tilespmem:s20+$0x14670];
	_ =	sdelay $0x4  }
0x1d6: {  	v4 =	vmul.f32 v4, v39  }
0x1d7: {  	s22 =	spop (v2sf)  }
0x1d8: {  	v3 =	vnsel vm0, $0x0, v3;
	s20 =	sand.u32 $0xC, s22;
	[tilespmem:s18+$0x16E70] =	vst v4  }
0x1d9: {  	[tilespmem:s20+$0x1BF80] =	vst v3  }
0x1da: {  	v3 =	vld [tilespmem:$0x1BF80];
	_ =	sdelay $0x2  }
0x1db: {  	s19 =	sand.u32 $0x70, s22;
	s22 =	sor.u32 $0xA, s17  }
0x1dc: {  	s18 =	sor.u32 s19, s18;
	[tilespmem:s20+$0x1BF80] =	vst v0;
	s20 =	sshll.u32 s22, $0x2  }
0x1dd: {  	s19 =	sand.u32 $0x3FFFFFE8, s20;
	[tilespmem:s18+$0x19600] =	vst v3  }
0x1de: {  	s18 =	sshll.u32 s22, $0x7;
	v3 =	vld [tilespmem:s19+$0x1BE00]  }
0x1df: {  	s20 =	sand.u32 $0x3FFFFD00, s18  }
0x1e0: {  	v4 =	vld [tilespmem:s20+$0x14600];
	_ =	sdelay $0x2  }
0x1e1: {  	v40 =	vbroadcast v3, $0x0;
	_ =	sdelay $0x1  }
0x1e2: {  	v4 =	vmul.f32 v40, v4;
	_ =	sdelay $0x1  }
0x1e3: {  	[tilespmem:s18+$0x16E00] =	vst v4  }
0x1e4: {  	v4 =	vld [tilespmem:s20+$0x14610];
	_ =	sdelay $0x4  }
0x1e5: {  	v4 =	vmul.f32 v4, v40;
	_ =	sdelay $0x1  }
0x1e6: {  	[tilespmem:s18+$0x16E10] =	vst v4  }
0x1e7: {  	v4 =	vld [tilespmem:s20+$0x14620];
	_ =	sdelay $0x2  }
0x1e8: {  	v41 =	vbroadcast v3, $0x1;
	_ =	sdelay $0x1  }
0x1e9: {  	v4 =	vmul.f32 v4, v41;
	_ =	sdelay $0x1  }
0x1ea: {  	[tilespmem:s18+$0x16E20] =	vst v4  }
0x1eb: {  	v4 =	vld [tilespmem:s20+$0x14630];
	_ =	sdelay $0x4  }
0x1ec: {  	v4 =	vmul.f32 v4, v41;
	_ =	sdelay $0x1  }
0x1ed: {  	[tilespmem:s18+$0x16E30] =	vst v4  }
0x1ee: {  	v4 =	vld [tilespmem:s20+$0x14640];
	_ =	sdelay $0x2  }
0x1ef: {  	v42 =	vbroadcast v3, $0x2;
	_ =	sdelay $0x1  }
0x1f0: {  	v4 =	vmul.f32 v4, v42;
	_ =	sdelay $0x1  }
0x1f1: {  	[tilespmem:s18+$0x16E40] =	vst v4  }
0x1f2: {  	v4 =	vld [tilespmem:s20+$0x14650];
	_ =	sdelay $0x4  }
0x1f3: {  	v4 =	vmul.f32 v4, v42;
	_ =	sdelay $0x1  }
0x1f4: {  	(v2sf) =	vpush v2, $0xA;
	[tilespmem:s18+$0x16E50] =	vst v4  }
0x1f5: {  	v4 =	vld [tilespmem:s20+$0x14660];
	_ =	sdelay $0x2  }
0x1f6: {  	v43 =	vbroadcast v3, $0x3;
	_ =	sdelay $0x1  }
0x1f7: {  	v4 =	vmul.f32 v4, v43;
	_ =	sdelay $0x1  }
0x1f8: {  	[tilespmem:s18+$0x16E60] =	vst v4  }
0x1f9: {  	v4 =	vld [tilespmem:s20+$0x14670];
	_ =	sdelay $0x4  }
0x1fa: {  	v4 =	vmul.f32 v4, v43  }
0x1fb: {  	s22 =	spop (v2sf)  }
0x1fc: {  	v3 =	vnsel vm0, $0x0, v3;
	s20 =	sand.u32 $0xC, s22;
	[tilespmem:s18+$0x16E70] =	vst v4  }
0x1fd: {  	[tilespmem:s20+$0x1BF80] =	vst v3  }
0x1fe: {  	v3 =	vld [tilespmem:$0x1BF80];
	_ =	sdelay $0x2  }
0x1ff: {  	s19 =	sand.u32 $0x70, s22;
	s22 =	sor.u32 $0xB, s17  }
0x200: {  	s18 =	sor.u32 s19, s18;
	[tilespmem:s20+$0x1BF80] =	vst v0;
	s20 =	sshll.u32 s22, $0x2  }
0x201: {  	s19 =	sand.u32 $0x3FFFFFEC, s20;
	[tilespmem:s18+$0x19600] =	vst v3  }
0x202: {  	s18 =	sshll.u32 s22, $0x7;
	v3 =	vld [tilespmem:s19+$0x1BE00]  }
0x203: {  	s20 =	sand.u32 $0x3FFFFD80, s18  }
0x204: {  	v4 =	vld [tilespmem:s20+$0x14600];
	_ =	sdelay $0x2  }
0x205: {  	v44 =	vbroadcast v3, $0x0;
	_ =	sdelay $0x1  }
0x206: {  	v4 =	vmul.f32 v44, v4;
	_ =	sdelay $0x1  }
0x207: {  	[tilespmem:s18+$0x16E00] =	vst v4  }
0x208: {  	v4 =	vld [tilespmem:s20+$0x14610];
	_ =	sdelay $0x4  }
0x209: {  	v4 =	vmul.f32 v4, v44;
	_ =	sdelay $0x1  }
0x20a: {  	[tilespmem:s18+$0x16E10] =	vst v4  }
0x20b: {  	v4 =	vld [tilespmem:s20+$0x14620];
	_ =	sdelay $0x2  }
0x20c: {  	v45 =	vbroadcast v3, $0x1;
	_ =	sdelay $0x1  }
0x20d: {  	v4 =	vmul.f32 v4, v45;
	_ =	sdelay $0x1  }
0x20e: {  	[tilespmem:s18+$0x16E20] =	vst v4  }
0x20f: {  	v4 =	vld [tilespmem:s20+$0x14630];
	_ =	sdelay $0x4  }
0x210: {  	v4 =	vmul.f32 v4, v45;
	_ =	sdelay $0x1  }
0x211: {  	[tilespmem:s18+$0x16E30] =	vst v4  }
0x212: {  	v4 =	vld [tilespmem:s20+$0x14640];
	_ =	sdelay $0x2  }
0x213: {  	v46 =	vbroadcast v3, $0x2;
	_ =	sdelay $0x1  }
0x214: {  	v4 =	vmul.f32 v4, v46;
	_ =	sdelay $0x1  }
0x215: {  	[tilespmem:s18+$0x16E40] =	vst v4  }
0x216: {  	v4 =	vld [tilespmem:s20+$0x14650];
	_ =	sdelay $0x4  }
0x217: {  	v4 =	vmul.f32 v4, v46;
	_ =	sdelay $0x1  }
0x218: {  	(v2sf) =	vpush v2, $0xB;
	[tilespmem:s18+$0x16E50] =	vst v4  }
0x219: {  	v4 =	vld [tilespmem:s20+$0x14660];
	_ =	sdelay $0x2  }
0x21a: {  	v47 =	vbroadcast v3, $0x3;
	_ =	sdelay $0x1  }
0x21b: {  	v4 =	vmul.f32 v4, v47;
	_ =	sdelay $0x1  }
0x21c: {  	[tilespmem:s18+$0x16E60] =	vst v4  }
0x21d: {  	v4 =	vld [tilespmem:s20+$0x14670];
	_ =	sdelay $0x4  }
0x21e: {  	v4 =	vmul.f32 v4, v47  }
0x21f: {  	s22 =	spop (v2sf)  }
0x220: {  	v3 =	vnsel vm0, $0x0, v3;
	s20 =	sand.u32 $0xC, s22;
	[tilespmem:s18+$0x16E70] =	vst v4  }
0x221: {  	[tilespmem:s20+$0x1BF80] =	vst v3  }
0x222: {  	v3 =	vld [tilespmem:$0x1BF80];
	_ =	sdelay $0x2  }
0x223: {  	s19 =	sand.u32 $0x70, s22;
	s22 =	sor.u32 $0xC, s17  }
0x224: {  	s18 =	sor.u32 s19, s18;
	[tilespmem:s20+$0x1BF80] =	vst v0;
	s20 =	sshll.u32 s22, $0x2  }
0x225: {  	s19 =	sand.u32 $0x3FFFFFF0, s20;
	[tilespmem:s18+$0x19600] =	vst v3  }
0x226: {  	s18 =	sshll.u32 s22, $0x7;
	v3 =	vld [tilespmem:s19+$0x1BE00]  }
0x227: {  	s20 =	sand.u32 $0x3FFFFE00, s18  }
0x228: {  	v4 =	vld [tilespmem:s20+$0x14600];
	_ =	sdelay $0x2  }
0x229: {  	v48 =	vbroadcast v3, $0x0;
	_ =	sdelay $0x1  }
0x22a: {  	v4 =	vmul.f32 v48, v4;
	_ =	sdelay $0x1  }
0x22b: {  	[tilespmem:s18+$0x16E00] =	vst v4  }
0x22c: {  	v4 =	vld [tilespmem:s20+$0x14610];
	_ =	sdelay $0x4  }
0x22d: {  	v4 =	vmul.f32 v4, v48;
	_ =	sdelay $0x1  }
0x22e: {  	[tilespmem:s18+$0x16E10] =	vst v4  }
0x22f: {  	v4 =	vld [tilespmem:s20+$0x14620];
	_ =	sdelay $0x2  }
0x230: {  	v49 =	vbroadcast v3, $0x1;
	_ =	sdelay $0x1  }
0x231: {  	v4 =	vmul.f32 v4, v49;
	_ =	sdelay $0x1  }
0x232: {  	[tilespmem:s18+$0x16E20] =	vst v4  }
0x233: {  	v4 =	vld [tilespmem:s20+$0x14630];
	_ =	sdelay $0x4  }
0x234: {  	v4 =	vmul.f32 v4, v49;
	_ =	sdelay $0x1  }
0x235: {  	[tilespmem:s18+$0x16E30] =	vst v4  }
0x236: {  	v4 =	vld [tilespmem:s20+$0x14640];
	_ =	sdelay $0x2  }
0x237: {  	v50 =	vbroadcast v3, $0x2;
	_ =	sdelay $0x1  }
0x238: {  	v4 =	vmul.f32 v4, v50;
	_ =	sdelay $0x1  }
0x239: {  	[tilespmem:s18+$0x16E40] =	vst v4  }
0x23a: {  	v4 =	vld [tilespmem:s20+$0x14650];
	_ =	sdelay $0x4  }
0x23b: {  	v4 =	vmul.f32 v4, v50;
	_ =	sdelay $0x1  }
0x23c: {  	(v2sf) =	vpush v2, $0xC;
	[tilespmem:s18+$0x16E50] =	vst v4  }
0x23d: {  	v4 =	vld [tilespmem:s20+$0x14660];
	_ =	sdelay $0x2  }
0x23e: {  	v51 =	vbroadcast v3, $0x3;
	_ =	sdelay $0x1  }
0x23f: {  	v4 =	vmul.f32 v4, v51;
	_ =	sdelay $0x1  }
0x240: {  	[tilespmem:s18+$0x16E60] =	vst v4  }
0x241: {  	v4 =	vld [tilespmem:s20+$0x14670];
	_ =	sdelay $0x4  }
0x242: {  	v4 =	vmul.f32 v4, v51  }
0x243: {  	s22 =	spop (v2sf)  }
0x244: {  	v3 =	vnsel vm0, $0x0, v3;
	s20 =	sand.u32 $0xC, s22;
	[tilespmem:s18+$0x16E70] =	vst v4  }
0x245: {  	[tilespmem:s20+$0x1BF80] =	vst v3  }
0x246: {  	v3 =	vld [tilespmem:$0x1BF80];
	_ =	sdelay $0x2  }
0x247: {  	s19 =	sand.u32 $0x70, s22;
	s22 =	sor.u32 $0xD, s17  }
0x248: {  	s18 =	sor.u32 s19, s18;
	[tilespmem:s20+$0x1BF80] =	vst v0;
	s20 =	sshll.u32 s22, $0x2  }
0x249: {  	s20 =	sand.u32 $0x3FFFFFF4, s20;
	[tilespmem:s18+$0x19600] =	vst v3  }
0x24a: {  	s18 =	sshll.u32 s22, $0x7;
	v3 =	vld [tilespmem:s20+$0x1BE00]  }
0x24b: {  	s22 =	sand.u32 $0x3FFFFE80, s18  }
0x24c: {  	v4 =	vld [tilespmem:s22+$0x14600];
	_ =	sdelay $0x2  }
0x24d: {  	v52 =	vbroadcast v3, $0x0;
	_ =	sdelay $0x1  }
0x24e: {  	v4 =	vmul.f32 v52, v4;
	_ =	sdelay $0x1  }
0x24f: {  	[tilespmem:s18+$0x16E00] =	vst v4  }
0x250: {  	v4 =	vld [tilespmem:s22+$0x14610];
	_ =	sdelay $0x4  }
0x251: {  	v4 =	vmul.f32 v4, v52;
	_ =	sdelay $0x1  }
0x252: {  	[tilespmem:s18+$0x16E10] =	vst v4  }
0x253: {  	v4 =	vld [tilespmem:s22+$0x14620];
	_ =	sdelay $0x2  }
0x254: {  	v53 =	vbroadcast v3, $0x1;
	_ =	sdelay $0x1  }
0x255: {  	v4 =	vmul.f32 v4, v53;
	_ =	sdelay $0x1  }
0x256: {  	[tilespmem:s18+$0x16E20] =	vst v4  }
0x257: {  	v4 =	vld [tilespmem:s22+$0x14630];
	_ =	sdelay $0x4  }
0x258: {  	v4 =	vmul.f32 v4, v53;
	_ =	sdelay $0x1  }
0x259: {  	[tilespmem:s18+$0x16E30] =	vst v4  }
0x25a: {  	v4 =	vld [tilespmem:s22+$0x14640];
	_ =	sdelay $0x2  }
0x25b: {  	v54 =	vbroadcast v3, $0x2;
	_ =	sdelay $0x1  }
0x25c: {  	v4 =	vmul.f32 v4, v54;
	_ =	sdelay $0x1  }
0x25d: {  	[tilespmem:s18+$0x16E40] =	vst v4  }
0x25e: {  	v4 =	vld [tilespmem:s22+$0x14650];
	_ =	sdelay $0x4  }
0x25f: {  	v4 =	vmul.f32 v4, v54;
	_ =	sdelay $0x1  }
0x260: {  	(v2sf) =	vpush v2, $0xD;
	[tilespmem:s18+$0x16E50] =	vst v4  }
0x261: {  	v4 =	vld [tilespmem:s22+$0x14660];
	_ =	sdelay $0x2  }
0x262: {  	v55 =	vbroadcast v3, $0x3;
	_ =	sdelay $0x1  }
0x263: {  	v4 =	vmul.f32 v4, v55;
	_ =	sdelay $0x1  }
0x264: {  	[tilespmem:s18+$0x16E60] =	vst v4  }
0x265: {  	v4 =	vld [tilespmem:s22+$0x14670];
	_ =	sdelay $0x4  }
0x266: {  	v4 =	vmul.f32 v4, v55  }
0x267: {  	s20 =	spop (v2sf)  }
0x268: {  	v3 =	vnsel vm0, $0x0, v3;
	s22 =	sand.u32 $0xC, s20;
	[tilespmem:s18+$0x16E70] =	vst v4  }
0x269: {  	[tilespmem:s22+$0x1BF80] =	vst v3  }
0x26a: {  	v3 =	vld [tilespmem:$0x1BF80];
	_ =	sdelay $0x2  }
0x26b: {  	s17 =	sor.u32 $0xE, s17;
	s19 =	sand.u32 $0x70, s20  }
0x26c: {  	s20 =	sshll.u32 s17, $0x2;
	s18 =	sor.u32 s19, s18;
	[tilespmem:s22+$0x1BF80] =	vst v0  }
0x26d: {  	s22 =	sand.u32 $0x3FFFFFF8, s20;
	[tilespmem:s18+$0x19600] =	vst v3  }
0x26e: {  	s17 =	sshll.u32 s17, $0x7;
	v3 =	vld [tilespmem:s22+$0x1BE00]  }
0x26f: {  	s19 =	sand.u32 $0x3FFFFF00, s17  }
0x270: {  	v4 =	vld [tilespmem:s19+$0x14600];
	_ =	sdelay $0x2  }
0x271: {  	v56 =	vbroadcast v3, $0x0;
	_ =	sdelay $0x1  }
0x272: {  	v4 =	vmul.f32 v56, v4;
	_ =	sdelay $0x1  }
0x273: {  	[tilespmem:s17+$0x16E00] =	vst v4  }
0x274: {  	v4 =	vld [tilespmem:s19+$0x14610];
	_ =	sdelay $0x4  }
0x275: {  	v4 =	vmul.f32 v4, v56;
	_ =	sdelay $0x1  }
0x276: {  	[tilespmem:s17+$0x16E10] =	vst v4  }
0x277: {  	v4 =	vld [tilespmem:s19+$0x14620];
	_ =	sdelay $0x2  }
0x278: {  	v57 =	vbroadcast v3, $0x1;
	_ =	sdelay $0x1  }
0x279: {  	v4 =	vmul.f32 v4, v57;
	_ =	sdelay $0x1  }
0x27a: {  	[tilespmem:s17+$0x16E20] =	vst v4  }
0x27b: {  	v4 =	vld [tilespmem:s19+$0x14630];
	_ =	sdelay $0x4  }
0x27c: {  	v4 =	vmul.f32 v4, v57;
	_ =	sdelay $0x1  }
0x27d: {  	[tilespmem:s17+$0x16E30] =	vst v4  }
0x27e: {  	v4 =	vld [tilespmem:s19+$0x14640];
	_ =	sdelay $0x2  }
0x27f: {  	v58 =	vbroadcast v3, $0x2;
	_ =	sdelay $0x1  }
0x280: {  	v4 =	vmul.f32 v4, v58;
	_ =	sdelay $0x1  }
0x281: {  	[tilespmem:s17+$0x16E40] =	vst v4  }
0x282: {  	v4 =	vld [tilespmem:s19+$0x14650];
	_ =	sdelay $0x4  }
0x283: {  	v4 =	vmul.f32 v4, v58;
	_ =	sdelay $0x1  }
0x284: {  	(v2sf) =	vpush v2, $0xE;
	[tilespmem:s17+$0x16E50] =	vst v4  }
0x285: {  	v4 =	vld [tilespmem:s19+$0x14660];
	_ =	sdelay $0x2  }
0x286: {  	v59 =	vbroadcast v3, $0x3;
	_ =	sdelay $0x1  }
0x287: {  	v4 =	vmul.f32 v4, v59;
	_ =	sdelay $0x1  }
0x288: {  	[tilespmem:s17+$0x16E60] =	vst v4  }
0x289: {  	v4 =	vld [tilespmem:s19+$0x14670];
	_ =	sdelay $0x4  }
0x28a: {  	v4 =	vmul.f32 v4, v59  }
0x28b: {  	s20 =	spop (v2sf)  }
0x28c: {  	s22 =	sand.u32 $0xC, s20;
	v3 =	vnsel vm0, $0x0, v3;
	[tilespmem:s17+$0x16E70] =	vst v4  }
0x28d: {  	[tilespmem:s22+$0x1BF80] =	vst v3  }
0x28e: {  	v3 =	vld [tilespmem:$0x1BF80];
	_ =	sdelay $0x2  }
0x28f: {  	s18 =	sand.u32 $0x70, s20;
	s20 =	sshllo.u32 s16, $0x4  }
0x290: {  	s17 =	sor.u32 s18, s17;
	[tilespmem:s22+$0x1BF80] =	vst v0;
	s22 =	sshll.u32 s20, $0x2  }
0x291: {  	s18 =	sand.u32 $0x3FFFFFFC, s22;
	[tilespmem:s17+$0x19600] =	vst v3  }
0x292: {  	s17 =	sshll.u32 s20, $0x7;
	v3 =	vld [tilespmem:s18+$0x1BE00]  }
0x293: {  	s19 =	sand.u32 $0x3FFFFF80, s17  }
0x294: {  	v4 =	vld [tilespmem:s19+$0x14600];
	_ =	sdelay $0x2  }
0x295: {  	v60 =	vbroadcast v3, $0x0;
	_ =	sdelay $0x1  }
0x296: {  	v4 =	vmul.f32 v60, v4;
	_ =	sdelay $0x1  }
0x297: {  	[tilespmem:s17+$0x16E00] =	vst v4  }
0x298: {  	v4 =	vld [tilespmem:s19+$0x14610];
	_ =	sdelay $0x4  }
0x299: {  	v4 =	vmul.f32 v4, v60;
	_ =	sdelay $0x1  }
0x29a: {  	[tilespmem:s17+$0x16E10] =	vst v4  }
0x29b: {  	v4 =	vld [tilespmem:s19+$0x14620];
	_ =	sdelay $0x2  }
0x29c: {  	v61 =	vbroadcast v3, $0x1;
	_ =	sdelay $0x1  }
0x29d: {  	v4 =	vmul.f32 v4, v61;
	_ =	sdelay $0x1  }
0x29e: {  	[tilespmem:s17+$0x16E20] =	vst v4  }
0x29f: {  	v4 =	vld [tilespmem:s19+$0x14630];
	_ =	sdelay $0x4  }
0x2a0: {  	v4 =	vmul.f32 v4, v61;
	_ =	sdelay $0x1  }
0x2a1: {  	[tilespmem:s17+$0x16E30] =	vst v4  }
0x2a2: {  	v4 =	vld [tilespmem:s19+$0x14640];
	_ =	sdelay $0x2  }
0x2a3: {  	v62 =	vbroadcast v3, $0x2;
	_ =	sdelay $0x1  }
0x2a4: {  	v4 =	vmul.f32 v4, v62;
	_ =	sdelay $0x1  }
0x2a5: {  	[tilespmem:s17+$0x16E40] =	vst v4  }
0x2a6: {  	v4 =	vld [tilespmem:s19+$0x14650];
	_ =	sdelay $0x4  }
0x2a7: {  	v4 =	vmul.f32 v4, v62;
	_ =	sdelay $0x1  }
0x2a8: {  	(v2sf) =	vpush v2, $0xF;
	[tilespmem:s17+$0x16E50] =	vst v4  }
0x2a9: {  	v2 =	vld [tilespmem:s19+$0x14660];
	_ =	sdelay $0x2  }
0x2aa: {  	v63 =	vbroadcast v3, $0x3;
	_ =	sdelay $0x1  }
0x2ab: {  	v2 =	vmul.f32 v2, v63;
	_ =	sdelay $0x1  }
0x2ac: {  	[tilespmem:s17+$0x16E60] =	vst v2  }
0x2ad: {  	v2 =	vld [tilespmem:s19+$0x14670];
	_ =	sdelay $0x4  }
0x2ae: {  	v2 =	vmul.f32 v2, v63  }
0x2af: {  	s20 =	spop (v2sf)  }
0x2b0: {  	s22 =	sand.u32 $0xC, s20;
	[tilespmem:s17+$0x16E70] =	vst v2;
	v2 =	vnsel vm0, $0x0, v3  }
0x2b1: {  	[tilespmem:s22+$0x1BF80] =	vst v2  }
0x2b2: {  	p3 =	sne.s32 s16, $0x4;
	v2 =	vld [tilespmem:$0x1BF80]  }
.Ltmp0:
0x2b3: {  	_ = 	snop;
	(pc) =	sbr.rel @p3 .LBB2_3-.Ltmp0, $4  }
0x2b4: {  	_ = 	snop  }
0x2b5: {  	s18 =	sand.u32 $0x70, s20  }
0x2b6: {  	s17 =	sor.u32 s18, s17;
	[tilespmem:s22+$0x1BF80] =	vst v0  }
0x2b7: {  	s16 =	sadd.s32 $0x1, s16;
	[tilespmem:s17+$0x19600] =	vst v2  }
0x2b8: {  	[spmem:s2] =	stream.indirect.scatter.add.f32 [tilespmem:s5], [sflag:$0x1], $0x80, s28, s0, $0xb8;
	[tilespmem:$0x1C080] =	vst v63  }
0x2b9: {  	s13 =	sadd.s32 $0x1, s13;
	_ =	swait.ge [sflag:s26], $0x2800  }
0x2ba: {  	p3 =	sne.s32 s13, $0x7D;
	[sflag:s26] =	ssyncset.done $0x0  }
.Ltmp1:
0x2bb: {  	[sflag:s26] =	ssyncadd.s32 $0xFFFFD800;
	(pc) =	sbr.rel @p3 .LBB2_2-.Ltmp1, $4  }
0x2bc: {  	[spmem:s3] =	stream.indirect.scatter.add.f32 [tilespmem:s31], [sflag:$0x1], $0x80, s25, s0, $0xb8;
	[tilespmem:$0x1C080] =	vst v63  }
0x2bd: {  	_ =	swait.ge [sflag:s26], $0x2800  }
0x2be: {  	[sflag:s26] =	ssyncset.done $0x0  }
0x2bf: {  	[sflag:s26] =	ssyncadd.s32 $0xFFFFD800  }
0x2c0: {  	[bflag:$0x0] =	sbarrier.arrive $0xFFFF  }
0x2c1: {  	s13 =	sshrl.u32 @p5 s15, $0x3;
	s16 =	simm.s32 @p5 $0x1FC1;
	s17 =	rddreg [dreg:$0xa]  }
0x2c2: {  	[hbm:s17], [sflag:s16] =	dma.local @p5 [spmem:s13], $0x2080  }
0x2c3: {  	s13 =	simm.s32 @p5 $0x1  }
0x2c4: {  	_ =	swait.ge @p5 [sflag:s13], $0x2080  }
0x2c5: {  	s16 =	sshll.u32 @!p5 s6, $0x6;
	[sflag:s13] =	ssyncset.done @p5 $0x0;
	s17 =	rddreg [dreg:$0x9]  }
0x2c6: {  	[sflag:s13] =	ssyncadd.s32 @p5 $0xFFFFDF80;
	s13 =	sor.u32 @!p5 $0x1C01, s16;
	s16 =	sshrl.u32 @!p5 s12, $0x3  }
0x2c7: {  	[hbm:s17], [sflag:s13] =	dma.local @!p5 [spmem:s16], $0x2780  }
0x2c8: {  	s13 =	simm.s32 @!p5 $0x1  }
0x2c9: {  	_ =	swait.ge @!p5 [sflag:s13], $0x2780  }
0x2ca: {  	s16 =	sshll.u32 @p6 s6, $0x6;
	[sflag:s13] =	ssyncset.done @!p5 $0x0;
	s17 =	rddreg [dreg:$0xb]  }
0x2cb: {  	[sflag:s13] =	ssyncadd.s32 @!p5 $0xFFFFD880;
	s13 =	sor.u32 @p6 $0x1C01, s16;
	s16 =	sshrl.u32 @p6 s14, $0x3  }
0x2cc: {  	[hbm:s17], [sflag:s13] =	dma.local @p6 [spmem:s16], $0x200  }
0x2cd: {  	s13 =	simm.s32 @p6 $0x1  }
0x2ce: {  	_ =	swait.ge @p6 [sflag:s13], $0x200  }
0x2cf: {  	s9 =	sadd.s32 $0x1, s9;
	s22 =	rddreg [dreg:$0xc]  }
0x2d0: {  	p3 =	sne.s32 s9, s22  }
.Ltmp2:
0x2d1: {  	_ = 	snop;
	(pc) =	sbr.rel @p3 .LBB2_1-.Ltmp2, $3  }
0x2d2: {  	_ =	sdelay $0x1  }
0x2d3: {  	[sflag:s13] =	ssyncset.done @p6 $0x0  }
0x2d4: {  	[sflag:s13] =	ssyncadd.s32 @p6 $0xFFFFFE00  }
0x2d5: {  	_ =	sfence.sel $0x180000  }
0x2d6: {  	[bflag:$0x0] =	sbarrier.arrive $0xFFFF  }
0x2d7: {  	_ =	strace $0x9000004A  }
0x2d8: {  	[bflag:$0x2] =	sbarrier.arrive $0xFFFF  }
0x2d9: {  	p0 =	sne.s32 s6, $0x0;
	s0 =	rddreg [dreg:$0x5]  }
0x2da: {  	s0 =	sadd.s32 @!p0 $0x100000, s0  }
0x2db: {  	[sflag:s0] =	ssyncadd.tile.s32 @!p0 $0x1;
	_ =	shalt  }
.Lfunc_end2:
_tile_overlayer_lowered:
.L_overlay_start_2:
0x2dc: {  	(tag) =	ssettag $0x2  }
0x2dd: {  	s0 =	rddreg [dreg:$0x0];
	s2 =	stileid.u32  }
0x2de: {  	s1 =	rddreg [dreg:$0x1];
	p0 =	sne.s32 s2, $0x0  }
0x2df: {  	s3 =	rddreg [dreg:$0x2];
	[bflag:$0x3] =	sbarrier.arrive $0xFFFF;
	s2 =	simm.s32 @!p0 $0x1C01  }
0x2e0: {  	[timem:s3], [sflag:s2] =	dma.local @!p0 [hbm:s0], s1  }
0x2e1: {  	s0 =	simm.s32 @!p0 $0x1  }
0x2e2: {  	_ =	swait.ge @!p0 [sflag:s0], s1  }
0x2e3: {  	s1 =	ssub.s32 @!p0 $0x0, s1;
	[sflag:s0] =	ssyncset.done @!p0 $0x0  }
0x2e4: {  	[sflag:s0] =	ssyncadd.s32 @!p0 s1  }
0x2e5: {  	[bflag:$0x3] =	sbarrier.arrive $0xFFFF  }
0x2e6: {  	_ =	shalt  }

// kernel: kernel.7.cloned.1.call-start
scs
__scs_entry_jumppad:
0x0: {  	(pc) =	sbr.rel $0x88, $3  }
0x1: {  	(tag) =	ssettag $0x0;
	lr =	simm.s32 $0x1  }
0x2: {  	[smem:$0x3F98] =	sst lr;
	_ =	strace $0xD0000000  }
0x3: {  	_ = 	snop  }
0x4: {  	_ = 	snop  }
0x5: {  	_ = 	snop  }
0x6: {  	_ = 	snop  }
0x7: {  	_ = 	snop  }
__scs_overlays_trampoline_lowered:
0x8: {  	[smem:$0x3FA7] =	sst s0  }
0x9: {  	[smem:$0x3FA8] =	sst s1  }
0xa: {  	[smem:$0x3FA9] =	sst s2  }
0xb: {  	[smem:$0x3FAA] =	sst s3  }
0xc: {  	[smem:$0x3FAB] =	sst s4  }
0xd: {  	[smem:$0x3FAC] =	sst s5  }
0xe: {  	[smem:$0x3FAD] =	sst s6  }
0xf: {  	[smem:$0x3FAE] =	sst s7  }
0x10: {  	[smem:$0x3FAF] =	sst s8  }
0x11: {  	[smem:$0x3FB0] =	sst s9;
	s0 =	simm.s32 @!p0 $0x0  }
0x12: {  	s1 =	sld [smem:$0x3F96];
	s0 =	simm.s32 @p0 $0x1  }
0x13: {  	[smem:$0x3FB1] =	sst s0;
	s0 =	simm.s32 @!p1 $0x0  }
0x14: {  	s2 =	sld [smem:$0x3F95];
	s0 =	simm.s32 @p1 $0x1  }
0x15: {  	[smem:$0x3FB2] =	sst s0;
	s0 =	simm.s32 @!p2 $0x0  }
0x16: {  	s3 =	sld [smem:$0x3FDB];
	s0 =	simm.s32 @p2 $0x1  }
0x17: {  	s4 =	simm.s32 $0x1BF5;
	[smem:$0x3FB4] =	sst s0  }
0x18: {  	s0 =	sld [smem:$0x3F97];
	_ =	swait.ge [sflag:s4], $0x0  }
0x19: {  	s7 =	sld [smem:$0x3F98]  }
0x1a: {  	s8 =	sadd.s32 $0xFFFFE003, lr  }
0x1b: {  	s9 =	sadd.s32 $0xFFFFFEF7, lr;
	s5 =	simm.s32 $0xFFFFFFFF;
	p2 =	slt.u32 s8, $0xFFFFF086  }
0x1c: {  	p1 =	slt.u32 s9, $0xF7A;
	s5 =	simm.s32 @!p2 $0x0  }
0x1d: {  	s5 =	simm.s32 @p1 $0x1;
	p0 =	seq.s32 s7, s2  }
0x1e: {  	s7 =	smul.u32 @!p0 $0xF7A, s2;
	p2 =	seq.s32 @!p0 s5, $0x0  }
0x1f: {  	s9 =	smul.u32 $0xF7A, s1;
	s8 =	simm.s32 @!p0 $0x1BF5;
	p2 =	por !p2, p0  }
0x20: {  	[sflag:s8] =	ssyncset.s32 @!p0 $0xFFFFF086;
	s6 =	sadd.s32 @!p0 s3, s7;
	s7 =	simm.s32 @!p0 $0x108  }
0x21: {  	s3 =	sadd.s32 s3, s9;
	s6 =	sadd.s32 @!p0 $0x88, s6;
	s7 =	simm.s32 @p2 $0x1082  }
0x22: {  	[simem:s7], [sflag:s8] =	dma.local @!p0 [hbm:s6], $0xF7A  }
0x23: {  	s9 =	sor.u32 $0xD0000000, s2;
	s6 =	simm.s32 $0x108;
	_ =	swait.ge @!p0 [sflag:s8], $0x0  }
0x24: {  	s3 =	sadd.s32 $0x88, s3;
	s6 =	simm.s32 @!p1 $0x1082;
	[sflag:s4] =	ssyncset.s32 $0xFFFFF086  }
0x25: {  	[simem:s6], [sflag:s4] =	dma.local [hbm:s3], $0xF7A  }
0x26: {  	[smem:$0x3F98] =	sst s1;
	(tag) =	ssettag s2;
	_ =	strace s9  }
0x27: {  	s1 =	sld [smem:$0x3FA8]  }
0x28: {  	s2 =	sld [smem:$0x3FA9]  }
0x29: {  	s4 =	sld [smem:$0x3FAB]  }
0x2a: {  	p0 =	seq.s32 s5, $0x0;
	s5 =	sld [smem:$0x3FAC]  }
0x2b: {  	s6 =	sld [smem:$0x3FAD]  }
0x2c: {  	s7 =	sld [smem:$0x3FAE]  }
0x2d: {  	s3 =	simm.s32 $0x108;
	s8 =	sld [smem:$0x3FAF]  }
0x2e: {  	s3 =	simm.s32 @!p0 $0x1082;
	s9 =	sld [smem:$0x3FB0]  }
0x2f: {  	lr =	sadd.s32 s0, s3;
	s0 =	sld [smem:$0x3FA7]  }
0x30: {  	s3 =	sld [smem:$0x3FAA]  }
0x31: {  	[smem:$0x3FB3] =	sst s10  }
0x32: {  	s10 =	sld [smem:$0x3FB1];
	_ =	sdelay $0x3  }
0x33: {  	p0 =	seq.s32 s10, $0x1;
	s10 =	sld [smem:$0x3FB3];
	_ =	sdelay $0x3  }
0x34: {  	[smem:$0x3FB3] =	sst s10  }
0x35: {  	s10 =	sld [smem:$0x3FB2];
	_ =	sdelay $0x3  }
0x36: {  	p1 =	seq.s32 s10, $0x1;
	s10 =	sld [smem:$0x3FB3];
	_ =	sdelay $0x3  }
0x37: {  	[smem:$0x3FB3] =	sst s10  }
0x38: {  	s10 =	sld [smem:$0x3FB4]  }
0x39: {  	_ = 	snop;
	(pc) =	sbr.ind lr, $3  }
0x3a: {  	_ = 	snop  }
0x3b: {  	_ = 	snop  }
0x3c: {  	p2 =	seq.s32 s10, $0x1;
	s10 =	sld [smem:$0x3FB3]  }
0x3d: {  	_ =	shalt  }
0x3e: {  	_ =	shalt  }
0x3f: {  	_ =	shalt  }
0x40: {  	_ =	shalt  }
0x41: {  	_ =	shalt  }
0x42: {  	_ =	shalt  }
0x43: {  	_ =	shalt  }
0x44: {  	_ =	shalt  }
0x45: {  	_ =	shalt  }
0x46: {  	_ =	shalt  }
0x47: {  	_ =	shalt  }
0x48: {  	_ =	shalt  }
0x49: {  	_ =	shalt  }
0x4a: {  	_ =	shalt  }
0x4b: {  	_ =	shalt  }
0x4c: {  	_ =	shalt  }
0x4d: {  	_ =	shalt  }
0x4e: {  	_ =	shalt  }
0x4f: {  	_ =	shalt  }
0x50: {  	_ =	shalt  }
0x51: {  	_ =	shalt  }
0x52: {  	_ =	shalt  }
0x53: {  	_ =	shalt  }
0x54: {  	_ =	shalt  }
0x55: {  	_ =	shalt  }
0x56: {  	_ =	shalt  }
0x57: {  	_ =	shalt  }
0x58: {  	_ =	shalt  }
0x59: {  	_ =	shalt  }
0x5a: {  	_ =	shalt  }
0x5b: {  	_ =	shalt  }
0x5c: {  	_ =	shalt  }
0x5d: {  	_ =	shalt  }
0x5e: {  	_ =	shalt  }
0x5f: {  	_ =	shalt  }
0x60: {  	_ =	shalt  }
0x61: {  	_ =	shalt  }
0x62: {  	_ =	shalt  }
0x63: {  	_ =	shalt  }
0x64: {  	_ =	shalt  }
0x65: {  	_ =	shalt  }
0x66: {  	_ =	shalt  }
0x67: {  	_ =	shalt  }
0x68: {  	_ =	shalt  }
0x69: {  	_ =	shalt  }
0x6a: {  	_ =	shalt  }
0x6b: {  	_ =	shalt  }
0x6c: {  	_ =	shalt  }
0x6d: {  	_ =	shalt  }
0x6e: {  	_ =	shalt  }
0x6f: {  	_ =	shalt  }
0x70: {  	_ =	shalt  }
0x71: {  	_ =	shalt  }
0x72: {  	_ =	shalt  }
0x73: {  	_ =	shalt  }
0x74: {  	_ =	shalt  }
0x75: {  	_ =	shalt  }
0x76: {  	_ =	shalt  }
0x77: {  	_ =	shalt  }
0x78: {  	_ =	shalt  }
0x79: {  	_ =	shalt  }
0x7a: {  	_ =	shalt  }
0x7b: {  	_ =	shalt  }
0x7c: {  	_ =	shalt  }
0x7d: {  	_ =	shalt  }
0x7e: {  	_ =	shalt  }
0x7f: {  	_ =	shalt  }
0x80: {  	_ =	shalt  }
0x81: {  	_ =	shalt  }
0x82: {  	_ =	shalt  }
0x83: {  	_ =	shalt  }
0x84: {  	_ =	shalt  }
0x85: {  	_ =	shalt  }
0x86: {  	_ =	shalt  }
0x87: {  	_ =	shalt  }
.Lfunc_end0:
.L_simem_size_0:
called_computation_lowered:
.L_overlay_start_0:
0x88: {  	s2 =	sld [smem:$0x3FD9]  }
0x89: {  	s3 =	sld [smem:$0x3FFE];
	_ =	sdelay $0x1  }
0x8a: {  	s1 =	srdreg.scid  }
0x8b: {  	s0 =	sand.u32 $0x1, s1  }
0x8c: {  	s17 =	sshll.u32 s0, $0xA;
	s2 =	sadd.s32 s3, s2  }
0x8d: {  	s2 =	sadd.s32 s2, s17  }
0x8e: {  	[smem:$0x3FBF] =	sst s2  }
0x8f: {  	_ = 	snop  }
0x90: {  	s2 =	sld [smem:$0x3FD0];
	(tm) =	ssettm $0x1  }
0x91: {  	s18 =	sld [smem:$0x3FFB];
	_ =	sdelay $0x3  }
0x92: {  	_ =	strace s18  }
0x93: {  	s3 =	sld [smem:$0x3FFC];
	_ =	sdelay $0x3  }
0x94: {  	_ =	strace s3  }
0x95: {  	s3 =	sld [smem:$0x3FFD];
	_ =	sdelay $0x3  }
0x96: {  	_ =	strace s3  }
0x97: {  	_ =	strace $0x8FFFFFFF  }
0x98: {  	s19 =	sld [smem:$0x3FDB];
	_ =	sdelay $0x1  }
0x99: {  	s4 =	simm.s32 $_scs_section_size  }
0x9a: {  	s5 =	simm.s32 $_size__tile_overlayer_lowered;
	s6 =	simm.s32 $_tile_overlayer_lowered  }
0x9b: {  	s22 =	simm.s32 $0x1BFF;
	s21 =	sshll.u32 s6, $0x1;
	s3 =	sadd.s32 s4, s19  }
0x9c: {  	s7 =	simm.s32 $0x0;
	s20 =	sshll.u32 s5, $0x1;
	s5 =	sadd.s32 s21, s3  }
0x9d: {  	[timem:s7], [sflag:s22] =	dma.local [hbm:s5], s20  }
0x9e: {  	_ =	swait.ge [sflag:s22], s20  }
0x9f: {  	s4 =	ssub.s32 $0x0, s20;
	[sflag:s22] =	ssyncset.done $0x0  }
0xa0: {  	[sflag:s22] =	ssyncadd.s32 s4;
	_ =	sdelay $0x1  }
0xa1: {  	s23 =	simm.s32 $0x1B8B  }
0xa2: {  	_ =	swait.ge [sflag:s23], $0x1  }
0xa3: {  	[sflag:s23] =	ssyncset.done $0x0  }
0xa4: {  	s25 =	simm.s32 $0x1B8E;
	s24 =	sld [smem:$0x3FFE];
	[sflag:s23] =	ssyncadd.s32 $0xFFFFFFFF  }
0xa5: {  	s26 =	simm.s32 $execute0_lowered;
	[smem:$0x3FD2] =	sst s25  }
0xa6: {  	s5 =	sshll.u32 s26, $0x1;
	_ =	strace $0x80000046;
	[dreg:$0x1] =	wrdreg $0xFFFFFFFF  }
0xa7: {  	s28 =	simm.s32 $_size_execute0_lowered;
	s3 =	sadd.s32 s3, s5;
	[dreg:$0x0] =	wrdreg $0x0  }
0xa8: {  	s5 =	sshll.u32 s28, $0x1;
	[dreg:$0x2] =	wrdreg s3  }
0xa9: {  	[dreg:$0x3] =	wrdreg s5  }
0xaa: {  	[dreg:$0x4] =	wrdreg $0xC0  }
0xab: {  	_ =	task [dreg:s7], $0x5FFFF  }
0xac: {  	[dreg:$0x1] =	wrdreg $0xFFFFFFFF  }
0xad: {  	[dreg:$0x0] =	wrdreg $0x60  }
0xae: {  	[dreg:$0x2] =	wrdreg s2  }
0xaf: {  	[dreg:$0x3] =	wrdreg s24  }
0xb0: {  	[dreg:$0x4] =	wrdreg $0x9  }
0xb1: {  	_ =	task.clear_ibuf [dreg:s7], $0x5FFFF;
	_ =	strace $0x90000046  }
0xb2: {  	s29 =	simm.s32 $0x9;
	_ =	strace $0x80000048  }
0xb3: {  	_ =	swait.ge [sflag:s29], $0x1  }
0xb4: {  	[sflag:s29] =	ssyncadd.s32 $0xFFFFFFFF  }
0xb5: {  	_ =	strace $0x90000048  }
0xb6: {  	_ =	sfence  }
0xb7: {  	s30 =	sld [smem:$0x0];
	_ =	sdelay $0x2  }
0xb8: {  	s31 =	sshll.u32 s1, $0xD;
	s1 =	sshrl.u32 s1, $0x2  }
0xb9: {  	s3 =	sand.u32 $0x4000, s31;
	s1 =	sadd.s32 s1, s30  }
0xba: {  	s0 =	sor.u32 s3, s0;
	s1 =	sshll.u32 s1, $0x11  }
0xbb: {  	s0 =	sor.u32 s1, s0  }
0xbc: {  	s0 =	sadd.s32 $0x8F2B, s0  }
0xbd: {  	[sflag:s0] =	ssyncadd.remote.s32 $0x1  }
0xbe: {  	_ =	sfence.sel $0xFFFF  }
0xbf: {  	[dreg:$0x0] =	wrdreg $0xFFFFFFFF;
	(pc) =	sbr.abs _section_cstart, $3  }
0xc0: {  	[dreg:$0x1] =	wrdreg $0xFFFFFFFF  }
0xc1: {  	_ =	task.clear_ibuf [dreg:s7], $0x2FFFF;
	_ =	strace $0x9FFFFFFF  }
0xc2: {  	(tm) =	ssettm $0x7FFFFFFF  }
0xc3: {  	_ =	shalt  }
tec
execute0_lowered:
.L_overlay_start_1:
0x0: {  	(tag) =	ssettag $0x1  }
0x1: {  	s2 =	rddreg [dreg:$0x0]  }
0x2: {  	s5 =	rddreg [dreg:$0x1]  }
0x3: {  	s0 =	rddreg [dreg:$0x2];
	s4 =	srdreg.scid  }
0x4: {  	s1 =	stileid.u32;
	s3 =	simm.s32 $0x0;
	s12 =	simm.s32 $0x50  }
0x5: {  	s13 =	simm.s32 $0x100;
	s14 =	simm.s32 $0x2900;
	s7 =	smul.u32 $0x4E20, s1  }
0x6: {  	s15 =	simm.s32 $0x1;
	s6 =	sand.u32 $0x1, s4;
	s9 =	smul.u32 $0x4E200, s1  }
0x7: {  	s16 =	simm.s32 $0x0;
	[smem:$0x7FF] =	sst s3;
	s8 =	smul.u32 $0x2710, s6  }
0x8: {  	s4 =	sadd.s32 $0x17800, s5;
	s29 =	ssub.s32 $0x2, s6;
	s6 =	smul.u32 $0x27100, s6  }
0x9: {  	_ =	strace $0x80000047;
	s9 =	sadd.s32 s9, s5;
	s10 =	sshrl.u32 s29, $0x1  }
0xa: {  	s7 =	sadd.s32 s8, s7;
	s30 =	ssub.s32 s29, s10;
	s31 =	sadd.s32 s6, s9  }
0xb: {  	s10 =	simm.s32 $0x2;
	s7 =	sshrl.u32 s7, $0x3;
	s6 =	sadd.s32 $0x520A00, s31  }
0xc: {  	s11 =	sadd.s32 s7, s5;
	s5 =	smax.u32 s30, $0x1;
	s7 =	sadd.s32 $0x3EA00, s31  }
0xd: {  	s8 =	sadd.s32 $0xDA00, s11;
	s9 =	sadd.s32 $0x3C00, s11;
	s11 =	simm.s32 $0x80  }
.LBB2_1:
0xe: {  	s17 =	sadd.s32 $0x0, s9  }
0xf: {  	[tilespmem:s3], [sflag:$0x2] =	stream.linear.gather [hbm4b:s17+s3], $0x50, $0x38;
	[tilespmem:$0x5100] =	vst v63  }
0x10: {  	_ =	swait.ge [sflag:s10], $0x50  }
0x11: {  	[sflag:s10] =	ssyncset.done $0x0  }
0x12: {  	s31 =	sadd.s32 $0x0, s8;
	[sflag:s10] =	ssyncadd.s32 $0xFFFFFFB0  }
0x13: {  	[tilespmem:s11], [sflag:$0x2] =	stream.linear.gather [hbm4b:s31+s3], $0x50, $0x38;
	[tilespmem:$0x5100] =	vst v63  }
0x14: {  	_ =	swait.ge [sflag:s10], $0x50  }
0x15: {  	[sflag:s10] =	ssyncset.done $0x0  }
0x16: {  	[sflag:s10] =	ssyncadd.s32 $0xFFFFFFB0  }
0x17: {  	[tilespmem:s13], [sflag:$0x1] =	stream.indirect.gather [hbm4b:s2+s12], $0x80, s3, s12, $0xb8;
	[tilespmem:$0x5100] =	vst v63  }
0x18: {  	_ = 	snop  }
0x19: {  	[tilespmem:s14], [sflag:$0x1] =	stream.indirect.gather [hbm4b:s4+s12], $0x80, s11, s12, $0xb8;
	[tilespmem:$0x5100] =	vst v63  }
0x1a: {  	_ =	swait.ge [sflag:s15], $0x2800  }
0x1b: {  	[sflag:s15] =	ssyncset.done $0x0  }
0x1c: {  	[sflag:s15] =	ssyncadd.s32 $0xFFFFD800  }
0x1d: {  	_ =	swait.ge [sflag:s15], $0x2800  }
0x1e: {  	[sflag:s15] =	ssyncset.done $0x0  }
0x1f: {  	[sflag:s15] =	ssyncadd.s32 $0xFFFFD800  }
0x20: {  	[hbm4b:s6+s3] =	stream.linear.scatter [tilespmem:s13], [sflag:$0x2], $0x2800, $0x38;
	[tilespmem:$0x5100] =	vst v63  }
0x21: {  	_ =	swait.ge [sflag:s10], $0x2800  }
0x22: {  	[sflag:s10] =	ssyncset.done $0x0  }
0x23: {  	[sflag:s10] =	ssyncadd.s32 $0xFFFFD800  }
0x24: {  	[hbm4b:s7+s3] =	stream.linear.scatter [tilespmem:s14], [sflag:$0x2], $0x2800, $0x38;
	[tilespmem:$0x5100] =	vst v63  }
0x25: {  	s19 =	simm.s32 $0xA;
	s20 =	simm.s32 $0x14;
	_ =	swait.ge [sflag:s10], $0x2800  }
0x26: {  	s18 =	sadd.s32 $0x500, s6;
	s17 =	sadd.s32 $0x500, s7;
	[sflag:s10] =	ssyncset.done $0x0  }
.LBB2_2:
0x27: {  	s21 =	sadd.s32 s19, s9  }
0x28: {  	[sflag:s10] =	ssyncadd.s32 $0xFFFFD800;
	s22 =	smov.u32 s20;
	s23 =	sadd.s32 $0xA, s20  }
0x29: {  	[tilespmem:s3], [sflag:$0x2] =	stream.linear.gather [hbm4b:s21+s3], $0x50, $0x38;
	[tilespmem:$0x5100] =	vst v63  }
0x2a: {  	p0 =	sne.s32 s20, $0x4D8;
	_ =	swait.ge [sflag:s10], $0x50  }
0x2b: {  	[sflag:s10] =	ssyncset.done $0x0  }
0x2c: {  	s20 =	sadd.s32 s19, s8;
	s19 =	smov.u32 s22;
	[sflag:s10] =	ssyncadd.s32 $0xFFFFFFB0  }
0x2d: {  	[tilespmem:s11], [sflag:$0x2] =	stream.linear.gather [hbm4b:s20+s3], $0x50, $0x38;
	[tilespmem:$0x5100] =	vst v63  }
0x2e: {  	_ =	swait.ge [sflag:s10], $0x50  }
0x2f: {  	[sflag:s10] =	ssyncset.done $0x0  }
0x30: {  	[sflag:s10] =	ssyncadd.s32 $0xFFFFFFB0  }
0x31: {  	[tilespmem:s13], [sflag:$0x1] =	stream.indirect.gather [hbm4b:s2+s12], $0x80, s3, s12, $0xb8;
	[tilespmem:$0x5100] =	vst v63  }
0x32: {  	_ = 	snop  }
0x33: {  	[tilespmem:s14], [sflag:$0x1] =	stream.indirect.gather [hbm4b:s4+s12], $0x80, s11, s12, $0xb8;
	[tilespmem:$0x5100] =	vst v63  }
0x34: {  	_ =	swait.ge [sflag:s15], $0x2800  }
0x35: {  	[sflag:s15] =	ssyncset.done $0x0  }
0x36: {  	[sflag:s15] =	ssyncadd.s32 $0xFFFFD800  }
0x37: {  	_ =	swait.ge [sflag:s15], $0x2800  }
0x38: {  	[sflag:s15] =	ssyncset.done $0x0  }
0x39: {  	[sflag:s15] =	ssyncadd.s32 $0xFFFFD800  }
0x3a: {  	[hbm4b:s18+s3] =	stream.linear.scatter [tilespmem:s13], [sflag:$0x2], $0x2800, $0x38;
	[tilespmem:$0x5100] =	vst v63  }
0x3b: {  	_ =	swait.ge [sflag:s10], $0x2800  }
.Ltmp0:
0x3c: {  	[sflag:s10] =	ssyncset.done $0x0;
	(pc) =	sbr.rel @p0 .LBB2_2-.Ltmp0, $4  }
0x3d: {  	[sflag:s10] =	ssyncadd.s32 $0xFFFFD800  }
0x3e: {  	[hbm4b:s17+s3] =	stream.linear.scatter [tilespmem:s14], [sflag:$0x2], $0x2800, $0x38;
	[tilespmem:$0x5100] =	vst v63  }
0x3f: {  	s20 =	smov.u32 s23;
	_ =	swait.ge [sflag:s10], $0x2800  }
0x40: {  	s18 =	sadd.s32 $0x500, s18;
	s17 =	sadd.s32 $0x500, s17;
	[sflag:s10] =	ssyncset.done $0x0  }
0x41: {  	s20 =	sadd.s32 s19, s9;
	[sflag:s10] =	ssyncadd.s32 $0xFFFFD800  }
0x42: {  	[tilespmem:s3], [sflag:$0x2] =	stream.linear.gather [hbm4b:s20+s3], $0x50, $0x38;
	[tilespmem:$0x5100] =	vst v63  }
0x43: {  	_ =	swait.ge [sflag:s10], $0x50  }
0x44: {  	[sflag:s10] =	ssyncset.done $0x0  }
0x45: {  	s31 =	sadd.s32 s19, s8;
	[sflag:s10] =	ssyncadd.s32 $0xFFFFFFB0  }
0x46: {  	[tilespmem:s11], [sflag:$0x2] =	stream.linear.gather [hbm4b:s31+s3], $0x50, $0x38;
	[tilespmem:$0x5100] =	vst v63  }
0x47: {  	_ =	swait.ge [sflag:s10], $0x50  }
0x48: {  	[sflag:s10] =	ssyncset.done $0x0  }
0x49: {  	[sflag:s10] =	ssyncadd.s32 $0xFFFFFFB0  }
0x4a: {  	[tilespmem:s13], [sflag:$0x1] =	stream.indirect.gather [hbm4b:s2+s12], $0x80, s3, s12, $0xb8;
	[tilespmem:$0x5100] =	vst v63  }
0x4b: {  	_ = 	snop  }
0x4c: {  	[tilespmem:s14], [sflag:$0x1] =	stream.indirect.gather [hbm4b:s4+s12], $0x80, s11, s12, $0xb8;
	[tilespmem:$0x5100] =	vst v63  }
0x4d: {  	_ =	swait.ge [sflag:s15], $0x2800  }
0x4e: {  	[sflag:s15] =	ssyncset.done $0x0  }
0x4f: {  	[sflag:s15] =	ssyncadd.s32 $0xFFFFD800  }
0x50: {  	_ =	swait.ge [sflag:s15], $0x2800  }
0x51: {  	[sflag:s15] =	ssyncset.done $0x0  }
0x52: {  	[sflag:s15] =	ssyncadd.s32 $0xFFFFD800  }
0x53: {  	[hbm4b:s18+s3] =	stream.linear.scatter [tilespmem:s13], [sflag:$0x2], $0x2800, $0x38;
	[tilespmem:$0x5100] =	vst v63  }
0x54: {  	s16 =	sadd.s32 $0x1, s16;
	_ =	swait.ge [sflag:s10], $0x2800  }
0x55: {  	p0 =	sne.s32 s16, s5;
	[sflag:s10] =	ssyncset.done $0x0  }
.Ltmp1:
0x56: {  	[sflag:s10] =	ssyncadd.s32 $0xFFFFD800;
	(pc) =	sbr.rel @p0 .LBB2_1-.Ltmp1, $4  }
0x57: {  	[hbm4b:s17+s3] =	stream.linear.scatter [tilespmem:s14], [sflag:$0x2], $0x2800, $0x38;
	[tilespmem:$0x5100] =	vst v63  }
0x58: {  	_ =	swait.ge [sflag:s10], $0x2800  }
0x59: {  	[sflag:s10] =	ssyncset.done $0x0  }
0x5a: {  	[sflag:s10] =	ssyncadd.s32 $0xFFFFD800  }
0x5b: {  	_ =	sfence.sel $0x180000  }
0x5c: {  	[bflag:$0x0] =	sbarrier.arrive $0xFFFF  }
0x5d: {  	p0 =	sne.s32 s1, $0x0;
	_ =	strace $0x90000047  }
0x5e: {  	s0 =	sadd.s32 @!p0 $0x100000, s0;
	[bflag:$0x2] =	sbarrier.arrive $0xFFFF  }
0x5f: {  	[sflag:s0] =	ssyncadd.tile.s32 @!p0 $0x1;
	_ =	shalt  }
.Lfunc_end2:
_tile_overlayer_lowered:
.L_overlay_start_2:
0x60: {  	(tag) =	ssettag $0x2  }
0x61: {  	s0 =	rddreg [dreg:$0x0];
	s2 =	stileid.u32  }
0x62: {  	s1 =	rddreg [dreg:$0x1];
	p0 =	sne.s32 s2, $0x0  }
0x63: {  	s3 =	rddreg [dreg:$0x2];
	[bflag:$0x3] =	sbarrier.arrive $0xFFFF;
	s2 =	simm.s32 @!p0 $0x1C02  }
0x64: {  	[timem:s3], [sflag:s2] =	dma.local @!p0 [hbm:s0], s1  }
0x65: {  	s0 =	simm.s32 @!p0 $0x2  }
0x66: {  	_ =	swait.ge @!p0 [sflag:s0], s1  }
0x67: {  	s1 =	ssub.s32 @!p0 $0x0, s1;
	[sflag:s0] =	ssyncset.done @!p0 $0x0  }
0x68: {  	[sflag:s0] =	ssyncadd.s32 @!p0 s1  }
0x69: {  	[bflag:$0x3] =	sbarrier.arrive $0xFFFF  }
0x6a: {  	_ =	shalt  }

</sc_bundles>
